<compile_context>
chip_gen: v7x
topology: tpu7x:2x2x1
jax: 0.10.2.dev20260603
libtpu: 0.0.44.dev20260713+nightly
codegen_flags: <defaults>
</compile_context>

<pallas_src>
import functools

import jax
import jax.numpy as jnp
from jax import lax
from jax.experimental import pallas as pl
from jax.experimental.pallas import tpu as pltpu
from jax.experimental.pallas import tpu_sc as plsc

_B = 16384
_NC, _NS = 2, 16
_NW = _NC * _NS
_BPW = _B // _NW
_ICH = 128
_NCHUNK = _BPW // _ICH
_NBIG = 2
_D8 = 8
_BIGV = (100000, 100000)
_F = 50
_NGRP = _BPW // 16

_SMALL = (
    (1000, 8, 0, 16, 2),
    (2, 2, 8000, 24, 3),
    (10, 4, 8008, 26, 4),
    (5, 3, 8048, 30, 5),
    (50, 8, 8064, 33, 6),
    (20, 4, 8464, 41, 7),
    (30, 4, 8544, 45, 8),
)
_SMALLCAT_WORDS = 8664


def _sc_embed(xT, smallcat, big_flats):
    mesh = plsc.VectorSubcoreMesh(
        core_axis_name="c", subcore_axis_name="s",
        num_cores=_NC, num_subcores=_NS)

    scratch = (
        [pltpu.VMEM((10, _BPW), jnp.float32),
         pltpu.VMEM((_SMALLCAT_WORDS,), jnp.float32),
         pltpu.VMEM((_NBIG * _D8 * _BPW,), jnp.int32),
         pltpu.VMEM((_F, _BPW), jnp.float32),
         pltpu.SemaphoreType.DMA, pltpu.SemaphoreType.DMA]
    )

    @functools.partial(
        pl.kernel, mesh=mesh,
        out_type=jax.ShapeDtypeStruct((_F, _B), jnp.float32),
        scratch_types=scratch,
        compiler_params=pltpu.CompilerParams(
            use_tc_tiling_on_sc=False, needs_layout_passes=False))
    def embed_kernel(x_hbm, small_hbm, t0, t1, out_hbm,
                     x_v, tab_v, idx_v, feats_v, sem, sem2):
        tabs = (t0, t1)
        wid = lax.axis_index("s") * _NC + lax.axis_index("c")
        base = wid * _BPW

        cp_x = pltpu.async_copy(x_hbm.at[:, pl.ds(base, _BPW)], x_v, sem2)
        cp_s = pltpu.async_copy(small_hbm, tab_v, sem2)
        cp_x.wait()

        def splat(v):
            return jnp.full((16,), v, jnp.int32)

        copies = []
        for k in range(_NCHUNK):
            def extract_chunk(g, carry, k=k):
                o16 = k * _ICH + g * 16
                for t in range(_NBIG):
                    idx = x_v[t, pl.ds(o16, 16)].astype(jnp.int32)
                    for d in range(_D8):
                        idx_v[pl.ds((t * _D8 + d) * _BPW + o16, 16)] = (
                            idx + splat(d * _BIGV[t]))
                return carry

            lax.fori_loop(0, _ICH // 16, extract_chunk, None)
            for t in range(_NBIG):
                for d in range(_D8):
                    copies.append(pltpu.async_copy(
                        tabs[t].at[idx_v.at[pl.ds(
                            (t * _D8 + d) * _BPW + k * _ICH, _ICH)]],
                        feats_v.at[t * _D8 + d, pl.ds(k * _ICH, _ICH)],
                        sem))

        cp_s.wait()

        def extract_small(g, carry):
            o16 = g * 16
            for (v, d, woff, foff, xrow) in _SMALL:
                idx = x_v[xrow, pl.ds(o16, 16)].astype(jnp.int32)
                for k in range(d):
                    val = plsc.load_gather(
                        tab_v, [idx + splat(woff + k * v)])
                    feats_v[foff + k, pl.ds(o16, 16)] = val
            feats_v[_F - 1, pl.ds(o16, 16)] = x_v[9, pl.ds(o16, 16)]
            return carry

        lax.fori_loop(0, _NGRP, extract_small, None)

        nbr = _NBIG * _D8
        cp_out = pltpu.async_copy(
            feats_v.at[pl.ds(nbr, _F - nbr)],
            out_hbm.at[pl.ds(nbr, _F - nbr), pl.ds(base, _BPW)], sem2)

        for c in copies:
            c.wait()

        pltpu.sync_copy(feats_v.at[pl.ds(0, nbr)],
                        out_hbm.at[pl.ds(0, nbr), pl.ds(base, _BPW)])
        cp_out.wait()

    return embed_kernel(xT, smallcat, *big_flats)


_BLK = 4096


def _mlp_body(f_ref, w1t_ref, b1_ref, w2t_ref, b2_ref, out_ref):
    def dot(a, b):
        return lax.dot_general(
            a, b, (((1,), (0,)), ((), ())),
            precision=lax.Precision.HIGHEST,
            preferred_element_type=jnp.float32)

    h = jnp.maximum(dot(w1t_ref[...], f_ref[...]) + b1_ref[...], 0.0)
    out_ref[...] = jax.nn.sigmoid(dot(w2t_ref[...], h) + b2_ref[...])


def _tc_mlp(featsT, W1T, b1c, W2T, b2c):
    nblk = _B // _BLK
    return pl.pallas_call(
        _mlp_body,
        grid=(nblk,),
        in_specs=[
            pl.BlockSpec((_F, _BLK), lambda i: (0, i)),
            pl.BlockSpec((64, _F), lambda i: (0, 0)),
            pl.BlockSpec((64, 1), lambda i: (0, 0)),
            pl.BlockSpec((1, 64), lambda i: (0, 0)),
            pl.BlockSpec((1, 1), lambda i: (0, 0)),
        ],
        out_specs=pl.BlockSpec((1, _BLK), lambda i: (0, i)),
        out_shape=jax.ShapeDtypeStruct((1, _B), jnp.float32),
    )(featsT, W1T, b1c, W2T, b2c)


def _pad_to(a, n):
    return jnp.concatenate([a, jnp.zeros((n - a.shape[0],), a.dtype)])


def kernel(x, user_emb, product_emb, model_emb, gender_emb, age_emb,
           residence_emb, color_emb, size_emb, material_emb, W1, b1, W2, b2):
    smallcat = jnp.concatenate([
        model_emb.T.reshape(-1),
        _pad_to(gender_emb.T.reshape(-1), 8),
        _pad_to(age_emb.T.reshape(-1), 40),
        _pad_to(residence_emb.T.reshape(-1), 16),
        color_emb.T.reshape(-1),
        size_emb.T.reshape(-1),
        material_emb.T.reshape(-1),
    ])
    featsT = _sc_embed(
        x.T, smallcat,
        (user_emb.T.reshape(-1), product_emb.T.reshape(-1)))
    out = _tc_mlp(featsT, W1.T, b1.reshape(64, 1), W2.T, b2.reshape(1, 1))
    return out[0]

# --- scband reference (transcript-rebuilt; emitter-appended) ---
"""Pipeline reference for scband-deep-rec-model-50070728737549 (READ-ONLY COPY).

The authoritative reference and input builder live on the scoring server;
editing this copy changes nothing except your own understanding.
"""

import jax, jax.numpy as jnp
import numpy as np

B = 16384
VOCABS = [100000, 100000, 1000, 2, 10, 5, 50, 20, 30]
DIMS = [8, 8, 8, 2, 4, 3, 8, 4, 4]
TOTAL_IN = sum(DIMS) + 1  # 50


def setup_inputs(seed: int = 0) -> dict:
    key = jax.random.key(seed)
    ks = jax.random.split(key, 24)
    cols = [jax.random.randint(ks[i], (B,), 0, VOCABS[i]).astype(jnp.float32) for i in range(9)]
    time = jax.random.uniform(ks[9], (B,), dtype=jnp.float32)
    x = jnp.stack(cols + [time], axis=1)

    def tbl(k, n, d):
        return jax.random.normal(k, (n, d), dtype=jnp.float32) * 0.05

    inp = {
        "x": x,
        "user_emb": tbl(ks[10], VOCABS[0], DIMS[0]),
        "product_emb": tbl(ks[11], VOCABS[1], DIMS[1]),
        "model_emb": tbl(ks[12], VOCABS[2], DIMS[2]),
        "gender_emb": tbl(ks[13], VOCABS[3], DIMS[3]),
        "age_emb": tbl(ks[14], VOCABS[4], DIMS[4]),
        "residence_emb": tbl(ks[15], VOCABS[5], DIMS[5]),
        "color_emb": tbl(ks[16], VOCABS[6], DIMS[6]),
        "size_emb": tbl(ks[17], VOCABS[7], DIMS[7]),
        "material_emb": tbl(ks[18], VOCABS[8], DIMS[8]),
        "W1": jax.random.normal(ks[19], (TOTAL_IN, 64), dtype=jnp.float32) * 0.1,
        "b1": jnp.zeros((64,), dtype=jnp.float32),
        "W2": jax.random.normal(ks[20], (64, 1), dtype=jnp.float32) * 0.1,
        "b2": jnp.zeros((1,), dtype=jnp.float32),
    }
    return inp


def reference(x, user_emb, product_emb, model_emb, gender_emb, age_emb,
              residence_emb, color_emb, size_emb, material_emb, W1, b1, W2, b2):
    idx = jax.lax.stop_gradient(x[:, :9]).astype(jnp.int32)
    time = x[:, 9:10]
    feats = jnp.concatenate([
        jnp.take(user_emb, idx[:, 0], axis=0),
        jnp.take(product_emb, idx[:, 1], axis=0),
        jnp.take(model_emb, idx[:, 2], axis=0),
        jnp.take(gender_emb, idx[:, 3], axis=0),
        jnp.take(age_emb, idx[:, 4], axis=0),
        jnp.take(residence_emb, idx[:, 5], axis=0),
        jnp.take(color_emb, idx[:, 6], axis=0),
        jnp.take(size_emb, idx[:, 7], axis=0),
        jnp.take(material_emb, idx[:, 8], axis=0),
        time,
    ], axis=-1)
    h = jax.nn.relu(feats @ W1 + b1)  # dropout is identity in eval mode
    out = jax.nn.sigmoid(h @ W2 + b2)
    return jnp.squeeze(out)

if __name__ == "__main__":
    import jax
    _d = setup_inputs()
    print(jax.jit(kernel)(*tuple(_d.values())))

</pallas_src>

<mosaic_0001>
#map = affine_map<(d0, d1) -> (0, 0)>
#map1 = affine_map<(d0, d1) -> (0)>
module attributes {stable_mosaic.version = 14 : i64} {
  func.func @embed_kernel(%arg0: i32, %arg1: i32, %arg2: memref<10x16384xf32, #tpu.memory_space<hbm>>, %arg3: memref<8664xf32, #tpu.memory_space<hbm>>, %arg4: memref<800000xf32, #tpu.memory_space<hbm>>, %arg5: memref<800000xf32, #tpu.memory_space<hbm>>, %arg6: memref<50x16384xf32, #tpu.memory_space<hbm>>, %arg7: memref<10x512xf32, #tpu.memory_space<vmem>>, %arg8: memref<8664xf32, #tpu.memory_space<vmem>>, %arg9: memref<8192xi32, #tpu.memory_space<vmem>>, %arg10: memref<50x512xf32, #tpu.memory_space<vmem>>, %arg11: memref<!tpu.dma_semaphore, #tpu.memory_space<semaphore_mem>>, %arg12: memref<!tpu.dma_semaphore, #tpu.memory_space<semaphore_mem>>) attributes {dimension_semantics = [#tpu.dimension_semantics<core_parallel>, #tpu.dimension_semantics<subcore_parallel>], iteration_bounds = array<i64: 2, 16>, scalar_prefetch = 0 : i64, scratch_operands = 6 : i64, tpu.core_type = #tpu.core_type<sc_vector_subcore>, window_params = [{transform_indices = #map}, {transform_indices = #map1}, {transform_indices = #map1}, {transform_indices = #map1}, {transform_indices = #map}]} {
    %mul3A = arith.constant 2 : i32
    %mul3A_0 = arith.muli %arg1, %mul3A : i32
    %add3A = arith.addi %mul3A_0, %arg0 : i32
    %mul3A_1 = arith.constant 512 : i32
    %mul3A_2 = arith.muli %add3A, %mul3A_1 : i32
    %dma_start3A = arith.constant 0 : i32
    %dma_start3A_3 = tpu.memref_slice %arg2[%dma_start3A, %mul3A_2] : memref<10x16384xf32, #tpu.memory_space<hbm>> -> memref<10x512xf32, #tpu.memory_space<hbm>>
    %dma_start3A_4 = arith.constant 0 : i32
    %dma_start3A_5 = tpu.memref_slice %arg2[%dma_start3A_4, %mul3A_2] : memref<10x16384xf32, #tpu.memory_space<hbm>> -> memref<10x512xf32, #tpu.memory_space<hbm>>
    tpu.enqueue_dma source(%dma_start3A_5 : memref<10x512xf32, #tpu.memory_space<hbm>>) target(%arg7 : memref<10x512xf32, #tpu.memory_space<vmem>>) target_semaphore(%arg12 : memref<!tpu.dma_semaphore, #tpu.memory_space<semaphore_mem>>)
    tpu.enqueue_dma source(%arg3 : memref<8664xf32, #tpu.memory_space<hbm>>) target(%arg8 : memref<8664xf32, #tpu.memory_space<vmem>>) target_semaphore(%arg12 : memref<!tpu.dma_semaphore, #tpu.memory_space<semaphore_mem>>)
    %dma_wait3A = arith.constant 0 : i32
    %dma_wait3A_6 = tpu.memref_slice %arg2[%dma_wait3A, %mul3A_2] : memref<10x16384xf32, #tpu.memory_space<hbm>> -> memref<10x512xf32, #tpu.memory_space<hbm>>
    %dma_wait3A_7 = arith.constant 0 : i32
    %dma_wait3A_8 = tpu.memref_slice %arg2[%dma_wait3A_7, %mul3A_2] : memref<10x16384xf32, #tpu.memory_space<hbm>> -> memref<10x512xf32, #tpu.memory_space<hbm>>
    tpu.wait_dma2 semaphore(%arg12 : memref<!tpu.dma_semaphore, #tpu.memory_space<semaphore_mem>>) src(%dma_wait3A_8 : memref<10x512xf32, #tpu.memory_space<hbm>>) dst(%arg7 : memref<10x512xf32, #tpu.memory_space<vmem>>)
    %scan3A = arith.constant 0 : i32
    %scan3A_9 = arith.constant 8 : i32
    %scan3A_10 = arith.addi %scan3A, %scan3A_9 : i32
    %scan3A_11 = arith.constant 1 : i32
    scf.for %scan3A_1077 = %scan3A to %scan3A_10 step %scan3A_11  : i32 {
      %mul3A_1078 = arith.constant 16 : i32
      %mul3A_1079 = arith.muli %scan3A_1077, %mul3A_1078 : i32
      %add3A_1080 = arith.constant 0 : i32
      %add3A_1081 = arith.addi %add3A_1080, %mul3A_1079 : i32
      %get3A = arith.constant 0 : i32
      %get3A_1082 = arith.index_cast %get3A : i32 to index
      %get3A_1083 = arith.index_cast %add3A_1081 : i32 to index
      %get3A_1084 = tpu.vector_load %arg7[%get3A_1082, %get3A_1083] {strides = array<i32>} : memref<10x512xf32, #tpu.memory_space<vmem>>, vector<16xf32>,
      %convert_element_type3A = arith.fptosi %get3A_1084 : vector<16xf32> to vector<16xi32>
      %broadcast_in_dim3A = arith.constant 0 : i32
      %broadcast_in_dim3A_1085 = vector.broadcast %broadcast_in_dim3A : i32 to vector<16xi32>
      %add3A_1086 = arith.addi %convert_element_type3A, %broadcast_in_dim3A_1085 : vector<16xi32>
      %add3A_1087 = arith.constant 0 : i32
      %add3A_1088 = arith.addi %add3A_1087, %add3A_1081 : i32
      %swap3A = arith.index_cast %add3A_1088 : i32 to index
      %swap3A_1089 = tpu.vector_load %arg9[%swap3A] {strides = array<i32>} : memref<8192xi32, #tpu.memory_space<vmem>>, vector<16xi32>,
      tpu.vector_store %arg9[%swap3A], %add3A_1086 {strides = array<i32>} : memref<8192xi32, #tpu.memory_space<vmem>>, vector<16xi32>,
      %broadcast_in_dim3A_1090 = arith.constant 100000 : i32
      %broadcast_in_dim3A_1091 = vector.broadcast %broadcast_in_dim3A_1090 : i32 to vector<16xi32>
      %add3A_1092 = arith.addi %convert_element_type3A, %broadcast_in_dim3A_1091 : vector<16xi32>
      %add3A_1093 = arith.constant 512 : i32
      %add3A_1094 = arith.addi %add3A_1093, %add3A_1081 : i32
      %swap3A_1095 = arith.index_cast %add3A_1094 : i32 to index
      %swap3A_1096 = tpu.vector_load %arg9[%swap3A_1095] {strides = array<i32>} : memref<8192xi32, #tpu.memory_space<vmem>>, vector<16xi32>,
      tpu.vector_store %arg9[%swap3A_1095], %add3A_1092 {strides = array<i32>} : memref<8192xi32, #tpu.memory_space<vmem>>, vector<16xi32>,
      %broadcast_in_dim3A_1097 = arith.constant 200000 : i32
      %broadcast_in_dim3A_1098 = vector.broadcast %broadcast_in_dim3A_1097 : i32 to vector<16xi32>
      %add3A_1099 = arith.addi %convert_element_type3A, %broadcast_in_dim3A_1098 : vector<16xi32>
      %add3A_1100 = arith.constant 1024 : i32
      %add3A_1101 = arith.addi %add3A_1100, %add3A_1081 : i32
      %swap3A_1102 = arith.index_cast %add3A_1101 : i32 to index
      %swap3A_1103 = tpu.vector_load %arg9[%swap3A_1102] {strides = array<i32>} : memref<8192xi32, #tpu.memory_space<vmem>>, vector<16xi32>,
      tpu.vector_store %arg9[%swap3A_1102], %add3A_1099 {strides = array<i32>} : memref<8192xi32, #tpu.memory_space<vmem>>, vector<16xi32>,
      %broadcast_in_dim3A_1104 = arith.constant 300000 : i32
      %broadcast_in_dim3A_1105 = vector.broadcast %broadcast_in_dim3A_1104 : i32 to vector<16xi32>
      %add3A_1106 = arith.addi %convert_element_type3A, %broadcast_in_dim3A_1105 : vector<16xi32>
      %add3A_1107 = arith.constant 1536 : i32
      %add3A_1108 = arith.addi %add3A_1107, %add3A_1081 : i32
      %swap3A_1109 = arith.index_cast %add3A_1108 : i32 to index
      %swap3A_1110 = tpu.vector_load %arg9[%swap3A_1109] {strides = array<i32>} : memref<8192xi32, #tpu.memory_space<vmem>>, vector<16xi32>,
      tpu.vector_store %arg9[%swap3A_1109], %add3A_1106 {strides = array<i32>} : memref<8192xi32, #tpu.memory_space<vmem>>, vector<16xi32>,
      %broadcast_in_dim3A_1111 = arith.constant 400000 : i32
      %broadcast_in_dim3A_1112 = vector.broadcast %broadcast_in_dim3A_1111 : i32 to vector<16xi32>
      %add3A_1113 = arith.addi %convert_element_type3A, %broadcast_in_dim3A_1112 : vector<16xi32>
      %add3A_1114 = arith.constant 2048 : i32
      %add3A_1115 = arith.addi %add3A_1114, %add3A_1081 : i32
      %swap3A_1116 = arith.index_cast %add3A_1115 : i32 to index
      %swap3A_1117 = tpu.vector_load %arg9[%swap3A_1116] {strides = array<i32>} : memref<8192xi32, #tpu.memory_space<vmem>>, vector<16xi32>,
      tpu.vector_store %arg9[%swap3A_1116], %add3A_1113 {strides = array<i32>} : memref<8192xi32, #tpu.memory_space<vmem>>, vector<16xi32>,
      %broadcast_in_dim3A_1118 = arith.constant 500000 : i32
      %broadcast_in_dim3A_1119 = vector.broadcast %broadcast_in_dim3A_1118 : i32 to vector<16xi32>
      %add3A_1120 = arith.addi %convert_element_type3A, %broadcast_in_dim3A_1119 : vector<16xi32>
      %add3A_1121 = arith.constant 2560 : i32
      %add3A_1122 = arith.addi %add3A_1121, %add3A_1081 : i32
      %swap3A_1123 = arith.index_cast %add3A_1122 : i32 to index
      %swap3A_1124 = tpu.vector_load %arg9[%swap3A_1123] {strides = array<i32>} : memref<8192xi32, #tpu.memory_space<vmem>>, vector<16xi32>,
      tpu.vector_store %arg9[%swap3A_1123], %add3A_1120 {strides = array<i32>} : memref<8192xi32, #tpu.memory_space<vmem>>, vector<16xi32>,
      %broadcast_in_dim3A_1125 = arith.constant 600000 : i32
      %broadcast_in_dim3A_1126 = vector.broadcast %broadcast_in_dim3A_1125 : i32 to vector<16xi32>
      %add3A_1127 = arith.addi %convert_element_type3A, %broadcast_in_dim3A_1126 : vector<16xi32>
      %add3A_1128 = arith.constant 3072 : i32
      %add3A_1129 = arith.addi %add3A_1128, %add3A_1081 : i32
      %swap3A_1130 = arith.index_cast %add3A_1129 : i32 to index
      %swap3A_1131 = tpu.vector_load %arg9[%swap3A_1130] {strides = array<i32>} : memref<8192xi32, #tpu.memory_space<vmem>>, vector<16xi32>,
      tpu.vector_store %arg9[%swap3A_1130], %add3A_1127 {strides = array<i32>} : memref<8192xi32, #tpu.memory_space<vmem>>, vector<16xi32>,
      %broadcast_in_dim3A_1132 = arith.constant 700000 : i32
      %broadcast_in_dim3A_1133 = vector.broadcast %broadcast_in_dim3A_1132 : i32 to vector<16xi32>
      %add3A_1134 = arith.addi %convert_element_type3A, %broadcast_in_dim3A_1133 : vector<16xi32>
      %add3A_1135 = arith.constant 3584 : i32
      %add3A_1136 = arith.addi %add3A_1135, %add3A_1081 : i32
      %swap3A_1137 = arith.index_cast %add3A_1136 : i32 to index
      %swap3A_1138 = tpu.vector_load %arg9[%swap3A_1137] {strides = array<i32>} : memref<8192xi32, #tpu.memory_space<vmem>>, vector<16xi32>,
      tpu.vector_store %arg9[%swap3A_1137], %add3A_1134 {strides = array<i32>} : memref<8192xi32, #tpu.memory_space<vmem>>, vector<16xi32>,
      %get3A_1139 = arith.constant 1 : i32
      %get3A_1140 = arith.index_cast %get3A_1139 : i32 to index
      %get3A_1141 = arith.index_cast %add3A_1081 : i32 to index
      %get3A_1142 = tpu.vector_load %arg7[%get3A_1140, %get3A_1141] {strides = array<i32>} : memref<10x512xf32, #tpu.memory_space<vmem>>, vector<16xf32>,
      %convert_element_type3A_1143 = arith.fptosi %get3A_1142 : vector<16xf32> to vector<16xi32>
      %broadcast_in_dim3A_1144 = arith.constant 0 : i32
      %broadcast_in_dim3A_1145 = vector.broadcast %broadcast_in_dim3A_1144 : i32 to vector<16xi32>
      %add3A_1146 = arith.addi %convert_element_type3A_1143, %broadcast_in_dim3A_1145 : vector<16xi32>
      %add3A_1147 = arith.constant 4096 : i32
      %add3A_1148 = arith.addi %add3A_1147, %add3A_1081 : i32
      %swap3A_1149 = arith.index_cast %add3A_1148 : i32 to index
      %swap3A_1150 = tpu.vector_load %arg9[%swap3A_1149] {strides = array<i32>} : memref<8192xi32, #tpu.memory_space<vmem>>, vector<16xi32>,
      tpu.vector_store %arg9[%swap3A_1149], %add3A_1146 {strides = array<i32>} : memref<8192xi32, #tpu.memory_space<vmem>>, vector<16xi32>,
      %broadcast_in_dim3A_1151 = arith.constant 100000 : i32
      %broadcast_in_dim3A_1152 = vector.broadcast %broadcast_in_dim3A_1151 : i32 to vector<16xi32>
      %add3A_1153 = arith.addi %convert_element_type3A_1143, %broadcast_in_dim3A_1152 : vector<16xi32>
      %add3A_1154 = arith.constant 4608 : i32
      %add3A_1155 = arith.addi %add3A_1154, %add3A_1081 : i32
      %swap3A_1156 = arith.index_cast %add3A_1155 : i32 to index
      %swap3A_1157 = tpu.vector_load %arg9[%swap3A_1156] {strides = array<i32>} : memref<8192xi32, #tpu.memory_space<vmem>>, vector<16xi32>,
      tpu.vector_store %arg9[%swap3A_1156], %add3A_1153 {strides = array<i32>} : memref<8192xi32, #tpu.memory_space<vmem>>, vector<16xi32>,
      %broadcast_in_dim3A_1158 = arith.constant 200000 : i32
      %broadcast_in_dim3A_1159 = vector.broadcast %broadcast_in_dim3A_1158 : i32 to vector<16xi32>
      %add3A_1160 = arith.addi %convert_element_type3A_1143, %broadcast_in_dim3A_1159 : vector<16xi32>
      %add3A_1161 = arith.constant 5120 : i32
      %add3A_1162 = arith.addi %add3A_1161, %add3A_1081 : i32
      %swap3A_1163 = arith.index_cast %add3A_1162 : i32 to index
      %swap3A_1164 = tpu.vector_load %arg9[%swap3A_1163] {strides = array<i32>} : memref<8192xi32, #tpu.memory_space<vmem>>, vector<16xi32>,
      tpu.vector_store %arg9[%swap3A_1163], %add3A_1160 {strides = array<i32>} : memref<8192xi32, #tpu.memory_space<vmem>>, vector<16xi32>,
      %broadcast_in_dim3A_1165 = arith.constant 300000 : i32
      %broadcast_in_dim3A_1166 = vector.broadcast %broadcast_in_dim3A_1165 : i32 to vector<16xi32>
      %add3A_1167 = arith.addi %convert_element_type3A_1143, %broadcast_in_dim3A_1166 : vector<16xi32>
      %add3A_1168 = arith.constant 5632 : i32
      %add3A_1169 = arith.addi %add3A_1168, %add3A_1081 : i32
      %swap3A_1170 = arith.index_cast %add3A_1169 : i32 to index
      %swap3A_1171 = tpu.vector_load %arg9[%swap3A_1170] {strides = array<i32>} : memref<8192xi32, #tpu.memory_space<vmem>>, vector<16xi32>,
      tpu.vector_store %arg9[%swap3A_1170], %add3A_1167 {strides = array<i32>} : memref<8192xi32, #tpu.memory_space<vmem>>, vector<16xi32>,
      %broadcast_in_dim3A_1172 = arith.constant 400000 : i32
      %broadcast_in_dim3A_1173 = vector.broadcast %broadcast_in_dim3A_1172 : i32 to vector<16xi32>
      %add3A_1174 = arith.addi %convert_element_type3A_1143, %broadcast_in_dim3A_1173 : vector<16xi32>
      %add3A_1175 = arith.constant 6144 : i32
      %add3A_1176 = arith.addi %add3A_1175, %add3A_1081 : i32
      %swap3A_1177 = arith.index_cast %add3A_1176 : i32 to index
      %swap3A_1178 = tpu.vector_load %arg9[%swap3A_1177] {strides = array<i32>} : memref<8192xi32, #tpu.memory_space<vmem>>, vector<16xi32>,
      tpu.vector_store %arg9[%swap3A_1177], %add3A_1174 {strides = array<i32>} : memref<8192xi32, #tpu.memory_space<vmem>>, vector<16xi32>,
      %broadcast_in_dim3A_1179 = arith.constant 500000 : i32
      %broadcast_in_dim3A_1180 = vector.broadcast %broadcast_in_dim3A_1179 : i32 to vector<16xi32>
      %add3A_1181 = arith.addi %convert_element_type3A_1143, %broadcast_in_dim3A_1180 : vector<16xi32>
      %add3A_1182 = arith.constant 6656 : i32
      %add3A_1183 = arith.addi %add3A_1182, %add3A_1081 : i32
      %swap3A_1184 = arith.index_cast %add3A_1183 : i32 to index
      %swap3A_1185 = tpu.vector_load %arg9[%swap3A_1184] {strides = array<i32>} : memref<8192xi32, #tpu.memory_space<vmem>>, vector<16xi32>,
      tpu.vector_store %arg9[%swap3A_1184], %add3A_1181 {strides = array<i32>} : memref<8192xi32, #tpu.memory_space<vmem>>, vector<16xi32>,
      %broadcast_in_dim3A_1186 = arith.constant 600000 : i32
      %broadcast_in_dim3A_1187 = vector.broadcast %broadcast_in_dim3A_1186 : i32 to vector<16xi32>
      %add3A_1188 = arith.addi %convert_element_type3A_1143, %broadcast_in_dim3A_1187 : vector<16xi32>
      %add3A_1189 = arith.constant 7168 : i32
      %add3A_1190 = arith.addi %add3A_1189, %add3A_1081 : i32
      %swap3A_1191 = arith.index_cast %add3A_1190 : i32 to index
      %swap3A_1192 = tpu.vector_load %arg9[%swap3A_1191] {strides = array<i32>} : memref<8192xi32, #tpu.memory_space<vmem>>, vector<16xi32>,
      tpu.vector_store %arg9[%swap3A_1191], %add3A_1188 {strides = array<i32>} : memref<8192xi32, #tpu.memory_space<vmem>>, vector<16xi32>,
      %broadcast_in_dim3A_1193 = arith.constant 700000 : i32
      %broadcast_in_dim3A_1194 = vector.broadcast %broadcast_in_dim3A_1193 : i32 to vector<16xi32>
      %add3A_1195 = arith.addi %convert_element_type3A_1143, %broadcast_in_dim3A_1194 : vector<16xi32>
      %add3A_1196 = arith.constant 7680 : i32
      %add3A_1197 = arith.addi %add3A_1196, %add3A_1081 : i32
      %swap3A_1198 = arith.index_cast %add3A_1197 : i32 to index
      %swap3A_1199 = tpu.vector_load %arg9[%swap3A_1198] {strides = array<i32>} : memref<8192xi32, #tpu.memory_space<vmem>>, vector<16xi32>,
      tpu.vector_store %arg9[%swap3A_1198], %add3A_1195 {strides = array<i32>} : memref<8192xi32, #tpu.memory_space<vmem>>, vector<16xi32>,
    }
    %scan3A_12 = arith.constant 8 : i32
    %dma_start3A_13 = arith.constant 0 : i32
    %dma_start3A_14 = arith.constant 0 : i32
    %dma_start3A_15 = tpu.memref_slice %arg10[%dma_start3A_13, %dma_start3A_14] : memref<50x512xf32, #tpu.memory_space<vmem>> -> memref<1x128xf32, #tpu.memory_space<vmem>>
    %dma_start3A_16 = tpu.memref_squeeze %dma_start3A_15 : memref<1x128xf32, #tpu.memory_space<vmem>> -> memref<128xf32, #tpu.memory_space<vmem>>
    %dma_start3A_17 = arith.constant 0 : i32
    %dma_start3A_18 = tpu.memref_slice %arg9[%dma_start3A_17] : memref<8192xi32, #tpu.memory_space<vmem>> -> memref<128xi32, #tpu.memory_space<vmem>>
    %dma_start3A_19 = arith.constant 0 : i32
    %dma_start3A_20 = tpu.memref_slice %arg4[%dma_start3A_19] : memref<800000xf32, #tpu.memory_space<hbm>> -> memref<800000xf32, #tpu.memory_space<hbm>>
    tpu.enqueue_indirect_dma source(%dma_start3A_20 : memref<800000xf32, #tpu.memory_space<hbm>>) target(%dma_start3A_16 : memref<128xf32, #tpu.memory_space<vmem>>) offsets(%dma_start3A_18 : memref<128xi32, #tpu.memory_space<vmem>>) semaphore(%arg11 : memref<!tpu.dma_semaphore, #tpu.memory_space<semaphore_mem>>)
    %dma_start3A_21 = arith.constant 1 : i32
    %dma_start3A_22 = arith.constant 0 : i32
    %dma_start3A_23 = tpu.memref_slice %arg10[%dma_start3A_21, %dma_start3A_22] : memref<50x512xf32, #tpu.memory_space<vmem>> -> memref<1x128xf32, #tpu.memory_space<vmem>>
    %dma_start3A_24 = tpu.memref_squeeze %dma_start3A_23 : memref<1x128xf32, #tpu.memory_space<vmem>> -> memref<128xf32, #tpu.memory_space<vmem>>
    %dma_start3A_25 = arith.constant 512 : i32
    %dma_start3A_26 = tpu.memref_slice %arg9[%dma_start3A_25] : memref<8192xi32, #tpu.memory_space<vmem>> -> memref<128xi32, #tpu.memory_space<vmem>>
    %dma_start3A_27 = arith.constant 0 : i32
    %dma_start3A_28 = tpu.memref_slice %arg4[%dma_start3A_27] : memref<800000xf32, #tpu.memory_space<hbm>> -> memref<800000xf32, #tpu.memory_space<hbm>>
    tpu.enqueue_indirect_dma source(%dma_start3A_28 : memref<800000xf32, #tpu.memory_space<hbm>>) target(%dma_start3A_24 : memref<128xf32, #tpu.memory_space<vmem>>) offsets(%dma_start3A_26 : memref<128xi32, #tpu.memory_space<vmem>>) semaphore(%arg11 : memref<!tpu.dma_semaphore, #tpu.memory_space<semaphore_mem>>)
    %dma_start3A_29 = arith.constant 2 : i32
    %dma_start3A_30 = arith.constant 0 : i32
    %dma_start3A_31 = tpu.memref_slice %arg10[%dma_start3A_29, %dma_start3A_30] : memref<50x512xf32, #tpu.memory_space<vmem>> -> memref<1x128xf32, #tpu.memory_space<vmem>>
    %dma_start3A_32 = tpu.memref_squeeze %dma_start3A_31 : memref<1x128xf32, #tpu.memory_space<vmem>> -> memref<128xf32, #tpu.memory_space<vmem>>
    %dma_start3A_33 = arith.constant 1024 : i32
    %dma_start3A_34 = tpu.memref_slice %arg9[%dma_start3A_33] : memref<8192xi32, #tpu.memory_space<vmem>> -> memref<128xi32, #tpu.memory_space<vmem>>
    %dma_start3A_35 = arith.constant 0 : i32
    %dma_start3A_36 = tpu.memref_slice %arg4[%dma_start3A_35] : memref<800000xf32, #tpu.memory_space<hbm>> -> memref<800000xf32, #tpu.memory_space<hbm>>
    tpu.enqueue_indirect_dma source(%dma_start3A_36 : memref<800000xf32, #tpu.memory_space<hbm>>) target(%dma_start3A_32 : memref<128xf32, #tpu.memory_space<vmem>>) offsets(%dma_start3A_34 : memref<128xi32, #tpu.memory_space<vmem>>) semaphore(%arg11 : memref<!tpu.dma_semaphore, #tpu.memory_space<semaphore_mem>>)
    %dma_start3A_37 = arith.constant 3 : i32
    %dma_start3A_38 = arith.constant 0 : i32
    %dma_start3A_39 = tpu.memref_slice %arg10[%dma_start3A_37, %dma_start3A_38] : memref<50x512xf32, #tpu.memory_space<vmem>> -> memref<1x128xf32, #tpu.memory_space<vmem>>
    %dma_start3A_40 = tpu.memref_squeeze %dma_start3A_39 : memref<1x128xf32, #tpu.memory_space<vmem>> -> memref<128xf32, #tpu.memory_space<vmem>>
    %dma_start3A_41 = arith.constant 1536 : i32
    %dma_start3A_42 = tpu.memref_slice %arg9[%dma_start3A_41] : memref<8192xi32, #tpu.memory_space<vmem>> -> memref<128xi32, #tpu.memory_space<vmem>>
    %dma_start3A_43 = arith.constant 0 : i32
    %dma_start3A_44 = tpu.memref_slice %arg4[%dma_start3A_43] : memref<800000xf32, #tpu.memory_space<hbm>> -> memref<800000xf32, #tpu.memory_space<hbm>>
    tpu.enqueue_indirect_dma source(%dma_start3A_44 : memref<800000xf32, #tpu.memory_space<hbm>>) target(%dma_start3A_40 : memref<128xf32, #tpu.memory_space<vmem>>) offsets(%dma_start3A_42 : memref<128xi32, #tpu.memory_space<vmem>>) semaphore(%arg11 : memref<!tpu.dma_semaphore, #tpu.memory_space<semaphore_mem>>)
    %dma_start3A_45 = arith.constant 4 : i32
    %dma_start3A_46 = arith.constant 0 : i32
    %dma_start3A_47 = tpu.memref_slice %arg10[%dma_start3A_45, %dma_start3A_46] : memref<50x512xf32, #tpu.memory_space<vmem>> -> memref<1x128xf32, #tpu.memory_space<vmem>>
    %dma_start3A_48 = tpu.memref_squeeze %dma_start3A_47 : memref<1x128xf32, #tpu.memory_space<vmem>> -> memref<128xf32, #tpu.memory_space<vmem>>
    %dma_start3A_49 = arith.constant 2048 : i32
    %dma_start3A_50 = tpu.memref_slice %arg9[%dma_start3A_49] : memref<8192xi32, #tpu.memory_space<vmem>> -> memref<128xi32, #tpu.memory_space<vmem>>
    %dma_start3A_51 = arith.constant 0 : i32
    %dma_start3A_52 = tpu.memref_slice %arg4[%dma_start3A_51] : memref<800000xf32, #tpu.memory_space<hbm>> -> memref<800000xf32, #tpu.memory_space<hbm>>
    tpu.enqueue_indirect_dma source(%dma_start3A_52 : memref<800000xf32, #tpu.memory_space<hbm>>) target(%dma_start3A_48 : memref<128xf32, #tpu.memory_space<vmem>>) offsets(%dma_start3A_50 : memref<128xi32, #tpu.memory_space<vmem>>) semaphore(%arg11 : memref<!tpu.dma_semaphore, #tpu.memory_space<semaphore_mem>>)
    %dma_start3A_53 = arith.constant 5 : i32
    %dma_start3A_54 = arith.constant 0 : i32
    %dma_start3A_55 = tpu.memref_slice %arg10[%dma_start3A_53, %dma_start3A_54] : memref<50x512xf32, #tpu.memory_space<vmem>> -> memref<1x128xf32, #tpu.memory_space<vmem>>
    %dma_start3A_56 = tpu.memref_squeeze %dma_start3A_55 : memref<1x128xf32, #tpu.memory_space<vmem>> -> memref<128xf32, #tpu.memory_space<vmem>>
    %dma_start3A_57 = arith.constant 2560 : i32
    %dma_start3A_58 = tpu.memref_slice %arg9[%dma_start3A_57] : memref<8192xi32, #tpu.memory_space<vmem>> -> memref<128xi32, #tpu.memory_space<vmem>>
    %dma_start3A_59 = arith.constant 0 : i32
    %dma_start3A_60 = tpu.memref_slice %arg4[%dma_start3A_59] : memref<800000xf32, #tpu.memory_space<hbm>> -> memref<800000xf32, #tpu.memory_space<hbm>>
    tpu.enqueue_indirect_dma source(%dma_start3A_60 : memref<800000xf32, #tpu.memory_space<hbm>>) target(%dma_start3A_56 : memref<128xf32, #tpu.memory_space<vmem>>) offsets(%dma_start3A_58 : memref<128xi32, #tpu.memory_space<vmem>>) semaphore(%arg11 : memref<!tpu.dma_semaphore, #tpu.memory_space<semaphore_mem>>)
    %dma_start3A_61 = arith.constant 6 : i32
    %dma_start3A_62 = arith.constant 0 : i32
    %dma_start3A_63 = tpu.memref_slice %arg10[%dma_start3A_61, %dma_start3A_62] : memref<50x512xf32, #tpu.memory_space<vmem>> -> memref<1x128xf32, #tpu.memory_space<vmem>>
    %dma_start3A_64 = tpu.memref_squeeze %dma_start3A_63 : memref<1x128xf32, #tpu.memory_space<vmem>> -> memref<128xf32, #tpu.memory_space<vmem>>
    %dma_start3A_65 = arith.constant 3072 : i32
    %dma_start3A_66 = tpu.memref_slice %arg9[%dma_start3A_65] : memref<8192xi32, #tpu.memory_space<vmem>> -> memref<128xi32, #tpu.memory_space<vmem>>
    %dma_start3A_67 = arith.constant 0 : i32
    %dma_start3A_68 = tpu.memref_slice %arg4[%dma_start3A_67] : memref<800000xf32, #tpu.memory_space<hbm>> -> memref<800000xf32, #tpu.memory_space<hbm>>
    tpu.enqueue_indirect_dma source(%dma_start3A_68 : memref<800000xf32, #tpu.memory_space<hbm>>) target(%dma_start3A_64 : memref<128xf32, #tpu.memory_space<vmem>>) offsets(%dma_start3A_66 : memref<128xi32, #tpu.memory_space<vmem>>) semaphore(%arg11 : memref<!tpu.dma_semaphore, #tpu.memory_space<semaphore_mem>>)
    %dma_start3A_69 = arith.constant 7 : i32
    %dma_start3A_70 = arith.constant 0 : i32
    %dma_start3A_71 = tpu.memref_slice %arg10[%dma_start3A_69, %dma_start3A_70] : memref<50x512xf32, #tpu.memory_space<vmem>> -> memref<1x128xf32, #tpu.memory_space<vmem>>
    %dma_start3A_72 = tpu.memref_squeeze %dma_start3A_71 : memref<1x128xf32, #tpu.memory_space<vmem>> -> memref<128xf32, #tpu.memory_space<vmem>>
    %dma_start3A_73 = arith.constant 3584 : i32
    %dma_start3A_74 = tpu.memref_slice %arg9[%dma_start3A_73] : memref<8192xi32, #tpu.memory_space<vmem>> -> memref<128xi32, #tpu.memory_space<vmem>>
    %dma_start3A_75 = arith.constant 0 : i32
    %dma_start3A_76 = tpu.memref_slice %arg4[%dma_start3A_75] : memref<800000xf32, #tpu.memory_space<hbm>> -> memref<800000xf32, #tpu.memory_space<hbm>>
    tpu.enqueue_indirect_dma source(%dma_start3A_76 : memref<800000xf32, #tpu.memory_space<hbm>>) target(%dma_start3A_72 : memref<128xf32, #tpu.memory_space<vmem>>) offsets(%dma_start3A_74 : memref<128xi32, #tpu.memory_space<vmem>>) semaphore(%arg11 : memref<!tpu.dma_semaphore, #tpu.memory_space<semaphore_mem>>)
    %dma_start3A_77 = arith.constant 8 : i32
    %dma_start3A_78 = arith.constant 0 : i32
    %dma_start3A_79 = tpu.memref_slice %arg10[%dma_start3A_77, %dma_start3A_78] : memref<50x512xf32, #tpu.memory_space<vmem>> -> memref<1x128xf32, #tpu.memory_space<vmem>>
    %dma_start3A_80 = tpu.memref_squeeze %dma_start3A_79 : memref<1x128xf32, #tpu.memory_space<vmem>> -> memref<128xf32, #tpu.memory_space<vmem>>
    %dma_start3A_81 = arith.constant 4096 : i32
    %dma_start3A_82 = tpu.memref_slice %arg9[%dma_start3A_81] : memref<8192xi32, #tpu.memory_space<vmem>> -> memref<128xi32, #tpu.memory_space<vmem>>
    %dma_start3A_83 = arith.constant 0 : i32
    %dma_start3A_84 = tpu.memref_slice %arg5[%dma_start3A_83] : memref<800000xf32, #tpu.memory_space<hbm>> -> memref<800000xf32, #tpu.memory_space<hbm>>
    tpu.enqueue_indirect_dma source(%dma_start3A_84 : memref<800000xf32, #tpu.memory_space<hbm>>) target(%dma_start3A_80 : memref<128xf32, #tpu.memory_space<vmem>>) offsets(%dma_start3A_82 : memref<128xi32, #tpu.memory_space<vmem>>) semaphore(%arg11 : memref<!tpu.dma_semaphore, #tpu.memory_space<semaphore_mem>>)
    %dma_start3A_85 = arith.constant 9 : i32
    %dma_start3A_86 = arith.constant 0 : i32
    %dma_start3A_87 = tpu.memref_slice %arg10[%dma_start3A_85, %dma_start3A_86] : memref<50x512xf32, #tpu.memory_space<vmem>> -> memref<1x128xf32, #tpu.memory_space<vmem>>
    %dma_start3A_88 = tpu.memref_squeeze %dma_start3A_87 : memref<1x128xf32, #tpu.memory_space<vmem>> -> memref<128xf32, #tpu.memory_space<vmem>>
    %dma_start3A_89 = arith.constant 4608 : i32
    %dma_start3A_90 = tpu.memref_slice %arg9[%dma_start3A_89] : memref<8192xi32, #tpu.memory_space<vmem>> -> memref<128xi32, #tpu.memory_space<vmem>>
    %dma_start3A_91 = arith.constant 0 : i32
    %dma_start3A_92 = tpu.memref_slice %arg5[%dma_start3A_91] : memref<800000xf32, #tpu.memory_space<hbm>> -> memref<800000xf32, #tpu.memory_space<hbm>>
    tpu.enqueue_indirect_dma source(%dma_start3A_92 : memref<800000xf32, #tpu.memory_space<hbm>>) target(%dma_start3A_88 : memref<128xf32, #tpu.memory_space<vmem>>) offsets(%dma_start3A_90 : memref<128xi32, #tpu.memory_space<vmem>>) semaphore(%arg11 : memref<!tpu.dma_semaphore, #tpu.memory_space<semaphore_mem>>)
    %dma_start3A_93 = arith.constant 10 : i32
    %dma_start3A_94 = arith.constant 0 : i32
    %dma_start3A_95 = tpu.memref_slice %arg10[%dma_start3A_93, %dma_start3A_94] : memref<50x512xf32, #tpu.memory_space<vmem>> -> memref<1x128xf32, #tpu.memory_space<vmem>>
    %dma_start3A_96 = tpu.memref_squeeze %dma_start3A_95 : memref<1x128xf32, #tpu.memory_space<vmem>> -> memref<128xf32, #tpu.memory_space<vmem>>
    %dma_start3A_97 = arith.constant 5120 : i32
    %dma_start3A_98 = tpu.memref_slice %arg9[%dma_start3A_97] : memref<8192xi32, #tpu.memory_space<vmem>> -> memref<128xi32, #tpu.memory_space<vmem>>
    %dma_start3A_99 = arith.constant 0 : i32
    %dma_start3A_100 = tpu.memref_slice %arg5[%dma_start3A_99] : memref<800000xf32, #tpu.memory_space<hbm>> -> memref<800000xf32, #tpu.memory_space<hbm>>
    tpu.enqueue_indirect_dma source(%dma_start3A_100 : memref<800000xf32, #tpu.memory_space<hbm>>) target(%dma_start3A_96 : memref<128xf32, #tpu.memory_space<vmem>>) offsets(%dma_start3A_98 : memref<128xi32, #tpu.memory_space<vmem>>) semaphore(%arg11 : memref<!tpu.dma_semaphore, #tpu.memory_space<semaphore_mem>>)
    %dma_start3A_101 = arith.constant 11 : i32
    %dma_start3A_102 = arith.constant 0 : i32
    %dma_start3A_103 = tpu.memref_slice %arg10[%dma_start3A_101, %dma_start3A_102] : memref<50x512xf32, #tpu.memory_space<vmem>> -> memref<1x128xf32, #tpu.memory_space<vmem>>
    %dma_start3A_104 = tpu.memref_squeeze %dma_start3A_103 : memref<1x128xf32, #tpu.memory_space<vmem>> -> memref<128xf32, #tpu.memory_space<vmem>>
    %dma_start3A_105 = arith.constant 5632 : i32
    %dma_start3A_106 = tpu.memref_slice %arg9[%dma_start3A_105] : memref<8192xi32, #tpu.memory_space<vmem>> -> memref<128xi32, #tpu.memory_space<vmem>>
    %dma_start3A_107 = arith.constant 0 : i32
    %dma_start3A_108 = tpu.memref_slice %arg5[%dma_start3A_107] : memref<800000xf32, #tpu.memory_space<hbm>> -> memref<800000xf32, #tpu.memory_space<hbm>>
    tpu.enqueue_indirect_dma source(%dma_start3A_108 : memref<800000xf32, #tpu.memory_space<hbm>>) target(%dma_start3A_104 : memref<128xf32, #tpu.memory_space<vmem>>) offsets(%dma_start3A_106 : memref<128xi32, #tpu.memory_space<vmem>>) semaphore(%arg11 : memref<!tpu.dma_semaphore, #tpu.memory_space<semaphore_mem>>)
    %dma_start3A_109 = arith.constant 12 : i32
    %dma_start3A_110 = arith.constant 0 : i32
    %dma_start3A_111 = tpu.memref_slice %arg10[%dma_start3A_109, %dma_start3A_110] : memref<50x512xf32, #tpu.memory_space<vmem>> -> memref<1x128xf32, #tpu.memory_space<vmem>>
    %dma_start3A_112 = tpu.memref_squeeze %dma_start3A_111 : memref<1x128xf32, #tpu.memory_space<vmem>> -> memref<128xf32, #tpu.memory_space<vmem>>
    %dma_start3A_113 = arith.constant 6144 : i32
    %dma_start3A_114 = tpu.memref_slice %arg9[%dma_start3A_113] : memref<8192xi32, #tpu.memory_space<vmem>> -> memref<128xi32, #tpu.memory_space<vmem>>
    %dma_start3A_115 = arith.constant 0 : i32
    %dma_start3A_116 = tpu.memref_slice %arg5[%dma_start3A_115] : memref<800000xf32, #tpu.memory_space<hbm>> -> memref<800000xf32, #tpu.memory_space<hbm>>
    tpu.enqueue_indirect_dma source(%dma_start3A_116 : memref<800000xf32, #tpu.memory_space<hbm>>) target(%dma_start3A_112 : memref<128xf32, #tpu.memory_space<vmem>>) offsets(%dma_start3A_114 : memref<128xi32, #tpu.memory_space<vmem>>) semaphore(%arg11 : memref<!tpu.dma_semaphore, #tpu.memory_space<semaphore_mem>>)
    %dma_start3A_117 = arith.constant 13 : i32
    %dma_start3A_118 = arith.constant 0 : i32
    %dma_start3A_119 = tpu.memref_slice %arg10[%dma_start3A_117, %dma_start3A_118] : memref<50x512xf32, #tpu.memory_space<vmem>> -> memref<1x128xf32, #tpu.memory_space<vmem>>
    %dma_start3A_120 = tpu.memref_squeeze %dma_start3A_119 : memref<1x128xf32, #tpu.memory_space<vmem>> -> memref<128xf32, #tpu.memory_space<vmem>>
    %dma_start3A_121 = arith.constant 6656 : i32
    %dma_start3A_122 = tpu.memref_slice %arg9[%dma_start3A_121] : memref<8192xi32, #tpu.memory_space<vmem>> -> memref<128xi32, #tpu.memory_space<vmem>>
    %dma_start3A_123 = arith.constant 0 : i32
    %dma_start3A_124 = tpu.memref_slice %arg5[%dma_start3A_123] : memref<800000xf32, #tpu.memory_space<hbm>> -> memref<800000xf32, #tpu.memory_space<hbm>>
    tpu.enqueue_indirect_dma source(%dma_start3A_124 : memref<800000xf32, #tpu.memory_space<hbm>>) target(%dma_start3A_120 : memref<128xf32, #tpu.memory_space<vmem>>) offsets(%dma_start3A_122 : memref<128xi32, #tpu.memory_space<vmem>>) semaphore(%arg11 : memref<!tpu.dma_semaphore, #tpu.memory_space<semaphore_mem>>)
    %dma_start3A_125 = arith.constant 14 : i32
    %dma_start3A_126 = arith.constant 0 : i32
    %dma_start3A_127 = tpu.memref_slice %arg10[%dma_start3A_125, %dma_start3A_126] : memref<50x512xf32, #tpu.memory_space<vmem>> -> memref<1x128xf32, #tpu.memory_space<vmem>>
    %dma_start3A_128 = tpu.memref_squeeze %dma_start3A_127 : memref<1x128xf32, #tpu.memory_space<vmem>> -> memref<128xf32, #tpu.memory_space<vmem>>
    %dma_start3A_129 = arith.constant 7168 : i32
    %dma_start3A_130 = tpu.memref_slice %arg9[%dma_start3A_129] : memref<8192xi32, #tpu.memory_space<vmem>> -> memref<128xi32, #tpu.memory_space<vmem>>
    %dma_start3A_131 = arith.constant 0 : i32
    %dma_start3A_132 = tpu.memref_slice %arg5[%dma_start3A_131] : memref<800000xf32, #tpu.memory_space<hbm>> -> memref<800000xf32, #tpu.memory_space<hbm>>
    tpu.enqueue_indirect_dma source(%dma_start3A_132 : memref<800000xf32, #tpu.memory_space<hbm>>) target(%dma_start3A_128 : memref<128xf32, #tpu.memory_space<vmem>>) offsets(%dma_start3A_130 : memref<128xi32, #tpu.memory_space<vmem>>) semaphore(%arg11 : memref<!tpu.dma_semaphore, #tpu.memory_space<semaphore_mem>>)
    %dma_start3A_133 = arith.constant 15 : i32
    %dma_start3A_134 = arith.constant 0 : i32
    %dma_start3A_135 = tpu.memref_slice %arg10[%dma_start3A_133, %dma_start3A_134] : memref<50x512xf32, #tpu.memory_space<vmem>> -> memref<1x128xf32, #tpu.memory_space<vmem>>
    %dma_start3A_136 = tpu.memref_squeeze %dma_start3A_135 : memref<1x128xf32, #tpu.memory_space<vmem>> -> memref<128xf32, #tpu.memory_space<vmem>>
    %dma_start3A_137 = arith.constant 7680 : i32
    %dma_start3A_138 = tpu.memref_slice %arg9[%dma_start3A_137] : memref<8192xi32, #tpu.memory_space<vmem>> -> memref<128xi32, #tpu.memory_space<vmem>>
    %dma_start3A_139 = arith.constant 0 : i32
    %dma_start3A_140 = tpu.memref_slice %arg5[%dma_start3A_139] : memref<800000xf32, #tpu.memory_space<hbm>> -> memref<800000xf32, #tpu.memory_space<hbm>>
    tpu.enqueue_indirect_dma source(%dma_start3A_140 : memref<800000xf32, #tpu.memory_space<hbm>>) target(%dma_start3A_136 : memref<128xf32, #tpu.memory_space<vmem>>) offsets(%dma_start3A_138 : memref<128xi32, #tpu.memory_space<vmem>>) semaphore(%arg11 : memref<!tpu.dma_semaphore, #tpu.memory_space<semaphore_mem>>)
    %scan3A_141 = arith.constant 0 : i32
    %scan3A_142 = arith.constant 8 : i32
    %scan3A_143 = arith.addi %scan3A_141, %scan3A_142 : i32
    %scan3A_144 = arith.constant 1 : i32
    scf.for %scan3A_1077 = %scan3A_141 to %scan3A_143 step %scan3A_144  : i32 {
      %mul3A_1078 = arith.constant 16 : i32
      %mul3A_1079 = arith.muli %scan3A_1077, %mul3A_1078 : i32
      %add3A_1080 = arith.constant 128 : i32
      %add3A_1081 = arith.addi %add3A_1080, %mul3A_1079 : i32
      %get3A = arith.constant 0 : i32
      %get3A_1082 = arith.index_cast %get3A : i32 to index
      %get3A_1083 = arith.index_cast %add3A_1081 : i32 to index
      %get3A_1084 = tpu.vector_load %arg7[%get3A_1082, %get3A_1083] {strides = array<i32>} : memref<10x512xf32, #tpu.memory_space<vmem>>, vector<16xf32>,
      %convert_element_type3A = arith.fptosi %get3A_1084 : vector<16xf32> to vector<16xi32>
      %broadcast_in_dim3A = arith.constant 0 : i32
      %broadcast_in_dim3A_1085 = vector.broadcast %broadcast_in_dim3A : i32 to vector<16xi32>
      %add3A_1086 = arith.addi %convert_element_type3A, %broadcast_in_dim3A_1085 : vector<16xi32>
      %add3A_1087 = arith.constant 0 : i32
      %add3A_1088 = arith.addi %add3A_1087, %add3A_1081 : i32
      %swap3A = arith.index_cast %add3A_1088 : i32 to index
      %swap3A_1089 = tpu.vector_load %arg9[%swap3A] {strides = array<i32>} : memref<8192xi32, #tpu.memory_space<vmem>>, vector<16xi32>,
      tpu.vector_store %arg9[%swap3A], %add3A_1086 {strides = array<i32>} : memref<8192xi32, #tpu.memory_space<vmem>>, vector<16xi32>,
      %broadcast_in_dim3A_1090 = arith.constant 100000 : i32
      %broadcast_in_dim3A_1091 = vector.broadcast %broadcast_in_dim3A_1090 : i32 to vector<16xi32>
      %add3A_1092 = arith.addi %convert_element_type3A, %broadcast_in_dim3A_1091 : vector<16xi32>
      %add3A_1093 = arith.constant 512 : i32
      %add3A_1094 = arith.addi %add3A_1093, %add3A_1081 : i32
      %swap3A_1095 = arith.index_cast %add3A_1094 : i32 to index
      %swap3A_1096 = tpu.vector_load %arg9[%swap3A_1095] {strides = array<i32>} : memref<8192xi32, #tpu.memory_space<vmem>>, vector<16xi32>,
      tpu.vector_store %arg9[%swap3A_1095], %add3A_1092 {strides = array<i32>} : memref<8192xi32, #tpu.memory_space<vmem>>, vector<16xi32>,
      %broadcast_in_dim3A_1097 = arith.constant 200000 : i32
      %broadcast_in_dim3A_1098 = vector.broadcast %broadcast_in_dim3A_1097 : i32 to vector<16xi32>
      %add3A_1099 = arith.addi %convert_element_type3A, %broadcast_in_dim3A_1098 : vector<16xi32>
      %add3A_1100 = arith.constant 1024 : i32
      %add3A_1101 = arith.addi %add3A_1100, %add3A_1081 : i32
      %swap3A_1102 = arith.index_cast %add3A_1101 : i32 to index
      %swap3A_1103 = tpu.vector_load %arg9[%swap3A_1102] {strides = array<i32>} : memref<8192xi32, #tpu.memory_space<vmem>>, vector<16xi32>,
      tpu.vector_store %arg9[%swap3A_1102], %add3A_1099 {strides = array<i32>} : memref<8192xi32, #tpu.memory_space<vmem>>, vector<16xi32>,
      %broadcast_in_dim3A_1104 = arith.constant 300000 : i32
      %broadcast_in_dim3A_1105 = vector.broadcast %broadcast_in_dim3A_1104 : i32 to vector<16xi32>
      %add3A_1106 = arith.addi %convert_element_type3A, %broadcast_in_dim3A_1105 : vector<16xi32>
      %add3A_1107 = arith.constant 1536 : i32
      %add3A_1108 = arith.addi %add3A_1107, %add3A_1081 : i32
      %swap3A_1109 = arith.index_cast %add3A_1108 : i32 to index
      %swap3A_1110 = tpu.vector_load %arg9[%swap3A_1109] {strides = array<i32>} : memref<8192xi32, #tpu.memory_space<vmem>>, vector<16xi32>,
      tpu.vector_store %arg9[%swap3A_1109], %add3A_1106 {strides = array<i32>} : memref<8192xi32, #tpu.memory_space<vmem>>, vector<16xi32>,
      %broadcast_in_dim3A_1111 = arith.constant 400000 : i32
      %broadcast_in_dim3A_1112 = vector.broadcast %broadcast_in_dim3A_1111 : i32 to vector<16xi32>
      %add3A_1113 = arith.addi %convert_element_type3A, %broadcast_in_dim3A_1112 : vector<16xi32>
      %add3A_1114 = arith.constant 2048 : i32
      %add3A_1115 = arith.addi %add3A_1114, %add3A_1081 : i32
      %swap3A_1116 = arith.index_cast %add3A_1115 : i32 to index
      %swap3A_1117 = tpu.vector_load %arg9[%swap3A_1116] {strides = array<i32>} : memref<8192xi32, #tpu.memory_space<vmem>>, vector<16xi32>,
      tpu.vector_store %arg9[%swap3A_1116], %add3A_1113 {strides = array<i32>} : memref<8192xi32, #tpu.memory_space<vmem>>, vector<16xi32>,
      %broadcast_in_dim3A_1118 = arith.constant 500000 : i32
      %broadcast_in_dim3A_1119 = vector.broadcast %broadcast_in_dim3A_1118 : i32 to vector<16xi32>
      %add3A_1120 = arith.addi %convert_element_type3A, %broadcast_in_dim3A_1119 : vector<16xi32>
      %add3A_1121 = arith.constant 2560 : i32
      %add3A_1122 = arith.addi %add3A_1121, %add3A_1081 : i32
      %swap3A_1123 = arith.index_cast %add3A_1122 : i32 to index
      %swap3A_1124 = tpu.vector_load %arg9[%swap3A_1123] {strides = array<i32>} : memref<8192xi32, #tpu.memory_space<vmem>>, vector<16xi32>,
      tpu.vector_store %arg9[%swap3A_1123], %add3A_1120 {strides = array<i32>} : memref<8192xi32, #tpu.memory_space<vmem>>, vector<16xi32>,
      %broadcast_in_dim3A_1125 = arith.constant 600000 : i32
      %broadcast_in_dim3A_1126 = vector.broadcast %broadcast_in_dim3A_1125 : i32 to vector<16xi32>
      %add3A_1127 = arith.addi %convert_element_type3A, %broadcast_in_dim3A_1126 : vector<16xi32>
      %add3A_1128 = arith.constant 3072 : i32
      %add3A_1129 = arith.addi %add3A_1128, %add3A_1081 : i32
      %swap3A_1130 = arith.index_cast %add3A_1129 : i32 to index
      %swap3A_1131 = tpu.vector_load %arg9[%swap3A_1130] {strides = array<i32>} : memref<8192xi32, #tpu.memory_space<vmem>>, vector<16xi32>,
      tpu.vector_store %arg9[%swap3A_1130], %add3A_1127 {strides = array<i32>} : memref<8192xi32, #tpu.memory_space<vmem>>, vector<16xi32>,
      %broadcast_in_dim3A_1132 = arith.constant 700000 : i32
      %broadcast_in_dim3A_1133 = vector.broadcast %broadcast_in_dim3A_1132 : i32 to vector<16xi32>
      %add3A_1134 = arith.addi %convert_element_type3A, %broadcast_in_dim3A_1133 : vector<16xi32>
      %add3A_1135 = arith.constant 3584 : i32
      %add3A_1136 = arith.addi %add3A_1135, %add3A_1081 : i32
      %swap3A_1137 = arith.index_cast %add3A_1136 : i32 to index
      %swap3A_1138 = tpu.vector_load %arg9[%swap3A_1137] {strides = array<i32>} : memref<8192xi32, #tpu.memory_space<vmem>>, vector<16xi32>,
      tpu.vector_store %arg9[%swap3A_1137], %add3A_1134 {strides = array<i32>} : memref<8192xi32, #tpu.memory_space<vmem>>, vector<16xi32>,
      %get3A_1139 = arith.constant 1 : i32
      %get3A_1140 = arith.index_cast %get3A_1139 : i32 to index
      %get3A_1141 = arith.index_cast %add3A_1081 : i32 to index
      %get3A_1142 = tpu.vector_load %arg7[%get3A_1140, %get3A_1141] {strides = array<i32>} : memref<10x512xf32, #tpu.memory_space<vmem>>, vector<16xf32>,
      %convert_element_type3A_1143 = arith.fptosi %get3A_1142 : vector<16xf32> to vector<16xi32>
      %broadcast_in_dim3A_1144 = arith.constant 0 : i32
      %broadcast_in_dim3A_1145 = vector.broadcast %broadcast_in_dim3A_1144 : i32 to vector<16xi32>
      %add3A_1146 = arith.addi %convert_element_type3A_1143, %broadcast_in_dim3A_1145 : vector<16xi32>
      %add3A_1147 = arith.constant 4096 : i32
      %add3A_1148 = arith.addi %add3A_1147, %add3A_1081 : i32
      %swap3A_1149 = arith.index_cast %add3A_1148 : i32 to index
      %swap3A_1150 = tpu.vector_load %arg9[%swap3A_1149] {strides = array<i32>} : memref<8192xi32, #tpu.memory_space<vmem>>, vector<16xi32>,
      tpu.vector_store %arg9[%swap3A_1149], %add3A_1146 {strides = array<i32>} : memref<8192xi32, #tpu.memory_space<vmem>>, vector<16xi32>,
      %broadcast_in_dim3A_1151 = arith.constant 100000 : i32
      %broadcast_in_dim3A_1152 = vector.broadcast %broadcast_in_dim3A_1151 : i32 to vector<16xi32>
      %add3A_1153 = arith.addi %convert_element_type3A_1143, %broadcast_in_dim3A_1152 : vector<16xi32>
      %add3A_1154 = arith.constant 4608 : i32
      %add3A_1155 = arith.addi %add3A_1154, %add3A_1081 : i32
      %swap3A_1156 = arith.index_cast %add3A_1155 : i32 to index
      %swap3A_1157 = tpu.vector_load %arg9[%swap3A_1156] {strides = array<i32>} : memref<8192xi32, #tpu.memory_space<vmem>>, vector<16xi32>,
      tpu.vector_store %arg9[%swap3A_1156], %add3A_1153 {strides = array<i32>} : memref<8192xi32, #tpu.memory_space<vmem>>, vector<16xi32>,
      %broadcast_in_dim3A_1158 = arith.constant 200000 : i32
      %broadcast_in_dim3A_1159 = vector.broadcast %broadcast_in_dim3A_1158 : i32 to vector<16xi32>
      %add3A_1160 = arith.addi %convert_element_type3A_1143, %broadcast_in_dim3A_1159 : vector<16xi32>
      %add3A_1161 = arith.constant 5120 : i32
      %add3A_1162 = arith.addi %add3A_1161, %add3A_1081 : i32
      %swap3A_1163 = arith.index_cast %add3A_1162 : i32 to index
      %swap3A_1164 = tpu.vector_load %arg9[%swap3A_1163] {strides = array<i32>} : memref<8192xi32, #tpu.memory_space<vmem>>, vector<16xi32>,
      tpu.vector_store %arg9[%swap3A_1163], %add3A_1160 {strides = array<i32>} : memref<8192xi32, #tpu.memory_space<vmem>>, vector<16xi32>,
      %broadcast_in_dim3A_1165 = arith.constant 300000 : i32
      %broadcast_in_dim3A_1166 = vector.broadcast %broadcast_in_dim3A_1165 : i32 to vector<16xi32>
      %add3A_1167 = arith.addi %convert_element_type3A_1143, %broadcast_in_dim3A_1166 : vector<16xi32>
      %add3A_1168 = arith.constant 5632 : i32
      %add3A_1169 = arith.addi %add3A_1168, %add3A_1081 : i32
      %swap3A_1170 = arith.index_cast %add3A_1169 : i32 to index
      %swap3A_1171 = tpu.vector_load %arg9[%swap3A_1170] {strides = array<i32>} : memref<8192xi32, #tpu.memory_space<vmem>>, vector<16xi32>,
      tpu.vector_store %arg9[%swap3A_1170], %add3A_1167 {strides = array<i32>} : memref<8192xi32, #tpu.memory_space<vmem>>, vector<16xi32>,
      %broadcast_in_dim3A_1172 = arith.constant 400000 : i32
      %broadcast_in_dim3A_1173 = vector.broadcast %broadcast_in_dim3A_1172 : i32 to vector<16xi32>
      %add3A_1174 = arith.addi %convert_element_type3A_1143, %broadcast_in_dim3A_1173 : vector<16xi32>
      %add3A_1175 = arith.constant 6144 : i32
      %add3A_1176 = arith.addi %add3A_1175, %add3A_1081 : i32
      %swap3A_1177 = arith.index_cast %add3A_1176 : i32 to index
      %swap3A_1178 = tpu.vector_load %arg9[%swap3A_1177] {strides = array<i32>} : memref<8192xi32, #tpu.memory_space<vmem>>, vector<16xi32>,
      tpu.vector_store %arg9[%swap3A_1177], %add3A_1174 {strides = array<i32>} : memref<8192xi32, #tpu.memory_space<vmem>>, vector<16xi32>,
      %broadcast_in_dim3A_1179 = arith.constant 500000 : i32
      %broadcast_in_dim3A_1180 = vector.broadcast %broadcast_in_dim3A_1179 : i32 to vector<16xi32>
      %add3A_1181 = arith.addi %convert_element_type3A_1143, %broadcast_in_dim3A_1180 : vector<16xi32>
      %add3A_1182 = arith.constant 6656 : i32
      %add3A_1183 = arith.addi %add3A_1182, %add3A_1081 : i32
      %swap3A_1184 = arith.index_cast %add3A_1183 : i32 to index
      %swap3A_1185 = tpu.vector_load %arg9[%swap3A_1184] {strides = array<i32>} : memref<8192xi32, #tpu.memory_space<vmem>>, vector<16xi32>,
      tpu.vector_store %arg9[%swap3A_1184], %add3A_1181 {strides = array<i32>} : memref<8192xi32, #tpu.memory_space<vmem>>, vector<16xi32>,
      %broadcast_in_dim3A_1186 = arith.constant 600000 : i32
      %broadcast_in_dim3A_1187 = vector.broadcast %broadcast_in_dim3A_1186 : i32 to vector<16xi32>
      %add3A_1188 = arith.addi %convert_element_type3A_1143, %broadcast_in_dim3A_1187 : vector<16xi32>
      %add3A_1189 = arith.constant 7168 : i32
      %add3A_1190 = arith.addi %add3A_1189, %add3A_1081 : i32
      %swap3A_1191 = arith.index_cast %add3A_1190 : i32 to index
      %swap3A_1192 = tpu.vector_load %arg9[%swap3A_1191] {strides = array<i32>} : memref<8192xi32, #tpu.memory_space<vmem>>, vector<16xi32>,
      tpu.vector_store %arg9[%swap3A_1191], %add3A_1188 {strides = array<i32>} : memref<8192xi32, #tpu.memory_space<vmem>>, vector<16xi32>,
      %broadcast_in_dim3A_1193 = arith.constant 700000 : i32
      %broadcast_in_dim3A_1194 = vector.broadcast %broadcast_in_dim3A_1193 : i32 to vector<16xi32>
      %add3A_1195 = arith.addi %convert_element_type3A_1143, %broadcast_in_dim3A_1194 : vector<16xi32>
      %add3A_1196 = arith.constant 7680 : i32
      %add3A_1197 = arith.addi %add3A_1196, %add3A_1081 : i32
      %swap3A_1198 = arith.index_cast %add3A_1197 : i32 to index
      %swap3A_1199 = tpu.vector_load %arg9[%swap3A_1198] {strides = array<i32>} : memref<8192xi32, #tpu.memory_space<vmem>>, vector<16xi32>,
      tpu.vector_store %arg9[%swap3A_1198], %add3A_1195 {strides = array<i32>} : memref<8192xi32, #tpu.memory_space<vmem>>, vector<16xi32>,
    }
    %scan3A_145 = arith.constant 8 : i32
    %dma_start3A_146 = arith.constant 0 : i32
    %dma_start3A_147 = arith.constant 128 : i32
    %dma_start3A_148 = tpu.memref_slice %arg10[%dma_start3A_146, %dma_start3A_147] : memref<50x512xf32, #tpu.memory_space<vmem>> -> memref<1x128xf32, #tpu.memory_space<vmem>>
    %dma_start3A_149 = tpu.memref_squeeze %dma_start3A_148 : memref<1x128xf32, #tpu.memory_space<vmem>> -> memref<128xf32, #tpu.memory_space<vmem>>
    %dma_start3A_150 = arith.constant 128 : i32
    %dma_start3A_151 = tpu.memref_slice %arg9[%dma_start3A_150] : memref<8192xi32, #tpu.memory_space<vmem>> -> memref<128xi32, #tpu.memory_space<vmem>>
    %dma_start3A_152 = arith.constant 0 : i32
    %dma_start3A_153 = tpu.memref_slice %arg4[%dma_start3A_152] : memref<800000xf32, #tpu.memory_space<hbm>> -> memref<800000xf32, #tpu.memory_space<hbm>>
    tpu.enqueue_indirect_dma source(%dma_start3A_153 : memref<800000xf32, #tpu.memory_space<hbm>>) target(%dma_start3A_149 : memref<128xf32, #tpu.memory_space<vmem>>) offsets(%dma_start3A_151 : memref<128xi32, #tpu.memory_space<vmem>>) semaphore(%arg11 : memref<!tpu.dma_semaphore, #tpu.memory_space<semaphore_mem>>)
    %dma_start3A_154 = arith.constant 1 : i32
    %dma_start3A_155 = arith.constant 128 : i32
    %dma_start3A_156 = tpu.memref_slice %arg10[%dma_start3A_154, %dma_start3A_155] : memref<50x512xf32, #tpu.memory_space<vmem>> -> memref<1x128xf32, #tpu.memory_space<vmem>>
    %dma_start3A_157 = tpu.memref_squeeze %dma_start3A_156 : memref<1x128xf32, #tpu.memory_space<vmem>> -> memref<128xf32, #tpu.memory_space<vmem>>
    %dma_start3A_158 = arith.constant 640 : i32
    %dma_start3A_159 = tpu.memref_slice %arg9[%dma_start3A_158] : memref<8192xi32, #tpu.memory_space<vmem>> -> memref<128xi32, #tpu.memory_space<vmem>>
    %dma_start3A_160 = arith.constant 0 : i32
    %dma_start3A_161 = tpu.memref_slice %arg4[%dma_start3A_160] : memref<800000xf32, #tpu.memory_space<hbm>> -> memref<800000xf32, #tpu.memory_space<hbm>>
    tpu.enqueue_indirect_dma source(%dma_start3A_161 : memref<800000xf32, #tpu.memory_space<hbm>>) target(%dma_start3A_157 : memref<128xf32, #tpu.memory_space<vmem>>) offsets(%dma_start3A_159 : memref<128xi32, #tpu.memory_space<vmem>>) semaphore(%arg11 : memref<!tpu.dma_semaphore, #tpu.memory_space<semaphore_mem>>)
    %dma_start3A_162 = arith.constant 2 : i32
    %dma_start3A_163 = arith.constant 128 : i32
    %dma_start3A_164 = tpu.memref_slice %arg10[%dma_start3A_162, %dma_start3A_163] : memref<50x512xf32, #tpu.memory_space<vmem>> -> memref<1x128xf32, #tpu.memory_space<vmem>>
    %dma_start3A_165 = tpu.memref_squeeze %dma_start3A_164 : memref<1x128xf32, #tpu.memory_space<vmem>> -> memref<128xf32, #tpu.memory_space<vmem>>
    %dma_start3A_166 = arith.constant 1152 : i32
    %dma_start3A_167 = tpu.memref_slice %arg9[%dma_start3A_166] : memref<8192xi32, #tpu.memory_space<vmem>> -> memref<128xi32, #tpu.memory_space<vmem>>
    %dma_start3A_168 = arith.constant 0 : i32
    %dma_start3A_169 = tpu.memref_slice %arg4[%dma_start3A_168] : memref<800000xf32, #tpu.memory_space<hbm>> -> memref<800000xf32, #tpu.memory_space<hbm>>
    tpu.enqueue_indirect_dma source(%dma_start3A_169 : memref<800000xf32, #tpu.memory_space<hbm>>) target(%dma_start3A_165 : memref<128xf32, #tpu.memory_space<vmem>>) offsets(%dma_start3A_167 : memref<128xi32, #tpu.memory_space<vmem>>) semaphore(%arg11 : memref<!tpu.dma_semaphore, #tpu.memory_space<semaphore_mem>>)
    %dma_start3A_170 = arith.constant 3 : i32
    %dma_start3A_171 = arith.constant 128 : i32
    %dma_start3A_172 = tpu.memref_slice %arg10[%dma_start3A_170, %dma_start3A_171] : memref<50x512xf32, #tpu.memory_space<vmem>> -> memref<1x128xf32, #tpu.memory_space<vmem>>
    %dma_start3A_173 = tpu.memref_squeeze %dma_start3A_172 : memref<1x128xf32, #tpu.memory_space<vmem>> -> memref<128xf32, #tpu.memory_space<vmem>>
    %dma_start3A_174 = arith.constant 1664 : i32
    %dma_start3A_175 = tpu.memref_slice %arg9[%dma_start3A_174] : memref<8192xi32, #tpu.memory_space<vmem>> -> memref<128xi32, #tpu.memory_space<vmem>>
    %dma_start3A_176 = arith.constant 0 : i32
    %dma_start3A_177 = tpu.memref_slice %arg4[%dma_start3A_176] : memref<800000xf32, #tpu.memory_space<hbm>> -> memref<800000xf32, #tpu.memory_space<hbm>>
    tpu.enqueue_indirect_dma source(%dma_start3A_177 : memref<800000xf32, #tpu.memory_space<hbm>>) target(%dma_start3A_173 : memref<128xf32, #tpu.memory_space<vmem>>) offsets(%dma_start3A_175 : memref<128xi32, #tpu.memory_space<vmem>>) semaphore(%arg11 : memref<!tpu.dma_semaphore, #tpu.memory_space<semaphore_mem>>)
    %dma_start3A_178 = arith.constant 4 : i32
    %dma_start3A_179 = arith.constant 128 : i32
    %dma_start3A_180 = tpu.memref_slice %arg10[%dma_start3A_178, %dma_start3A_179] : memref<50x512xf32, #tpu.memory_space<vmem>> -> memref<1x128xf32, #tpu.memory_space<vmem>>
    %dma_start3A_181 = tpu.memref_squeeze %dma_start3A_180 : memref<1x128xf32, #tpu.memory_space<vmem>> -> memref<128xf32, #tpu.memory_space<vmem>>
    %dma_start3A_182 = arith.constant 2176 : i32
    %dma_start3A_183 = tpu.memref_slice %arg9[%dma_start3A_182] : memref<8192xi32, #tpu.memory_space<vmem>> -> memref<128xi32, #tpu.memory_space<vmem>>
    %dma_start3A_184 = arith.constant 0 : i32
    %dma_start3A_185 = tpu.memref_slice %arg4[%dma_start3A_184] : memref<800000xf32, #tpu.memory_space<hbm>> -> memref<800000xf32, #tpu.memory_space<hbm>>
    tpu.enqueue_indirect_dma source(%dma_start3A_185 : memref<800000xf32, #tpu.memory_space<hbm>>) target(%dma_start3A_181 : memref<128xf32, #tpu.memory_space<vmem>>) offsets(%dma_start3A_183 : memref<128xi32, #tpu.memory_space<vmem>>) semaphore(%arg11 : memref<!tpu.dma_semaphore, #tpu.memory_space<semaphore_mem>>)
    %dma_start3A_186 = arith.constant 5 : i32
    %dma_start3A_187 = arith.constant 128 : i32
    %dma_start3A_188 = tpu.memref_slice %arg10[%dma_start3A_186, %dma_start3A_187] : memref<50x512xf32, #tpu.memory_space<vmem>> -> memref<1x128xf32, #tpu.memory_space<vmem>>
    %dma_start3A_189 = tpu.memref_squeeze %dma_start3A_188 : memref<1x128xf32, #tpu.memory_space<vmem>> -> memref<128xf32, #tpu.memory_space<vmem>>
    %dma_start3A_190 = arith.constant 2688 : i32
    %dma_start3A_191 = tpu.memref_slice %arg9[%dma_start3A_190] : memref<8192xi32, #tpu.memory_space<vmem>> -> memref<128xi32, #tpu.memory_space<vmem>>
    %dma_start3A_192 = arith.constant 0 : i32
    %dma_start3A_193 = tpu.memref_slice %arg4[%dma_start3A_192] : memref<800000xf32, #tpu.memory_space<hbm>> -> memref<800000xf32, #tpu.memory_space<hbm>>
    tpu.enqueue_indirect_dma source(%dma_start3A_193 : memref<800000xf32, #tpu.memory_space<hbm>>) target(%dma_start3A_189 : memref<128xf32, #tpu.memory_space<vmem>>) offsets(%dma_start3A_191 : memref<128xi32, #tpu.memory_space<vmem>>) semaphore(%arg11 : memref<!tpu.dma_semaphore, #tpu.memory_space<semaphore_mem>>)
    %dma_start3A_194 = arith.constant 6 : i32
    %dma_start3A_195 = arith.constant 128 : i32
    %dma_start3A_196 = tpu.memref_slice %arg10[%dma_start3A_194, %dma_start3A_195] : memref<50x512xf32, #tpu.memory_space<vmem>> -> memref<1x128xf32, #tpu.memory_space<vmem>>
    %dma_start3A_197 = tpu.memref_squeeze %dma_start3A_196 : memref<1x128xf32, #tpu.memory_space<vmem>> -> memref<128xf32, #tpu.memory_space<vmem>>
    %dma_start3A_198 = arith.constant 3200 : i32
    %dma_start3A_199 = tpu.memref_slice %arg9[%dma_start3A_198] : memref<8192xi32, #tpu.memory_space<vmem>> -> memref<128xi32, #tpu.memory_space<vmem>>
    %dma_start3A_200 = arith.constant 0 : i32
    %dma_start3A_201 = tpu.memref_slice %arg4[%dma_start3A_200] : memref<800000xf32, #tpu.memory_space<hbm>> -> memref<800000xf32, #tpu.memory_space<hbm>>
    tpu.enqueue_indirect_dma source(%dma_start3A_201 : memref<800000xf32, #tpu.memory_space<hbm>>) target(%dma_start3A_197 : memref<128xf32, #tpu.memory_space<vmem>>) offsets(%dma_start3A_199 : memref<128xi32, #tpu.memory_space<vmem>>) semaphore(%arg11 : memref<!tpu.dma_semaphore, #tpu.memory_space<semaphore_mem>>)
    %dma_start3A_202 = arith.constant 7 : i32
    %dma_start3A_203 = arith.constant 128 : i32
    %dma_start3A_204 = tpu.memref_slice %arg10[%dma_start3A_202, %dma_start3A_203] : memref<50x512xf32, #tpu.memory_space<vmem>> -> memref<1x128xf32, #tpu.memory_space<vmem>>
    %dma_start3A_205 = tpu.memref_squeeze %dma_start3A_204 : memref<1x128xf32, #tpu.memory_space<vmem>> -> memref<128xf32, #tpu.memory_space<vmem>>
    %dma_start3A_206 = arith.constant 3712 : i32
    %dma_start3A_207 = tpu.memref_slice %arg9[%dma_start3A_206] : memref<8192xi32, #tpu.memory_space<vmem>> -> memref<128xi32, #tpu.memory_space<vmem>>
    %dma_start3A_208 = arith.constant 0 : i32
    %dma_start3A_209 = tpu.memref_slice %arg4[%dma_start3A_208] : memref<800000xf32, #tpu.memory_space<hbm>> -> memref<800000xf32, #tpu.memory_space<hbm>>
    tpu.enqueue_indirect_dma source(%dma_start3A_209 : memref<800000xf32, #tpu.memory_space<hbm>>) target(%dma_start3A_205 : memref<128xf32, #tpu.memory_space<vmem>>) offsets(%dma_start3A_207 : memref<128xi32, #tpu.memory_space<vmem>>) semaphore(%arg11 : memref<!tpu.dma_semaphore, #tpu.memory_space<semaphore_mem>>)
    %dma_start3A_210 = arith.constant 8 : i32
    %dma_start3A_211 = arith.constant 128 : i32
    %dma_start3A_212 = tpu.memref_slice %arg10[%dma_start3A_210, %dma_start3A_211] : memref<50x512xf32, #tpu.memory_space<vmem>> -> memref<1x128xf32, #tpu.memory_space<vmem>>
    %dma_start3A_213 = tpu.memref_squeeze %dma_start3A_212 : memref<1x128xf32, #tpu.memory_space<vmem>> -> memref<128xf32, #tpu.memory_space<vmem>>
    %dma_start3A_214 = arith.constant 4224 : i32
    %dma_start3A_215 = tpu.memref_slice %arg9[%dma_start3A_214] : memref<8192xi32, #tpu.memory_space<vmem>> -> memref<128xi32, #tpu.memory_space<vmem>>
    %dma_start3A_216 = arith.constant 0 : i32
    %dma_start3A_217 = tpu.memref_slice %arg5[%dma_start3A_216] : memref<800000xf32, #tpu.memory_space<hbm>> -> memref<800000xf32, #tpu.memory_space<hbm>>
    tpu.enqueue_indirect_dma source(%dma_start3A_217 : memref<800000xf32, #tpu.memory_space<hbm>>) target(%dma_start3A_213 : memref<128xf32, #tpu.memory_space<vmem>>) offsets(%dma_start3A_215 : memref<128xi32, #tpu.memory_space<vmem>>) semaphore(%arg11 : memref<!tpu.dma_semaphore, #tpu.memory_space<semaphore_mem>>)
    %dma_start3A_218 = arith.constant 9 : i32
    %dma_start3A_219 = arith.constant 128 : i32
    %dma_start3A_220 = tpu.memref_slice %arg10[%dma_start3A_218, %dma_start3A_219] : memref<50x512xf32, #tpu.memory_space<vmem>> -> memref<1x128xf32, #tpu.memory_space<vmem>>
    %dma_start3A_221 = tpu.memref_squeeze %dma_start3A_220 : memref<1x128xf32, #tpu.memory_space<vmem>> -> memref<128xf32, #tpu.memory_space<vmem>>
    %dma_start3A_222 = arith.constant 4736 : i32
    %dma_start3A_223 = tpu.memref_slice %arg9[%dma_start3A_222] : memref<8192xi32, #tpu.memory_space<vmem>> -> memref<128xi32, #tpu.memory_space<vmem>>
    %dma_start3A_224 = arith.constant 0 : i32
    %dma_start3A_225 = tpu.memref_slice %arg5[%dma_start3A_224] : memref<800000xf32, #tpu.memory_space<hbm>> -> memref<800000xf32, #tpu.memory_space<hbm>>
    tpu.enqueue_indirect_dma source(%dma_start3A_225 : memref<800000xf32, #tpu.memory_space<hbm>>) target(%dma_start3A_221 : memref<128xf32, #tpu.memory_space<vmem>>) offsets(%dma_start3A_223 : memref<128xi32, #tpu.memory_space<vmem>>) semaphore(%arg11 : memref<!tpu.dma_semaphore, #tpu.memory_space<semaphore_mem>>)
    %dma_start3A_226 = arith.constant 10 : i32
    %dma_start3A_227 = arith.constant 128 : i32
    %dma_start3A_228 = tpu.memref_slice %arg10[%dma_start3A_226, %dma_start3A_227] : memref<50x512xf32, #tpu.memory_space<vmem>> -> memref<1x128xf32, #tpu.memory_space<vmem>>
    %dma_start3A_229 = tpu.memref_squeeze %dma_start3A_228 : memref<1x128xf32, #tpu.memory_space<vmem>> -> memref<128xf32, #tpu.memory_space<vmem>>
    %dma_start3A_230 = arith.constant 5248 : i32
    %dma_start3A_231 = tpu.memref_slice %arg9[%dma_start3A_230] : memref<8192xi32, #tpu.memory_space<vmem>> -> memref<128xi32, #tpu.memory_space<vmem>>
    %dma_start3A_232 = arith.constant 0 : i32
    %dma_start3A_233 = tpu.memref_slice %arg5[%dma_start3A_232] : memref<800000xf32, #tpu.memory_space<hbm>> -> memref<800000xf32, #tpu.memory_space<hbm>>
    tpu.enqueue_indirect_dma source(%dma_start3A_233 : memref<800000xf32, #tpu.memory_space<hbm>>) target(%dma_start3A_229 : memref<128xf32, #tpu.memory_space<vmem>>) offsets(%dma_start3A_231 : memref<128xi32, #tpu.memory_space<vmem>>) semaphore(%arg11 : memref<!tpu.dma_semaphore, #tpu.memory_space<semaphore_mem>>)
    %dma_start3A_234 = arith.constant 11 : i32
    %dma_start3A_235 = arith.constant 128 : i32
    %dma_start3A_236 = tpu.memref_slice %arg10[%dma_start3A_234, %dma_start3A_235] : memref<50x512xf32, #tpu.memory_space<vmem>> -> memref<1x128xf32, #tpu.memory_space<vmem>>
    %dma_start3A_237 = tpu.memref_squeeze %dma_start3A_236 : memref<1x128xf32, #tpu.memory_space<vmem>> -> memref<128xf32, #tpu.memory_space<vmem>>
    %dma_start3A_238 = arith.constant 5760 : i32
    %dma_start3A_239 = tpu.memref_slice %arg9[%dma_start3A_238] : memref<8192xi32, #tpu.memory_space<vmem>> -> memref<128xi32, #tpu.memory_space<vmem>>
    %dma_start3A_240 = arith.constant 0 : i32
    %dma_start3A_241 = tpu.memref_slice %arg5[%dma_start3A_240] : memref<800000xf32, #tpu.memory_space<hbm>> -> memref<800000xf32, #tpu.memory_space<hbm>>
    tpu.enqueue_indirect_dma source(%dma_start3A_241 : memref<800000xf32, #tpu.memory_space<hbm>>) target(%dma_start3A_237 : memref<128xf32, #tpu.memory_space<vmem>>) offsets(%dma_start3A_239 : memref<128xi32, #tpu.memory_space<vmem>>) semaphore(%arg11 : memref<!tpu.dma_semaphore, #tpu.memory_space<semaphore_mem>>)
    %dma_start3A_242 = arith.constant 12 : i32
    %dma_start3A_243 = arith.constant 128 : i32
    %dma_start3A_244 = tpu.memref_slice %arg10[%dma_start3A_242, %dma_start3A_243] : memref<50x512xf32, #tpu.memory_space<vmem>> -> memref<1x128xf32, #tpu.memory_space<vmem>>
    %dma_start3A_245 = tpu.memref_squeeze %dma_start3A_244 : memref<1x128xf32, #tpu.memory_space<vmem>> -> memref<128xf32, #tpu.memory_space<vmem>>
    %dma_start3A_246 = arith.constant 6272 : i32
    %dma_start3A_247 = tpu.memref_slice %arg9[%dma_start3A_246] : memref<8192xi32, #tpu.memory_space<vmem>> -> memref<128xi32, #tpu.memory_space<vmem>>
    %dma_start3A_248 = arith.constant 0 : i32
    %dma_start3A_249 = tpu.memref_slice %arg5[%dma_start3A_248] : memref<800000xf32, #tpu.memory_space<hbm>> -> memref<800000xf32, #tpu.memory_space<hbm>>
    tpu.enqueue_indirect_dma source(%dma_start3A_249 : memref<800000xf32, #tpu.memory_space<hbm>>) target(%dma_start3A_245 : memref<128xf32, #tpu.memory_space<vmem>>) offsets(%dma_start3A_247 : memref<128xi32, #tpu.memory_space<vmem>>) semaphore(%arg11 : memref<!tpu.dma_semaphore, #tpu.memory_space<semaphore_mem>>)
    %dma_start3A_250 = arith.constant 13 : i32
    %dma_start3A_251 = arith.constant 128 : i32
    %dma_start3A_252 = tpu.memref_slice %arg10[%dma_start3A_250, %dma_start3A_251] : memref<50x512xf32, #tpu.memory_space<vmem>> -> memref<1x128xf32, #tpu.memory_space<vmem>>
    %dma_start3A_253 = tpu.memref_squeeze %dma_start3A_252 : memref<1x128xf32, #tpu.memory_space<vmem>> -> memref<128xf32, #tpu.memory_space<vmem>>
    %dma_start3A_254 = arith.constant 6784 : i32
    %dma_start3A_255 = tpu.memref_slice %arg9[%dma_start3A_254] : memref<8192xi32, #tpu.memory_space<vmem>> -> memref<128xi32, #tpu.memory_space<vmem>>
    %dma_start3A_256 = arith.constant 0 : i32
    %dma_start3A_257 = tpu.memref_slice %arg5[%dma_start3A_256] : memref<800000xf32, #tpu.memory_space<hbm>> -> memref<800000xf32, #tpu.memory_space<hbm>>
    tpu.enqueue_indirect_dma source(%dma_start3A_257 : memref<800000xf32, #tpu.memory_space<hbm>>) target(%dma_start3A_253 : memref<128xf32, #tpu.memory_space<vmem>>) offsets(%dma_start3A_255 : memref<128xi32, #tpu.memory_space<vmem>>) semaphore(%arg11 : memref<!tpu.dma_semaphore, #tpu.memory_space<semaphore_mem>>)
    %dma_start3A_258 = arith.constant 14 : i32
    %dma_start3A_259 = arith.constant 128 : i32
    %dma_start3A_260 = tpu.memref_slice %arg10[%dma_start3A_258, %dma_start3A_259] : memref<50x512xf32, #tpu.memory_space<vmem>> -> memref<1x128xf32, #tpu.memory_space<vmem>>
    %dma_start3A_261 = tpu.memref_squeeze %dma_start3A_260 : memref<1x128xf32, #tpu.memory_space<vmem>> -> memref<128xf32, #tpu.memory_space<vmem>>
    %dma_start3A_262 = arith.constant 7296 : i32
    %dma_start3A_263 = tpu.memref_slice %arg9[%dma_start3A_262] : memref<8192xi32, #tpu.memory_space<vmem>> -> memref<128xi32, #tpu.memory_space<vmem>>
    %dma_start3A_264 = arith.constant 0 : i32
    %dma_start3A_265 = tpu.memref_slice %arg5[%dma_start3A_264] : memref<800000xf32, #tpu.memory_space<hbm>> -> memref<800000xf32, #tpu.memory_space<hbm>>
    tpu.enqueue_indirect_dma source(%dma_start3A_265 : memref<800000xf32, #tpu.memory_space<hbm>>) target(%dma_start3A_261 : memref<128xf32, #tpu.memory_space<vmem>>) offsets(%dma_start3A_263 : memref<128xi32, #tpu.memory_space<vmem>>) semaphore(%arg11 : memref<!tpu.dma_semaphore, #tpu.memory_space<semaphore_mem>>)
    %dma_start3A_266 = arith.constant 15 : i32
    %dma_start3A_267 = arith.constant 128 : i32
    %dma_start3A_268 = tpu.memref_slice %arg10[%dma_start3A_266, %dma_start3A_267] : memref<50x512xf32, #tpu.memory_space<vmem>> -> memref<1x128xf32, #tpu.memory_space<vmem>>
    %dma_start3A_269 = tpu.memref_squeeze %dma_start3A_268 : memref<1x128xf32, #tpu.memory_space<vmem>> -> memref<128xf32, #tpu.memory_space<vmem>>
    %dma_start3A_270 = arith.constant 7808 : i32
    %dma_start3A_271 = tpu.memref_slice %arg9[%dma_start3A_270] : memref<8192xi32, #tpu.memory_space<vmem>> -> memref<128xi32, #tpu.memory_space<vmem>>
    %dma_start3A_272 = arith.constant 0 : i32
    %dma_start3A_273 = tpu.memref_slice %arg5[%dma_start3A_272] : memref<800000xf32, #tpu.memory_space<hbm>> -> memref<800000xf32, #tpu.memory_space<hbm>>
    tpu.enqueue_indirect_dma source(%dma_start3A_273 : memref<800000xf32, #tpu.memory_space<hbm>>) target(%dma_start3A_269 : memref<128xf32, #tpu.memory_space<vmem>>) offsets(%dma_start3A_271 : memref<128xi32, #tpu.memory_space<vmem>>) semaphore(%arg11 : memref<!tpu.dma_semaphore, #tpu.memory_space<semaphore_mem>>)
    %scan3A_274 = arith.constant 0 : i32
    %scan3A_275 = arith.constant 8 : i32
    %scan3A_276 = arith.addi %scan3A_274, %scan3A_275 : i32
    %scan3A_277 = arith.constant 1 : i32
    scf.for %scan3A_1077 = %scan3A_274 to %scan3A_276 step %scan3A_277  : i32 {
      %mul3A_1078 = arith.constant 16 : i32
      %mul3A_1079 = arith.muli %scan3A_1077, %mul3A_1078 : i32
      %add3A_1080 = arith.constant 256 : i32
      %add3A_1081 = arith.addi %add3A_1080, %mul3A_1079 : i32
      %get3A = arith.constant 0 : i32
      %get3A_1082 = arith.index_cast %get3A : i32 to index
      %get3A_1083 = arith.index_cast %add3A_1081 : i32 to index
      %get3A_1084 = tpu.vector_load %arg7[%get3A_1082, %get3A_1083] {strides = array<i32>} : memref<10x512xf32, #tpu.memory_space<vmem>>, vector<16xf32>,
      %convert_element_type3A = arith.fptosi %get3A_1084 : vector<16xf32> to vector<16xi32>
      %broadcast_in_dim3A = arith.constant 0 : i32
      %broadcast_in_dim3A_1085 = vector.broadcast %broadcast_in_dim3A : i32 to vector<16xi32>
      %add3A_1086 = arith.addi %convert_element_type3A, %broadcast_in_dim3A_1085 : vector<16xi32>
      %add3A_1087 = arith.constant 0 : i32
      %add3A_1088 = arith.addi %add3A_1087, %add3A_1081 : i32
      %swap3A = arith.index_cast %add3A_1088 : i32 to index
      %swap3A_1089 = tpu.vector_load %arg9[%swap3A] {strides = array<i32>} : memref<8192xi32, #tpu.memory_space<vmem>>, vector<16xi32>,
      tpu.vector_store %arg9[%swap3A], %add3A_1086 {strides = array<i32>} : memref<8192xi32, #tpu.memory_space<vmem>>, vector<16xi32>,
      %broadcast_in_dim3A_1090 = arith.constant 100000 : i32
      %broadcast_in_dim3A_1091 = vector.broadcast %broadcast_in_dim3A_1090 : i32 to vector<16xi32>
      %add3A_1092 = arith.addi %convert_element_type3A, %broadcast_in_dim3A_1091 : vector<16xi32>
      %add3A_1093 = arith.constant 512 : i32
      %add3A_1094 = arith.addi %add3A_1093, %add3A_1081 : i32
      %swap3A_1095 = arith.index_cast %add3A_1094 : i32 to index
      %swap3A_1096 = tpu.vector_load %arg9[%swap3A_1095] {strides = array<i32>} : memref<8192xi32, #tpu.memory_space<vmem>>, vector<16xi32>,
      tpu.vector_store %arg9[%swap3A_1095], %add3A_1092 {strides = array<i32>} : memref<8192xi32, #tpu.memory_space<vmem>>, vector<16xi32>,
      %broadcast_in_dim3A_1097 = arith.constant 200000 : i32
      %broadcast_in_dim3A_1098 = vector.broadcast %broadcast_in_dim3A_1097 : i32 to vector<16xi32>
      %add3A_1099 = arith.addi %convert_element_type3A, %broadcast_in_dim3A_1098 : vector<16xi32>
      %add3A_1100 = arith.constant 1024 : i32
      %add3A_1101 = arith.addi %add3A_1100, %add3A_1081 : i32
      %swap3A_1102 = arith.index_cast %add3A_1101 : i32 to index
      %swap3A_1103 = tpu.vector_load %arg9[%swap3A_1102] {strides = array<i32>} : memref<8192xi32, #tpu.memory_space<vmem>>, vector<16xi32>,
      tpu.vector_store %arg9[%swap3A_1102], %add3A_1099 {strides = array<i32>} : memref<8192xi32, #tpu.memory_space<vmem>>, vector<16xi32>,
      %broadcast_in_dim3A_1104 = arith.constant 300000 : i32
      %broadcast_in_dim3A_1105 = vector.broadcast %broadcast_in_dim3A_1104 : i32 to vector<16xi32>
      %add3A_1106 = arith.addi %convert_element_type3A, %broadcast_in_dim3A_1105 : vector<16xi32>
      %add3A_1107 = arith.constant 1536 : i32
      %add3A_1108 = arith.addi %add3A_1107, %add3A_1081 : i32
      %swap3A_1109 = arith.index_cast %add3A_1108 : i32 to index
      %swap3A_1110 = tpu.vector_load %arg9[%swap3A_1109] {strides = array<i32>} : memref<8192xi32, #tpu.memory_space<vmem>>, vector<16xi32>,
      tpu.vector_store %arg9[%swap3A_1109], %add3A_1106 {strides = array<i32>} : memref<8192xi32, #tpu.memory_space<vmem>>, vector<16xi32>,
      %broadcast_in_dim3A_1111 = arith.constant 400000 : i32
      %broadcast_in_dim3A_1112 = vector.broadcast %broadcast_in_dim3A_1111 : i32 to vector<16xi32>
      %add3A_1113 = arith.addi %convert_element_type3A, %broadcast_in_dim3A_1112 : vector<16xi32>
      %add3A_1114 = arith.constant 2048 : i32
      %add3A_1115 = arith.addi %add3A_1114, %add3A_1081 : i32
      %swap3A_1116 = arith.index_cast %add3A_1115 : i32 to index
      %swap3A_1117 = tpu.vector_load %arg9[%swap3A_1116] {strides = array<i32>} : memref<8192xi32, #tpu.memory_space<vmem>>, vector<16xi32>,
      tpu.vector_store %arg9[%swap3A_1116], %add3A_1113 {strides = array<i32>} : memref<8192xi32, #tpu.memory_space<vmem>>, vector<16xi32>,
      %broadcast_in_dim3A_1118 = arith.constant 500000 : i32
      %broadcast_in_dim3A_1119 = vector.broadcast %broadcast_in_dim3A_1118 : i32 to vector<16xi32>
      %add3A_1120 = arith.addi %convert_element_type3A, %broadcast_in_dim3A_1119 : vector<16xi32>
      %add3A_1121 = arith.constant 2560 : i32
      %add3A_1122 = arith.addi %add3A_1121, %add3A_1081 : i32
      %swap3A_1123 = arith.index_cast %add3A_1122 : i32 to index
      %swap3A_1124 = tpu.vector_load %arg9[%swap3A_1123] {strides = array<i32>} : memref<8192xi32, #tpu.memory_space<vmem>>, vector<16xi32>,
      tpu.vector_store %arg9[%swap3A_1123], %add3A_1120 {strides = array<i32>} : memref<8192xi32, #tpu.memory_space<vmem>>, vector<16xi32>,
      %broadcast_in_dim3A_1125 = arith.constant 600000 : i32
      %broadcast_in_dim3A_1126 = vector.broadcast %broadcast_in_dim3A_1125 : i32 to vector<16xi32>
      %add3A_1127 = arith.addi %convert_element_type3A, %broadcast_in_dim3A_1126 : vector<16xi32>
      %add3A_1128 = arith.constant 3072 : i32
      %add3A_1129 = arith.addi %add3A_1128, %add3A_1081 : i32
      %swap3A_1130 = arith.index_cast %add3A_1129 : i32 to index
      %swap3A_1131 = tpu.vector_load %arg9[%swap3A_1130] {strides = array<i32>} : memref<8192xi32, #tpu.memory_space<vmem>>, vector<16xi32>,
      tpu.vector_store %arg9[%swap3A_1130], %add3A_1127 {strides = array<i32>} : memref<8192xi32, #tpu.memory_space<vmem>>, vector<16xi32>,
      %broadcast_in_dim3A_1132 = arith.constant 700000 : i32
      %broadcast_in_dim3A_1133 = vector.broadcast %broadcast_in_dim3A_1132 : i32 to vector<16xi32>
      %add3A_1134 = arith.addi %convert_element_type3A, %broadcast_in_dim3A_1133 : vector<16xi32>
      %add3A_1135 = arith.constant 3584 : i32
      %add3A_1136 = arith.addi %add3A_1135, %add3A_1081 : i32
      %swap3A_1137 = arith.index_cast %add3A_1136 : i32 to index
      %swap3A_1138 = tpu.vector_load %arg9[%swap3A_1137] {strides = array<i32>} : memref<8192xi32, #tpu.memory_space<vmem>>, vector<16xi32>,
      tpu.vector_store %arg9[%swap3A_1137], %add3A_1134 {strides = array<i32>} : memref<8192xi32, #tpu.memory_space<vmem>>, vector<16xi32>,
      %get3A_1139 = arith.constant 1 : i32
      %get3A_1140 = arith.index_cast %get3A_1139 : i32 to index
      %get3A_1141 = arith.index_cast %add3A_1081 : i32 to index
      %get3A_1142 = tpu.vector_load %arg7[%get3A_1140, %get3A_1141] {strides = array<i32>} : memref<10x512xf32, #tpu.memory_space<vmem>>, vector<16xf32>,
      %convert_element_type3A_1143 = arith.fptosi %get3A_1142 : vector<16xf32> to vector<16xi32>
      %broadcast_in_dim3A_1144 = arith.constant 0 : i32
      %broadcast_in_dim3A_1145 = vector.broadcast %broadcast_in_dim3A_1144 : i32 to vector<16xi32>
      %add3A_1146 = arith.addi %convert_element_type3A_1143, %broadcast_in_dim3A_1145 : vector<16xi32>
      %add3A_1147 = arith.constant 4096 : i32
      %add3A_1148 = arith.addi %add3A_1147, %add3A_1081 : i32
      %swap3A_1149 = arith.index_cast %add3A_1148 : i32 to index
      %swap3A_1150 = tpu.vector_load %arg9[%swap3A_1149] {strides = array<i32>} : memref<8192xi32, #tpu.memory_space<vmem>>, vector<16xi32>,
      tpu.vector_store %arg9[%swap3A_1149], %add3A_1146 {strides = array<i32>} : memref<8192xi32, #tpu.memory_space<vmem>>, vector<16xi32>,
      %broadcast_in_dim3A_1151 = arith.constant 100000 : i32
      %broadcast_in_dim3A_1152 = vector.broadcast %broadcast_in_dim3A_1151 : i32 to vector<16xi32>
      %add3A_1153 = arith.addi %convert_element_type3A_1143, %broadcast_in_dim3A_1152 : vector<16xi32>
      %add3A_1154 = arith.constant 4608 : i32
      %add3A_1155 = arith.addi %add3A_1154, %add3A_1081 : i32
      %swap3A_1156 = arith.index_cast %add3A_1155 : i32 to index
      %swap3A_1157 = tpu.vector_load %arg9[%swap3A_1156] {strides = array<i32>} : memref<8192xi32, #tpu.memory_space<vmem>>, vector<16xi32>,
      tpu.vector_store %arg9[%swap3A_1156], %add3A_1153 {strides = array<i32>} : memref<8192xi32, #tpu.memory_space<vmem>>, vector<16xi32>,
      %broadcast_in_dim3A_1158 = arith.constant 200000 : i32
      %broadcast_in_dim3A_1159 = vector.broadcast %broadcast_in_dim3A_1158 : i32 to vector<16xi32>
      %add3A_1160 = arith.addi %convert_element_type3A_1143, %broadcast_in_dim3A_1159 : vector<16xi32>
      %add3A_1161 = arith.constant 5120 : i32
      %add3A_1162 = arith.addi %add3A_1161, %add3A_1081 : i32
      %swap3A_1163 = arith.index_cast %add3A_1162 : i32 to index
      %swap3A_1164 = tpu.vector_load %arg9[%swap3A_1163] {strides = array<i32>} : memref<8192xi32, #tpu.memory_space<vmem>>, vector<16xi32>,
      tpu.vector_store %arg9[%swap3A_1163], %add3A_1160 {strides = array<i32>} : memref<8192xi32, #tpu.memory_space<vmem>>, vector<16xi32>,
      %broadcast_in_dim3A_1165 = arith.constant 300000 : i32
      %broadcast_in_dim3A_1166 = vector.broadcast %broadcast_in_dim3A_1165 : i32 to vector<16xi32>
      %add3A_1167 = arith.addi %convert_element_type3A_1143, %broadcast_in_dim3A_1166 : vector<16xi32>
      %add3A_1168 = arith.constant 5632 : i32
      %add3A_1169 = arith.addi %add3A_1168, %add3A_1081 : i32
      %swap3A_1170 = arith.index_cast %add3A_1169 : i32 to index
      %swap3A_1171 = tpu.vector_load %arg9[%swap3A_1170] {strides = array<i32>} : memref<8192xi32, #tpu.memory_space<vmem>>, vector<16xi32>,
      tpu.vector_store %arg9[%swap3A_1170], %add3A_1167 {strides = array<i32>} : memref<8192xi32, #tpu.memory_space<vmem>>, vector<16xi32>,
      %broadcast_in_dim3A_1172 = arith.constant 400000 : i32
      %broadcast_in_dim3A_1173 = vector.broadcast %broadcast_in_dim3A_1172 : i32 to vector<16xi32>
      %add3A_1174 = arith.addi %convert_element_type3A_1143, %broadcast_in_dim3A_1173 : vector<16xi32>
      %add3A_1175 = arith.constant 6144 : i32
      %add3A_1176 = arith.addi %add3A_1175, %add3A_1081 : i32
      %swap3A_1177 = arith.index_cast %add3A_1176 : i32 to index
      %swap3A_1178 = tpu.vector_load %arg9[%swap3A_1177] {strides = array<i32>} : memref<8192xi32, #tpu.memory_space<vmem>>, vector<16xi32>,
      tpu.vector_store %arg9[%swap3A_1177], %add3A_1174 {strides = array<i32>} : memref<8192xi32, #tpu.memory_space<vmem>>, vector<16xi32>,
      %broadcast_in_dim3A_1179 = arith.constant 500000 : i32
      %broadcast_in_dim3A_1180 = vector.broadcast %broadcast_in_dim3A_1179 : i32 to vector<16xi32>
      %add3A_1181 = arith.addi %convert_element_type3A_1143, %broadcast_in_dim3A_1180 : vector<16xi32>
      %add3A_1182 = arith.constant 6656 : i32
      %add3A_1183 = arith.addi %add3A_1182, %add3A_1081 : i32
      %swap3A_1184 = arith.index_cast %add3A_1183 : i32 to index
      %swap3A_1185 = tpu.vector_load %arg9[%swap3A_1184] {strides = array<i32>} : memref<8192xi32, #tpu.memory_space<vmem>>, vector<16xi32>,
      tpu.vector_store %arg9[%swap3A_1184], %add3A_1181 {strides = array<i32>} : memref<8192xi32, #tpu.memory_space<vmem>>, vector<16xi32>,
      %broadcast_in_dim3A_1186 = arith.constant 600000 : i32
      %broadcast_in_dim3A_1187 = vector.broadcast %broadcast_in_dim3A_1186 : i32 to vector<16xi32>
      %add3A_1188 = arith.addi %convert_element_type3A_1143, %broadcast_in_dim3A_1187 : vector<16xi32>
      %add3A_1189 = arith.constant 7168 : i32
      %add3A_1190 = arith.addi %add3A_1189, %add3A_1081 : i32
      %swap3A_1191 = arith.index_cast %add3A_1190 : i32 to index
      %swap3A_1192 = tpu.vector_load %arg9[%swap3A_1191] {strides = array<i32>} : memref<8192xi32, #tpu.memory_space<vmem>>, vector<16xi32>,
      tpu.vector_store %arg9[%swap3A_1191], %add3A_1188 {strides = array<i32>} : memref<8192xi32, #tpu.memory_space<vmem>>, vector<16xi32>,
      %broadcast_in_dim3A_1193 = arith.constant 700000 : i32
      %broadcast_in_dim3A_1194 = vector.broadcast %broadcast_in_dim3A_1193 : i32 to vector<16xi32>
      %add3A_1195 = arith.addi %convert_element_type3A_1143, %broadcast_in_dim3A_1194 : vector<16xi32>
      %add3A_1196 = arith.constant 7680 : i32
      %add3A_1197 = arith.addi %add3A_1196, %add3A_1081 : i32
      %swap3A_1198 = arith.index_cast %add3A_1197 : i32 to index
      %swap3A_1199 = tpu.vector_load %arg9[%swap3A_1198] {strides = array<i32>} : memref<8192xi32, #tpu.memory_space<vmem>>, vector<16xi32>,
      tpu.vector_store %arg9[%swap3A_1198], %add3A_1195 {strides = array<i32>} : memref<8192xi32, #tpu.memory_space<vmem>>, vector<16xi32>,
    }
    %scan3A_278 = arith.constant 8 : i32
    %dma_start3A_279 = arith.constant 0 : i32
    %dma_start3A_280 = arith.constant 256 : i32
    %dma_start3A_281 = tpu.memref_slice %arg10[%dma_start3A_279, %dma_start3A_280] : memref<50x512xf32, #tpu.memory_space<vmem>> -> memref<1x128xf32, #tpu.memory_space<vmem>>
    %dma_start3A_282 = tpu.memref_squeeze %dma_start3A_281 : memref<1x128xf32, #tpu.memory_space<vmem>> -> memref<128xf32, #tpu.memory_space<vmem>>
    %dma_start3A_283 = arith.constant 256 : i32
    %dma_start3A_284 = tpu.memref_slice %arg9[%dma_start3A_283] : memref<8192xi32, #tpu.memory_space<vmem>> -> memref<128xi32, #tpu.memory_space<vmem>>
    %dma_start3A_285 = arith.constant 0 : i32
    %dma_start3A_286 = tpu.memref_slice %arg4[%dma_start3A_285] : memref<800000xf32, #tpu.memory_space<hbm>> -> memref<800000xf32, #tpu.memory_space<hbm>>
    tpu.enqueue_indirect_dma source(%dma_start3A_286 : memref<800000xf32, #tpu.memory_space<hbm>>) target(%dma_start3A_282 : memref<128xf32, #tpu.memory_space<vmem>>) offsets(%dma_start3A_284 : memref<128xi32, #tpu.memory_space<vmem>>) semaphore(%arg11 : memref<!tpu.dma_semaphore, #tpu.memory_space<semaphore_mem>>)
    %dma_start3A_287 = arith.constant 1 : i32
    %dma_start3A_288 = arith.constant 256 : i32
    %dma_start3A_289 = tpu.memref_slice %arg10[%dma_start3A_287, %dma_start3A_288] : memref<50x512xf32, #tpu.memory_space<vmem>> -> memref<1x128xf32, #tpu.memory_space<vmem>>
    %dma_start3A_290 = tpu.memref_squeeze %dma_start3A_289 : memref<1x128xf32, #tpu.memory_space<vmem>> -> memref<128xf32, #tpu.memory_space<vmem>>
    %dma_start3A_291 = arith.constant 768 : i32
    %dma_start3A_292 = tpu.memref_slice %arg9[%dma_start3A_291] : memref<8192xi32, #tpu.memory_space<vmem>> -> memref<128xi32, #tpu.memory_space<vmem>>
    %dma_start3A_293 = arith.constant 0 : i32
    %dma_start3A_294 = tpu.memref_slice %arg4[%dma_start3A_293] : memref<800000xf32, #tpu.memory_space<hbm>> -> memref<800000xf32, #tpu.memory_space<hbm>>
    tpu.enqueue_indirect_dma source(%dma_start3A_294 : memref<800000xf32, #tpu.memory_space<hbm>>) target(%dma_start3A_290 : memref<128xf32, #tpu.memory_space<vmem>>) offsets(%dma_start3A_292 : memref<128xi32, #tpu.memory_space<vmem>>) semaphore(%arg11 : memref<!tpu.dma_semaphore, #tpu.memory_space<semaphore_mem>>)
    %dma_start3A_295 = arith.constant 2 : i32
    %dma_start3A_296 = arith.constant 256 : i32
    %dma_start3A_297 = tpu.memref_slice %arg10[%dma_start3A_295, %dma_start3A_296] : memref<50x512xf32, #tpu.memory_space<vmem>> -> memref<1x128xf32, #tpu.memory_space<vmem>>
    %dma_start3A_298 = tpu.memref_squeeze %dma_start3A_297 : memref<1x128xf32, #tpu.memory_space<vmem>> -> memref<128xf32, #tpu.memory_space<vmem>>
    %dma_start3A_299 = arith.constant 1280 : i32
    %dma_start3A_300 = tpu.memref_slice %arg9[%dma_start3A_299] : memref<8192xi32, #tpu.memory_space<vmem>> -> memref<128xi32, #tpu.memory_space<vmem>>
    %dma_start3A_301 = arith.constant 0 : i32
    %dma_start3A_302 = tpu.memref_slice %arg4[%dma_start3A_301] : memref<800000xf32, #tpu.memory_space<hbm>> -> memref<800000xf32, #tpu.memory_space<hbm>>
    tpu.enqueue_indirect_dma source(%dma_start3A_302 : memref<800000xf32, #tpu.memory_space<hbm>>) target(%dma_start3A_298 : memref<128xf32, #tpu.memory_space<vmem>>) offsets(%dma_start3A_300 : memref<128xi32, #tpu.memory_space<vmem>>) semaphore(%arg11 : memref<!tpu.dma_semaphore, #tpu.memory_space<semaphore_mem>>)
    %dma_start3A_303 = arith.constant 3 : i32
    %dma_start3A_304 = arith.constant 256 : i32
    %dma_start3A_305 = tpu.memref_slice %arg10[%dma_start3A_303, %dma_start3A_304] : memref<50x512xf32, #tpu.memory_space<vmem>> -> memref<1x128xf32, #tpu.memory_space<vmem>>
    %dma_start3A_306 = tpu.memref_squeeze %dma_start3A_305 : memref<1x128xf32, #tpu.memory_space<vmem>> -> memref<128xf32, #tpu.memory_space<vmem>>
    %dma_start3A_307 = arith.constant 1792 : i32
    %dma_start3A_308 = tpu.memref_slice %arg9[%dma_start3A_307] : memref<8192xi32, #tpu.memory_space<vmem>> -> memref<128xi32, #tpu.memory_space<vmem>>
    %dma_start3A_309 = arith.constant 0 : i32
    %dma_start3A_310 = tpu.memref_slice %arg4[%dma_start3A_309] : memref<800000xf32, #tpu.memory_space<hbm>> -> memref<800000xf32, #tpu.memory_space<hbm>>
    tpu.enqueue_indirect_dma source(%dma_start3A_310 : memref<800000xf32, #tpu.memory_space<hbm>>) target(%dma_start3A_306 : memref<128xf32, #tpu.memory_space<vmem>>) offsets(%dma_start3A_308 : memref<128xi32, #tpu.memory_space<vmem>>) semaphore(%arg11 : memref<!tpu.dma_semaphore, #tpu.memory_space<semaphore_mem>>)
    %dma_start3A_311 = arith.constant 4 : i32
    %dma_start3A_312 = arith.constant 256 : i32
    %dma_start3A_313 = tpu.memref_slice %arg10[%dma_start3A_311, %dma_start3A_312] : memref<50x512xf32, #tpu.memory_space<vmem>> -> memref<1x128xf32, #tpu.memory_space<vmem>>
    %dma_start3A_314 = tpu.memref_squeeze %dma_start3A_313 : memref<1x128xf32, #tpu.memory_space<vmem>> -> memref<128xf32, #tpu.memory_space<vmem>>
    %dma_start3A_315 = arith.constant 2304 : i32
    %dma_start3A_316 = tpu.memref_slice %arg9[%dma_start3A_315] : memref<8192xi32, #tpu.memory_space<vmem>> -> memref<128xi32, #tpu.memory_space<vmem>>
    %dma_start3A_317 = arith.constant 0 : i32
    %dma_start3A_318 = tpu.memref_slice %arg4[%dma_start3A_317] : memref<800000xf32, #tpu.memory_space<hbm>> -> memref<800000xf32, #tpu.memory_space<hbm>>
    tpu.enqueue_indirect_dma source(%dma_start3A_318 : memref<800000xf32, #tpu.memory_space<hbm>>) target(%dma_start3A_314 : memref<128xf32, #tpu.memory_space<vmem>>) offsets(%dma_start3A_316 : memref<128xi32, #tpu.memory_space<vmem>>) semaphore(%arg11 : memref<!tpu.dma_semaphore, #tpu.memory_space<semaphore_mem>>)
    %dma_start3A_319 = arith.constant 5 : i32
    %dma_start3A_320 = arith.constant 256 : i32
    %dma_start3A_321 = tpu.memref_slice %arg10[%dma_start3A_319, %dma_start3A_320] : memref<50x512xf32, #tpu.memory_space<vmem>> -> memref<1x128xf32, #tpu.memory_space<vmem>>
    %dma_start3A_322 = tpu.memref_squeeze %dma_start3A_321 : memref<1x128xf32, #tpu.memory_space<vmem>> -> memref<128xf32, #tpu.memory_space<vmem>>
    %dma_start3A_323 = arith.constant 2816 : i32
    %dma_start3A_324 = tpu.memref_slice %arg9[%dma_start3A_323] : memref<8192xi32, #tpu.memory_space<vmem>> -> memref<128xi32, #tpu.memory_space<vmem>>
    %dma_start3A_325 = arith.constant 0 : i32
    %dma_start3A_326 = tpu.memref_slice %arg4[%dma_start3A_325] : memref<800000xf32, #tpu.memory_space<hbm>> -> memref<800000xf32, #tpu.memory_space<hbm>>
    tpu.enqueue_indirect_dma source(%dma_start3A_326 : memref<800000xf32, #tpu.memory_space<hbm>>) target(%dma_start3A_322 : memref<128xf32, #tpu.memory_space<vmem>>) offsets(%dma_start3A_324 : memref<128xi32, #tpu.memory_space<vmem>>) semaphore(%arg11 : memref<!tpu.dma_semaphore, #tpu.memory_space<semaphore_mem>>)
    %dma_start3A_327 = arith.constant 6 : i32
    %dma_start3A_328 = arith.constant 256 : i32
    %dma_start3A_329 = tpu.memref_slice %arg10[%dma_start3A_327, %dma_start3A_328] : memref<50x512xf32, #tpu.memory_space<vmem>> -> memref<1x128xf32, #tpu.memory_space<vmem>>
    %dma_start3A_330 = tpu.memref_squeeze %dma_start3A_329 : memref<1x128xf32, #tpu.memory_space<vmem>> -> memref<128xf32, #tpu.memory_space<vmem>>
    %dma_start3A_331 = arith.constant 3328 : i32
    %dma_start3A_332 = tpu.memref_slice %arg9[%dma_start3A_331] : memref<8192xi32, #tpu.memory_space<vmem>> -> memref<128xi32, #tpu.memory_space<vmem>>
    %dma_start3A_333 = arith.constant 0 : i32
    %dma_start3A_334 = tpu.memref_slice %arg4[%dma_start3A_333] : memref<800000xf32, #tpu.memory_space<hbm>> -> memref<800000xf32, #tpu.memory_space<hbm>>
    tpu.enqueue_indirect_dma source(%dma_start3A_334 : memref<800000xf32, #tpu.memory_space<hbm>>) target(%dma_start3A_330 : memref<128xf32, #tpu.memory_space<vmem>>) offsets(%dma_start3A_332 : memref<128xi32, #tpu.memory_space<vmem>>) semaphore(%arg11 : memref<!tpu.dma_semaphore, #tpu.memory_space<semaphore_mem>>)
    %dma_start3A_335 = arith.constant 7 : i32
    %dma_start3A_336 = arith.constant 256 : i32
    %dma_start3A_337 = tpu.memref_slice %arg10[%dma_start3A_335, %dma_start3A_336] : memref<50x512xf32, #tpu.memory_space<vmem>> -> memref<1x128xf32, #tpu.memory_space<vmem>>
    %dma_start3A_338 = tpu.memref_squeeze %dma_start3A_337 : memref<1x128xf32, #tpu.memory_space<vmem>> -> memref<128xf32, #tpu.memory_space<vmem>>
    %dma_start3A_339 = arith.constant 3840 : i32
    %dma_start3A_340 = tpu.memref_slice %arg9[%dma_start3A_339] : memref<8192xi32, #tpu.memory_space<vmem>> -> memref<128xi32, #tpu.memory_space<vmem>>
    %dma_start3A_341 = arith.constant 0 : i32
    %dma_start3A_342 = tpu.memref_slice %arg4[%dma_start3A_341] : memref<800000xf32, #tpu.memory_space<hbm>> -> memref<800000xf32, #tpu.memory_space<hbm>>
    tpu.enqueue_indirect_dma source(%dma_start3A_342 : memref<800000xf32, #tpu.memory_space<hbm>>) target(%dma_start3A_338 : memref<128xf32, #tpu.memory_space<vmem>>) offsets(%dma_start3A_340 : memref<128xi32, #tpu.memory_space<vmem>>) semaphore(%arg11 : memref<!tpu.dma_semaphore, #tpu.memory_space<semaphore_mem>>)
    %dma_start3A_343 = arith.constant 8 : i32
    %dma_start3A_344 = arith.constant 256 : i32
    %dma_start3A_345 = tpu.memref_slice %arg10[%dma_start3A_343, %dma_start3A_344] : memref<50x512xf32, #tpu.memory_space<vmem>> -> memref<1x128xf32, #tpu.memory_space<vmem>>
    %dma_start3A_346 = tpu.memref_squeeze %dma_start3A_345 : memref<1x128xf32, #tpu.memory_space<vmem>> -> memref<128xf32, #tpu.memory_space<vmem>>
    %dma_start3A_347 = arith.constant 4352 : i32
    %dma_start3A_348 = tpu.memref_slice %arg9[%dma_start3A_347] : memref<8192xi32, #tpu.memory_space<vmem>> -> memref<128xi32, #tpu.memory_space<vmem>>
    %dma_start3A_349 = arith.constant 0 : i32
    %dma_start3A_350 = tpu.memref_slice %arg5[%dma_start3A_349] : memref<800000xf32, #tpu.memory_space<hbm>> -> memref<800000xf32, #tpu.memory_space<hbm>>
    tpu.enqueue_indirect_dma source(%dma_start3A_350 : memref<800000xf32, #tpu.memory_space<hbm>>) target(%dma_start3A_346 : memref<128xf32, #tpu.memory_space<vmem>>) offsets(%dma_start3A_348 : memref<128xi32, #tpu.memory_space<vmem>>) semaphore(%arg11 : memref<!tpu.dma_semaphore, #tpu.memory_space<semaphore_mem>>)
    %dma_start3A_351 = arith.constant 9 : i32
    %dma_start3A_352 = arith.constant 256 : i32
    %dma_start3A_353 = tpu.memref_slice %arg10[%dma_start3A_351, %dma_start3A_352] : memref<50x512xf32, #tpu.memory_space<vmem>> -> memref<1x128xf32, #tpu.memory_space<vmem>>
    %dma_start3A_354 = tpu.memref_squeeze %dma_start3A_353 : memref<1x128xf32, #tpu.memory_space<vmem>> -> memref<128xf32, #tpu.memory_space<vmem>>
    %dma_start3A_355 = arith.constant 4864 : i32
    %dma_start3A_356 = tpu.memref_slice %arg9[%dma_start3A_355] : memref<8192xi32, #tpu.memory_space<vmem>> -> memref<128xi32, #tpu.memory_space<vmem>>
    %dma_start3A_357 = arith.constant 0 : i32
    %dma_start3A_358 = tpu.memref_slice %arg5[%dma_start3A_357] : memref<800000xf32, #tpu.memory_space<hbm>> -> memref<800000xf32, #tpu.memory_space<hbm>>
    tpu.enqueue_indirect_dma source(%dma_start3A_358 : memref<800000xf32, #tpu.memory_space<hbm>>) target(%dma_start3A_354 : memref<128xf32, #tpu.memory_space<vmem>>) offsets(%dma_start3A_356 : memref<128xi32, #tpu.memory_space<vmem>>) semaphore(%arg11 : memref<!tpu.dma_semaphore, #tpu.memory_space<semaphore_mem>>)
    %dma_start3A_359 = arith.constant 10 : i32
    %dma_start3A_360 = arith.constant 256 : i32
    %dma_start3A_361 = tpu.memref_slice %arg10[%dma_start3A_359, %dma_start3A_360] : memref<50x512xf32, #tpu.memory_space<vmem>> -> memref<1x128xf32, #tpu.memory_space<vmem>>
    %dma_start3A_362 = tpu.memref_squeeze %dma_start3A_361 : memref<1x128xf32, #tpu.memory_space<vmem>> -> memref<128xf32, #tpu.memory_space<vmem>>
    %dma_start3A_363 = arith.constant 5376 : i32
    %dma_start3A_364 = tpu.memref_slice %arg9[%dma_start3A_363] : memref<8192xi32, #tpu.memory_space<vmem>> -> memref<128xi32, #tpu.memory_space<vmem>>
    %dma_start3A_365 = arith.constant 0 : i32
    %dma_start3A_366 = tpu.memref_slice %arg5[%dma_start3A_365] : memref<800000xf32, #tpu.memory_space<hbm>> -> memref<800000xf32, #tpu.memory_space<hbm>>
    tpu.enqueue_indirect_dma source(%dma_start3A_366 : memref<800000xf32, #tpu.memory_space<hbm>>) target(%dma_start3A_362 : memref<128xf32, #tpu.memory_space<vmem>>) offsets(%dma_start3A_364 : memref<128xi32, #tpu.memory_space<vmem>>) semaphore(%arg11 : memref<!tpu.dma_semaphore, #tpu.memory_space<semaphore_mem>>)
    %dma_start3A_367 = arith.constant 11 : i32
    %dma_start3A_368 = arith.constant 256 : i32
    %dma_start3A_369 = tpu.memref_slice %arg10[%dma_start3A_367, %dma_start3A_368] : memref<50x512xf32, #tpu.memory_space<vmem>> -> memref<1x128xf32, #tpu.memory_space<vmem>>
    %dma_start3A_370 = tpu.memref_squeeze %dma_start3A_369 : memref<1x128xf32, #tpu.memory_space<vmem>> -> memref<128xf32, #tpu.memory_space<vmem>>
    %dma_start3A_371 = arith.constant 5888 : i32
    %dma_start3A_372 = tpu.memref_slice %arg9[%dma_start3A_371] : memref<8192xi32, #tpu.memory_space<vmem>> -> memref<128xi32, #tpu.memory_space<vmem>>
    %dma_start3A_373 = arith.constant 0 : i32
    %dma_start3A_374 = tpu.memref_slice %arg5[%dma_start3A_373] : memref<800000xf32, #tpu.memory_space<hbm>> -> memref<800000xf32, #tpu.memory_space<hbm>>
    tpu.enqueue_indirect_dma source(%dma_start3A_374 : memref<800000xf32, #tpu.memory_space<hbm>>) target(%dma_start3A_370 : memref<128xf32, #tpu.memory_space<vmem>>) offsets(%dma_start3A_372 : memref<128xi32, #tpu.memory_space<vmem>>) semaphore(%arg11 : memref<!tpu.dma_semaphore, #tpu.memory_space<semaphore_mem>>)
    %dma_start3A_375 = arith.constant 12 : i32
    %dma_start3A_376 = arith.constant 256 : i32
    %dma_start3A_377 = tpu.memref_slice %arg10[%dma_start3A_375, %dma_start3A_376] : memref<50x512xf32, #tpu.memory_space<vmem>> -> memref<1x128xf32, #tpu.memory_space<vmem>>
    %dma_start3A_378 = tpu.memref_squeeze %dma_start3A_377 : memref<1x128xf32, #tpu.memory_space<vmem>> -> memref<128xf32, #tpu.memory_space<vmem>>
    %dma_start3A_379 = arith.constant 6400 : i32
    %dma_start3A_380 = tpu.memref_slice %arg9[%dma_start3A_379] : memref<8192xi32, #tpu.memory_space<vmem>> -> memref<128xi32, #tpu.memory_space<vmem>>
    %dma_start3A_381 = arith.constant 0 : i32
    %dma_start3A_382 = tpu.memref_slice %arg5[%dma_start3A_381] : memref<800000xf32, #tpu.memory_space<hbm>> -> memref<800000xf32, #tpu.memory_space<hbm>>
    tpu.enqueue_indirect_dma source(%dma_start3A_382 : memref<800000xf32, #tpu.memory_space<hbm>>) target(%dma_start3A_378 : memref<128xf32, #tpu.memory_space<vmem>>) offsets(%dma_start3A_380 : memref<128xi32, #tpu.memory_space<vmem>>) semaphore(%arg11 : memref<!tpu.dma_semaphore, #tpu.memory_space<semaphore_mem>>)
    %dma_start3A_383 = arith.constant 13 : i32
    %dma_start3A_384 = arith.constant 256 : i32
    %dma_start3A_385 = tpu.memref_slice %arg10[%dma_start3A_383, %dma_start3A_384] : memref<50x512xf32, #tpu.memory_space<vmem>> -> memref<1x128xf32, #tpu.memory_space<vmem>>
    %dma_start3A_386 = tpu.memref_squeeze %dma_start3A_385 : memref<1x128xf32, #tpu.memory_space<vmem>> -> memref<128xf32, #tpu.memory_space<vmem>>
    %dma_start3A_387 = arith.constant 6912 : i32
    %dma_start3A_388 = tpu.memref_slice %arg9[%dma_start3A_387] : memref<8192xi32, #tpu.memory_space<vmem>> -> memref<128xi32, #tpu.memory_space<vmem>>
    %dma_start3A_389 = arith.constant 0 : i32
    %dma_start3A_390 = tpu.memref_slice %arg5[%dma_start3A_389] : memref<800000xf32, #tpu.memory_space<hbm>> -> memref<800000xf32, #tpu.memory_space<hbm>>
    tpu.enqueue_indirect_dma source(%dma_start3A_390 : memref<800000xf32, #tpu.memory_space<hbm>>) target(%dma_start3A_386 : memref<128xf32, #tpu.memory_space<vmem>>) offsets(%dma_start3A_388 : memref<128xi32, #tpu.memory_space<vmem>>) semaphore(%arg11 : memref<!tpu.dma_semaphore, #tpu.memory_space<semaphore_mem>>)
    %dma_start3A_391 = arith.constant 14 : i32
    %dma_start3A_392 = arith.constant 256 : i32
    %dma_start3A_393 = tpu.memref_slice %arg10[%dma_start3A_391, %dma_start3A_392] : memref<50x512xf32, #tpu.memory_space<vmem>> -> memref<1x128xf32, #tpu.memory_space<vmem>>
    %dma_start3A_394 = tpu.memref_squeeze %dma_start3A_393 : memref<1x128xf32, #tpu.memory_space<vmem>> -> memref<128xf32, #tpu.memory_space<vmem>>
    %dma_start3A_395 = arith.constant 7424 : i32
    %dma_start3A_396 = tpu.memref_slice %arg9[%dma_start3A_395] : memref<8192xi32, #tpu.memory_space<vmem>> -> memref<128xi32, #tpu.memory_space<vmem>>
    %dma_start3A_397 = arith.constant 0 : i32
    %dma_start3A_398 = tpu.memref_slice %arg5[%dma_start3A_397] : memref<800000xf32, #tpu.memory_space<hbm>> -> memref<800000xf32, #tpu.memory_space<hbm>>
    tpu.enqueue_indirect_dma source(%dma_start3A_398 : memref<800000xf32, #tpu.memory_space<hbm>>) target(%dma_start3A_394 : memref<128xf32, #tpu.memory_space<vmem>>) offsets(%dma_start3A_396 : memref<128xi32, #tpu.memory_space<vmem>>) semaphore(%arg11 : memref<!tpu.dma_semaphore, #tpu.memory_space<semaphore_mem>>)
    %dma_start3A_399 = arith.constant 15 : i32
    %dma_start3A_400 = arith.constant 256 : i32
    %dma_start3A_401 = tpu.memref_slice %arg10[%dma_start3A_399, %dma_start3A_400] : memref<50x512xf32, #tpu.memory_space<vmem>> -> memref<1x128xf32, #tpu.memory_space<vmem>>
    %dma_start3A_402 = tpu.memref_squeeze %dma_start3A_401 : memref<1x128xf32, #tpu.memory_space<vmem>> -> memref<128xf32, #tpu.memory_space<vmem>>
    %dma_start3A_403 = arith.constant 7936 : i32
    %dma_start3A_404 = tpu.memref_slice %arg9[%dma_start3A_403] : memref<8192xi32, #tpu.memory_space<vmem>> -> memref<128xi32, #tpu.memory_space<vmem>>
    %dma_start3A_405 = arith.constant 0 : i32
    %dma_start3A_406 = tpu.memref_slice %arg5[%dma_start3A_405] : memref<800000xf32, #tpu.memory_space<hbm>> -> memref<800000xf32, #tpu.memory_space<hbm>>
    tpu.enqueue_indirect_dma source(%dma_start3A_406 : memref<800000xf32, #tpu.memory_space<hbm>>) target(%dma_start3A_402 : memref<128xf32, #tpu.memory_space<vmem>>) offsets(%dma_start3A_404 : memref<128xi32, #tpu.memory_space<vmem>>) semaphore(%arg11 : memref<!tpu.dma_semaphore, #tpu.memory_space<semaphore_mem>>)
    %scan3A_407 = arith.constant 0 : i32
    %scan3A_408 = arith.constant 8 : i32
    %scan3A_409 = arith.addi %scan3A_407, %scan3A_408 : i32
    %scan3A_410 = arith.constant 1 : i32
    scf.for %scan3A_1077 = %scan3A_407 to %scan3A_409 step %scan3A_410  : i32 {
      %mul3A_1078 = arith.constant 16 : i32
      %mul3A_1079 = arith.muli %scan3A_1077, %mul3A_1078 : i32
      %add3A_1080 = arith.constant 384 : i32
      %add3A_1081 = arith.addi %add3A_1080, %mul3A_1079 : i32
      %get3A = arith.constant 0 : i32
      %get3A_1082 = arith.index_cast %get3A : i32 to index
      %get3A_1083 = arith.index_cast %add3A_1081 : i32 to index
      %get3A_1084 = tpu.vector_load %arg7[%get3A_1082, %get3A_1083] {strides = array<i32>} : memref<10x512xf32, #tpu.memory_space<vmem>>, vector<16xf32>,
      %convert_element_type3A = arith.fptosi %get3A_1084 : vector<16xf32> to vector<16xi32>
      %broadcast_in_dim3A = arith.constant 0 : i32
      %broadcast_in_dim3A_1085 = vector.broadcast %broadcast_in_dim3A : i32 to vector<16xi32>
      %add3A_1086 = arith.addi %convert_element_type3A, %broadcast_in_dim3A_1085 : vector<16xi32>
      %add3A_1087 = arith.constant 0 : i32
      %add3A_1088 = arith.addi %add3A_1087, %add3A_1081 : i32
      %swap3A = arith.index_cast %add3A_1088 : i32 to index
      %swap3A_1089 = tpu.vector_load %arg9[%swap3A] {strides = array<i32>} : memref<8192xi32, #tpu.memory_space<vmem>>, vector<16xi32>,
      tpu.vector_store %arg9[%swap3A], %add3A_1086 {strides = array<i32>} : memref<8192xi32, #tpu.memory_space<vmem>>, vector<16xi32>,
      %broadcast_in_dim3A_1090 = arith.constant 100000 : i32
      %broadcast_in_dim3A_1091 = vector.broadcast %broadcast_in_dim3A_1090 : i32 to vector<16xi32>
      %add3A_1092 = arith.addi %convert_element_type3A, %broadcast_in_dim3A_1091 : vector<16xi32>
      %add3A_1093 = arith.constant 512 : i32
      %add3A_1094 = arith.addi %add3A_1093, %add3A_1081 : i32
      %swap3A_1095 = arith.index_cast %add3A_1094 : i32 to index
      %swap3A_1096 = tpu.vector_load %arg9[%swap3A_1095] {strides = array<i32>} : memref<8192xi32, #tpu.memory_space<vmem>>, vector<16xi32>,
      tpu.vector_store %arg9[%swap3A_1095], %add3A_1092 {strides = array<i32>} : memref<8192xi32, #tpu.memory_space<vmem>>, vector<16xi32>,
      %broadcast_in_dim3A_1097 = arith.constant 200000 : i32
      %broadcast_in_dim3A_1098 = vector.broadcast %broadcast_in_dim3A_1097 : i32 to vector<16xi32>
      %add3A_1099 = arith.addi %convert_element_type3A, %broadcast_in_dim3A_1098 : vector<16xi32>
      %add3A_1100 = arith.constant 1024 : i32
      %add3A_1101 = arith.addi %add3A_1100, %add3A_1081 : i32
      %swap3A_1102 = arith.index_cast %add3A_1101 : i32 to index
      %swap3A_1103 = tpu.vector_load %arg9[%swap3A_1102] {strides = array<i32>} : memref<8192xi32, #tpu.memory_space<vmem>>, vector<16xi32>,
      tpu.vector_store %arg9[%swap3A_1102], %add3A_1099 {strides = array<i32>} : memref<8192xi32, #tpu.memory_space<vmem>>, vector<16xi32>,
      %broadcast_in_dim3A_1104 = arith.constant 300000 : i32
      %broadcast_in_dim3A_1105 = vector.broadcast %broadcast_in_dim3A_1104 : i32 to vector<16xi32>
      %add3A_1106 = arith.addi %convert_element_type3A, %broadcast_in_dim3A_1105 : vector<16xi32>
      %add3A_1107 = arith.constant 1536 : i32
      %add3A_1108 = arith.addi %add3A_1107, %add3A_1081 : i32
      %swap3A_1109 = arith.index_cast %add3A_1108 : i32 to index
      %swap3A_1110 = tpu.vector_load %arg9[%swap3A_1109] {strides = array<i32>} : memref<8192xi32, #tpu.memory_space<vmem>>, vector<16xi32>,
      tpu.vector_store %arg9[%swap3A_1109], %add3A_1106 {strides = array<i32>} : memref<8192xi32, #tpu.memory_space<vmem>>, vector<16xi32>,
      %broadcast_in_dim3A_1111 = arith.constant 400000 : i32
      %broadcast_in_dim3A_1112 = vector.broadcast %broadcast_in_dim3A_1111 : i32 to vector<16xi32>
      %add3A_1113 = arith.addi %convert_element_type3A, %broadcast_in_dim3A_1112 : vector<16xi32>
      %add3A_1114 = arith.constant 2048 : i32
      %add3A_1115 = arith.addi %add3A_1114, %add3A_1081 : i32
      %swap3A_1116 = arith.index_cast %add3A_1115 : i32 to index
      %swap3A_1117 = tpu.vector_load %arg9[%swap3A_1116] {strides = array<i32>} : memref<8192xi32, #tpu.memory_space<vmem>>, vector<16xi32>,
      tpu.vector_store %arg9[%swap3A_1116], %add3A_1113 {strides = array<i32>} : memref<8192xi32, #tpu.memory_space<vmem>>, vector<16xi32>,
      %broadcast_in_dim3A_1118 = arith.constant 500000 : i32
      %broadcast_in_dim3A_1119 = vector.broadcast %broadcast_in_dim3A_1118 : i32 to vector<16xi32>
      %add3A_1120 = arith.addi %convert_element_type3A, %broadcast_in_dim3A_1119 : vector<16xi32>
      %add3A_1121 = arith.constant 2560 : i32
      %add3A_1122 = arith.addi %add3A_1121, %add3A_1081 : i32
      %swap3A_1123 = arith.index_cast %add3A_1122 : i32 to index
      %swap3A_1124 = tpu.vector_load %arg9[%swap3A_1123] {strides = array<i32>} : memref<8192xi32, #tpu.memory_space<vmem>>, vector<16xi32>,
      tpu.vector_store %arg9[%swap3A_1123], %add3A_1120 {strides = array<i32>} : memref<8192xi32, #tpu.memory_space<vmem>>, vector<16xi32>,
      %broadcast_in_dim3A_1125 = arith.constant 600000 : i32
      %broadcast_in_dim3A_1126 = vector.broadcast %broadcast_in_dim3A_1125 : i32 to vector<16xi32>
      %add3A_1127 = arith.addi %convert_element_type3A, %broadcast_in_dim3A_1126 : vector<16xi32>
      %add3A_1128 = arith.constant 3072 : i32
      %add3A_1129 = arith.addi %add3A_1128, %add3A_1081 : i32
      %swap3A_1130 = arith.index_cast %add3A_1129 : i32 to index
      %swap3A_1131 = tpu.vector_load %arg9[%swap3A_1130] {strides = array<i32>} : memref<8192xi32, #tpu.memory_space<vmem>>, vector<16xi32>,
      tpu.vector_store %arg9[%swap3A_1130], %add3A_1127 {strides = array<i32>} : memref<8192xi32, #tpu.memory_space<vmem>>, vector<16xi32>,
      %broadcast_in_dim3A_1132 = arith.constant 700000 : i32
      %broadcast_in_dim3A_1133 = vector.broadcast %broadcast_in_dim3A_1132 : i32 to vector<16xi32>
      %add3A_1134 = arith.addi %convert_element_type3A, %broadcast_in_dim3A_1133 : vector<16xi32>
      %add3A_1135 = arith.constant 3584 : i32
      %add3A_1136 = arith.addi %add3A_1135, %add3A_1081 : i32
      %swap3A_1137 = arith.index_cast %add3A_1136 : i32 to index
      %swap3A_1138 = tpu.vector_load %arg9[%swap3A_1137] {strides = array<i32>} : memref<8192xi32, #tpu.memory_space<vmem>>, vector<16xi32>,
      tpu.vector_store %arg9[%swap3A_1137], %add3A_1134 {strides = array<i32>} : memref<8192xi32, #tpu.memory_space<vmem>>, vector<16xi32>,
      %get3A_1139 = arith.constant 1 : i32
      %get3A_1140 = arith.index_cast %get3A_1139 : i32 to index
      %get3A_1141 = arith.index_cast %add3A_1081 : i32 to index
      %get3A_1142 = tpu.vector_load %arg7[%get3A_1140, %get3A_1141] {strides = array<i32>} : memref<10x512xf32, #tpu.memory_space<vmem>>, vector<16xf32>,
      %convert_element_type3A_1143 = arith.fptosi %get3A_1142 : vector<16xf32> to vector<16xi32>
      %broadcast_in_dim3A_1144 = arith.constant 0 : i32
      %broadcast_in_dim3A_1145 = vector.broadcast %broadcast_in_dim3A_1144 : i32 to vector<16xi32>
      %add3A_1146 = arith.addi %convert_element_type3A_1143, %broadcast_in_dim3A_1145 : vector<16xi32>
      %add3A_1147 = arith.constant 4096 : i32
      %add3A_1148 = arith.addi %add3A_1147, %add3A_1081 : i32
      %swap3A_1149 = arith.index_cast %add3A_1148 : i32 to index
      %swap3A_1150 = tpu.vector_load %arg9[%swap3A_1149] {strides = array<i32>} : memref<8192xi32, #tpu.memory_space<vmem>>, vector<16xi32>,
      tpu.vector_store %arg9[%swap3A_1149], %add3A_1146 {strides = array<i32>} : memref<8192xi32, #tpu.memory_space<vmem>>, vector<16xi32>,
      %broadcast_in_dim3A_1151 = arith.constant 100000 : i32
      %broadcast_in_dim3A_1152 = vector.broadcast %broadcast_in_dim3A_1151 : i32 to vector<16xi32>
      %add3A_1153 = arith.addi %convert_element_type3A_1143, %broadcast_in_dim3A_1152 : vector<16xi32>
      %add3A_1154 = arith.constant 4608 : i32
      %add3A_1155 = arith.addi %add3A_1154, %add3A_1081 : i32
      %swap3A_1156 = arith.index_cast %add3A_1155 : i32 to index
      %swap3A_1157 = tpu.vector_load %arg9[%swap3A_1156] {strides = array<i32>} : memref<8192xi32, #tpu.memory_space<vmem>>, vector<16xi32>,
      tpu.vector_store %arg9[%swap3A_1156], %add3A_1153 {strides = array<i32>} : memref<8192xi32, #tpu.memory_space<vmem>>, vector<16xi32>,
      %broadcast_in_dim3A_1158 = arith.constant 200000 : i32
      %broadcast_in_dim3A_1159 = vector.broadcast %broadcast_in_dim3A_1158 : i32 to vector<16xi32>
      %add3A_1160 = arith.addi %convert_element_type3A_1143, %broadcast_in_dim3A_1159 : vector<16xi32>
      %add3A_1161 = arith.constant 5120 : i32
      %add3A_1162 = arith.addi %add3A_1161, %add3A_1081 : i32
      %swap3A_1163 = arith.index_cast %add3A_1162 : i32 to index
      %swap3A_1164 = tpu.vector_load %arg9[%swap3A_1163] {strides = array<i32>} : memref<8192xi32, #tpu.memory_space<vmem>>, vector<16xi32>,
      tpu.vector_store %arg9[%swap3A_1163], %add3A_1160 {strides = array<i32>} : memref<8192xi32, #tpu.memory_space<vmem>>, vector<16xi32>,
      %broadcast_in_dim3A_1165 = arith.constant 300000 : i32
      %broadcast_in_dim3A_1166 = vector.broadcast %broadcast_in_dim3A_1165 : i32 to vector<16xi32>
      %add3A_1167 = arith.addi %convert_element_type3A_1143, %broadcast_in_dim3A_1166 : vector<16xi32>
      %add3A_1168 = arith.constant 5632 : i32
      %add3A_1169 = arith.addi %add3A_1168, %add3A_1081 : i32
      %swap3A_1170 = arith.index_cast %add3A_1169 : i32 to index
      %swap3A_1171 = tpu.vector_load %arg9[%swap3A_1170] {strides = array<i32>} : memref<8192xi32, #tpu.memory_space<vmem>>, vector<16xi32>,
      tpu.vector_store %arg9[%swap3A_1170], %add3A_1167 {strides = array<i32>} : memref<8192xi32, #tpu.memory_space<vmem>>, vector<16xi32>,
      %broadcast_in_dim3A_1172 = arith.constant 400000 : i32
      %broadcast_in_dim3A_1173 = vector.broadcast %broadcast_in_dim3A_1172 : i32 to vector<16xi32>
      %add3A_1174 = arith.addi %convert_element_type3A_1143, %broadcast_in_dim3A_1173 : vector<16xi32>
      %add3A_1175 = arith.constant 6144 : i32
      %add3A_1176 = arith.addi %add3A_1175, %add3A_1081 : i32
      %swap3A_1177 = arith.index_cast %add3A_1176 : i32 to index
      %swap3A_1178 = tpu.vector_load %arg9[%swap3A_1177] {strides = array<i32>} : memref<8192xi32, #tpu.memory_space<vmem>>, vector<16xi32>,
      tpu.vector_store %arg9[%swap3A_1177], %add3A_1174 {strides = array<i32>} : memref<8192xi32, #tpu.memory_space<vmem>>, vector<16xi32>,
      %broadcast_in_dim3A_1179 = arith.constant 500000 : i32
      %broadcast_in_dim3A_1180 = vector.broadcast %broadcast_in_dim3A_1179 : i32 to vector<16xi32>
      %add3A_1181 = arith.addi %convert_element_type3A_1143, %broadcast_in_dim3A_1180 : vector<16xi32>
      %add3A_1182 = arith.constant 6656 : i32
      %add3A_1183 = arith.addi %add3A_1182, %add3A_1081 : i32
      %swap3A_1184 = arith.index_cast %add3A_1183 : i32 to index
      %swap3A_1185 = tpu.vector_load %arg9[%swap3A_1184] {strides = array<i32>} : memref<8192xi32, #tpu.memory_space<vmem>>, vector<16xi32>,
      tpu.vector_store %arg9[%swap3A_1184], %add3A_1181 {strides = array<i32>} : memref<8192xi32, #tpu.memory_space<vmem>>, vector<16xi32>,
      %broadcast_in_dim3A_1186 = arith.constant 600000 : i32
      %broadcast_in_dim3A_1187 = vector.broadcast %broadcast_in_dim3A_1186 : i32 to vector<16xi32>
      %add3A_1188 = arith.addi %convert_element_type3A_1143, %broadcast_in_dim3A_1187 : vector<16xi32>
      %add3A_1189 = arith.constant 7168 : i32
      %add3A_1190 = arith.addi %add3A_1189, %add3A_1081 : i32
      %swap3A_1191 = arith.index_cast %add3A_1190 : i32 to index
      %swap3A_1192 = tpu.vector_load %arg9[%swap3A_1191] {strides = array<i32>} : memref<8192xi32, #tpu.memory_space<vmem>>, vector<16xi32>,
      tpu.vector_store %arg9[%swap3A_1191], %add3A_1188 {strides = array<i32>} : memref<8192xi32, #tpu.memory_space<vmem>>, vector<16xi32>,
      %broadcast_in_dim3A_1193 = arith.constant 700000 : i32
      %broadcast_in_dim3A_1194 = vector.broadcast %broadcast_in_dim3A_1193 : i32 to vector<16xi32>
      %add3A_1195 = arith.addi %convert_element_type3A_1143, %broadcast_in_dim3A_1194 : vector<16xi32>
      %add3A_1196 = arith.constant 7680 : i32
      %add3A_1197 = arith.addi %add3A_1196, %add3A_1081 : i32
      %swap3A_1198 = arith.index_cast %add3A_1197 : i32 to index
      %swap3A_1199 = tpu.vector_load %arg9[%swap3A_1198] {strides = array<i32>} : memref<8192xi32, #tpu.memory_space<vmem>>, vector<16xi32>,
      tpu.vector_store %arg9[%swap3A_1198], %add3A_1195 {strides = array<i32>} : memref<8192xi32, #tpu.memory_space<vmem>>, vector<16xi32>,
    }
    %scan3A_411 = arith.constant 8 : i32
    %dma_start3A_412 = arith.constant 0 : i32
    %dma_start3A_413 = arith.constant 384 : i32
    %dma_start3A_414 = tpu.memref_slice %arg10[%dma_start3A_412, %dma_start3A_413] : memref<50x512xf32, #tpu.memory_space<vmem>> -> memref<1x128xf32, #tpu.memory_space<vmem>>
    %dma_start3A_415 = tpu.memref_squeeze %dma_start3A_414 : memref<1x128xf32, #tpu.memory_space<vmem>> -> memref<128xf32, #tpu.memory_space<vmem>>
    %dma_start3A_416 = arith.constant 384 : i32
    %dma_start3A_417 = tpu.memref_slice %arg9[%dma_start3A_416] : memref<8192xi32, #tpu.memory_space<vmem>> -> memref<128xi32, #tpu.memory_space<vmem>>
    %dma_start3A_418 = arith.constant 0 : i32
    %dma_start3A_419 = tpu.memref_slice %arg4[%dma_start3A_418] : memref<800000xf32, #tpu.memory_space<hbm>> -> memref<800000xf32, #tpu.memory_space<hbm>>
    tpu.enqueue_indirect_dma source(%dma_start3A_419 : memref<800000xf32, #tpu.memory_space<hbm>>) target(%dma_start3A_415 : memref<128xf32, #tpu.memory_space<vmem>>) offsets(%dma_start3A_417 : memref<128xi32, #tpu.memory_space<vmem>>) semaphore(%arg11 : memref<!tpu.dma_semaphore, #tpu.memory_space<semaphore_mem>>)
    %dma_start3A_420 = arith.constant 1 : i32
    %dma_start3A_421 = arith.constant 384 : i32
    %dma_start3A_422 = tpu.memref_slice %arg10[%dma_start3A_420, %dma_start3A_421] : memref<50x512xf32, #tpu.memory_space<vmem>> -> memref<1x128xf32, #tpu.memory_space<vmem>>
    %dma_start3A_423 = tpu.memref_squeeze %dma_start3A_422 : memref<1x128xf32, #tpu.memory_space<vmem>> -> memref<128xf32, #tpu.memory_space<vmem>>
    %dma_start3A_424 = arith.constant 896 : i32
    %dma_start3A_425 = tpu.memref_slice %arg9[%dma_start3A_424] : memref<8192xi32, #tpu.memory_space<vmem>> -> memref<128xi32, #tpu.memory_space<vmem>>
    %dma_start3A_426 = arith.constant 0 : i32
    %dma_start3A_427 = tpu.memref_slice %arg4[%dma_start3A_426] : memref<800000xf32, #tpu.memory_space<hbm>> -> memref<800000xf32, #tpu.memory_space<hbm>>
    tpu.enqueue_indirect_dma source(%dma_start3A_427 : memref<800000xf32, #tpu.memory_space<hbm>>) target(%dma_start3A_423 : memref<128xf32, #tpu.memory_space<vmem>>) offsets(%dma_start3A_425 : memref<128xi32, #tpu.memory_space<vmem>>) semaphore(%arg11 : memref<!tpu.dma_semaphore, #tpu.memory_space<semaphore_mem>>)
    %dma_start3A_428 = arith.constant 2 : i32
    %dma_start3A_429 = arith.constant 384 : i32
    %dma_start3A_430 = tpu.memref_slice %arg10[%dma_start3A_428, %dma_start3A_429] : memref<50x512xf32, #tpu.memory_space<vmem>> -> memref<1x128xf32, #tpu.memory_space<vmem>>
    %dma_start3A_431 = tpu.memref_squeeze %dma_start3A_430 : memref<1x128xf32, #tpu.memory_space<vmem>> -> memref<128xf32, #tpu.memory_space<vmem>>
    %dma_start3A_432 = arith.constant 1408 : i32
    %dma_start3A_433 = tpu.memref_slice %arg9[%dma_start3A_432] : memref<8192xi32, #tpu.memory_space<vmem>> -> memref<128xi32, #tpu.memory_space<vmem>>
    %dma_start3A_434 = arith.constant 0 : i32
    %dma_start3A_435 = tpu.memref_slice %arg4[%dma_start3A_434] : memref<800000xf32, #tpu.memory_space<hbm>> -> memref<800000xf32, #tpu.memory_space<hbm>>
    tpu.enqueue_indirect_dma source(%dma_start3A_435 : memref<800000xf32, #tpu.memory_space<hbm>>) target(%dma_start3A_431 : memref<128xf32, #tpu.memory_space<vmem>>) offsets(%dma_start3A_433 : memref<128xi32, #tpu.memory_space<vmem>>) semaphore(%arg11 : memref<!tpu.dma_semaphore, #tpu.memory_space<semaphore_mem>>)
    %dma_start3A_436 = arith.constant 3 : i32
    %dma_start3A_437 = arith.constant 384 : i32
    %dma_start3A_438 = tpu.memref_slice %arg10[%dma_start3A_436, %dma_start3A_437] : memref<50x512xf32, #tpu.memory_space<vmem>> -> memref<1x128xf32, #tpu.memory_space<vmem>>
    %dma_start3A_439 = tpu.memref_squeeze %dma_start3A_438 : memref<1x128xf32, #tpu.memory_space<vmem>> -> memref<128xf32, #tpu.memory_space<vmem>>
    %dma_start3A_440 = arith.constant 1920 : i32
    %dma_start3A_441 = tpu.memref_slice %arg9[%dma_start3A_440] : memref<8192xi32, #tpu.memory_space<vmem>> -> memref<128xi32, #tpu.memory_space<vmem>>
    %dma_start3A_442 = arith.constant 0 : i32
    %dma_start3A_443 = tpu.memref_slice %arg4[%dma_start3A_442] : memref<800000xf32, #tpu.memory_space<hbm>> -> memref<800000xf32, #tpu.memory_space<hbm>>
    tpu.enqueue_indirect_dma source(%dma_start3A_443 : memref<800000xf32, #tpu.memory_space<hbm>>) target(%dma_start3A_439 : memref<128xf32, #tpu.memory_space<vmem>>) offsets(%dma_start3A_441 : memref<128xi32, #tpu.memory_space<vmem>>) semaphore(%arg11 : memref<!tpu.dma_semaphore, #tpu.memory_space<semaphore_mem>>)
    %dma_start3A_444 = arith.constant 4 : i32
    %dma_start3A_445 = arith.constant 384 : i32
    %dma_start3A_446 = tpu.memref_slice %arg10[%dma_start3A_444, %dma_start3A_445] : memref<50x512xf32, #tpu.memory_space<vmem>> -> memref<1x128xf32, #tpu.memory_space<vmem>>
    %dma_start3A_447 = tpu.memref_squeeze %dma_start3A_446 : memref<1x128xf32, #tpu.memory_space<vmem>> -> memref<128xf32, #tpu.memory_space<vmem>>
    %dma_start3A_448 = arith.constant 2432 : i32
    %dma_start3A_449 = tpu.memref_slice %arg9[%dma_start3A_448] : memref<8192xi32, #tpu.memory_space<vmem>> -> memref<128xi32, #tpu.memory_space<vmem>>
    %dma_start3A_450 = arith.constant 0 : i32
    %dma_start3A_451 = tpu.memref_slice %arg4[%dma_start3A_450] : memref<800000xf32, #tpu.memory_space<hbm>> -> memref<800000xf32, #tpu.memory_space<hbm>>
    tpu.enqueue_indirect_dma source(%dma_start3A_451 : memref<800000xf32, #tpu.memory_space<hbm>>) target(%dma_start3A_447 : memref<128xf32, #tpu.memory_space<vmem>>) offsets(%dma_start3A_449 : memref<128xi32, #tpu.memory_space<vmem>>) semaphore(%arg11 : memref<!tpu.dma_semaphore, #tpu.memory_space<semaphore_mem>>)
    %dma_start3A_452 = arith.constant 5 : i32
    %dma_start3A_453 = arith.constant 384 : i32
    %dma_start3A_454 = tpu.memref_slice %arg10[%dma_start3A_452, %dma_start3A_453] : memref<50x512xf32, #tpu.memory_space<vmem>> -> memref<1x128xf32, #tpu.memory_space<vmem>>
    %dma_start3A_455 = tpu.memref_squeeze %dma_start3A_454 : memref<1x128xf32, #tpu.memory_space<vmem>> -> memref<128xf32, #tpu.memory_space<vmem>>
    %dma_start3A_456 = arith.constant 2944 : i32
    %dma_start3A_457 = tpu.memref_slice %arg9[%dma_start3A_456] : memref<8192xi32, #tpu.memory_space<vmem>> -> memref<128xi32, #tpu.memory_space<vmem>>
    %dma_start3A_458 = arith.constant 0 : i32
    %dma_start3A_459 = tpu.memref_slice %arg4[%dma_start3A_458] : memref<800000xf32, #tpu.memory_space<hbm>> -> memref<800000xf32, #tpu.memory_space<hbm>>
    tpu.enqueue_indirect_dma source(%dma_start3A_459 : memref<800000xf32, #tpu.memory_space<hbm>>) target(%dma_start3A_455 : memref<128xf32, #tpu.memory_space<vmem>>) offsets(%dma_start3A_457 : memref<128xi32, #tpu.memory_space<vmem>>) semaphore(%arg11 : memref<!tpu.dma_semaphore, #tpu.memory_space<semaphore_mem>>)
    %dma_start3A_460 = arith.constant 6 : i32
    %dma_start3A_461 = arith.constant 384 : i32
    %dma_start3A_462 = tpu.memref_slice %arg10[%dma_start3A_460, %dma_start3A_461] : memref<50x512xf32, #tpu.memory_space<vmem>> -> memref<1x128xf32, #tpu.memory_space<vmem>>
    %dma_start3A_463 = tpu.memref_squeeze %dma_start3A_462 : memref<1x128xf32, #tpu.memory_space<vmem>> -> memref<128xf32, #tpu.memory_space<vmem>>
    %dma_start3A_464 = arith.constant 3456 : i32
    %dma_start3A_465 = tpu.memref_slice %arg9[%dma_start3A_464] : memref<8192xi32, #tpu.memory_space<vmem>> -> memref<128xi32, #tpu.memory_space<vmem>>
    %dma_start3A_466 = arith.constant 0 : i32
    %dma_start3A_467 = tpu.memref_slice %arg4[%dma_start3A_466] : memref<800000xf32, #tpu.memory_space<hbm>> -> memref<800000xf32, #tpu.memory_space<hbm>>
    tpu.enqueue_indirect_dma source(%dma_start3A_467 : memref<800000xf32, #tpu.memory_space<hbm>>) target(%dma_start3A_463 : memref<128xf32, #tpu.memory_space<vmem>>) offsets(%dma_start3A_465 : memref<128xi32, #tpu.memory_space<vmem>>) semaphore(%arg11 : memref<!tpu.dma_semaphore, #tpu.memory_space<semaphore_mem>>)
    %dma_start3A_468 = arith.constant 7 : i32
    %dma_start3A_469 = arith.constant 384 : i32
    %dma_start3A_470 = tpu.memref_slice %arg10[%dma_start3A_468, %dma_start3A_469] : memref<50x512xf32, #tpu.memory_space<vmem>> -> memref<1x128xf32, #tpu.memory_space<vmem>>
    %dma_start3A_471 = tpu.memref_squeeze %dma_start3A_470 : memref<1x128xf32, #tpu.memory_space<vmem>> -> memref<128xf32, #tpu.memory_space<vmem>>
    %dma_start3A_472 = arith.constant 3968 : i32
    %dma_start3A_473 = tpu.memref_slice %arg9[%dma_start3A_472] : memref<8192xi32, #tpu.memory_space<vmem>> -> memref<128xi32, #tpu.memory_space<vmem>>
    %dma_start3A_474 = arith.constant 0 : i32
    %dma_start3A_475 = tpu.memref_slice %arg4[%dma_start3A_474] : memref<800000xf32, #tpu.memory_space<hbm>> -> memref<800000xf32, #tpu.memory_space<hbm>>
    tpu.enqueue_indirect_dma source(%dma_start3A_475 : memref<800000xf32, #tpu.memory_space<hbm>>) target(%dma_start3A_471 : memref<128xf32, #tpu.memory_space<vmem>>) offsets(%dma_start3A_473 : memref<128xi32, #tpu.memory_space<vmem>>) semaphore(%arg11 : memref<!tpu.dma_semaphore, #tpu.memory_space<semaphore_mem>>)
    %dma_start3A_476 = arith.constant 8 : i32
    %dma_start3A_477 = arith.constant 384 : i32
    %dma_start3A_478 = tpu.memref_slice %arg10[%dma_start3A_476, %dma_start3A_477] : memref<50x512xf32, #tpu.memory_space<vmem>> -> memref<1x128xf32, #tpu.memory_space<vmem>>
    %dma_start3A_479 = tpu.memref_squeeze %dma_start3A_478 : memref<1x128xf32, #tpu.memory_space<vmem>> -> memref<128xf32, #tpu.memory_space<vmem>>
    %dma_start3A_480 = arith.constant 4480 : i32
    %dma_start3A_481 = tpu.memref_slice %arg9[%dma_start3A_480] : memref<8192xi32, #tpu.memory_space<vmem>> -> memref<128xi32, #tpu.memory_space<vmem>>
    %dma_start3A_482 = arith.constant 0 : i32
    %dma_start3A_483 = tpu.memref_slice %arg5[%dma_start3A_482] : memref<800000xf32, #tpu.memory_space<hbm>> -> memref<800000xf32, #tpu.memory_space<hbm>>
    tpu.enqueue_indirect_dma source(%dma_start3A_483 : memref<800000xf32, #tpu.memory_space<hbm>>) target(%dma_start3A_479 : memref<128xf32, #tpu.memory_space<vmem>>) offsets(%dma_start3A_481 : memref<128xi32, #tpu.memory_space<vmem>>) semaphore(%arg11 : memref<!tpu.dma_semaphore, #tpu.memory_space<semaphore_mem>>)
    %dma_start3A_484 = arith.constant 9 : i32
    %dma_start3A_485 = arith.constant 384 : i32
    %dma_start3A_486 = tpu.memref_slice %arg10[%dma_start3A_484, %dma_start3A_485] : memref<50x512xf32, #tpu.memory_space<vmem>> -> memref<1x128xf32, #tpu.memory_space<vmem>>
    %dma_start3A_487 = tpu.memref_squeeze %dma_start3A_486 : memref<1x128xf32, #tpu.memory_space<vmem>> -> memref<128xf32, #tpu.memory_space<vmem>>
    %dma_start3A_488 = arith.constant 4992 : i32
    %dma_start3A_489 = tpu.memref_slice %arg9[%dma_start3A_488] : memref<8192xi32, #tpu.memory_space<vmem>> -> memref<128xi32, #tpu.memory_space<vmem>>
    %dma_start3A_490 = arith.constant 0 : i32
    %dma_start3A_491 = tpu.memref_slice %arg5[%dma_start3A_490] : memref<800000xf32, #tpu.memory_space<hbm>> -> memref<800000xf32, #tpu.memory_space<hbm>>
    tpu.enqueue_indirect_dma source(%dma_start3A_491 : memref<800000xf32, #tpu.memory_space<hbm>>) target(%dma_start3A_487 : memref<128xf32, #tpu.memory_space<vmem>>) offsets(%dma_start3A_489 : memref<128xi32, #tpu.memory_space<vmem>>) semaphore(%arg11 : memref<!tpu.dma_semaphore, #tpu.memory_space<semaphore_mem>>)
    %dma_start3A_492 = arith.constant 10 : i32
    %dma_start3A_493 = arith.constant 384 : i32
    %dma_start3A_494 = tpu.memref_slice %arg10[%dma_start3A_492, %dma_start3A_493] : memref<50x512xf32, #tpu.memory_space<vmem>> -> memref<1x128xf32, #tpu.memory_space<vmem>>
    %dma_start3A_495 = tpu.memref_squeeze %dma_start3A_494 : memref<1x128xf32, #tpu.memory_space<vmem>> -> memref<128xf32, #tpu.memory_space<vmem>>
    %dma_start3A_496 = arith.constant 5504 : i32
    %dma_start3A_497 = tpu.memref_slice %arg9[%dma_start3A_496] : memref<8192xi32, #tpu.memory_space<vmem>> -> memref<128xi32, #tpu.memory_space<vmem>>
    %dma_start3A_498 = arith.constant 0 : i32
    %dma_start3A_499 = tpu.memref_slice %arg5[%dma_start3A_498] : memref<800000xf32, #tpu.memory_space<hbm>> -> memref<800000xf32, #tpu.memory_space<hbm>>
    tpu.enqueue_indirect_dma source(%dma_start3A_499 : memref<800000xf32, #tpu.memory_space<hbm>>) target(%dma_start3A_495 : memref<128xf32, #tpu.memory_space<vmem>>) offsets(%dma_start3A_497 : memref<128xi32, #tpu.memory_space<vmem>>) semaphore(%arg11 : memref<!tpu.dma_semaphore, #tpu.memory_space<semaphore_mem>>)
    %dma_start3A_500 = arith.constant 11 : i32
    %dma_start3A_501 = arith.constant 384 : i32
    %dma_start3A_502 = tpu.memref_slice %arg10[%dma_start3A_500, %dma_start3A_501] : memref<50x512xf32, #tpu.memory_space<vmem>> -> memref<1x128xf32, #tpu.memory_space<vmem>>
    %dma_start3A_503 = tpu.memref_squeeze %dma_start3A_502 : memref<1x128xf32, #tpu.memory_space<vmem>> -> memref<128xf32, #tpu.memory_space<vmem>>
    %dma_start3A_504 = arith.constant 6016 : i32
    %dma_start3A_505 = tpu.memref_slice %arg9[%dma_start3A_504] : memref<8192xi32, #tpu.memory_space<vmem>> -> memref<128xi32, #tpu.memory_space<vmem>>
    %dma_start3A_506 = arith.constant 0 : i32
    %dma_start3A_507 = tpu.memref_slice %arg5[%dma_start3A_506] : memref<800000xf32, #tpu.memory_space<hbm>> -> memref<800000xf32, #tpu.memory_space<hbm>>
    tpu.enqueue_indirect_dma source(%dma_start3A_507 : memref<800000xf32, #tpu.memory_space<hbm>>) target(%dma_start3A_503 : memref<128xf32, #tpu.memory_space<vmem>>) offsets(%dma_start3A_505 : memref<128xi32, #tpu.memory_space<vmem>>) semaphore(%arg11 : memref<!tpu.dma_semaphore, #tpu.memory_space<semaphore_mem>>)
    %dma_start3A_508 = arith.constant 12 : i32
    %dma_start3A_509 = arith.constant 384 : i32
    %dma_start3A_510 = tpu.memref_slice %arg10[%dma_start3A_508, %dma_start3A_509] : memref<50x512xf32, #tpu.memory_space<vmem>> -> memref<1x128xf32, #tpu.memory_space<vmem>>
    %dma_start3A_511 = tpu.memref_squeeze %dma_start3A_510 : memref<1x128xf32, #tpu.memory_space<vmem>> -> memref<128xf32, #tpu.memory_space<vmem>>
    %dma_start3A_512 = arith.constant 6528 : i32
    %dma_start3A_513 = tpu.memref_slice %arg9[%dma_start3A_512] : memref<8192xi32, #tpu.memory_space<vmem>> -> memref<128xi32, #tpu.memory_space<vmem>>
    %dma_start3A_514 = arith.constant 0 : i32
    %dma_start3A_515 = tpu.memref_slice %arg5[%dma_start3A_514] : memref<800000xf32, #tpu.memory_space<hbm>> -> memref<800000xf32, #tpu.memory_space<hbm>>
    tpu.enqueue_indirect_dma source(%dma_start3A_515 : memref<800000xf32, #tpu.memory_space<hbm>>) target(%dma_start3A_511 : memref<128xf32, #tpu.memory_space<vmem>>) offsets(%dma_start3A_513 : memref<128xi32, #tpu.memory_space<vmem>>) semaphore(%arg11 : memref<!tpu.dma_semaphore, #tpu.memory_space<semaphore_mem>>)
    %dma_start3A_516 = arith.constant 13 : i32
    %dma_start3A_517 = arith.constant 384 : i32
    %dma_start3A_518 = tpu.memref_slice %arg10[%dma_start3A_516, %dma_start3A_517] : memref<50x512xf32, #tpu.memory_space<vmem>> -> memref<1x128xf32, #tpu.memory_space<vmem>>
    %dma_start3A_519 = tpu.memref_squeeze %dma_start3A_518 : memref<1x128xf32, #tpu.memory_space<vmem>> -> memref<128xf32, #tpu.memory_space<vmem>>
    %dma_start3A_520 = arith.constant 7040 : i32
    %dma_start3A_521 = tpu.memref_slice %arg9[%dma_start3A_520] : memref<8192xi32, #tpu.memory_space<vmem>> -> memref<128xi32, #tpu.memory_space<vmem>>
    %dma_start3A_522 = arith.constant 0 : i32
    %dma_start3A_523 = tpu.memref_slice %arg5[%dma_start3A_522] : memref<800000xf32, #tpu.memory_space<hbm>> -> memref<800000xf32, #tpu.memory_space<hbm>>
    tpu.enqueue_indirect_dma source(%dma_start3A_523 : memref<800000xf32, #tpu.memory_space<hbm>>) target(%dma_start3A_519 : memref<128xf32, #tpu.memory_space<vmem>>) offsets(%dma_start3A_521 : memref<128xi32, #tpu.memory_space<vmem>>) semaphore(%arg11 : memref<!tpu.dma_semaphore, #tpu.memory_space<semaphore_mem>>)
    %dma_start3A_524 = arith.constant 14 : i32
    %dma_start3A_525 = arith.constant 384 : i32
    %dma_start3A_526 = tpu.memref_slice %arg10[%dma_start3A_524, %dma_start3A_525] : memref<50x512xf32, #tpu.memory_space<vmem>> -> memref<1x128xf32, #tpu.memory_space<vmem>>
    %dma_start3A_527 = tpu.memref_squeeze %dma_start3A_526 : memref<1x128xf32, #tpu.memory_space<vmem>> -> memref<128xf32, #tpu.memory_space<vmem>>
    %dma_start3A_528 = arith.constant 7552 : i32
    %dma_start3A_529 = tpu.memref_slice %arg9[%dma_start3A_528] : memref<8192xi32, #tpu.memory_space<vmem>> -> memref<128xi32, #tpu.memory_space<vmem>>
    %dma_start3A_530 = arith.constant 0 : i32
    %dma_start3A_531 = tpu.memref_slice %arg5[%dma_start3A_530] : memref<800000xf32, #tpu.memory_space<hbm>> -> memref<800000xf32, #tpu.memory_space<hbm>>
    tpu.enqueue_indirect_dma source(%dma_start3A_531 : memref<800000xf32, #tpu.memory_space<hbm>>) target(%dma_start3A_527 : memref<128xf32, #tpu.memory_space<vmem>>) offsets(%dma_start3A_529 : memref<128xi32, #tpu.memory_space<vmem>>) semaphore(%arg11 : memref<!tpu.dma_semaphore, #tpu.memory_space<semaphore_mem>>)
    %dma_start3A_532 = arith.constant 15 : i32
    %dma_start3A_533 = arith.constant 384 : i32
    %dma_start3A_534 = tpu.memref_slice %arg10[%dma_start3A_532, %dma_start3A_533] : memref<50x512xf32, #tpu.memory_space<vmem>> -> memref<1x128xf32, #tpu.memory_space<vmem>>
    %dma_start3A_535 = tpu.memref_squeeze %dma_start3A_534 : memref<1x128xf32, #tpu.memory_space<vmem>> -> memref<128xf32, #tpu.memory_space<vmem>>
    %dma_start3A_536 = arith.constant 8064 : i32
    %dma_start3A_537 = tpu.memref_slice %arg9[%dma_start3A_536] : memref<8192xi32, #tpu.memory_space<vmem>> -> memref<128xi32, #tpu.memory_space<vmem>>
    %dma_start3A_538 = arith.constant 0 : i32
    %dma_start3A_539 = tpu.memref_slice %arg5[%dma_start3A_538] : memref<800000xf32, #tpu.memory_space<hbm>> -> memref<800000xf32, #tpu.memory_space<hbm>>
    tpu.enqueue_indirect_dma source(%dma_start3A_539 : memref<800000xf32, #tpu.memory_space<hbm>>) target(%dma_start3A_535 : memref<128xf32, #tpu.memory_space<vmem>>) offsets(%dma_start3A_537 : memref<128xi32, #tpu.memory_space<vmem>>) semaphore(%arg11 : memref<!tpu.dma_semaphore, #tpu.memory_space<semaphore_mem>>)
    tpu.wait_dma2 semaphore(%arg12 : memref<!tpu.dma_semaphore, #tpu.memory_space<semaphore_mem>>) src(%arg3 : memref<8664xf32, #tpu.memory_space<hbm>>) dst(%arg8 : memref<8664xf32, #tpu.memory_space<vmem>>)
    %scan3A_540 = arith.constant 0 : i32
    %scan3A_541 = arith.constant 32 : i32
    %scan3A_542 = arith.addi %scan3A_540, %scan3A_541 : i32
    %scan3A_543 = arith.constant 1 : i32
    scf.for %scan3A_1077 = %scan3A_540 to %scan3A_542 step %scan3A_543  : i32 {
      %mul3A_1078 = arith.constant 16 : i32
      %mul3A_1079 = arith.muli %scan3A_1077, %mul3A_1078 : i32
      %get3A = arith.constant 2 : i32
      %get3A_1080 = arith.index_cast %get3A : i32 to index
      %get3A_1081 = arith.index_cast %mul3A_1079 : i32 to index
      %get3A_1082 = tpu.vector_load %arg7[%get3A_1080, %get3A_1081] {strides = array<i32>} : memref<10x512xf32, #tpu.memory_space<vmem>>, vector<16xf32>,
      %convert_element_type3A = arith.fptosi %get3A_1082 : vector<16xf32> to vector<16xi32>
      %broadcast_in_dim3A = arith.constant 0 : i32
      %broadcast_in_dim3A_1083 = vector.broadcast %broadcast_in_dim3A : i32 to vector<16xi32>
      %add3A_1084 = arith.addi %convert_element_type3A, %broadcast_in_dim3A_1083 : vector<16xi32>
      %gather3A = tpu.vector_load_idx %arg8[%add3A_1084] : memref<8664xf32, #tpu.memory_space<vmem>>[vector<16xi32>], vector<16xf32>,
      %swap3A = arith.constant 16 : i32
      %swap3A_1085 = arith.index_cast %swap3A : i32 to index
      %swap3A_1086 = arith.index_cast %mul3A_1079 : i32 to index
      %swap3A_1087 = tpu.vector_load %arg10[%swap3A_1085, %swap3A_1086] {strides = array<i32>} : memref<50x512xf32, #tpu.memory_space<vmem>>, vector<16xf32>,
      tpu.vector_store %arg10[%swap3A_1085, %swap3A_1086], %gather3A {strides = array<i32>} : memref<50x512xf32, #tpu.memory_space<vmem>>, vector<16xf32>,
      %broadcast_in_dim3A_1088 = arith.constant 1000 : i32
      %broadcast_in_dim3A_1089 = vector.broadcast %broadcast_in_dim3A_1088 : i32 to vector<16xi32>
      %add3A_1090 = arith.addi %convert_element_type3A, %broadcast_in_dim3A_1089 : vector<16xi32>
      %gather3A_1091 = tpu.vector_load_idx %arg8[%add3A_1090] : memref<8664xf32, #tpu.memory_space<vmem>>[vector<16xi32>], vector<16xf32>,
      %swap3A_1092 = arith.constant 17 : i32
      %swap3A_1093 = arith.index_cast %swap3A_1092 : i32 to index
      %swap3A_1094 = arith.index_cast %mul3A_1079 : i32 to index
      %swap3A_1095 = tpu.vector_load %arg10[%swap3A_1093, %swap3A_1094] {strides = array<i32>} : memref<50x512xf32, #tpu.memory_space<vmem>>, vector<16xf32>,
      tpu.vector_store %arg10[%swap3A_1093, %swap3A_1094], %gather3A_1091 {strides = array<i32>} : memref<50x512xf32, #tpu.memory_space<vmem>>, vector<16xf32>,
      %broadcast_in_dim3A_1096 = arith.constant 2000 : i32
      %broadcast_in_dim3A_1097 = vector.broadcast %broadcast_in_dim3A_1096 : i32 to vector<16xi32>
      %add3A_1098 = arith.addi %convert_element_type3A, %broadcast_in_dim3A_1097 : vector<16xi32>
      %gather3A_1099 = tpu.vector_load_idx %arg8[%add3A_1098] : memref<8664xf32, #tpu.memory_space<vmem>>[vector<16xi32>], vector<16xf32>,
      %swap3A_1100 = arith.constant 18 : i32
      %swap3A_1101 = arith.index_cast %swap3A_1100 : i32 to index
      %swap3A_1102 = arith.index_cast %mul3A_1079 : i32 to index
      %swap3A_1103 = tpu.vector_load %arg10[%swap3A_1101, %swap3A_1102] {strides = array<i32>} : memref<50x512xf32, #tpu.memory_space<vmem>>, vector<16xf32>,
      tpu.vector_store %arg10[%swap3A_1101, %swap3A_1102], %gather3A_1099 {strides = array<i32>} : memref<50x512xf32, #tpu.memory_space<vmem>>, vector<16xf32>,
      %broadcast_in_dim3A_1104 = arith.constant 3000 : i32
      %broadcast_in_dim3A_1105 = vector.broadcast %broadcast_in_dim3A_1104 : i32 to vector<16xi32>
      %add3A_1106 = arith.addi %convert_element_type3A, %broadcast_in_dim3A_1105 : vector<16xi32>
      %gather3A_1107 = tpu.vector_load_idx %arg8[%add3A_1106] : memref<8664xf32, #tpu.memory_space<vmem>>[vector<16xi32>], vector<16xf32>,
      %swap3A_1108 = arith.constant 19 : i32
      %swap3A_1109 = arith.index_cast %swap3A_1108 : i32 to index
      %swap3A_1110 = arith.index_cast %mul3A_1079 : i32 to index
      %swap3A_1111 = tpu.vector_load %arg10[%swap3A_1109, %swap3A_1110] {strides = array<i32>} : memref<50x512xf32, #tpu.memory_space<vmem>>, vector<16xf32>,
      tpu.vector_store %arg10[%swap3A_1109, %swap3A_1110], %gather3A_1107 {strides = array<i32>} : memref<50x512xf32, #tpu.memory_space<vmem>>, vector<16xf32>,
      %broadcast_in_dim3A_1112 = arith.constant 4000 : i32
      %broadcast_in_dim3A_1113 = vector.broadcast %broadcast_in_dim3A_1112 : i32 to vector<16xi32>
      %add3A_1114 = arith.addi %convert_element_type3A, %broadcast_in_dim3A_1113 : vector<16xi32>
      %gather3A_1115 = tpu.vector_load_idx %arg8[%add3A_1114] : memref<8664xf32, #tpu.memory_space<vmem>>[vector<16xi32>], vector<16xf32>,
      %swap3A_1116 = arith.constant 20 : i32
      %swap3A_1117 = arith.index_cast %swap3A_1116 : i32 to index
      %swap3A_1118 = arith.index_cast %mul3A_1079 : i32 to index
      %swap3A_1119 = tpu.vector_load %arg10[%swap3A_1117, %swap3A_1118] {strides = array<i32>} : memref<50x512xf32, #tpu.memory_space<vmem>>, vector<16xf32>,
      tpu.vector_store %arg10[%swap3A_1117, %swap3A_1118], %gather3A_1115 {strides = array<i32>} : memref<50x512xf32, #tpu.memory_space<vmem>>, vector<16xf32>,
      %broadcast_in_dim3A_1120 = arith.constant 5000 : i32
      %broadcast_in_dim3A_1121 = vector.broadcast %broadcast_in_dim3A_1120 : i32 to vector<16xi32>
      %add3A_1122 = arith.addi %convert_element_type3A, %broadcast_in_dim3A_1121 : vector<16xi32>
      %gather3A_1123 = tpu.vector_load_idx %arg8[%add3A_1122] : memref<8664xf32, #tpu.memory_space<vmem>>[vector<16xi32>], vector<16xf32>,
      %swap3A_1124 = arith.constant 21 : i32
      %swap3A_1125 = arith.index_cast %swap3A_1124 : i32 to index
      %swap3A_1126 = arith.index_cast %mul3A_1079 : i32 to index
      %swap3A_1127 = tpu.vector_load %arg10[%swap3A_1125, %swap3A_1126] {strides = array<i32>} : memref<50x512xf32, #tpu.memory_space<vmem>>, vector<16xf32>,
      tpu.vector_store %arg10[%swap3A_1125, %swap3A_1126], %gather3A_1123 {strides = array<i32>} : memref<50x512xf32, #tpu.memory_space<vmem>>, vector<16xf32>,
      %broadcast_in_dim3A_1128 = arith.constant 6000 : i32
      %broadcast_in_dim3A_1129 = vector.broadcast %broadcast_in_dim3A_1128 : i32 to vector<16xi32>
      %add3A_1130 = arith.addi %convert_element_type3A, %broadcast_in_dim3A_1129 : vector<16xi32>
      %gather3A_1131 = tpu.vector_load_idx %arg8[%add3A_1130] : memref<8664xf32, #tpu.memory_space<vmem>>[vector<16xi32>], vector<16xf32>,
      %swap3A_1132 = arith.constant 22 : i32
      %swap3A_1133 = arith.index_cast %swap3A_1132 : i32 to index
      %swap3A_1134 = arith.index_cast %mul3A_1079 : i32 to index
      %swap3A_1135 = tpu.vector_load %arg10[%swap3A_1133, %swap3A_1134] {strides = array<i32>} : memref<50x512xf32, #tpu.memory_space<vmem>>, vector<16xf32>,
      tpu.vector_store %arg10[%swap3A_1133, %swap3A_1134], %gather3A_1131 {strides = array<i32>} : memref<50x512xf32, #tpu.memory_space<vmem>>, vector<16xf32>,
      %broadcast_in_dim3A_1136 = arith.constant 7000 : i32
      %broadcast_in_dim3A_1137 = vector.broadcast %broadcast_in_dim3A_1136 : i32 to vector<16xi32>
      %add3A_1138 = arith.addi %convert_element_type3A, %broadcast_in_dim3A_1137 : vector<16xi32>
      %gather3A_1139 = tpu.vector_load_idx %arg8[%add3A_1138] : memref<8664xf32, #tpu.memory_space<vmem>>[vector<16xi32>], vector<16xf32>,
      %swap3A_1140 = arith.constant 23 : i32
      %swap3A_1141 = arith.index_cast %swap3A_1140 : i32 to index
      %swap3A_1142 = arith.index_cast %mul3A_1079 : i32 to index
      %swap3A_1143 = tpu.vector_load %arg10[%swap3A_1141, %swap3A_1142] {strides = array<i32>} : memref<50x512xf32, #tpu.memory_space<vmem>>, vector<16xf32>,
      tpu.vector_store %arg10[%swap3A_1141, %swap3A_1142], %gather3A_1139 {strides = array<i32>} : memref<50x512xf32, #tpu.memory_space<vmem>>, vector<16xf32>,
      %get3A_1144 = arith.constant 3 : i32
      %get3A_1145 = arith.index_cast %get3A_1144 : i32 to index
      %get3A_1146 = arith.index_cast %mul3A_1079 : i32 to index
      %get3A_1147 = tpu.vector_load %arg7[%get3A_1145, %get3A_1146] {strides = array<i32>} : memref<10x512xf32, #tpu.memory_space<vmem>>, vector<16xf32>,
      %convert_element_type3A_1148 = arith.fptosi %get3A_1147 : vector<16xf32> to vector<16xi32>
      %broadcast_in_dim3A_1149 = arith.constant 8000 : i32
      %broadcast_in_dim3A_1150 = vector.broadcast %broadcast_in_dim3A_1149 : i32 to vector<16xi32>
      %add3A_1151 = arith.addi %convert_element_type3A_1148, %broadcast_in_dim3A_1150 : vector<16xi32>
      %gather3A_1152 = tpu.vector_load_idx %arg8[%add3A_1151] : memref<8664xf32, #tpu.memory_space<vmem>>[vector<16xi32>], vector<16xf32>,
      %swap3A_1153 = arith.constant 24 : i32
      %swap3A_1154 = arith.index_cast %swap3A_1153 : i32 to index
      %swap3A_1155 = arith.index_cast %mul3A_1079 : i32 to index
      %swap3A_1156 = tpu.vector_load %arg10[%swap3A_1154, %swap3A_1155] {strides = array<i32>} : memref<50x512xf32, #tpu.memory_space<vmem>>, vector<16xf32>,
      tpu.vector_store %arg10[%swap3A_1154, %swap3A_1155], %gather3A_1152 {strides = array<i32>} : memref<50x512xf32, #tpu.memory_space<vmem>>, vector<16xf32>,
      %broadcast_in_dim3A_1157 = arith.constant 8002 : i32
      %broadcast_in_dim3A_1158 = vector.broadcast %broadcast_in_dim3A_1157 : i32 to vector<16xi32>
      %add3A_1159 = arith.addi %convert_element_type3A_1148, %broadcast_in_dim3A_1158 : vector<16xi32>
      %gather3A_1160 = tpu.vector_load_idx %arg8[%add3A_1159] : memref<8664xf32, #tpu.memory_space<vmem>>[vector<16xi32>], vector<16xf32>,
      %swap3A_1161 = arith.constant 25 : i32
      %swap3A_1162 = arith.index_cast %swap3A_1161 : i32 to index
      %swap3A_1163 = arith.index_cast %mul3A_1079 : i32 to index
      %swap3A_1164 = tpu.vector_load %arg10[%swap3A_1162, %swap3A_1163] {strides = array<i32>} : memref<50x512xf32, #tpu.memory_space<vmem>>, vector<16xf32>,
      tpu.vector_store %arg10[%swap3A_1162, %swap3A_1163], %gather3A_1160 {strides = array<i32>} : memref<50x512xf32, #tpu.memory_space<vmem>>, vector<16xf32>,
      %get3A_1165 = arith.constant 4 : i32
      %get3A_1166 = arith.index_cast %get3A_1165 : i32 to index
      %get3A_1167 = arith.index_cast %mul3A_1079 : i32 to index
      %get3A_1168 = tpu.vector_load %arg7[%get3A_1166, %get3A_1167] {strides = array<i32>} : memref<10x512xf32, #tpu.memory_space<vmem>>, vector<16xf32>,
      %convert_element_type3A_1169 = arith.fptosi %get3A_1168 : vector<16xf32> to vector<16xi32>
      %broadcast_in_dim3A_1170 = arith.constant 8008 : i32
      %broadcast_in_dim3A_1171 = vector.broadcast %broadcast_in_dim3A_1170 : i32 to vector<16xi32>
      %add3A_1172 = arith.addi %convert_element_type3A_1169, %broadcast_in_dim3A_1171 : vector<16xi32>
      %gather3A_1173 = tpu.vector_load_idx %arg8[%add3A_1172] : memref<8664xf32, #tpu.memory_space<vmem>>[vector<16xi32>], vector<16xf32>,
      %swap3A_1174 = arith.constant 26 : i32
      %swap3A_1175 = arith.index_cast %swap3A_1174 : i32 to index
      %swap3A_1176 = arith.index_cast %mul3A_1079 : i32 to index
      %swap3A_1177 = tpu.vector_load %arg10[%swap3A_1175, %swap3A_1176] {strides = array<i32>} : memref<50x512xf32, #tpu.memory_space<vmem>>, vector<16xf32>,
      tpu.vector_store %arg10[%swap3A_1175, %swap3A_1176], %gather3A_1173 {strides = array<i32>} : memref<50x512xf32, #tpu.memory_space<vmem>>, vector<16xf32>,
      %broadcast_in_dim3A_1178 = arith.constant 8018 : i32
      %broadcast_in_dim3A_1179 = vector.broadcast %broadcast_in_dim3A_1178 : i32 to vector<16xi32>
      %add3A_1180 = arith.addi %convert_element_type3A_1169, %broadcast_in_dim3A_1179 : vector<16xi32>
      %gather3A_1181 = tpu.vector_load_idx %arg8[%add3A_1180] : memref<8664xf32, #tpu.memory_space<vmem>>[vector<16xi32>], vector<16xf32>,
      %swap3A_1182 = arith.constant 27 : i32
      %swap3A_1183 = arith.index_cast %swap3A_1182 : i32 to index
      %swap3A_1184 = arith.index_cast %mul3A_1079 : i32 to index
      %swap3A_1185 = tpu.vector_load %arg10[%swap3A_1183, %swap3A_1184] {strides = array<i32>} : memref<50x512xf32, #tpu.memory_space<vmem>>, vector<16xf32>,
      tpu.vector_store %arg10[%swap3A_1183, %swap3A_1184], %gather3A_1181 {strides = array<i32>} : memref<50x512xf32, #tpu.memory_space<vmem>>, vector<16xf32>,
      %broadcast_in_dim3A_1186 = arith.constant 8028 : i32
      %broadcast_in_dim3A_1187 = vector.broadcast %broadcast_in_dim3A_1186 : i32 to vector<16xi32>
      %add3A_1188 = arith.addi %convert_element_type3A_1169, %broadcast_in_dim3A_1187 : vector<16xi32>
      %gather3A_1189 = tpu.vector_load_idx %arg8[%add3A_1188] : memref<8664xf32, #tpu.memory_space<vmem>>[vector<16xi32>], vector<16xf32>,
      %swap3A_1190 = arith.constant 28 : i32
      %swap3A_1191 = arith.index_cast %swap3A_1190 : i32 to index
      %swap3A_1192 = arith.index_cast %mul3A_1079 : i32 to index
      %swap3A_1193 = tpu.vector_load %arg10[%swap3A_1191, %swap3A_1192] {strides = array<i32>} : memref<50x512xf32, #tpu.memory_space<vmem>>, vector<16xf32>,
      tpu.vector_store %arg10[%swap3A_1191, %swap3A_1192], %gather3A_1189 {strides = array<i32>} : memref<50x512xf32, #tpu.memory_space<vmem>>, vector<16xf32>,
      %broadcast_in_dim3A_1194 = arith.constant 8038 : i32
      %broadcast_in_dim3A_1195 = vector.broadcast %broadcast_in_dim3A_1194 : i32 to vector<16xi32>
      %add3A_1196 = arith.addi %convert_element_type3A_1169, %broadcast_in_dim3A_1195 : vector<16xi32>
      %gather3A_1197 = tpu.vector_load_idx %arg8[%add3A_1196] : memref<8664xf32, #tpu.memory_space<vmem>>[vector<16xi32>], vector<16xf32>,
      %swap3A_1198 = arith.constant 29 : i32
      %swap3A_1199 = arith.index_cast %swap3A_1198 : i32 to index
      %swap3A_1200 = arith.index_cast %mul3A_1079 : i32 to index
      %swap3A_1201 = tpu.vector_load %arg10[%swap3A_1199, %swap3A_1200] {strides = array<i32>} : memref<50x512xf32, #tpu.memory_space<vmem>>, vector<16xf32>,
      tpu.vector_store %arg10[%swap3A_1199, %swap3A_1200], %gather3A_1197 {strides = array<i32>} : memref<50x512xf32, #tpu.memory_space<vmem>>, vector<16xf32>,
      %get3A_1202 = arith.constant 5 : i32
      %get3A_1203 = arith.index_cast %get3A_1202 : i32 to index
      %get3A_1204 = arith.index_cast %mul3A_1079 : i32 to index
      %get3A_1205 = tpu.vector_load %arg7[%get3A_1203, %get3A_1204] {strides = array<i32>} : memref<10x512xf32, #tpu.memory_space<vmem>>, vector<16xf32>,
      %convert_element_type3A_1206 = arith.fptosi %get3A_1205 : vector<16xf32> to vector<16xi32>
      %broadcast_in_dim3A_1207 = arith.constant 8048 : i32
      %broadcast_in_dim3A_1208 = vector.broadcast %broadcast_in_dim3A_1207 : i32 to vector<16xi32>
      %add3A_1209 = arith.addi %convert_element_type3A_1206, %broadcast_in_dim3A_1208 : vector<16xi32>
      %gather3A_1210 = tpu.vector_load_idx %arg8[%add3A_1209] : memref<8664xf32, #tpu.memory_space<vmem>>[vector<16xi32>], vector<16xf32>,
      %swap3A_1211 = arith.constant 30 : i32
      %swap3A_1212 = arith.index_cast %swap3A_1211 : i32 to index
      %swap3A_1213 = arith.index_cast %mul3A_1079 : i32 to index
      %swap3A_1214 = tpu.vector_load %arg10[%swap3A_1212, %swap3A_1213] {strides = array<i32>} : memref<50x512xf32, #tpu.memory_space<vmem>>, vector<16xf32>,
      tpu.vector_store %arg10[%swap3A_1212, %swap3A_1213], %gather3A_1210 {strides = array<i32>} : memref<50x512xf32, #tpu.memory_space<vmem>>, vector<16xf32>,
      %broadcast_in_dim3A_1215 = arith.constant 8053 : i32
      %broadcast_in_dim3A_1216 = vector.broadcast %broadcast_in_dim3A_1215 : i32 to vector<16xi32>
      %add3A_1217 = arith.addi %convert_element_type3A_1206, %broadcast_in_dim3A_1216 : vector<16xi32>
      %gather3A_1218 = tpu.vector_load_idx %arg8[%add3A_1217] : memref<8664xf32, #tpu.memory_space<vmem>>[vector<16xi32>], vector<16xf32>,
      %swap3A_1219 = arith.constant 31 : i32
      %swap3A_1220 = arith.index_cast %swap3A_1219 : i32 to index
      %swap3A_1221 = arith.index_cast %mul3A_1079 : i32 to index
      %swap3A_1222 = tpu.vector_load %arg10[%swap3A_1220, %swap3A_1221] {strides = array<i32>} : memref<50x512xf32, #tpu.memory_space<vmem>>, vector<16xf32>,
      tpu.vector_store %arg10[%swap3A_1220, %swap3A_1221], %gather3A_1218 {strides = array<i32>} : memref<50x512xf32, #tpu.memory_space<vmem>>, vector<16xf32>,
      %broadcast_in_dim3A_1223 = arith.constant 8058 : i32
      %broadcast_in_dim3A_1224 = vector.broadcast %broadcast_in_dim3A_1223 : i32 to vector<16xi32>
      %add3A_1225 = arith.addi %convert_element_type3A_1206, %broadcast_in_dim3A_1224 : vector<16xi32>
      %gather3A_1226 = tpu.vector_load_idx %arg8[%add3A_1225] : memref<8664xf32, #tpu.memory_space<vmem>>[vector<16xi32>], vector<16xf32>,
      %swap3A_1227 = arith.constant 32 : i32
      %swap3A_1228 = arith.index_cast %swap3A_1227 : i32 to index
      %swap3A_1229 = arith.index_cast %mul3A_1079 : i32 to index
      %swap3A_1230 = tpu.vector_load %arg10[%swap3A_1228, %swap3A_1229] {strides = array<i32>} : memref<50x512xf32, #tpu.memory_space<vmem>>, vector<16xf32>,
      tpu.vector_store %arg10[%swap3A_1228, %swap3A_1229], %gather3A_1226 {strides = array<i32>} : memref<50x512xf32, #tpu.memory_space<vmem>>, vector<16xf32>,
      %get3A_1231 = arith.constant 6 : i32
      %get3A_1232 = arith.index_cast %get3A_1231 : i32 to index
      %get3A_1233 = arith.index_cast %mul3A_1079 : i32 to index
      %get3A_1234 = tpu.vector_load %arg7[%get3A_1232, %get3A_1233] {strides = array<i32>} : memref<10x512xf32, #tpu.memory_space<vmem>>, vector<16xf32>,
      %convert_element_type3A_1235 = arith.fptosi %get3A_1234 : vector<16xf32> to vector<16xi32>
      %broadcast_in_dim3A_1236 = arith.constant 8064 : i32
      %broadcast_in_dim3A_1237 = vector.broadcast %broadcast_in_dim3A_1236 : i32 to vector<16xi32>
      %add3A_1238 = arith.addi %convert_element_type3A_1235, %broadcast_in_dim3A_1237 : vector<16xi32>
      %gather3A_1239 = tpu.vector_load_idx %arg8[%add3A_1238] : memref<8664xf32, #tpu.memory_space<vmem>>[vector<16xi32>], vector<16xf32>,
      %swap3A_1240 = arith.constant 33 : i32
      %swap3A_1241 = arith.index_cast %swap3A_1240 : i32 to index
      %swap3A_1242 = arith.index_cast %mul3A_1079 : i32 to index
      %swap3A_1243 = tpu.vector_load %arg10[%swap3A_1241, %swap3A_1242] {strides = array<i32>} : memref<50x512xf32, #tpu.memory_space<vmem>>, vector<16xf32>,
      tpu.vector_store %arg10[%swap3A_1241, %swap3A_1242], %gather3A_1239 {strides = array<i32>} : memref<50x512xf32, #tpu.memory_space<vmem>>, vector<16xf32>,
      %broadcast_in_dim3A_1244 = arith.constant 8114 : i32
      %broadcast_in_dim3A_1245 = vector.broadcast %broadcast_in_dim3A_1244 : i32 to vector<16xi32>
      %add3A_1246 = arith.addi %convert_element_type3A_1235, %broadcast_in_dim3A_1245 : vector<16xi32>
      %gather3A_1247 = tpu.vector_load_idx %arg8[%add3A_1246] : memref<8664xf32, #tpu.memory_space<vmem>>[vector<16xi32>], vector<16xf32>,
      %swap3A_1248 = arith.constant 34 : i32
      %swap3A_1249 = arith.index_cast %swap3A_1248 : i32 to index
      %swap3A_1250 = arith.index_cast %mul3A_1079 : i32 to index
      %swap3A_1251 = tpu.vector_load %arg10[%swap3A_1249, %swap3A_1250] {strides = array<i32>} : memref<50x512xf32, #tpu.memory_space<vmem>>, vector<16xf32>,
      tpu.vector_store %arg10[%swap3A_1249, %swap3A_1250], %gather3A_1247 {strides = array<i32>} : memref<50x512xf32, #tpu.memory_space<vmem>>, vector<16xf32>,
      %broadcast_in_dim3A_1252 = arith.constant 8164 : i32
      %broadcast_in_dim3A_1253 = vector.broadcast %broadcast_in_dim3A_1252 : i32 to vector<16xi32>
      %add3A_1254 = arith.addi %convert_element_type3A_1235, %broadcast_in_dim3A_1253 : vector<16xi32>
      %gather3A_1255 = tpu.vector_load_idx %arg8[%add3A_1254] : memref<8664xf32, #tpu.memory_space<vmem>>[vector<16xi32>], vector<16xf32>,
      %swap3A_1256 = arith.constant 35 : i32
      %swap3A_1257 = arith.index_cast %swap3A_1256 : i32 to index
      %swap3A_1258 = arith.index_cast %mul3A_1079 : i32 to index
      %swap3A_1259 = tpu.vector_load %arg10[%swap3A_1257, %swap3A_1258] {strides = array<i32>} : memref<50x512xf32, #tpu.memory_space<vmem>>, vector<16xf32>,
      tpu.vector_store %arg10[%swap3A_1257, %swap3A_1258], %gather3A_1255 {strides = array<i32>} : memref<50x512xf32, #tpu.memory_space<vmem>>, vector<16xf32>,
      %broadcast_in_dim3A_1260 = arith.constant 8214 : i32
      %broadcast_in_dim3A_1261 = vector.broadcast %broadcast_in_dim3A_1260 : i32 to vector<16xi32>
      %add3A_1262 = arith.addi %convert_element_type3A_1235, %broadcast_in_dim3A_1261 : vector<16xi32>
      %gather3A_1263 = tpu.vector_load_idx %arg8[%add3A_1262] : memref<8664xf32, #tpu.memory_space<vmem>>[vector<16xi32>], vector<16xf32>,
      %swap3A_1264 = arith.constant 36 : i32
      %swap3A_1265 = arith.index_cast %swap3A_1264 : i32 to index
      %swap3A_1266 = arith.index_cast %mul3A_1079 : i32 to index
      %swap3A_1267 = tpu.vector_load %arg10[%swap3A_1265, %swap3A_1266] {strides = array<i32>} : memref<50x512xf32, #tpu.memory_space<vmem>>, vector<16xf32>,
      tpu.vector_store %arg10[%swap3A_1265, %swap3A_1266], %gather3A_1263 {strides = array<i32>} : memref<50x512xf32, #tpu.memory_space<vmem>>, vector<16xf32>,
      %broadcast_in_dim3A_1268 = arith.constant 8264 : i32
      %broadcast_in_dim3A_1269 = vector.broadcast %broadcast_in_dim3A_1268 : i32 to vector<16xi32>
      %add3A_1270 = arith.addi %convert_element_type3A_1235, %broadcast_in_dim3A_1269 : vector<16xi32>
      %gather3A_1271 = tpu.vector_load_idx %arg8[%add3A_1270] : memref<8664xf32, #tpu.memory_space<vmem>>[vector<16xi32>], vector<16xf32>,
      %swap3A_1272 = arith.constant 37 : i32
      %swap3A_1273 = arith.index_cast %swap3A_1272 : i32 to index
      %swap3A_1274 = arith.index_cast %mul3A_1079 : i32 to index
      %swap3A_1275 = tpu.vector_load %arg10[%swap3A_1273, %swap3A_1274] {strides = array<i32>} : memref<50x512xf32, #tpu.memory_space<vmem>>, vector<16xf32>,
      tpu.vector_store %arg10[%swap3A_1273, %swap3A_1274], %gather3A_1271 {strides = array<i32>} : memref<50x512xf32, #tpu.memory_space<vmem>>, vector<16xf32>,
      %broadcast_in_dim3A_1276 = arith.constant 8314 : i32
      %broadcast_in_dim3A_1277 = vector.broadcast %broadcast_in_dim3A_1276 : i32 to vector<16xi32>
      %add3A_1278 = arith.addi %convert_element_type3A_1235, %broadcast_in_dim3A_1277 : vector<16xi32>
      %gather3A_1279 = tpu.vector_load_idx %arg8[%add3A_1278] : memref<8664xf32, #tpu.memory_space<vmem>>[vector<16xi32>], vector<16xf32>,
      %swap3A_1280 = arith.constant 38 : i32
      %swap3A_1281 = arith.index_cast %swap3A_1280 : i32 to index
      %swap3A_1282 = arith.index_cast %mul3A_1079 : i32 to index
      %swap3A_1283 = tpu.vector_load %arg10[%swap3A_1281, %swap3A_1282] {strides = array<i32>} : memref<50x512xf32, #tpu.memory_space<vmem>>, vector<16xf32>,
      tpu.vector_store %arg10[%swap3A_1281, %swap3A_1282], %gather3A_1279 {strides = array<i32>} : memref<50x512xf32, #tpu.memory_space<vmem>>, vector<16xf32>,
      %broadcast_in_dim3A_1284 = arith.constant 8364 : i32
      %broadcast_in_dim3A_1285 = vector.broadcast %broadcast_in_dim3A_1284 : i32 to vector<16xi32>
      %add3A_1286 = arith.addi %convert_element_type3A_1235, %broadcast_in_dim3A_1285 : vector<16xi32>
      %gather3A_1287 = tpu.vector_load_idx %arg8[%add3A_1286] : memref<8664xf32, #tpu.memory_space<vmem>>[vector<16xi32>], vector<16xf32>,
      %swap3A_1288 = arith.constant 39 : i32
      %swap3A_1289 = arith.index_cast %swap3A_1288 : i32 to index
      %swap3A_1290 = arith.index_cast %mul3A_1079 : i32 to index
      %swap3A_1291 = tpu.vector_load %arg10[%swap3A_1289, %swap3A_1290] {strides = array<i32>} : memref<50x512xf32, #tpu.memory_space<vmem>>, vector<16xf32>,
      tpu.vector_store %arg10[%swap3A_1289, %swap3A_1290], %gather3A_1287 {strides = array<i32>} : memref<50x512xf32, #tpu.memory_space<vmem>>, vector<16xf32>,
      %broadcast_in_dim3A_1292 = arith.constant 8414 : i32
      %broadcast_in_dim3A_1293 = vector.broadcast %broadcast_in_dim3A_1292 : i32 to vector<16xi32>
      %add3A_1294 = arith.addi %convert_element_type3A_1235, %broadcast_in_dim3A_1293 : vector<16xi32>
      %gather3A_1295 = tpu.vector_load_idx %arg8[%add3A_1294] : memref<8664xf32, #tpu.memory_space<vmem>>[vector<16xi32>], vector<16xf32>,
      %swap3A_1296 = arith.constant 40 : i32
      %swap3A_1297 = arith.index_cast %swap3A_1296 : i32 to index
      %swap3A_1298 = arith.index_cast %mul3A_1079 : i32 to index
      %swap3A_1299 = tpu.vector_load %arg10[%swap3A_1297, %swap3A_1298] {strides = array<i32>} : memref<50x512xf32, #tpu.memory_space<vmem>>, vector<16xf32>,
      tpu.vector_store %arg10[%swap3A_1297, %swap3A_1298], %gather3A_1295 {strides = array<i32>} : memref<50x512xf32, #tpu.memory_space<vmem>>, vector<16xf32>,
      %get3A_1300 = arith.constant 7 : i32
      %get3A_1301 = arith.index_cast %get3A_1300 : i32 to index
      %get3A_1302 = arith.index_cast %mul3A_1079 : i32 to index
      %get3A_1303 = tpu.vector_load %arg7[%get3A_1301, %get3A_1302] {strides = array<i32>} : memref<10x512xf32, #tpu.memory_space<vmem>>, vector<16xf32>,
      %convert_element_type3A_1304 = arith.fptosi %get3A_1303 : vector<16xf32> to vector<16xi32>
      %broadcast_in_dim3A_1305 = arith.constant 8464 : i32
      %broadcast_in_dim3A_1306 = vector.broadcast %broadcast_in_dim3A_1305 : i32 to vector<16xi32>
      %add3A_1307 = arith.addi %convert_element_type3A_1304, %broadcast_in_dim3A_1306 : vector<16xi32>
      %gather3A_1308 = tpu.vector_load_idx %arg8[%add3A_1307] : memref<8664xf32, #tpu.memory_space<vmem>>[vector<16xi32>], vector<16xf32>,
      %swap3A_1309 = arith.constant 41 : i32
      %swap3A_1310 = arith.index_cast %swap3A_1309 : i32 to index
      %swap3A_1311 = arith.index_cast %mul3A_1079 : i32 to index
      %swap3A_1312 = tpu.vector_load %arg10[%swap3A_1310, %swap3A_1311] {strides = array<i32>} : memref<50x512xf32, #tpu.memory_space<vmem>>, vector<16xf32>,
      tpu.vector_store %arg10[%swap3A_1310, %swap3A_1311], %gather3A_1308 {strides = array<i32>} : memref<50x512xf32, #tpu.memory_space<vmem>>, vector<16xf32>,
      %broadcast_in_dim3A_1313 = arith.constant 8484 : i32
      %broadcast_in_dim3A_1314 = vector.broadcast %broadcast_in_dim3A_1313 : i32 to vector<16xi32>
      %add3A_1315 = arith.addi %convert_element_type3A_1304, %broadcast_in_dim3A_1314 : vector<16xi32>
      %gather3A_1316 = tpu.vector_load_idx %arg8[%add3A_1315] : memref<8664xf32, #tpu.memory_space<vmem>>[vector<16xi32>], vector<16xf32>,
      %swap3A_1317 = arith.constant 42 : i32
      %swap3A_1318 = arith.index_cast %swap3A_1317 : i32 to index
      %swap3A_1319 = arith.index_cast %mul3A_1079 : i32 to index
      %swap3A_1320 = tpu.vector_load %arg10[%swap3A_1318, %swap3A_1319] {strides = array<i32>} : memref<50x512xf32, #tpu.memory_space<vmem>>, vector<16xf32>,
      tpu.vector_store %arg10[%swap3A_1318, %swap3A_1319], %gather3A_1316 {strides = array<i32>} : memref<50x512xf32, #tpu.memory_space<vmem>>, vector<16xf32>,
      %broadcast_in_dim3A_1321 = arith.constant 8504 : i32
      %broadcast_in_dim3A_1322 = vector.broadcast %broadcast_in_dim3A_1321 : i32 to vector<16xi32>
      %add3A_1323 = arith.addi %convert_element_type3A_1304, %broadcast_in_dim3A_1322 : vector<16xi32>
      %gather3A_1324 = tpu.vector_load_idx %arg8[%add3A_1323] : memref<8664xf32, #tpu.memory_space<vmem>>[vector<16xi32>], vector<16xf32>,
      %swap3A_1325 = arith.constant 43 : i32
      %swap3A_1326 = arith.index_cast %swap3A_1325 : i32 to index
      %swap3A_1327 = arith.index_cast %mul3A_1079 : i32 to index
      %swap3A_1328 = tpu.vector_load %arg10[%swap3A_1326, %swap3A_1327] {strides = array<i32>} : memref<50x512xf32, #tpu.memory_space<vmem>>, vector<16xf32>,
      tpu.vector_store %arg10[%swap3A_1326, %swap3A_1327], %gather3A_1324 {strides = array<i32>} : memref<50x512xf32, #tpu.memory_space<vmem>>, vector<16xf32>,
      %broadcast_in_dim3A_1329 = arith.constant 8524 : i32
      %broadcast_in_dim3A_1330 = vector.broadcast %broadcast_in_dim3A_1329 : i32 to vector<16xi32>
      %add3A_1331 = arith.addi %convert_element_type3A_1304, %broadcast_in_dim3A_1330 : vector<16xi32>
      %gather3A_1332 = tpu.vector_load_idx %arg8[%add3A_1331] : memref<8664xf32, #tpu.memory_space<vmem>>[vector<16xi32>], vector<16xf32>,
      %swap3A_1333 = arith.constant 44 : i32
      %swap3A_1334 = arith.index_cast %swap3A_1333 : i32 to index
      %swap3A_1335 = arith.index_cast %mul3A_1079 : i32 to index
      %swap3A_1336 = tpu.vector_load %arg10[%swap3A_1334, %swap3A_1335] {strides = array<i32>} : memref<50x512xf32, #tpu.memory_space<vmem>>, vector<16xf32>,
      tpu.vector_store %arg10[%swap3A_1334, %swap3A_1335], %gather3A_1332 {strides = array<i32>} : memref<50x512xf32, #tpu.memory_space<vmem>>, vector<16xf32>,
      %get3A_1337 = arith.constant 8 : i32
      %get3A_1338 = arith.index_cast %get3A_1337 : i32 to index
      %get3A_1339 = arith.index_cast %mul3A_1079 : i32 to index
      %get3A_1340 = tpu.vector_load %arg7[%get3A_1338, %get3A_1339] {strides = array<i32>} : memref<10x512xf32, #tpu.memory_space<vmem>>, vector<16xf32>,
      %convert_element_type3A_1341 = arith.fptosi %get3A_1340 : vector<16xf32> to vector<16xi32>
      %broadcast_in_dim3A_1342 = arith.constant 8544 : i32
      %broadcast_in_dim3A_1343 = vector.broadcast %broadcast_in_dim3A_1342 : i32 to vector<16xi32>
      %add3A_1344 = arith.addi %convert_element_type3A_1341, %broadcast_in_dim3A_1343 : vector<16xi32>
      %gather3A_1345 = tpu.vector_load_idx %arg8[%add3A_1344] : memref<8664xf32, #tpu.memory_space<vmem>>[vector<16xi32>], vector<16xf32>,
      %swap3A_1346 = arith.constant 45 : i32
      %swap3A_1347 = arith.index_cast %swap3A_1346 : i32 to index
      %swap3A_1348 = arith.index_cast %mul3A_1079 : i32 to index
      %swap3A_1349 = tpu.vector_load %arg10[%swap3A_1347, %swap3A_1348] {strides = array<i32>} : memref<50x512xf32, #tpu.memory_space<vmem>>, vector<16xf32>,
      tpu.vector_store %arg10[%swap3A_1347, %swap3A_1348], %gather3A_1345 {strides = array<i32>} : memref<50x512xf32, #tpu.memory_space<vmem>>, vector<16xf32>,
      %broadcast_in_dim3A_1350 = arith.constant 8574 : i32
      %broadcast_in_dim3A_1351 = vector.broadcast %broadcast_in_dim3A_1350 : i32 to vector<16xi32>
      %add3A_1352 = arith.addi %convert_element_type3A_1341, %broadcast_in_dim3A_1351 : vector<16xi32>
      %gather3A_1353 = tpu.vector_load_idx %arg8[%add3A_1352] : memref<8664xf32, #tpu.memory_space<vmem>>[vector<16xi32>], vector<16xf32>,
      %swap3A_1354 = arith.constant 46 : i32
      %swap3A_1355 = arith.index_cast %swap3A_1354 : i32 to index
      %swap3A_1356 = arith.index_cast %mul3A_1079 : i32 to index
      %swap3A_1357 = tpu.vector_load %arg10[%swap3A_1355, %swap3A_1356] {strides = array<i32>} : memref<50x512xf32, #tpu.memory_space<vmem>>, vector<16xf32>,
      tpu.vector_store %arg10[%swap3A_1355, %swap3A_1356], %gather3A_1353 {strides = array<i32>} : memref<50x512xf32, #tpu.memory_space<vmem>>, vector<16xf32>,
      %broadcast_in_dim3A_1358 = arith.constant 8604 : i32
      %broadcast_in_dim3A_1359 = vector.broadcast %broadcast_in_dim3A_1358 : i32 to vector<16xi32>
      %add3A_1360 = arith.addi %convert_element_type3A_1341, %broadcast_in_dim3A_1359 : vector<16xi32>
      %gather3A_1361 = tpu.vector_load_idx %arg8[%add3A_1360] : memref<8664xf32, #tpu.memory_space<vmem>>[vector<16xi32>], vector<16xf32>,
      %swap3A_1362 = arith.constant 47 : i32
      %swap3A_1363 = arith.index_cast %swap3A_1362 : i32 to index
      %swap3A_1364 = arith.index_cast %mul3A_1079 : i32 to index
      %swap3A_1365 = tpu.vector_load %arg10[%swap3A_1363, %swap3A_1364] {strides = array<i32>} : memref<50x512xf32, #tpu.memory_space<vmem>>, vector<16xf32>,
      tpu.vector_store %arg10[%swap3A_1363, %swap3A_1364], %gather3A_1361 {strides = array<i32>} : memref<50x512xf32, #tpu.memory_space<vmem>>, vector<16xf32>,
      %broadcast_in_dim3A_1366 = arith.constant 8634 : i32
      %broadcast_in_dim3A_1367 = vector.broadcast %broadcast_in_dim3A_1366 : i32 to vector<16xi32>
      %add3A_1368 = arith.addi %convert_element_type3A_1341, %broadcast_in_dim3A_1367 : vector<16xi32>
      %gather3A_1369 = tpu.vector_load_idx %arg8[%add3A_1368] : memref<8664xf32, #tpu.memory_space<vmem>>[vector<16xi32>], vector<16xf32>,
      %swap3A_1370 = arith.constant 48 : i32
      %swap3A_1371 = arith.index_cast %swap3A_1370 : i32 to index
      %swap3A_1372 = arith.index_cast %mul3A_1079 : i32 to index
      %swap3A_1373 = tpu.vector_load %arg10[%swap3A_1371, %swap3A_1372] {strides = array<i32>} : memref<50x512xf32, #tpu.memory_space<vmem>>, vector<16xf32>,
      tpu.vector_store %arg10[%swap3A_1371, %swap3A_1372], %gather3A_1369 {strides = array<i32>} : memref<50x512xf32, #tpu.memory_space<vmem>>, vector<16xf32>,
      %get3A_1374 = arith.constant 9 : i32
      %get3A_1375 = arith.index_cast %get3A_1374 : i32 to index
      %get3A_1376 = arith.index_cast %mul3A_1079 : i32 to index
      %get3A_1377 = tpu.vector_load %arg7[%get3A_1375, %get3A_1376] {strides = array<i32>} : memref<10x512xf32, #tpu.memory_space<vmem>>, vector<16xf32>,
      %swap3A_1378 = arith.constant 49 : i32
      %swap3A_1379 = arith.index_cast %swap3A_1378 : i32 to index
      %swap3A_1380 = arith.index_cast %mul3A_1079 : i32 to index
      %swap3A_1381 = tpu.vector_load %arg10[%swap3A_1379, %swap3A_1380] {strides = array<i32>} : memref<50x512xf32, #tpu.memory_space<vmem>>, vector<16xf32>,
      tpu.vector_store %arg10[%swap3A_1379, %swap3A_1380], %get3A_1377 {strides = array<i32>} : memref<50x512xf32, #tpu.memory_space<vmem>>, vector<16xf32>,
    }
    %scan3A_544 = arith.constant 32 : i32
    %dma_start3A_545 = arith.constant 16 : i32
    %dma_start3A_546 = arith.constant 0 : i32
    %dma_start3A_547 = tpu.memref_slice %arg10[%dma_start3A_545, %dma_start3A_546] : memref<50x512xf32, #tpu.memory_space<vmem>> -> memref<34x512xf32, #tpu.memory_space<vmem>>
    %dma_start3A_548 = arith.constant 16 : i32
    %dma_start3A_549 = tpu.memref_slice %arg6[%dma_start3A_548, %mul3A_2] : memref<50x16384xf32, #tpu.memory_space<hbm>> -> memref<34x512xf32, #tpu.memory_space<hbm>>
    %dma_start3A_550 = arith.constant 16 : i32
    %dma_start3A_551 = tpu.memref_slice %arg6[%dma_start3A_550, %mul3A_2] : memref<50x16384xf32, #tpu.memory_space<hbm>> -> memref<34x512xf32, #tpu.memory_space<hbm>>
    %dma_start3A_552 = arith.constant 16 : i32
    %dma_start3A_553 = arith.constant 0 : i32
    %dma_start3A_554 = tpu.memref_slice %arg10[%dma_start3A_552, %dma_start3A_553] : memref<50x512xf32, #tpu.memory_space<vmem>> -> memref<34x512xf32, #tpu.memory_space<vmem>>
    tpu.enqueue_dma source(%dma_start3A_554 : memref<34x512xf32, #tpu.memory_space<vmem>>) target(%dma_start3A_551 : memref<34x512xf32, #tpu.memory_space<hbm>>) target_semaphore(%arg12 : memref<!tpu.dma_semaphore, #tpu.memory_space<semaphore_mem>>)
    %dma_wait3A_555 = arith.constant 0 : i32
    %dma_wait3A_556 = arith.constant 0 : i32
    %dma_wait3A_557 = tpu.memref_slice %arg10[%dma_wait3A_555, %dma_wait3A_556] : memref<50x512xf32, #tpu.memory_space<vmem>> -> memref<1x128xf32, #tpu.memory_space<vmem>>
    %dma_wait3A_558 = tpu.memref_squeeze %dma_wait3A_557 : memref<1x128xf32, #tpu.memory_space<vmem>> -> memref<128xf32, #tpu.memory_space<vmem>>
    %dma_wait3A_559 = arith.constant 0 : i32
    %dma_wait3A_560 = tpu.memref_slice %arg9[%dma_wait3A_559] : memref<8192xi32, #tpu.memory_space<vmem>> -> memref<128xi32, #tpu.memory_space<vmem>>
    %dma_wait3A_561 = arith.constant 0 : i32
    %dma_wait3A_562 = tpu.memref_slice %arg4[%dma_wait3A_561] : memref<800000xf32, #tpu.memory_space<hbm>> -> memref<800000xf32, #tpu.memory_space<hbm>>
    tpu.wait_indirect_dma semaphore(%arg11 : memref<!tpu.dma_semaphore, #tpu.memory_space<semaphore_mem>>) src(%dma_wait3A_562 : memref<800000xf32, #tpu.memory_space<hbm>>) dst(%dma_wait3A_558 : memref<128xf32, #tpu.memory_space<vmem>>)
    %dma_wait3A_563 = arith.constant 1 : i32
    %dma_wait3A_564 = arith.constant 0 : i32
    %dma_wait3A_565 = tpu.memref_slice %arg10[%dma_wait3A_563, %dma_wait3A_564] : memref<50x512xf32, #tpu.memory_space<vmem>> -> memref<1x128xf32, #tpu.memory_space<vmem>>
    %dma_wait3A_566 = tpu.memref_squeeze %dma_wait3A_565 : memref<1x128xf32, #tpu.memory_space<vmem>> -> memref<128xf32, #tpu.memory_space<vmem>>
    %dma_wait3A_567 = arith.constant 512 : i32
    %dma_wait3A_568 = tpu.memref_slice %arg9[%dma_wait3A_567] : memref<8192xi32, #tpu.memory_space<vmem>> -> memref<128xi32, #tpu.memory_space<vmem>>
    %dma_wait3A_569 = arith.constant 0 : i32
    %dma_wait3A_570 = tpu.memref_slice %arg4[%dma_wait3A_569] : memref<800000xf32, #tpu.memory_space<hbm>> -> memref<800000xf32, #tpu.memory_space<hbm>>
    tpu.wait_indirect_dma semaphore(%arg11 : memref<!tpu.dma_semaphore, #tpu.memory_space<semaphore_mem>>) src(%dma_wait3A_570 : memref<800000xf32, #tpu.memory_space<hbm>>) dst(%dma_wait3A_566 : memref<128xf32, #tpu.memory_space<vmem>>)
    %dma_wait3A_571 = arith.constant 2 : i32
    %dma_wait3A_572 = arith.constant 0 : i32
    %dma_wait3A_573 = tpu.memref_slice %arg10[%dma_wait3A_571, %dma_wait3A_572] : memref<50x512xf32, #tpu.memory_space<vmem>> -> memref<1x128xf32, #tpu.memory_space<vmem>>
    %dma_wait3A_574 = tpu.memref_squeeze %dma_wait3A_573 : memref<1x128xf32, #tpu.memory_space<vmem>> -> memref<128xf32, #tpu.memory_space<vmem>>
    %dma_wait3A_575 = arith.constant 1024 : i32
    %dma_wait3A_576 = tpu.memref_slice %arg9[%dma_wait3A_575] : memref<8192xi32, #tpu.memory_space<vmem>> -> memref<128xi32, #tpu.memory_space<vmem>>
    %dma_wait3A_577 = arith.constant 0 : i32
    %dma_wait3A_578 = tpu.memref_slice %arg4[%dma_wait3A_577] : memref<800000xf32, #tpu.memory_space<hbm>> -> memref<800000xf32, #tpu.memory_space<hbm>>
    tpu.wait_indirect_dma semaphore(%arg11 : memref<!tpu.dma_semaphore, #tpu.memory_space<semaphore_mem>>) src(%dma_wait3A_578 : memref<800000xf32, #tpu.memory_space<hbm>>) dst(%dma_wait3A_574 : memref<128xf32, #tpu.memory_space<vmem>>)
    %dma_wait3A_579 = arith.constant 3 : i32
    %dma_wait3A_580 = arith.constant 0 : i32
    %dma_wait3A_581 = tpu.memref_slice %arg10[%dma_wait3A_579, %dma_wait3A_580] : memref<50x512xf32, #tpu.memory_space<vmem>> -> memref<1x128xf32, #tpu.memory_space<vmem>>
    %dma_wait3A_582 = tpu.memref_squeeze %dma_wait3A_581 : memref<1x128xf32, #tpu.memory_space<vmem>> -> memref<128xf32, #tpu.memory_space<vmem>>
    %dma_wait3A_583 = arith.constant 1536 : i32
    %dma_wait3A_584 = tpu.memref_slice %arg9[%dma_wait3A_583] : memref<8192xi32, #tpu.memory_space<vmem>> -> memref<128xi32, #tpu.memory_space<vmem>>
    %dma_wait3A_585 = arith.constant 0 : i32
    %dma_wait3A_586 = tpu.memref_slice %arg4[%dma_wait3A_585] : memref<800000xf32, #tpu.memory_space<hbm>> -> memref<800000xf32, #tpu.memory_space<hbm>>
    tpu.wait_indirect_dma semaphore(%arg11 : memref<!tpu.dma_semaphore, #tpu.memory_space<semaphore_mem>>) src(%dma_wait3A_586 : memref<800000xf32, #tpu.memory_space<hbm>>) dst(%dma_wait3A_582 : memref<128xf32, #tpu.memory_space<vmem>>)
    %dma_wait3A_587 = arith.constant 4 : i32
    %dma_wait3A_588 = arith.constant 0 : i32
    %dma_wait3A_589 = tpu.memref_slice %arg10[%dma_wait3A_587, %dma_wait3A_588] : memref<50x512xf32, #tpu.memory_space<vmem>> -> memref<1x128xf32, #tpu.memory_space<vmem>>
    %dma_wait3A_590 = tpu.memref_squeeze %dma_wait3A_589 : memref<1x128xf32, #tpu.memory_space<vmem>> -> memref<128xf32, #tpu.memory_space<vmem>>
    %dma_wait3A_591 = arith.constant 2048 : i32
    %dma_wait3A_592 = tpu.memref_slice %arg9[%dma_wait3A_591] : memref<8192xi32, #tpu.memory_space<vmem>> -> memref<128xi32, #tpu.memory_space<vmem>>
    %dma_wait3A_593 = arith.constant 0 : i32
    %dma_wait3A_594 = tpu.memref_slice %arg4[%dma_wait3A_593] : memref<800000xf32, #tpu.memory_space<hbm>> -> memref<800000xf32, #tpu.memory_space<hbm>>
    tpu.wait_indirect_dma semaphore(%arg11 : memref<!tpu.dma_semaphore, #tpu.memory_space<semaphore_mem>>) src(%dma_wait3A_594 : memref<800000xf32, #tpu.memory_space<hbm>>) dst(%dma_wait3A_590 : memref<128xf32, #tpu.memory_space<vmem>>)
    %dma_wait3A_595 = arith.constant 5 : i32
    %dma_wait3A_596 = arith.constant 0 : i32
    %dma_wait3A_597 = tpu.memref_slice %arg10[%dma_wait3A_595, %dma_wait3A_596] : memref<50x512xf32, #tpu.memory_space<vmem>> -> memref<1x128xf32, #tpu.memory_space<vmem>>
    %dma_wait3A_598 = tpu.memref_squeeze %dma_wait3A_597 : memref<1x128xf32, #tpu.memory_space<vmem>> -> memref<128xf32, #tpu.memory_space<vmem>>
    %dma_wait3A_599 = arith.constant 2560 : i32
    %dma_wait3A_600 = tpu.memref_slice %arg9[%dma_wait3A_599] : memref<8192xi32, #tpu.memory_space<vmem>> -> memref<128xi32, #tpu.memory_space<vmem>>
    %dma_wait3A_601 = arith.constant 0 : i32
    %dma_wait3A_602 = tpu.memref_slice %arg4[%dma_wait3A_601] : memref<800000xf32, #tpu.memory_space<hbm>> -> memref<800000xf32, #tpu.memory_space<hbm>>
    tpu.wait_indirect_dma semaphore(%arg11 : memref<!tpu.dma_semaphore, #tpu.memory_space<semaphore_mem>>) src(%dma_wait3A_602 : memref<800000xf32, #tpu.memory_space<hbm>>) dst(%dma_wait3A_598 : memref<128xf32, #tpu.memory_space<vmem>>)
    %dma_wait3A_603 = arith.constant 6 : i32
    %dma_wait3A_604 = arith.constant 0 : i32
    %dma_wait3A_605 = tpu.memref_slice %arg10[%dma_wait3A_603, %dma_wait3A_604] : memref<50x512xf32, #tpu.memory_space<vmem>> -> memref<1x128xf32, #tpu.memory_space<vmem>>
    %dma_wait3A_606 = tpu.memref_squeeze %dma_wait3A_605 : memref<1x128xf32, #tpu.memory_space<vmem>> -> memref<128xf32, #tpu.memory_space<vmem>>
    %dma_wait3A_607 = arith.constant 3072 : i32
    %dma_wait3A_608 = tpu.memref_slice %arg9[%dma_wait3A_607] : memref<8192xi32, #tpu.memory_space<vmem>> -> memref<128xi32, #tpu.memory_space<vmem>>
    %dma_wait3A_609 = arith.constant 0 : i32
    %dma_wait3A_610 = tpu.memref_slice %arg4[%dma_wait3A_609] : memref<800000xf32, #tpu.memory_space<hbm>> -> memref<800000xf32, #tpu.memory_space<hbm>>
    tpu.wait_indirect_dma semaphore(%arg11 : memref<!tpu.dma_semaphore, #tpu.memory_space<semaphore_mem>>) src(%dma_wait3A_610 : memref<800000xf32, #tpu.memory_space<hbm>>) dst(%dma_wait3A_606 : memref<128xf32, #tpu.memory_space<vmem>>)
    %dma_wait3A_611 = arith.constant 7 : i32
    %dma_wait3A_612 = arith.constant 0 : i32
    %dma_wait3A_613 = tpu.memref_slice %arg10[%dma_wait3A_611, %dma_wait3A_612] : memref<50x512xf32, #tpu.memory_space<vmem>> -> memref<1x128xf32, #tpu.memory_space<vmem>>
    %dma_wait3A_614 = tpu.memref_squeeze %dma_wait3A_613 : memref<1x128xf32, #tpu.memory_space<vmem>> -> memref<128xf32, #tpu.memory_space<vmem>>
    %dma_wait3A_615 = arith.constant 3584 : i32
    %dma_wait3A_616 = tpu.memref_slice %arg9[%dma_wait3A_615] : memref<8192xi32, #tpu.memory_space<vmem>> -> memref<128xi32, #tpu.memory_space<vmem>>
    %dma_wait3A_617 = arith.constant 0 : i32
    %dma_wait3A_618 = tpu.memref_slice %arg4[%dma_wait3A_617] : memref<800000xf32, #tpu.memory_space<hbm>> -> memref<800000xf32, #tpu.memory_space<hbm>>
    tpu.wait_indirect_dma semaphore(%arg11 : memref<!tpu.dma_semaphore, #tpu.memory_space<semaphore_mem>>) src(%dma_wait3A_618 : memref<800000xf32, #tpu.memory_space<hbm>>) dst(%dma_wait3A_614 : memref<128xf32, #tpu.memory_space<vmem>>)
    %dma_wait3A_619 = arith.constant 8 : i32
    %dma_wait3A_620 = arith.constant 0 : i32
    %dma_wait3A_621 = tpu.memref_slice %arg10[%dma_wait3A_619, %dma_wait3A_620] : memref<50x512xf32, #tpu.memory_space<vmem>> -> memref<1x128xf32, #tpu.memory_space<vmem>>
    %dma_wait3A_622 = tpu.memref_squeeze %dma_wait3A_621 : memref<1x128xf32, #tpu.memory_space<vmem>> -> memref<128xf32, #tpu.memory_space<vmem>>
    %dma_wait3A_623 = arith.constant 4096 : i32
    %dma_wait3A_624 = tpu.memref_slice %arg9[%dma_wait3A_623] : memref<8192xi32, #tpu.memory_space<vmem>> -> memref<128xi32, #tpu.memory_space<vmem>>
    %dma_wait3A_625 = arith.constant 0 : i32
    %dma_wait3A_626 = tpu.memref_slice %arg5[%dma_wait3A_625] : memref<800000xf32, #tpu.memory_space<hbm>> -> memref<800000xf32, #tpu.memory_space<hbm>>
    tpu.wait_indirect_dma semaphore(%arg11 : memref<!tpu.dma_semaphore, #tpu.memory_space<semaphore_mem>>) src(%dma_wait3A_626 : memref<800000xf32, #tpu.memory_space<hbm>>) dst(%dma_wait3A_622 : memref<128xf32, #tpu.memory_space<vmem>>)
    %dma_wait3A_627 = arith.constant 9 : i32
    %dma_wait3A_628 = arith.constant 0 : i32
    %dma_wait3A_629 = tpu.memref_slice %arg10[%dma_wait3A_627, %dma_wait3A_628] : memref<50x512xf32, #tpu.memory_space<vmem>> -> memref<1x128xf32, #tpu.memory_space<vmem>>
    %dma_wait3A_630 = tpu.memref_squeeze %dma_wait3A_629 : memref<1x128xf32, #tpu.memory_space<vmem>> -> memref<128xf32, #tpu.memory_space<vmem>>
    %dma_wait3A_631 = arith.constant 4608 : i32
    %dma_wait3A_632 = tpu.memref_slice %arg9[%dma_wait3A_631] : memref<8192xi32, #tpu.memory_space<vmem>> -> memref<128xi32, #tpu.memory_space<vmem>>
    %dma_wait3A_633 = arith.constant 0 : i32
    %dma_wait3A_634 = tpu.memref_slice %arg5[%dma_wait3A_633] : memref<800000xf32, #tpu.memory_space<hbm>> -> memref<800000xf32, #tpu.memory_space<hbm>>
    tpu.wait_indirect_dma semaphore(%arg11 : memref<!tpu.dma_semaphore, #tpu.memory_space<semaphore_mem>>) src(%dma_wait3A_634 : memref<800000xf32, #tpu.memory_space<hbm>>) dst(%dma_wait3A_630 : memref<128xf32, #tpu.memory_space<vmem>>)
    %dma_wait3A_635 = arith.constant 10 : i32
    %dma_wait3A_636 = arith.constant 0 : i32
    %dma_wait3A_637 = tpu.memref_slice %arg10[%dma_wait3A_635, %dma_wait3A_636] : memref<50x512xf32, #tpu.memory_space<vmem>> -> memref<1x128xf32, #tpu.memory_space<vmem>>
    %dma_wait3A_638 = tpu.memref_squeeze %dma_wait3A_637 : memref<1x128xf32, #tpu.memory_space<vmem>> -> memref<128xf32, #tpu.memory_space<vmem>>
    %dma_wait3A_639 = arith.constant 5120 : i32
    %dma_wait3A_640 = tpu.memref_slice %arg9[%dma_wait3A_639] : memref<8192xi32, #tpu.memory_space<vmem>> -> memref<128xi32, #tpu.memory_space<vmem>>
    %dma_wait3A_641 = arith.constant 0 : i32
    %dma_wait3A_642 = tpu.memref_slice %arg5[%dma_wait3A_641] : memref<800000xf32, #tpu.memory_space<hbm>> -> memref<800000xf32, #tpu.memory_space<hbm>>
    tpu.wait_indirect_dma semaphore(%arg11 : memref<!tpu.dma_semaphore, #tpu.memory_space<semaphore_mem>>) src(%dma_wait3A_642 : memref<800000xf32, #tpu.memory_space<hbm>>) dst(%dma_wait3A_638 : memref<128xf32, #tpu.memory_space<vmem>>)
    %dma_wait3A_643 = arith.constant 11 : i32
    %dma_wait3A_644 = arith.constant 0 : i32
    %dma_wait3A_645 = tpu.memref_slice %arg10[%dma_wait3A_643, %dma_wait3A_644] : memref<50x512xf32, #tpu.memory_space<vmem>> -> memref<1x128xf32, #tpu.memory_space<vmem>>
    %dma_wait3A_646 = tpu.memref_squeeze %dma_wait3A_645 : memref<1x128xf32, #tpu.memory_space<vmem>> -> memref<128xf32, #tpu.memory_space<vmem>>
    %dma_wait3A_647 = arith.constant 5632 : i32
    %dma_wait3A_648 = tpu.memref_slice %arg9[%dma_wait3A_647] : memref<8192xi32, #tpu.memory_space<vmem>> -> memref<128xi32, #tpu.memory_space<vmem>>
    %dma_wait3A_649 = arith.constant 0 : i32
    %dma_wait3A_650 = tpu.memref_slice %arg5[%dma_wait3A_649] : memref<800000xf32, #tpu.memory_space<hbm>> -> memref<800000xf32, #tpu.memory_space<hbm>>
    tpu.wait_indirect_dma semaphore(%arg11 : memref<!tpu.dma_semaphore, #tpu.memory_space<semaphore_mem>>) src(%dma_wait3A_650 : memref<800000xf32, #tpu.memory_space<hbm>>) dst(%dma_wait3A_646 : memref<128xf32, #tpu.memory_space<vmem>>)
    %dma_wait3A_651 = arith.constant 12 : i32
    %dma_wait3A_652 = arith.constant 0 : i32
    %dma_wait3A_653 = tpu.memref_slice %arg10[%dma_wait3A_651, %dma_wait3A_652] : memref<50x512xf32, #tpu.memory_space<vmem>> -> memref<1x128xf32, #tpu.memory_space<vmem>>
    %dma_wait3A_654 = tpu.memref_squeeze %dma_wait3A_653 : memref<1x128xf32, #tpu.memory_space<vmem>> -> memref<128xf32, #tpu.memory_space<vmem>>
    %dma_wait3A_655 = arith.constant 6144 : i32
    %dma_wait3A_656 = tpu.memref_slice %arg9[%dma_wait3A_655] : memref<8192xi32, #tpu.memory_space<vmem>> -> memref<128xi32, #tpu.memory_space<vmem>>
    %dma_wait3A_657 = arith.constant 0 : i32
    %dma_wait3A_658 = tpu.memref_slice %arg5[%dma_wait3A_657] : memref<800000xf32, #tpu.memory_space<hbm>> -> memref<800000xf32, #tpu.memory_space<hbm>>
    tpu.wait_indirect_dma semaphore(%arg11 : memref<!tpu.dma_semaphore, #tpu.memory_space<semaphore_mem>>) src(%dma_wait3A_658 : memref<800000xf32, #tpu.memory_space<hbm>>) dst(%dma_wait3A_654 : memref<128xf32, #tpu.memory_space<vmem>>)
    %dma_wait3A_659 = arith.constant 13 : i32
    %dma_wait3A_660 = arith.constant 0 : i32
    %dma_wait3A_661 = tpu.memref_slice %arg10[%dma_wait3A_659, %dma_wait3A_660] : memref<50x512xf32, #tpu.memory_space<vmem>> -> memref<1x128xf32, #tpu.memory_space<vmem>>
    %dma_wait3A_662 = tpu.memref_squeeze %dma_wait3A_661 : memref<1x128xf32, #tpu.memory_space<vmem>> -> memref<128xf32, #tpu.memory_space<vmem>>
    %dma_wait3A_663 = arith.constant 6656 : i32
    %dma_wait3A_664 = tpu.memref_slice %arg9[%dma_wait3A_663] : memref<8192xi32, #tpu.memory_space<vmem>> -> memref<128xi32, #tpu.memory_space<vmem>>
    %dma_wait3A_665 = arith.constant 0 : i32
    %dma_wait3A_666 = tpu.memref_slice %arg5[%dma_wait3A_665] : memref<800000xf32, #tpu.memory_space<hbm>> -> memref<800000xf32, #tpu.memory_space<hbm>>
    tpu.wait_indirect_dma semaphore(%arg11 : memref<!tpu.dma_semaphore, #tpu.memory_space<semaphore_mem>>) src(%dma_wait3A_666 : memref<800000xf32, #tpu.memory_space<hbm>>) dst(%dma_wait3A_662 : memref<128xf32, #tpu.memory_space<vmem>>)
    %dma_wait3A_667 = arith.constant 14 : i32
    %dma_wait3A_668 = arith.constant 0 : i32
    %dma_wait3A_669 = tpu.memref_slice %arg10[%dma_wait3A_667, %dma_wait3A_668] : memref<50x512xf32, #tpu.memory_space<vmem>> -> memref<1x128xf32, #tpu.memory_space<vmem>>
    %dma_wait3A_670 = tpu.memref_squeeze %dma_wait3A_669 : memref<1x128xf32, #tpu.memory_space<vmem>> -> memref<128xf32, #tpu.memory_space<vmem>>
    %dma_wait3A_671 = arith.constant 7168 : i32
    %dma_wait3A_672 = tpu.memref_slice %arg9[%dma_wait3A_671] : memref<8192xi32, #tpu.memory_space<vmem>> -> memref<128xi32, #tpu.memory_space<vmem>>
    %dma_wait3A_673 = arith.constant 0 : i32
    %dma_wait3A_674 = tpu.memref_slice %arg5[%dma_wait3A_673] : memref<800000xf32, #tpu.memory_space<hbm>> -> memref<800000xf32, #tpu.memory_space<hbm>>
    tpu.wait_indirect_dma semaphore(%arg11 : memref<!tpu.dma_semaphore, #tpu.memory_space<semaphore_mem>>) src(%dma_wait3A_674 : memref<800000xf32, #tpu.memory_space<hbm>>) dst(%dma_wait3A_670 : memref<128xf32, #tpu.memory_space<vmem>>)
    %dma_wait3A_675 = arith.constant 15 : i32
    %dma_wait3A_676 = arith.constant 0 : i32
    %dma_wait3A_677 = tpu.memref_slice %arg10[%dma_wait3A_675, %dma_wait3A_676] : memref<50x512xf32, #tpu.memory_space<vmem>> -> memref<1x128xf32, #tpu.memory_space<vmem>>
    %dma_wait3A_678 = tpu.memref_squeeze %dma_wait3A_677 : memref<1x128xf32, #tpu.memory_space<vmem>> -> memref<128xf32, #tpu.memory_space<vmem>>
    %dma_wait3A_679 = arith.constant 7680 : i32
    %dma_wait3A_680 = tpu.memref_slice %arg9[%dma_wait3A_679] : memref<8192xi32, #tpu.memory_space<vmem>> -> memref<128xi32, #tpu.memory_space<vmem>>
    %dma_wait3A_681 = arith.constant 0 : i32
    %dma_wait3A_682 = tpu.memref_slice %arg5[%dma_wait3A_681] : memref<800000xf32, #tpu.memory_space<hbm>> -> memref<800000xf32, #tpu.memory_space<hbm>>
    tpu.wait_indirect_dma semaphore(%arg11 : memref<!tpu.dma_semaphore, #tpu.memory_space<semaphore_mem>>) src(%dma_wait3A_682 : memref<800000xf32, #tpu.memory_space<hbm>>) dst(%dma_wait3A_678 : memref<128xf32, #tpu.memory_space<vmem>>)
    %dma_wait3A_683 = arith.constant 0 : i32
    %dma_wait3A_684 = arith.constant 128 : i32
    %dma_wait3A_685 = tpu.memref_slice %arg10[%dma_wait3A_683, %dma_wait3A_684] : memref<50x512xf32, #tpu.memory_space<vmem>> -> memref<1x128xf32, #tpu.memory_space<vmem>>
    %dma_wait3A_686 = tpu.memref_squeeze %dma_wait3A_685 : memref<1x128xf32, #tpu.memory_space<vmem>> -> memref<128xf32, #tpu.memory_space<vmem>>
    %dma_wait3A_687 = arith.constant 128 : i32
    %dma_wait3A_688 = tpu.memref_slice %arg9[%dma_wait3A_687] : memref<8192xi32, #tpu.memory_space<vmem>> -> memref<128xi32, #tpu.memory_space<vmem>>
    %dma_wait3A_689 = arith.constant 0 : i32
    %dma_wait3A_690 = tpu.memref_slice %arg4[%dma_wait3A_689] : memref<800000xf32, #tpu.memory_space<hbm>> -> memref<800000xf32, #tpu.memory_space<hbm>>
    tpu.wait_indirect_dma semaphore(%arg11 : memref<!tpu.dma_semaphore, #tpu.memory_space<semaphore_mem>>) src(%dma_wait3A_690 : memref<800000xf32, #tpu.memory_space<hbm>>) dst(%dma_wait3A_686 : memref<128xf32, #tpu.memory_space<vmem>>)
    %dma_wait3A_691 = arith.constant 1 : i32
    %dma_wait3A_692 = arith.constant 128 : i32
    %dma_wait3A_693 = tpu.memref_slice %arg10[%dma_wait3A_691, %dma_wait3A_692] : memref<50x512xf32, #tpu.memory_space<vmem>> -> memref<1x128xf32, #tpu.memory_space<vmem>>
    %dma_wait3A_694 = tpu.memref_squeeze %dma_wait3A_693 : memref<1x128xf32, #tpu.memory_space<vmem>> -> memref<128xf32, #tpu.memory_space<vmem>>
    %dma_wait3A_695 = arith.constant 640 : i32
    %dma_wait3A_696 = tpu.memref_slice %arg9[%dma_wait3A_695] : memref<8192xi32, #tpu.memory_space<vmem>> -> memref<128xi32, #tpu.memory_space<vmem>>
    %dma_wait3A_697 = arith.constant 0 : i32
    %dma_wait3A_698 = tpu.memref_slice %arg4[%dma_wait3A_697] : memref<800000xf32, #tpu.memory_space<hbm>> -> memref<800000xf32, #tpu.memory_space<hbm>>
    tpu.wait_indirect_dma semaphore(%arg11 : memref<!tpu.dma_semaphore, #tpu.memory_space<semaphore_mem>>) src(%dma_wait3A_698 : memref<800000xf32, #tpu.memory_space<hbm>>) dst(%dma_wait3A_694 : memref<128xf32, #tpu.memory_space<vmem>>)
    %dma_wait3A_699 = arith.constant 2 : i32
    %dma_wait3A_700 = arith.constant 128 : i32
    %dma_wait3A_701 = tpu.memref_slice %arg10[%dma_wait3A_699, %dma_wait3A_700] : memref<50x512xf32, #tpu.memory_space<vmem>> -> memref<1x128xf32, #tpu.memory_space<vmem>>
    %dma_wait3A_702 = tpu.memref_squeeze %dma_wait3A_701 : memref<1x128xf32, #tpu.memory_space<vmem>> -> memref<128xf32, #tpu.memory_space<vmem>>
    %dma_wait3A_703 = arith.constant 1152 : i32
    %dma_wait3A_704 = tpu.memref_slice %arg9[%dma_wait3A_703] : memref<8192xi32, #tpu.memory_space<vmem>> -> memref<128xi32, #tpu.memory_space<vmem>>
    %dma_wait3A_705 = arith.constant 0 : i32
    %dma_wait3A_706 = tpu.memref_slice %arg4[%dma_wait3A_705] : memref<800000xf32, #tpu.memory_space<hbm>> -> memref<800000xf32, #tpu.memory_space<hbm>>
    tpu.wait_indirect_dma semaphore(%arg11 : memref<!tpu.dma_semaphore, #tpu.memory_space<semaphore_mem>>) src(%dma_wait3A_706 : memref<800000xf32, #tpu.memory_space<hbm>>) dst(%dma_wait3A_702 : memref<128xf32, #tpu.memory_space<vmem>>)
    %dma_wait3A_707 = arith.constant 3 : i32
    %dma_wait3A_708 = arith.constant 128 : i32
    %dma_wait3A_709 = tpu.memref_slice %arg10[%dma_wait3A_707, %dma_wait3A_708] : memref<50x512xf32, #tpu.memory_space<vmem>> -> memref<1x128xf32, #tpu.memory_space<vmem>>
    %dma_wait3A_710 = tpu.memref_squeeze %dma_wait3A_709 : memref<1x128xf32, #tpu.memory_space<vmem>> -> memref<128xf32, #tpu.memory_space<vmem>>
    %dma_wait3A_711 = arith.constant 1664 : i32
    %dma_wait3A_712 = tpu.memref_slice %arg9[%dma_wait3A_711] : memref<8192xi32, #tpu.memory_space<vmem>> -> memref<128xi32, #tpu.memory_space<vmem>>
    %dma_wait3A_713 = arith.constant 0 : i32
    %dma_wait3A_714 = tpu.memref_slice %arg4[%dma_wait3A_713] : memref<800000xf32, #tpu.memory_space<hbm>> -> memref<800000xf32, #tpu.memory_space<hbm>>
    tpu.wait_indirect_dma semaphore(%arg11 : memref<!tpu.dma_semaphore, #tpu.memory_space<semaphore_mem>>) src(%dma_wait3A_714 : memref<800000xf32, #tpu.memory_space<hbm>>) dst(%dma_wait3A_710 : memref<128xf32, #tpu.memory_space<vmem>>)
    %dma_wait3A_715 = arith.constant 4 : i32
    %dma_wait3A_716 = arith.constant 128 : i32
    %dma_wait3A_717 = tpu.memref_slice %arg10[%dma_wait3A_715, %dma_wait3A_716] : memref<50x512xf32, #tpu.memory_space<vmem>> -> memref<1x128xf32, #tpu.memory_space<vmem>>
    %dma_wait3A_718 = tpu.memref_squeeze %dma_wait3A_717 : memref<1x128xf32, #tpu.memory_space<vmem>> -> memref<128xf32, #tpu.memory_space<vmem>>
    %dma_wait3A_719 = arith.constant 2176 : i32
    %dma_wait3A_720 = tpu.memref_slice %arg9[%dma_wait3A_719] : memref<8192xi32, #tpu.memory_space<vmem>> -> memref<128xi32, #tpu.memory_space<vmem>>
    %dma_wait3A_721 = arith.constant 0 : i32
    %dma_wait3A_722 = tpu.memref_slice %arg4[%dma_wait3A_721] : memref<800000xf32, #tpu.memory_space<hbm>> -> memref<800000xf32, #tpu.memory_space<hbm>>
    tpu.wait_indirect_dma semaphore(%arg11 : memref<!tpu.dma_semaphore, #tpu.memory_space<semaphore_mem>>) src(%dma_wait3A_722 : memref<800000xf32, #tpu.memory_space<hbm>>) dst(%dma_wait3A_718 : memref<128xf32, #tpu.memory_space<vmem>>)
    %dma_wait3A_723 = arith.constant 5 : i32
    %dma_wait3A_724 = arith.constant 128 : i32
    %dma_wait3A_725 = tpu.memref_slice %arg10[%dma_wait3A_723, %dma_wait3A_724] : memref<50x512xf32, #tpu.memory_space<vmem>> -> memref<1x128xf32, #tpu.memory_space<vmem>>
    %dma_wait3A_726 = tpu.memref_squeeze %dma_wait3A_725 : memref<1x128xf32, #tpu.memory_space<vmem>> -> memref<128xf32, #tpu.memory_space<vmem>>
    %dma_wait3A_727 = arith.constant 2688 : i32
    %dma_wait3A_728 = tpu.memref_slice %arg9[%dma_wait3A_727] : memref<8192xi32, #tpu.memory_space<vmem>> -> memref<128xi32, #tpu.memory_space<vmem>>
    %dma_wait3A_729 = arith.constant 0 : i32
    %dma_wait3A_730 = tpu.memref_slice %arg4[%dma_wait3A_729] : memref<800000xf32, #tpu.memory_space<hbm>> -> memref<800000xf32, #tpu.memory_space<hbm>>
    tpu.wait_indirect_dma semaphore(%arg11 : memref<!tpu.dma_semaphore, #tpu.memory_space<semaphore_mem>>) src(%dma_wait3A_730 : memref<800000xf32, #tpu.memory_space<hbm>>) dst(%dma_wait3A_726 : memref<128xf32, #tpu.memory_space<vmem>>)
    %dma_wait3A_731 = arith.constant 6 : i32
    %dma_wait3A_732 = arith.constant 128 : i32
    %dma_wait3A_733 = tpu.memref_slice %arg10[%dma_wait3A_731, %dma_wait3A_732] : memref<50x512xf32, #tpu.memory_space<vmem>> -> memref<1x128xf32, #tpu.memory_space<vmem>>
    %dma_wait3A_734 = tpu.memref_squeeze %dma_wait3A_733 : memref<1x128xf32, #tpu.memory_space<vmem>> -> memref<128xf32, #tpu.memory_space<vmem>>
    %dma_wait3A_735 = arith.constant 3200 : i32
    %dma_wait3A_736 = tpu.memref_slice %arg9[%dma_wait3A_735] : memref<8192xi32, #tpu.memory_space<vmem>> -> memref<128xi32, #tpu.memory_space<vmem>>
    %dma_wait3A_737 = arith.constant 0 : i32
    %dma_wait3A_738 = tpu.memref_slice %arg4[%dma_wait3A_737] : memref<800000xf32, #tpu.memory_space<hbm>> -> memref<800000xf32, #tpu.memory_space<hbm>>
    tpu.wait_indirect_dma semaphore(%arg11 : memref<!tpu.dma_semaphore, #tpu.memory_space<semaphore_mem>>) src(%dma_wait3A_738 : memref<800000xf32, #tpu.memory_space<hbm>>) dst(%dma_wait3A_734 : memref<128xf32, #tpu.memory_space<vmem>>)
    %dma_wait3A_739 = arith.constant 7 : i32
    %dma_wait3A_740 = arith.constant 128 : i32
    %dma_wait3A_741 = tpu.memref_slice %arg10[%dma_wait3A_739, %dma_wait3A_740] : memref<50x512xf32, #tpu.memory_space<vmem>> -> memref<1x128xf32, #tpu.memory_space<vmem>>
    %dma_wait3A_742 = tpu.memref_squeeze %dma_wait3A_741 : memref<1x128xf32, #tpu.memory_space<vmem>> -> memref<128xf32, #tpu.memory_space<vmem>>
    %dma_wait3A_743 = arith.constant 3712 : i32
    %dma_wait3A_744 = tpu.memref_slice %arg9[%dma_wait3A_743] : memref<8192xi32, #tpu.memory_space<vmem>> -> memref<128xi32, #tpu.memory_space<vmem>>
    %dma_wait3A_745 = arith.constant 0 : i32
    %dma_wait3A_746 = tpu.memref_slice %arg4[%dma_wait3A_745] : memref<800000xf32, #tpu.memory_space<hbm>> -> memref<800000xf32, #tpu.memory_space<hbm>>
    tpu.wait_indirect_dma semaphore(%arg11 : memref<!tpu.dma_semaphore, #tpu.memory_space<semaphore_mem>>) src(%dma_wait3A_746 : memref<800000xf32, #tpu.memory_space<hbm>>) dst(%dma_wait3A_742 : memref<128xf32, #tpu.memory_space<vmem>>)
    %dma_wait3A_747 = arith.constant 8 : i32
    %dma_wait3A_748 = arith.constant 128 : i32
    %dma_wait3A_749 = tpu.memref_slice %arg10[%dma_wait3A_747, %dma_wait3A_748] : memref<50x512xf32, #tpu.memory_space<vmem>> -> memref<1x128xf32, #tpu.memory_space<vmem>>
    %dma_wait3A_750 = tpu.memref_squeeze %dma_wait3A_749 : memref<1x128xf32, #tpu.memory_space<vmem>> -> memref<128xf32, #tpu.memory_space<vmem>>
    %dma_wait3A_751 = arith.constant 4224 : i32
    %dma_wait3A_752 = tpu.memref_slice %arg9[%dma_wait3A_751] : memref<8192xi32, #tpu.memory_space<vmem>> -> memref<128xi32, #tpu.memory_space<vmem>>
    %dma_wait3A_753 = arith.constant 0 : i32
    %dma_wait3A_754 = tpu.memref_slice %arg5[%dma_wait3A_753] : memref<800000xf32, #tpu.memory_space<hbm>> -> memref<800000xf32, #tpu.memory_space<hbm>>
    tpu.wait_indirect_dma semaphore(%arg11 : memref<!tpu.dma_semaphore, #tpu.memory_space<semaphore_mem>>) src(%dma_wait3A_754 : memref<800000xf32, #tpu.memory_space<hbm>>) dst(%dma_wait3A_750 : memref<128xf32, #tpu.memory_space<vmem>>)
    %dma_wait3A_755 = arith.constant 9 : i32
    %dma_wait3A_756 = arith.constant 128 : i32
    %dma_wait3A_757 = tpu.memref_slice %arg10[%dma_wait3A_755, %dma_wait3A_756] : memref<50x512xf32, #tpu.memory_space<vmem>> -> memref<1x128xf32, #tpu.memory_space<vmem>>
    %dma_wait3A_758 = tpu.memref_squeeze %dma_wait3A_757 : memref<1x128xf32, #tpu.memory_space<vmem>> -> memref<128xf32, #tpu.memory_space<vmem>>
    %dma_wait3A_759 = arith.constant 4736 : i32
    %dma_wait3A_760 = tpu.memref_slice %arg9[%dma_wait3A_759] : memref<8192xi32, #tpu.memory_space<vmem>> -> memref<128xi32, #tpu.memory_space<vmem>>
    %dma_wait3A_761 = arith.constant 0 : i32
    %dma_wait3A_762 = tpu.memref_slice %arg5[%dma_wait3A_761] : memref<800000xf32, #tpu.memory_space<hbm>> -> memref<800000xf32, #tpu.memory_space<hbm>>
    tpu.wait_indirect_dma semaphore(%arg11 : memref<!tpu.dma_semaphore, #tpu.memory_space<semaphore_mem>>) src(%dma_wait3A_762 : memref<800000xf32, #tpu.memory_space<hbm>>) dst(%dma_wait3A_758 : memref<128xf32, #tpu.memory_space<vmem>>)
    %dma_wait3A_763 = arith.constant 10 : i32
    %dma_wait3A_764 = arith.constant 128 : i32
    %dma_wait3A_765 = tpu.memref_slice %arg10[%dma_wait3A_763, %dma_wait3A_764] : memref<50x512xf32, #tpu.memory_space<vmem>> -> memref<1x128xf32, #tpu.memory_space<vmem>>
    %dma_wait3A_766 = tpu.memref_squeeze %dma_wait3A_765 : memref<1x128xf32, #tpu.memory_space<vmem>> -> memref<128xf32, #tpu.memory_space<vmem>>
    %dma_wait3A_767 = arith.constant 5248 : i32
    %dma_wait3A_768 = tpu.memref_slice %arg9[%dma_wait3A_767] : memref<8192xi32, #tpu.memory_space<vmem>> -> memref<128xi32, #tpu.memory_space<vmem>>
    %dma_wait3A_769 = arith.constant 0 : i32
    %dma_wait3A_770 = tpu.memref_slice %arg5[%dma_wait3A_769] : memref<800000xf32, #tpu.memory_space<hbm>> -> memref<800000xf32, #tpu.memory_space<hbm>>
    tpu.wait_indirect_dma semaphore(%arg11 : memref<!tpu.dma_semaphore, #tpu.memory_space<semaphore_mem>>) src(%dma_wait3A_770 : memref<800000xf32, #tpu.memory_space<hbm>>) dst(%dma_wait3A_766 : memref<128xf32, #tpu.memory_space<vmem>>)
    %dma_wait3A_771 = arith.constant 11 : i32
    %dma_wait3A_772 = arith.constant 128 : i32
    %dma_wait3A_773 = tpu.memref_slice %arg10[%dma_wait3A_771, %dma_wait3A_772] : memref<50x512xf32, #tpu.memory_space<vmem>> -> memref<1x128xf32, #tpu.memory_space<vmem>>
    %dma_wait3A_774 = tpu.memref_squeeze %dma_wait3A_773 : memref<1x128xf32, #tpu.memory_space<vmem>> -> memref<128xf32, #tpu.memory_space<vmem>>
    %dma_wait3A_775 = arith.constant 5760 : i32
    %dma_wait3A_776 = tpu.memref_slice %arg9[%dma_wait3A_775] : memref<8192xi32, #tpu.memory_space<vmem>> -> memref<128xi32, #tpu.memory_space<vmem>>
    %dma_wait3A_777 = arith.constant 0 : i32
    %dma_wait3A_778 = tpu.memref_slice %arg5[%dma_wait3A_777] : memref<800000xf32, #tpu.memory_space<hbm>> -> memref<800000xf32, #tpu.memory_space<hbm>>
    tpu.wait_indirect_dma semaphore(%arg11 : memref<!tpu.dma_semaphore, #tpu.memory_space<semaphore_mem>>) src(%dma_wait3A_778 : memref<800000xf32, #tpu.memory_space<hbm>>) dst(%dma_wait3A_774 : memref<128xf32, #tpu.memory_space<vmem>>)
    %dma_wait3A_779 = arith.constant 12 : i32
    %dma_wait3A_780 = arith.constant 128 : i32
    %dma_wait3A_781 = tpu.memref_slice %arg10[%dma_wait3A_779, %dma_wait3A_780] : memref<50x512xf32, #tpu.memory_space<vmem>> -> memref<1x128xf32, #tpu.memory_space<vmem>>
    %dma_wait3A_782 = tpu.memref_squeeze %dma_wait3A_781 : memref<1x128xf32, #tpu.memory_space<vmem>> -> memref<128xf32, #tpu.memory_space<vmem>>
    %dma_wait3A_783 = arith.constant 6272 : i32
    %dma_wait3A_784 = tpu.memref_slice %arg9[%dma_wait3A_783] : memref<8192xi32, #tpu.memory_space<vmem>> -> memref<128xi32, #tpu.memory_space<vmem>>
    %dma_wait3A_785 = arith.constant 0 : i32
    %dma_wait3A_786 = tpu.memref_slice %arg5[%dma_wait3A_785] : memref<800000xf32, #tpu.memory_space<hbm>> -> memref<800000xf32, #tpu.memory_space<hbm>>
    tpu.wait_indirect_dma semaphore(%arg11 : memref<!tpu.dma_semaphore, #tpu.memory_space<semaphore_mem>>) src(%dma_wait3A_786 : memref<800000xf32, #tpu.memory_space<hbm>>) dst(%dma_wait3A_782 : memref<128xf32, #tpu.memory_space<vmem>>)
    %dma_wait3A_787 = arith.constant 13 : i32
    %dma_wait3A_788 = arith.constant 128 : i32
    %dma_wait3A_789 = tpu.memref_slice %arg10[%dma_wait3A_787, %dma_wait3A_788] : memref<50x512xf32, #tpu.memory_space<vmem>> -> memref<1x128xf32, #tpu.memory_space<vmem>>
    %dma_wait3A_790 = tpu.memref_squeeze %dma_wait3A_789 : memref<1x128xf32, #tpu.memory_space<vmem>> -> memref<128xf32, #tpu.memory_space<vmem>>
    %dma_wait3A_791 = arith.constant 6784 : i32
    %dma_wait3A_792 = tpu.memref_slice %arg9[%dma_wait3A_791] : memref<8192xi32, #tpu.memory_space<vmem>> -> memref<128xi32, #tpu.memory_space<vmem>>
    %dma_wait3A_793 = arith.constant 0 : i32
    %dma_wait3A_794 = tpu.memref_slice %arg5[%dma_wait3A_793] : memref<800000xf32, #tpu.memory_space<hbm>> -> memref<800000xf32, #tpu.memory_space<hbm>>
    tpu.wait_indirect_dma semaphore(%arg11 : memref<!tpu.dma_semaphore, #tpu.memory_space<semaphore_mem>>) src(%dma_wait3A_794 : memref<800000xf32, #tpu.memory_space<hbm>>) dst(%dma_wait3A_790 : memref<128xf32, #tpu.memory_space<vmem>>)
    %dma_wait3A_795 = arith.constant 14 : i32
    %dma_wait3A_796 = arith.constant 128 : i32
    %dma_wait3A_797 = tpu.memref_slice %arg10[%dma_wait3A_795, %dma_wait3A_796] : memref<50x512xf32, #tpu.memory_space<vmem>> -> memref<1x128xf32, #tpu.memory_space<vmem>>
    %dma_wait3A_798 = tpu.memref_squeeze %dma_wait3A_797 : memref<1x128xf32, #tpu.memory_space<vmem>> -> memref<128xf32, #tpu.memory_space<vmem>>
    %dma_wait3A_799 = arith.constant 7296 : i32
    %dma_wait3A_800 = tpu.memref_slice %arg9[%dma_wait3A_799] : memref<8192xi32, #tpu.memory_space<vmem>> -> memref<128xi32, #tpu.memory_space<vmem>>
    %dma_wait3A_801 = arith.constant 0 : i32
    %dma_wait3A_802 = tpu.memref_slice %arg5[%dma_wait3A_801] : memref<800000xf32, #tpu.memory_space<hbm>> -> memref<800000xf32, #tpu.memory_space<hbm>>
    tpu.wait_indirect_dma semaphore(%arg11 : memref<!tpu.dma_semaphore, #tpu.memory_space<semaphore_mem>>) src(%dma_wait3A_802 : memref<800000xf32, #tpu.memory_space<hbm>>) dst(%dma_wait3A_798 : memref<128xf32, #tpu.memory_space<vmem>>)
    %dma_wait3A_803 = arith.constant 15 : i32
    %dma_wait3A_804 = arith.constant 128 : i32
    %dma_wait3A_805 = tpu.memref_slice %arg10[%dma_wait3A_803, %dma_wait3A_804] : memref<50x512xf32, #tpu.memory_space<vmem>> -> memref<1x128xf32, #tpu.memory_space<vmem>>
    %dma_wait3A_806 = tpu.memref_squeeze %dma_wait3A_805 : memref<1x128xf32, #tpu.memory_space<vmem>> -> memref<128xf32, #tpu.memory_space<vmem>>
    %dma_wait3A_807 = arith.constant 7808 : i32
    %dma_wait3A_808 = tpu.memref_slice %arg9[%dma_wait3A_807] : memref<8192xi32, #tpu.memory_space<vmem>> -> memref<128xi32, #tpu.memory_space<vmem>>
    %dma_wait3A_809 = arith.constant 0 : i32
    %dma_wait3A_810 = tpu.memref_slice %arg5[%dma_wait3A_809] : memref<800000xf32, #tpu.memory_space<hbm>> -> memref<800000xf32, #tpu.memory_space<hbm>>
    tpu.wait_indirect_dma semaphore(%arg11 : memref<!tpu.dma_semaphore, #tpu.memory_space<semaphore_mem>>) src(%dma_wait3A_810 : memref<800000xf32, #tpu.memory_space<hbm>>) dst(%dma_wait3A_806 : memref<128xf32, #tpu.memory_space<vmem>>)
    %dma_wait3A_811 = arith.constant 0 : i32
    %dma_wait3A_812 = arith.constant 256 : i32
    %dma_wait3A_813 = tpu.memref_slice %arg10[%dma_wait3A_811, %dma_wait3A_812] : memref<50x512xf32, #tpu.memory_space<vmem>> -> memref<1x128xf32, #tpu.memory_space<vmem>>
    %dma_wait3A_814 = tpu.memref_squeeze %dma_wait3A_813 : memref<1x128xf32, #tpu.memory_space<vmem>> -> memref<128xf32, #tpu.memory_space<vmem>>
    %dma_wait3A_815 = arith.constant 256 : i32
    %dma_wait3A_816 = tpu.memref_slice %arg9[%dma_wait3A_815] : memref<8192xi32, #tpu.memory_space<vmem>> -> memref<128xi32, #tpu.memory_space<vmem>>
    %dma_wait3A_817 = arith.constant 0 : i32
    %dma_wait3A_818 = tpu.memref_slice %arg4[%dma_wait3A_817] : memref<800000xf32, #tpu.memory_space<hbm>> -> memref<800000xf32, #tpu.memory_space<hbm>>
    tpu.wait_indirect_dma semaphore(%arg11 : memref<!tpu.dma_semaphore, #tpu.memory_space<semaphore_mem>>) src(%dma_wait3A_818 : memref<800000xf32, #tpu.memory_space<hbm>>) dst(%dma_wait3A_814 : memref<128xf32, #tpu.memory_space<vmem>>)
    %dma_wait3A_819 = arith.constant 1 : i32
    %dma_wait3A_820 = arith.constant 256 : i32
    %dma_wait3A_821 = tpu.memref_slice %arg10[%dma_wait3A_819, %dma_wait3A_820] : memref<50x512xf32, #tpu.memory_space<vmem>> -> memref<1x128xf32, #tpu.memory_space<vmem>>
    %dma_wait3A_822 = tpu.memref_squeeze %dma_wait3A_821 : memref<1x128xf32, #tpu.memory_space<vmem>> -> memref<128xf32, #tpu.memory_space<vmem>>
    %dma_wait3A_823 = arith.constant 768 : i32
    %dma_wait3A_824 = tpu.memref_slice %arg9[%dma_wait3A_823] : memref<8192xi32, #tpu.memory_space<vmem>> -> memref<128xi32, #tpu.memory_space<vmem>>
    %dma_wait3A_825 = arith.constant 0 : i32
    %dma_wait3A_826 = tpu.memref_slice %arg4[%dma_wait3A_825] : memref<800000xf32, #tpu.memory_space<hbm>> -> memref<800000xf32, #tpu.memory_space<hbm>>
    tpu.wait_indirect_dma semaphore(%arg11 : memref<!tpu.dma_semaphore, #tpu.memory_space<semaphore_mem>>) src(%dma_wait3A_826 : memref<800000xf32, #tpu.memory_space<hbm>>) dst(%dma_wait3A_822 : memref<128xf32, #tpu.memory_space<vmem>>)
    %dma_wait3A_827 = arith.constant 2 : i32
    %dma_wait3A_828 = arith.constant 256 : i32
    %dma_wait3A_829 = tpu.memref_slice %arg10[%dma_wait3A_827, %dma_wait3A_828] : memref<50x512xf32, #tpu.memory_space<vmem>> -> memref<1x128xf32, #tpu.memory_space<vmem>>
    %dma_wait3A_830 = tpu.memref_squeeze %dma_wait3A_829 : memref<1x128xf32, #tpu.memory_space<vmem>> -> memref<128xf32, #tpu.memory_space<vmem>>
    %dma_wait3A_831 = arith.constant 1280 : i32
    %dma_wait3A_832 = tpu.memref_slice %arg9[%dma_wait3A_831] : memref<8192xi32, #tpu.memory_space<vmem>> -> memref<128xi32, #tpu.memory_space<vmem>>
    %dma_wait3A_833 = arith.constant 0 : i32
    %dma_wait3A_834 = tpu.memref_slice %arg4[%dma_wait3A_833] : memref<800000xf32, #tpu.memory_space<hbm>> -> memref<800000xf32, #tpu.memory_space<hbm>>
    tpu.wait_indirect_dma semaphore(%arg11 : memref<!tpu.dma_semaphore, #tpu.memory_space<semaphore_mem>>) src(%dma_wait3A_834 : memref<800000xf32, #tpu.memory_space<hbm>>) dst(%dma_wait3A_830 : memref<128xf32, #tpu.memory_space<vmem>>)
    %dma_wait3A_835 = arith.constant 3 : i32
    %dma_wait3A_836 = arith.constant 256 : i32
    %dma_wait3A_837 = tpu.memref_slice %arg10[%dma_wait3A_835, %dma_wait3A_836] : memref<50x512xf32, #tpu.memory_space<vmem>> -> memref<1x128xf32, #tpu.memory_space<vmem>>
    %dma_wait3A_838 = tpu.memref_squeeze %dma_wait3A_837 : memref<1x128xf32, #tpu.memory_space<vmem>> -> memref<128xf32, #tpu.memory_space<vmem>>
    %dma_wait3A_839 = arith.constant 1792 : i32
    %dma_wait3A_840 = tpu.memref_slice %arg9[%dma_wait3A_839] : memref<8192xi32, #tpu.memory_space<vmem>> -> memref<128xi32, #tpu.memory_space<vmem>>
    %dma_wait3A_841 = arith.constant 0 : i32
    %dma_wait3A_842 = tpu.memref_slice %arg4[%dma_wait3A_841] : memref<800000xf32, #tpu.memory_space<hbm>> -> memref<800000xf32, #tpu.memory_space<hbm>>
    tpu.wait_indirect_dma semaphore(%arg11 : memref<!tpu.dma_semaphore, #tpu.memory_space<semaphore_mem>>) src(%dma_wait3A_842 : memref<800000xf32, #tpu.memory_space<hbm>>) dst(%dma_wait3A_838 : memref<128xf32, #tpu.memory_space<vmem>>)
    %dma_wait3A_843 = arith.constant 4 : i32
    %dma_wait3A_844 = arith.constant 256 : i32
    %dma_wait3A_845 = tpu.memref_slice %arg10[%dma_wait3A_843, %dma_wait3A_844] : memref<50x512xf32, #tpu.memory_space<vmem>> -> memref<1x128xf32, #tpu.memory_space<vmem>>
    %dma_wait3A_846 = tpu.memref_squeeze %dma_wait3A_845 : memref<1x128xf32, #tpu.memory_space<vmem>> -> memref<128xf32, #tpu.memory_space<vmem>>
    %dma_wait3A_847 = arith.constant 2304 : i32
    %dma_wait3A_848 = tpu.memref_slice %arg9[%dma_wait3A_847] : memref<8192xi32, #tpu.memory_space<vmem>> -> memref<128xi32, #tpu.memory_space<vmem>>
    %dma_wait3A_849 = arith.constant 0 : i32
    %dma_wait3A_850 = tpu.memref_slice %arg4[%dma_wait3A_849] : memref<800000xf32, #tpu.memory_space<hbm>> -> memref<800000xf32, #tpu.memory_space<hbm>>
    tpu.wait_indirect_dma semaphore(%arg11 : memref<!tpu.dma_semaphore, #tpu.memory_space<semaphore_mem>>) src(%dma_wait3A_850 : memref<800000xf32, #tpu.memory_space<hbm>>) dst(%dma_wait3A_846 : memref<128xf32, #tpu.memory_space<vmem>>)
    %dma_wait3A_851 = arith.constant 5 : i32
    %dma_wait3A_852 = arith.constant 256 : i32
    %dma_wait3A_853 = tpu.memref_slice %arg10[%dma_wait3A_851, %dma_wait3A_852] : memref<50x512xf32, #tpu.memory_space<vmem>> -> memref<1x128xf32, #tpu.memory_space<vmem>>
    %dma_wait3A_854 = tpu.memref_squeeze %dma_wait3A_853 : memref<1x128xf32, #tpu.memory_space<vmem>> -> memref<128xf32, #tpu.memory_space<vmem>>
    %dma_wait3A_855 = arith.constant 2816 : i32
    %dma_wait3A_856 = tpu.memref_slice %arg9[%dma_wait3A_855] : memref<8192xi32, #tpu.memory_space<vmem>> -> memref<128xi32, #tpu.memory_space<vmem>>
    %dma_wait3A_857 = arith.constant 0 : i32
    %dma_wait3A_858 = tpu.memref_slice %arg4[%dma_wait3A_857] : memref<800000xf32, #tpu.memory_space<hbm>> -> memref<800000xf32, #tpu.memory_space<hbm>>
    tpu.wait_indirect_dma semaphore(%arg11 : memref<!tpu.dma_semaphore, #tpu.memory_space<semaphore_mem>>) src(%dma_wait3A_858 : memref<800000xf32, #tpu.memory_space<hbm>>) dst(%dma_wait3A_854 : memref<128xf32, #tpu.memory_space<vmem>>)
    %dma_wait3A_859 = arith.constant 6 : i32
    %dma_wait3A_860 = arith.constant 256 : i32
    %dma_wait3A_861 = tpu.memref_slice %arg10[%dma_wait3A_859, %dma_wait3A_860] : memref<50x512xf32, #tpu.memory_space<vmem>> -> memref<1x128xf32, #tpu.memory_space<vmem>>
    %dma_wait3A_862 = tpu.memref_squeeze %dma_wait3A_861 : memref<1x128xf32, #tpu.memory_space<vmem>> -> memref<128xf32, #tpu.memory_space<vmem>>
    %dma_wait3A_863 = arith.constant 3328 : i32
    %dma_wait3A_864 = tpu.memref_slice %arg9[%dma_wait3A_863] : memref<8192xi32, #tpu.memory_space<vmem>> -> memref<128xi32, #tpu.memory_space<vmem>>
    %dma_wait3A_865 = arith.constant 0 : i32
    %dma_wait3A_866 = tpu.memref_slice %arg4[%dma_wait3A_865] : memref<800000xf32, #tpu.memory_space<hbm>> -> memref<800000xf32, #tpu.memory_space<hbm>>
    tpu.wait_indirect_dma semaphore(%arg11 : memref<!tpu.dma_semaphore, #tpu.memory_space<semaphore_mem>>) src(%dma_wait3A_866 : memref<800000xf32, #tpu.memory_space<hbm>>) dst(%dma_wait3A_862 : memref<128xf32, #tpu.memory_space<vmem>>)
    %dma_wait3A_867 = arith.constant 7 : i32
    %dma_wait3A_868 = arith.constant 256 : i32
    %dma_wait3A_869 = tpu.memref_slice %arg10[%dma_wait3A_867, %dma_wait3A_868] : memref<50x512xf32, #tpu.memory_space<vmem>> -> memref<1x128xf32, #tpu.memory_space<vmem>>
    %dma_wait3A_870 = tpu.memref_squeeze %dma_wait3A_869 : memref<1x128xf32, #tpu.memory_space<vmem>> -> memref<128xf32, #tpu.memory_space<vmem>>
    %dma_wait3A_871 = arith.constant 3840 : i32
    %dma_wait3A_872 = tpu.memref_slice %arg9[%dma_wait3A_871] : memref<8192xi32, #tpu.memory_space<vmem>> -> memref<128xi32, #tpu.memory_space<vmem>>
    %dma_wait3A_873 = arith.constant 0 : i32
    %dma_wait3A_874 = tpu.memref_slice %arg4[%dma_wait3A_873] : memref<800000xf32, #tpu.memory_space<hbm>> -> memref<800000xf32, #tpu.memory_space<hbm>>
    tpu.wait_indirect_dma semaphore(%arg11 : memref<!tpu.dma_semaphore, #tpu.memory_space<semaphore_mem>>) src(%dma_wait3A_874 : memref<800000xf32, #tpu.memory_space<hbm>>) dst(%dma_wait3A_870 : memref<128xf32, #tpu.memory_space<vmem>>)
    %dma_wait3A_875 = arith.constant 8 : i32
    %dma_wait3A_876 = arith.constant 256 : i32
    %dma_wait3A_877 = tpu.memref_slice %arg10[%dma_wait3A_875, %dma_wait3A_876] : memref<50x512xf32, #tpu.memory_space<vmem>> -> memref<1x128xf32, #tpu.memory_space<vmem>>
    %dma_wait3A_878 = tpu.memref_squeeze %dma_wait3A_877 : memref<1x128xf32, #tpu.memory_space<vmem>> -> memref<128xf32, #tpu.memory_space<vmem>>
    %dma_wait3A_879 = arith.constant 4352 : i32
    %dma_wait3A_880 = tpu.memref_slice %arg9[%dma_wait3A_879] : memref<8192xi32, #tpu.memory_space<vmem>> -> memref<128xi32, #tpu.memory_space<vmem>>
    %dma_wait3A_881 = arith.constant 0 : i32
    %dma_wait3A_882 = tpu.memref_slice %arg5[%dma_wait3A_881] : memref<800000xf32, #tpu.memory_space<hbm>> -> memref<800000xf32, #tpu.memory_space<hbm>>
    tpu.wait_indirect_dma semaphore(%arg11 : memref<!tpu.dma_semaphore, #tpu.memory_space<semaphore_mem>>) src(%dma_wait3A_882 : memref<800000xf32, #tpu.memory_space<hbm>>) dst(%dma_wait3A_878 : memref<128xf32, #tpu.memory_space<vmem>>)
    %dma_wait3A_883 = arith.constant 9 : i32
    %dma_wait3A_884 = arith.constant 256 : i32
    %dma_wait3A_885 = tpu.memref_slice %arg10[%dma_wait3A_883, %dma_wait3A_884] : memref<50x512xf32, #tpu.memory_space<vmem>> -> memref<1x128xf32, #tpu.memory_space<vmem>>
    %dma_wait3A_886 = tpu.memref_squeeze %dma_wait3A_885 : memref<1x128xf32, #tpu.memory_space<vmem>> -> memref<128xf32, #tpu.memory_space<vmem>>
    %dma_wait3A_887 = arith.constant 4864 : i32
    %dma_wait3A_888 = tpu.memref_slice %arg9[%dma_wait3A_887] : memref<8192xi32, #tpu.memory_space<vmem>> -> memref<128xi32, #tpu.memory_space<vmem>>
    %dma_wait3A_889 = arith.constant 0 : i32
    %dma_wait3A_890 = tpu.memref_slice %arg5[%dma_wait3A_889] : memref<800000xf32, #tpu.memory_space<hbm>> -> memref<800000xf32, #tpu.memory_space<hbm>>
    tpu.wait_indirect_dma semaphore(%arg11 : memref<!tpu.dma_semaphore, #tpu.memory_space<semaphore_mem>>) src(%dma_wait3A_890 : memref<800000xf32, #tpu.memory_space<hbm>>) dst(%dma_wait3A_886 : memref<128xf32, #tpu.memory_space<vmem>>)
    %dma_wait3A_891 = arith.constant 10 : i32
    %dma_wait3A_892 = arith.constant 256 : i32
    %dma_wait3A_893 = tpu.memref_slice %arg10[%dma_wait3A_891, %dma_wait3A_892] : memref<50x512xf32, #tpu.memory_space<vmem>> -> memref<1x128xf32, #tpu.memory_space<vmem>>
    %dma_wait3A_894 = tpu.memref_squeeze %dma_wait3A_893 : memref<1x128xf32, #tpu.memory_space<vmem>> -> memref<128xf32, #tpu.memory_space<vmem>>
    %dma_wait3A_895 = arith.constant 5376 : i32
    %dma_wait3A_896 = tpu.memref_slice %arg9[%dma_wait3A_895] : memref<8192xi32, #tpu.memory_space<vmem>> -> memref<128xi32, #tpu.memory_space<vmem>>
    %dma_wait3A_897 = arith.constant 0 : i32
    %dma_wait3A_898 = tpu.memref_slice %arg5[%dma_wait3A_897] : memref<800000xf32, #tpu.memory_space<hbm>> -> memref<800000xf32, #tpu.memory_space<hbm>>
    tpu.wait_indirect_dma semaphore(%arg11 : memref<!tpu.dma_semaphore, #tpu.memory_space<semaphore_mem>>) src(%dma_wait3A_898 : memref<800000xf32, #tpu.memory_space<hbm>>) dst(%dma_wait3A_894 : memref<128xf32, #tpu.memory_space<vmem>>)
    %dma_wait3A_899 = arith.constant 11 : i32
    %dma_wait3A_900 = arith.constant 256 : i32
    %dma_wait3A_901 = tpu.memref_slice %arg10[%dma_wait3A_899, %dma_wait3A_900] : memref<50x512xf32, #tpu.memory_space<vmem>> -> memref<1x128xf32, #tpu.memory_space<vmem>>
    %dma_wait3A_902 = tpu.memref_squeeze %dma_wait3A_901 : memref<1x128xf32, #tpu.memory_space<vmem>> -> memref<128xf32, #tpu.memory_space<vmem>>
    %dma_wait3A_903 = arith.constant 5888 : i32
    %dma_wait3A_904 = tpu.memref_slice %arg9[%dma_wait3A_903] : memref<8192xi32, #tpu.memory_space<vmem>> -> memref<128xi32, #tpu.memory_space<vmem>>
    %dma_wait3A_905 = arith.constant 0 : i32
    %dma_wait3A_906 = tpu.memref_slice %arg5[%dma_wait3A_905] : memref<800000xf32, #tpu.memory_space<hbm>> -> memref<800000xf32, #tpu.memory_space<hbm>>
    tpu.wait_indirect_dma semaphore(%arg11 : memref<!tpu.dma_semaphore, #tpu.memory_space<semaphore_mem>>) src(%dma_wait3A_906 : memref<800000xf32, #tpu.memory_space<hbm>>) dst(%dma_wait3A_902 : memref<128xf32, #tpu.memory_space<vmem>>)
    %dma_wait3A_907 = arith.constant 12 : i32
    %dma_wait3A_908 = arith.constant 256 : i32
    %dma_wait3A_909 = tpu.memref_slice %arg10[%dma_wait3A_907, %dma_wait3A_908] : memref<50x512xf32, #tpu.memory_space<vmem>> -> memref<1x128xf32, #tpu.memory_space<vmem>>
    %dma_wait3A_910 = tpu.memref_squeeze %dma_wait3A_909 : memref<1x128xf32, #tpu.memory_space<vmem>> -> memref<128xf32, #tpu.memory_space<vmem>>
    %dma_wait3A_911 = arith.constant 6400 : i32
    %dma_wait3A_912 = tpu.memref_slice %arg9[%dma_wait3A_911] : memref<8192xi32, #tpu.memory_space<vmem>> -> memref<128xi32, #tpu.memory_space<vmem>>
    %dma_wait3A_913 = arith.constant 0 : i32
    %dma_wait3A_914 = tpu.memref_slice %arg5[%dma_wait3A_913] : memref<800000xf32, #tpu.memory_space<hbm>> -> memref<800000xf32, #tpu.memory_space<hbm>>
    tpu.wait_indirect_dma semaphore(%arg11 : memref<!tpu.dma_semaphore, #tpu.memory_space<semaphore_mem>>) src(%dma_wait3A_914 : memref<800000xf32, #tpu.memory_space<hbm>>) dst(%dma_wait3A_910 : memref<128xf32, #tpu.memory_space<vmem>>)
    %dma_wait3A_915 = arith.constant 13 : i32
    %dma_wait3A_916 = arith.constant 256 : i32
    %dma_wait3A_917 = tpu.memref_slice %arg10[%dma_wait3A_915, %dma_wait3A_916] : memref<50x512xf32, #tpu.memory_space<vmem>> -> memref<1x128xf32, #tpu.memory_space<vmem>>
    %dma_wait3A_918 = tpu.memref_squeeze %dma_wait3A_917 : memref<1x128xf32, #tpu.memory_space<vmem>> -> memref<128xf32, #tpu.memory_space<vmem>>
    %dma_wait3A_919 = arith.constant 6912 : i32
    %dma_wait3A_920 = tpu.memref_slice %arg9[%dma_wait3A_919] : memref<8192xi32, #tpu.memory_space<vmem>> -> memref<128xi32, #tpu.memory_space<vmem>>
    %dma_wait3A_921 = arith.constant 0 : i32
    %dma_wait3A_922 = tpu.memref_slice %arg5[%dma_wait3A_921] : memref<800000xf32, #tpu.memory_space<hbm>> -> memref<800000xf32, #tpu.memory_space<hbm>>
    tpu.wait_indirect_dma semaphore(%arg11 : memref<!tpu.dma_semaphore, #tpu.memory_space<semaphore_mem>>) src(%dma_wait3A_922 : memref<800000xf32, #tpu.memory_space<hbm>>) dst(%dma_wait3A_918 : memref<128xf32, #tpu.memory_space<vmem>>)
    %dma_wait3A_923 = arith.constant 14 : i32
    %dma_wait3A_924 = arith.constant 256 : i32
    %dma_wait3A_925 = tpu.memref_slice %arg10[%dma_wait3A_923, %dma_wait3A_924] : memref<50x512xf32, #tpu.memory_space<vmem>> -> memref<1x128xf32, #tpu.memory_space<vmem>>
    %dma_wait3A_926 = tpu.memref_squeeze %dma_wait3A_925 : memref<1x128xf32, #tpu.memory_space<vmem>> -> memref<128xf32, #tpu.memory_space<vmem>>
    %dma_wait3A_927 = arith.constant 7424 : i32
    %dma_wait3A_928 = tpu.memref_slice %arg9[%dma_wait3A_927] : memref<8192xi32, #tpu.memory_space<vmem>> -> memref<128xi32, #tpu.memory_space<vmem>>
    %dma_wait3A_929 = arith.constant 0 : i32
    %dma_wait3A_930 = tpu.memref_slice %arg5[%dma_wait3A_929] : memref<800000xf32, #tpu.memory_space<hbm>> -> memref<800000xf32, #tpu.memory_space<hbm>>
    tpu.wait_indirect_dma semaphore(%arg11 : memref<!tpu.dma_semaphore, #tpu.memory_space<semaphore_mem>>) src(%dma_wait3A_930 : memref<800000xf32, #tpu.memory_space<hbm>>) dst(%dma_wait3A_926 : memref<128xf32, #tpu.memory_space<vmem>>)
    %dma_wait3A_931 = arith.constant 15 : i32
    %dma_wait3A_932 = arith.constant 256 : i32
    %dma_wait3A_933 = tpu.memref_slice %arg10[%dma_wait3A_931, %dma_wait3A_932] : memref<50x512xf32, #tpu.memory_space<vmem>> -> memref<1x128xf32, #tpu.memory_space<vmem>>
    %dma_wait3A_934 = tpu.memref_squeeze %dma_wait3A_933 : memref<1x128xf32, #tpu.memory_space<vmem>> -> memref<128xf32, #tpu.memory_space<vmem>>
    %dma_wait3A_935 = arith.constant 7936 : i32
    %dma_wait3A_936 = tpu.memref_slice %arg9[%dma_wait3A_935] : memref<8192xi32, #tpu.memory_space<vmem>> -> memref<128xi32, #tpu.memory_space<vmem>>
    %dma_wait3A_937 = arith.constant 0 : i32
    %dma_wait3A_938 = tpu.memref_slice %arg5[%dma_wait3A_937] : memref<800000xf32, #tpu.memory_space<hbm>> -> memref<800000xf32, #tpu.memory_space<hbm>>
    tpu.wait_indirect_dma semaphore(%arg11 : memref<!tpu.dma_semaphore, #tpu.memory_space<semaphore_mem>>) src(%dma_wait3A_938 : memref<800000xf32, #tpu.memory_space<hbm>>) dst(%dma_wait3A_934 : memref<128xf32, #tpu.memory_space<vmem>>)
    %dma_wait3A_939 = arith.constant 0 : i32
    %dma_wait3A_940 = arith.constant 384 : i32
    %dma_wait3A_941 = tpu.memref_slice %arg10[%dma_wait3A_939, %dma_wait3A_940] : memref<50x512xf32, #tpu.memory_space<vmem>> -> memref<1x128xf32, #tpu.memory_space<vmem>>
    %dma_wait3A_942 = tpu.memref_squeeze %dma_wait3A_941 : memref<1x128xf32, #tpu.memory_space<vmem>> -> memref<128xf32, #tpu.memory_space<vmem>>
    %dma_wait3A_943 = arith.constant 384 : i32
    %dma_wait3A_944 = tpu.memref_slice %arg9[%dma_wait3A_943] : memref<8192xi32, #tpu.memory_space<vmem>> -> memref<128xi32, #tpu.memory_space<vmem>>
    %dma_wait3A_945 = arith.constant 0 : i32
    %dma_wait3A_946 = tpu.memref_slice %arg4[%dma_wait3A_945] : memref<800000xf32, #tpu.memory_space<hbm>> -> memref<800000xf32, #tpu.memory_space<hbm>>
    tpu.wait_indirect_dma semaphore(%arg11 : memref<!tpu.dma_semaphore, #tpu.memory_space<semaphore_mem>>) src(%dma_wait3A_946 : memref<800000xf32, #tpu.memory_space<hbm>>) dst(%dma_wait3A_942 : memref<128xf32, #tpu.memory_space<vmem>>)
    %dma_wait3A_947 = arith.constant 1 : i32
    %dma_wait3A_948 = arith.constant 384 : i32
    %dma_wait3A_949 = tpu.memref_slice %arg10[%dma_wait3A_947, %dma_wait3A_948] : memref<50x512xf32, #tpu.memory_space<vmem>> -> memref<1x128xf32, #tpu.memory_space<vmem>>
    %dma_wait3A_950 = tpu.memref_squeeze %dma_wait3A_949 : memref<1x128xf32, #tpu.memory_space<vmem>> -> memref<128xf32, #tpu.memory_space<vmem>>
    %dma_wait3A_951 = arith.constant 896 : i32
    %dma_wait3A_952 = tpu.memref_slice %arg9[%dma_wait3A_951] : memref<8192xi32, #tpu.memory_space<vmem>> -> memref<128xi32, #tpu.memory_space<vmem>>
    %dma_wait3A_953 = arith.constant 0 : i32
    %dma_wait3A_954 = tpu.memref_slice %arg4[%dma_wait3A_953] : memref<800000xf32, #tpu.memory_space<hbm>> -> memref<800000xf32, #tpu.memory_space<hbm>>
    tpu.wait_indirect_dma semaphore(%arg11 : memref<!tpu.dma_semaphore, #tpu.memory_space<semaphore_mem>>) src(%dma_wait3A_954 : memref<800000xf32, #tpu.memory_space<hbm>>) dst(%dma_wait3A_950 : memref<128xf32, #tpu.memory_space<vmem>>)
    %dma_wait3A_955 = arith.constant 2 : i32
    %dma_wait3A_956 = arith.constant 384 : i32
    %dma_wait3A_957 = tpu.memref_slice %arg10[%dma_wait3A_955, %dma_wait3A_956] : memref<50x512xf32, #tpu.memory_space<vmem>> -> memref<1x128xf32, #tpu.memory_space<vmem>>
    %dma_wait3A_958 = tpu.memref_squeeze %dma_wait3A_957 : memref<1x128xf32, #tpu.memory_space<vmem>> -> memref<128xf32, #tpu.memory_space<vmem>>
    %dma_wait3A_959 = arith.constant 1408 : i32
    %dma_wait3A_960 = tpu.memref_slice %arg9[%dma_wait3A_959] : memref<8192xi32, #tpu.memory_space<vmem>> -> memref<128xi32, #tpu.memory_space<vmem>>
    %dma_wait3A_961 = arith.constant 0 : i32
    %dma_wait3A_962 = tpu.memref_slice %arg4[%dma_wait3A_961] : memref<800000xf32, #tpu.memory_space<hbm>> -> memref<800000xf32, #tpu.memory_space<hbm>>
    tpu.wait_indirect_dma semaphore(%arg11 : memref<!tpu.dma_semaphore, #tpu.memory_space<semaphore_mem>>) src(%dma_wait3A_962 : memref<800000xf32, #tpu.memory_space<hbm>>) dst(%dma_wait3A_958 : memref<128xf32, #tpu.memory_space<vmem>>)
    %dma_wait3A_963 = arith.constant 3 : i32
    %dma_wait3A_964 = arith.constant 384 : i32
    %dma_wait3A_965 = tpu.memref_slice %arg10[%dma_wait3A_963, %dma_wait3A_964] : memref<50x512xf32, #tpu.memory_space<vmem>> -> memref<1x128xf32, #tpu.memory_space<vmem>>
    %dma_wait3A_966 = tpu.memref_squeeze %dma_wait3A_965 : memref<1x128xf32, #tpu.memory_space<vmem>> -> memref<128xf32, #tpu.memory_space<vmem>>
    %dma_wait3A_967 = arith.constant 1920 : i32
    %dma_wait3A_968 = tpu.memref_slice %arg9[%dma_wait3A_967] : memref<8192xi32, #tpu.memory_space<vmem>> -> memref<128xi32, #tpu.memory_space<vmem>>
    %dma_wait3A_969 = arith.constant 0 : i32
    %dma_wait3A_970 = tpu.memref_slice %arg4[%dma_wait3A_969] : memref<800000xf32, #tpu.memory_space<hbm>> -> memref<800000xf32, #tpu.memory_space<hbm>>
    tpu.wait_indirect_dma semaphore(%arg11 : memref<!tpu.dma_semaphore, #tpu.memory_space<semaphore_mem>>) src(%dma_wait3A_970 : memref<800000xf32, #tpu.memory_space<hbm>>) dst(%dma_wait3A_966 : memref<128xf32, #tpu.memory_space<vmem>>)
    %dma_wait3A_971 = arith.constant 4 : i32
    %dma_wait3A_972 = arith.constant 384 : i32
    %dma_wait3A_973 = tpu.memref_slice %arg10[%dma_wait3A_971, %dma_wait3A_972] : memref<50x512xf32, #tpu.memory_space<vmem>> -> memref<1x128xf32, #tpu.memory_space<vmem>>
    %dma_wait3A_974 = tpu.memref_squeeze %dma_wait3A_973 : memref<1x128xf32, #tpu.memory_space<vmem>> -> memref<128xf32, #tpu.memory_space<vmem>>
    %dma_wait3A_975 = arith.constant 2432 : i32
    %dma_wait3A_976 = tpu.memref_slice %arg9[%dma_wait3A_975] : memref<8192xi32, #tpu.memory_space<vmem>> -> memref<128xi32, #tpu.memory_space<vmem>>
    %dma_wait3A_977 = arith.constant 0 : i32
    %dma_wait3A_978 = tpu.memref_slice %arg4[%dma_wait3A_977] : memref<800000xf32, #tpu.memory_space<hbm>> -> memref<800000xf32, #tpu.memory_space<hbm>>
    tpu.wait_indirect_dma semaphore(%arg11 : memref<!tpu.dma_semaphore, #tpu.memory_space<semaphore_mem>>) src(%dma_wait3A_978 : memref<800000xf32, #tpu.memory_space<hbm>>) dst(%dma_wait3A_974 : memref<128xf32, #tpu.memory_space<vmem>>)
    %dma_wait3A_979 = arith.constant 5 : i32
    %dma_wait3A_980 = arith.constant 384 : i32
    %dma_wait3A_981 = tpu.memref_slice %arg10[%dma_wait3A_979, %dma_wait3A_980] : memref<50x512xf32, #tpu.memory_space<vmem>> -> memref<1x128xf32, #tpu.memory_space<vmem>>
    %dma_wait3A_982 = tpu.memref_squeeze %dma_wait3A_981 : memref<1x128xf32, #tpu.memory_space<vmem>> -> memref<128xf32, #tpu.memory_space<vmem>>
    %dma_wait3A_983 = arith.constant 2944 : i32
    %dma_wait3A_984 = tpu.memref_slice %arg9[%dma_wait3A_983] : memref<8192xi32, #tpu.memory_space<vmem>> -> memref<128xi32, #tpu.memory_space<vmem>>
    %dma_wait3A_985 = arith.constant 0 : i32
    %dma_wait3A_986 = tpu.memref_slice %arg4[%dma_wait3A_985] : memref<800000xf32, #tpu.memory_space<hbm>> -> memref<800000xf32, #tpu.memory_space<hbm>>
    tpu.wait_indirect_dma semaphore(%arg11 : memref<!tpu.dma_semaphore, #tpu.memory_space<semaphore_mem>>) src(%dma_wait3A_986 : memref<800000xf32, #tpu.memory_space<hbm>>) dst(%dma_wait3A_982 : memref<128xf32, #tpu.memory_space<vmem>>)
    %dma_wait3A_987 = arith.constant 6 : i32
    %dma_wait3A_988 = arith.constant 384 : i32
    %dma_wait3A_989 = tpu.memref_slice %arg10[%dma_wait3A_987, %dma_wait3A_988] : memref<50x512xf32, #tpu.memory_space<vmem>> -> memref<1x128xf32, #tpu.memory_space<vmem>>
    %dma_wait3A_990 = tpu.memref_squeeze %dma_wait3A_989 : memref<1x128xf32, #tpu.memory_space<vmem>> -> memref<128xf32, #tpu.memory_space<vmem>>
    %dma_wait3A_991 = arith.constant 3456 : i32
    %dma_wait3A_992 = tpu.memref_slice %arg9[%dma_wait3A_991] : memref<8192xi32, #tpu.memory_space<vmem>> -> memref<128xi32, #tpu.memory_space<vmem>>
    %dma_wait3A_993 = arith.constant 0 : i32
    %dma_wait3A_994 = tpu.memref_slice %arg4[%dma_wait3A_993] : memref<800000xf32, #tpu.memory_space<hbm>> -> memref<800000xf32, #tpu.memory_space<hbm>>
    tpu.wait_indirect_dma semaphore(%arg11 : memref<!tpu.dma_semaphore, #tpu.memory_space<semaphore_mem>>) src(%dma_wait3A_994 : memref<800000xf32, #tpu.memory_space<hbm>>) dst(%dma_wait3A_990 : memref<128xf32, #tpu.memory_space<vmem>>)
    %dma_wait3A_995 = arith.constant 7 : i32
    %dma_wait3A_996 = arith.constant 384 : i32
    %dma_wait3A_997 = tpu.memref_slice %arg10[%dma_wait3A_995, %dma_wait3A_996] : memref<50x512xf32, #tpu.memory_space<vmem>> -> memref<1x128xf32, #tpu.memory_space<vmem>>
    %dma_wait3A_998 = tpu.memref_squeeze %dma_wait3A_997 : memref<1x128xf32, #tpu.memory_space<vmem>> -> memref<128xf32, #tpu.memory_space<vmem>>
    %dma_wait3A_999 = arith.constant 3968 : i32
    %dma_wait3A_1000 = tpu.memref_slice %arg9[%dma_wait3A_999] : memref<8192xi32, #tpu.memory_space<vmem>> -> memref<128xi32, #tpu.memory_space<vmem>>
    %dma_wait3A_1001 = arith.constant 0 : i32
    %dma_wait3A_1002 = tpu.memref_slice %arg4[%dma_wait3A_1001] : memref<800000xf32, #tpu.memory_space<hbm>> -> memref<800000xf32, #tpu.memory_space<hbm>>
    tpu.wait_indirect_dma semaphore(%arg11 : memref<!tpu.dma_semaphore, #tpu.memory_space<semaphore_mem>>) src(%dma_wait3A_1002 : memref<800000xf32, #tpu.memory_space<hbm>>) dst(%dma_wait3A_998 : memref<128xf32, #tpu.memory_space<vmem>>)
    %dma_wait3A_1003 = arith.constant 8 : i32
    %dma_wait3A_1004 = arith.constant 384 : i32
    %dma_wait3A_1005 = tpu.memref_slice %arg10[%dma_wait3A_1003, %dma_wait3A_1004] : memref<50x512xf32, #tpu.memory_space<vmem>> -> memref<1x128xf32, #tpu.memory_space<vmem>>
    %dma_wait3A_1006 = tpu.memref_squeeze %dma_wait3A_1005 : memref<1x128xf32, #tpu.memory_space<vmem>> -> memref<128xf32, #tpu.memory_space<vmem>>
    %dma_wait3A_1007 = arith.constant 4480 : i32
    %dma_wait3A_1008 = tpu.memref_slice %arg9[%dma_wait3A_1007] : memref<8192xi32, #tpu.memory_space<vmem>> -> memref<128xi32, #tpu.memory_space<vmem>>
    %dma_wait3A_1009 = arith.constant 0 : i32
    %dma_wait3A_1010 = tpu.memref_slice %arg5[%dma_wait3A_1009] : memref<800000xf32, #tpu.memory_space<hbm>> -> memref<800000xf32, #tpu.memory_space<hbm>>
    tpu.wait_indirect_dma semaphore(%arg11 : memref<!tpu.dma_semaphore, #tpu.memory_space<semaphore_mem>>) src(%dma_wait3A_1010 : memref<800000xf32, #tpu.memory_space<hbm>>) dst(%dma_wait3A_1006 : memref<128xf32, #tpu.memory_space<vmem>>)
    %dma_wait3A_1011 = arith.constant 9 : i32
    %dma_wait3A_1012 = arith.constant 384 : i32
    %dma_wait3A_1013 = tpu.memref_slice %arg10[%dma_wait3A_1011, %dma_wait3A_1012] : memref<50x512xf32, #tpu.memory_space<vmem>> -> memref<1x128xf32, #tpu.memory_space<vmem>>
    %dma_wait3A_1014 = tpu.memref_squeeze %dma_wait3A_1013 : memref<1x128xf32, #tpu.memory_space<vmem>> -> memref<128xf32, #tpu.memory_space<vmem>>
    %dma_wait3A_1015 = arith.constant 4992 : i32
    %dma_wait3A_1016 = tpu.memref_slice %arg9[%dma_wait3A_1015] : memref<8192xi32, #tpu.memory_space<vmem>> -> memref<128xi32, #tpu.memory_space<vmem>>
    %dma_wait3A_1017 = arith.constant 0 : i32
    %dma_wait3A_1018 = tpu.memref_slice %arg5[%dma_wait3A_1017] : memref<800000xf32, #tpu.memory_space<hbm>> -> memref<800000xf32, #tpu.memory_space<hbm>>
    tpu.wait_indirect_dma semaphore(%arg11 : memref<!tpu.dma_semaphore, #tpu.memory_space<semaphore_mem>>) src(%dma_wait3A_1018 : memref<800000xf32, #tpu.memory_space<hbm>>) dst(%dma_wait3A_1014 : memref<128xf32, #tpu.memory_space<vmem>>)
    %dma_wait3A_1019 = arith.constant 10 : i32
    %dma_wait3A_1020 = arith.constant 384 : i32
    %dma_wait3A_1021 = tpu.memref_slice %arg10[%dma_wait3A_1019, %dma_wait3A_1020] : memref<50x512xf32, #tpu.memory_space<vmem>> -> memref<1x128xf32, #tpu.memory_space<vmem>>
    %dma_wait3A_1022 = tpu.memref_squeeze %dma_wait3A_1021 : memref<1x128xf32, #tpu.memory_space<vmem>> -> memref<128xf32, #tpu.memory_space<vmem>>
    %dma_wait3A_1023 = arith.constant 5504 : i32
    %dma_wait3A_1024 = tpu.memref_slice %arg9[%dma_wait3A_1023] : memref<8192xi32, #tpu.memory_space<vmem>> -> memref<128xi32, #tpu.memory_space<vmem>>
    %dma_wait3A_1025 = arith.constant 0 : i32
    %dma_wait3A_1026 = tpu.memref_slice %arg5[%dma_wait3A_1025] : memref<800000xf32, #tpu.memory_space<hbm>> -> memref<800000xf32, #tpu.memory_space<hbm>>
    tpu.wait_indirect_dma semaphore(%arg11 : memref<!tpu.dma_semaphore, #tpu.memory_space<semaphore_mem>>) src(%dma_wait3A_1026 : memref<800000xf32, #tpu.memory_space<hbm>>) dst(%dma_wait3A_1022 : memref<128xf32, #tpu.memory_space<vmem>>)
    %dma_wait3A_1027 = arith.constant 11 : i32
    %dma_wait3A_1028 = arith.constant 384 : i32
    %dma_wait3A_1029 = tpu.memref_slice %arg10[%dma_wait3A_1027, %dma_wait3A_1028] : memref<50x512xf32, #tpu.memory_space<vmem>> -> memref<1x128xf32, #tpu.memory_space<vmem>>
    %dma_wait3A_1030 = tpu.memref_squeeze %dma_wait3A_1029 : memref<1x128xf32, #tpu.memory_space<vmem>> -> memref<128xf32, #tpu.memory_space<vmem>>
    %dma_wait3A_1031 = arith.constant 6016 : i32
    %dma_wait3A_1032 = tpu.memref_slice %arg9[%dma_wait3A_1031] : memref<8192xi32, #tpu.memory_space<vmem>> -> memref<128xi32, #tpu.memory_space<vmem>>
    %dma_wait3A_1033 = arith.constant 0 : i32
    %dma_wait3A_1034 = tpu.memref_slice %arg5[%dma_wait3A_1033] : memref<800000xf32, #tpu.memory_space<hbm>> -> memref<800000xf32, #tpu.memory_space<hbm>>
    tpu.wait_indirect_dma semaphore(%arg11 : memref<!tpu.dma_semaphore, #tpu.memory_space<semaphore_mem>>) src(%dma_wait3A_1034 : memref<800000xf32, #tpu.memory_space<hbm>>) dst(%dma_wait3A_1030 : memref<128xf32, #tpu.memory_space<vmem>>)
    %dma_wait3A_1035 = arith.constant 12 : i32
    %dma_wait3A_1036 = arith.constant 384 : i32
    %dma_wait3A_1037 = tpu.memref_slice %arg10[%dma_wait3A_1035, %dma_wait3A_1036] : memref<50x512xf32, #tpu.memory_space<vmem>> -> memref<1x128xf32, #tpu.memory_space<vmem>>
    %dma_wait3A_1038 = tpu.memref_squeeze %dma_wait3A_1037 : memref<1x128xf32, #tpu.memory_space<vmem>> -> memref<128xf32, #tpu.memory_space<vmem>>
    %dma_wait3A_1039 = arith.constant 6528 : i32
    %dma_wait3A_1040 = tpu.memref_slice %arg9[%dma_wait3A_1039] : memref<8192xi32, #tpu.memory_space<vmem>> -> memref<128xi32, #tpu.memory_space<vmem>>
    %dma_wait3A_1041 = arith.constant 0 : i32
    %dma_wait3A_1042 = tpu.memref_slice %arg5[%dma_wait3A_1041] : memref<800000xf32, #tpu.memory_space<hbm>> -> memref<800000xf32, #tpu.memory_space<hbm>>
    tpu.wait_indirect_dma semaphore(%arg11 : memref<!tpu.dma_semaphore, #tpu.memory_space<semaphore_mem>>) src(%dma_wait3A_1042 : memref<800000xf32, #tpu.memory_space<hbm>>) dst(%dma_wait3A_1038 : memref<128xf32, #tpu.memory_space<vmem>>)
    %dma_wait3A_1043 = arith.constant 13 : i32
    %dma_wait3A_1044 = arith.constant 384 : i32
    %dma_wait3A_1045 = tpu.memref_slice %arg10[%dma_wait3A_1043, %dma_wait3A_1044] : memref<50x512xf32, #tpu.memory_space<vmem>> -> memref<1x128xf32, #tpu.memory_space<vmem>>
    %dma_wait3A_1046 = tpu.memref_squeeze %dma_wait3A_1045 : memref<1x128xf32, #tpu.memory_space<vmem>> -> memref<128xf32, #tpu.memory_space<vmem>>
    %dma_wait3A_1047 = arith.constant 7040 : i32
    %dma_wait3A_1048 = tpu.memref_slice %arg9[%dma_wait3A_1047] : memref<8192xi32, #tpu.memory_space<vmem>> -> memref<128xi32, #tpu.memory_space<vmem>>
    %dma_wait3A_1049 = arith.constant 0 : i32
    %dma_wait3A_1050 = tpu.memref_slice %arg5[%dma_wait3A_1049] : memref<800000xf32, #tpu.memory_space<hbm>> -> memref<800000xf32, #tpu.memory_space<hbm>>
    tpu.wait_indirect_dma semaphore(%arg11 : memref<!tpu.dma_semaphore, #tpu.memory_space<semaphore_mem>>) src(%dma_wait3A_1050 : memref<800000xf32, #tpu.memory_space<hbm>>) dst(%dma_wait3A_1046 : memref<128xf32, #tpu.memory_space<vmem>>)
    %dma_wait3A_1051 = arith.constant 14 : i32
    %dma_wait3A_1052 = arith.constant 384 : i32
    %dma_wait3A_1053 = tpu.memref_slice %arg10[%dma_wait3A_1051, %dma_wait3A_1052] : memref<50x512xf32, #tpu.memory_space<vmem>> -> memref<1x128xf32, #tpu.memory_space<vmem>>
    %dma_wait3A_1054 = tpu.memref_squeeze %dma_wait3A_1053 : memref<1x128xf32, #tpu.memory_space<vmem>> -> memref<128xf32, #tpu.memory_space<vmem>>
    %dma_wait3A_1055 = arith.constant 7552 : i32
    %dma_wait3A_1056 = tpu.memref_slice %arg9[%dma_wait3A_1055] : memref<8192xi32, #tpu.memory_space<vmem>> -> memref<128xi32, #tpu.memory_space<vmem>>
    %dma_wait3A_1057 = arith.constant 0 : i32
    %dma_wait3A_1058 = tpu.memref_slice %arg5[%dma_wait3A_1057] : memref<800000xf32, #tpu.memory_space<hbm>> -> memref<800000xf32, #tpu.memory_space<hbm>>
    tpu.wait_indirect_dma semaphore(%arg11 : memref<!tpu.dma_semaphore, #tpu.memory_space<semaphore_mem>>) src(%dma_wait3A_1058 : memref<800000xf32, #tpu.memory_space<hbm>>) dst(%dma_wait3A_1054 : memref<128xf32, #tpu.memory_space<vmem>>)
    %dma_wait3A_1059 = arith.constant 15 : i32
    %dma_wait3A_1060 = arith.constant 384 : i32
    %dma_wait3A_1061 = tpu.memref_slice %arg10[%dma_wait3A_1059, %dma_wait3A_1060] : memref<50x512xf32, #tpu.memory_space<vmem>> -> memref<1x128xf32, #tpu.memory_space<vmem>>
    %dma_wait3A_1062 = tpu.memref_squeeze %dma_wait3A_1061 : memref<1x128xf32, #tpu.memory_space<vmem>> -> memref<128xf32, #tpu.memory_space<vmem>>
    %dma_wait3A_1063 = arith.constant 8064 : i32
    %dma_wait3A_1064 = tpu.memref_slice %arg9[%dma_wait3A_1063] : memref<8192xi32, #tpu.memory_space<vmem>> -> memref<128xi32, #tpu.memory_space<vmem>>
    %dma_wait3A_1065 = arith.constant 0 : i32
    %dma_wait3A_1066 = tpu.memref_slice %arg5[%dma_wait3A_1065] : memref<800000xf32, #tpu.memory_space<hbm>> -> memref<800000xf32, #tpu.memory_space<hbm>>
    tpu.wait_indirect_dma semaphore(%arg11 : memref<!tpu.dma_semaphore, #tpu.memory_space<semaphore_mem>>) src(%dma_wait3A_1066 : memref<800000xf32, #tpu.memory_space<hbm>>) dst(%dma_wait3A_1062 : memref<128xf32, #tpu.memory_space<vmem>>)
    "tpu.region"() ({
      %run_scoped3A = tpu.sem_alloc : memref<!tpu.dma_semaphore, #tpu.memory_space<semaphore_mem>>
      %dma_start3A_1077 = arith.constant 0 : i32
      %dma_start3A_1078 = arith.constant 0 : i32
      %dma_start3A_1079 = tpu.memref_slice %arg10[%dma_start3A_1077, %dma_start3A_1078] : memref<50x512xf32, #tpu.memory_space<vmem>> -> memref<16x512xf32, #tpu.memory_space<vmem>>
      %dma_start3A_1080 = arith.constant 0 : i32
      %dma_start3A_1081 = tpu.memref_slice %arg6[%dma_start3A_1080, %mul3A_2] : memref<50x16384xf32, #tpu.memory_space<hbm>> -> memref<16x512xf32, #tpu.memory_space<hbm>>
      %dma_start3A_1082 = arith.constant 0 : i32
      %dma_start3A_1083 = tpu.memref_slice %arg6[%dma_start3A_1082, %mul3A_2] : memref<50x16384xf32, #tpu.memory_space<hbm>> -> memref<16x512xf32, #tpu.memory_space<hbm>>
      %dma_start3A_1084 = arith.constant 0 : i32
      %dma_start3A_1085 = arith.constant 0 : i32
      %dma_start3A_1086 = tpu.memref_slice %arg10[%dma_start3A_1084, %dma_start3A_1085] : memref<50x512xf32, #tpu.memory_space<vmem>> -> memref<16x512xf32, #tpu.memory_space<vmem>>
      tpu.enqueue_dma source(%dma_start3A_1086 : memref<16x512xf32, #tpu.memory_space<vmem>>) target(%dma_start3A_1083 : memref<16x512xf32, #tpu.memory_space<hbm>>) target_semaphore(%run_scoped3A : memref<!tpu.dma_semaphore, #tpu.memory_space<semaphore_mem>>)
      %dma_wait3A_1087 = arith.constant 0 : i32
      %dma_wait3A_1088 = arith.constant 0 : i32
      %dma_wait3A_1089 = tpu.memref_slice %arg10[%dma_wait3A_1087, %dma_wait3A_1088] : memref<50x512xf32, #tpu.memory_space<vmem>> -> memref<16x512xf32, #tpu.memory_space<vmem>>
      %dma_wait3A_1090 = arith.constant 0 : i32
      %dma_wait3A_1091 = tpu.memref_slice %arg6[%dma_wait3A_1090, %mul3A_2] : memref<50x16384xf32, #tpu.memory_space<hbm>> -> memref<16x512xf32, #tpu.memory_space<hbm>>
      %dma_wait3A_1092 = arith.constant 0 : i32
      %dma_wait3A_1093 = tpu.memref_slice %arg6[%dma_wait3A_1092, %mul3A_2] : memref<50x16384xf32, #tpu.memory_space<hbm>> -> memref<16x512xf32, #tpu.memory_space<hbm>>
      %dma_wait3A_1094 = arith.constant 0 : i32
      %dma_wait3A_1095 = arith.constant 0 : i32
      %dma_wait3A_1096 = tpu.memref_slice %arg10[%dma_wait3A_1094, %dma_wait3A_1095] : memref<50x512xf32, #tpu.memory_space<vmem>> -> memref<16x512xf32, #tpu.memory_space<vmem>>
      tpu.wait_dma2 semaphore(%run_scoped3A : memref<!tpu.dma_semaphore, #tpu.memory_space<semaphore_mem>>) src(%dma_wait3A_1096 : memref<16x512xf32, #tpu.memory_space<vmem>>) dst(%dma_wait3A_1093 : memref<16x512xf32, #tpu.memory_space<hbm>>)
      tpu.yield
    }) : () -> ()
    %dma_wait3A_1067 = arith.constant 16 : i32
    %dma_wait3A_1068 = arith.constant 0 : i32
    %dma_wait3A_1069 = tpu.memref_slice %arg10[%dma_wait3A_1067, %dma_wait3A_1068] : memref<50x512xf32, #tpu.memory_space<vmem>> -> memref<34x512xf32, #tpu.memory_space<vmem>>
    %dma_wait3A_1070 = arith.constant 16 : i32
    %dma_wait3A_1071 = tpu.memref_slice %arg6[%dma_wait3A_1070, %mul3A_2] : memref<50x16384xf32, #tpu.memory_space<hbm>> -> memref<34x512xf32, #tpu.memory_space<hbm>>
    %dma_wait3A_1072 = arith.constant 16 : i32
    %dma_wait3A_1073 = tpu.memref_slice %arg6[%dma_wait3A_1072, %mul3A_2] : memref<50x16384xf32, #tpu.memory_space<hbm>> -> memref<34x512xf32, #tpu.memory_space<hbm>>
    %dma_wait3A_1074 = arith.constant 16 : i32
    %dma_wait3A_1075 = arith.constant 0 : i32
    %dma_wait3A_1076 = tpu.memref_slice %arg10[%dma_wait3A_1074, %dma_wait3A_1075] : memref<50x512xf32, #tpu.memory_space<vmem>> -> memref<34x512xf32, #tpu.memory_space<vmem>>
    tpu.wait_dma2 semaphore(%arg12 : memref<!tpu.dma_semaphore, #tpu.memory_space<semaphore_mem>>) src(%dma_wait3A_1076 : memref<34x512xf32, #tpu.memory_space<vmem>>) dst(%dma_wait3A_1073 : memref<34x512xf32, #tpu.memory_space<hbm>>)
    return
  }
}

module attributes {stable_mosaic.version = 14 : i64} {
  func.func @_mlp_body(%arg0: i32, %arg1: memref<50x4096xf32, #tpu.memory_space<vmem>>, %arg2: memref<64x50xf32, #tpu.memory_space<vmem>>, %arg3: memref<64x1xf32, #tpu.memory_space<vmem>>, %arg4: memref<1x64xf32, #tpu.memory_space<vmem>>, %arg5: memref<1x1xf32, #tpu.memory_space<vmem>>, %arg6: memref<1x4096xf32, #tpu.memory_space<vmem>>) attributes {dimension_semantics = [#tpu.dimension_semantics<arbitrary>], iteration_bounds = array<i64: 4>, scalar_prefetch = 0 : i64, scratch_operands = 0 : i64, tpu.core_type = #tpu.core_type<tc>, window_params = [{transform_indices = @transform_0, window_bounds = array<i64: 50, 4096>}, {pipeline_mode = #tpu.pipeline_mode<synchronous>, transform_indices = @transform_1, window_bounds = array<i64: 64, 50>}, {pipeline_mode = #tpu.pipeline_mode<synchronous>, transform_indices = @transform_2, window_bounds = array<i64: 64, 1>}, {pipeline_mode = #tpu.pipeline_mode<synchronous>, transform_indices = @transform_3, window_bounds = array<i64: 1, 64>}, {pipeline_mode = #tpu.pipeline_mode<synchronous>, transform_indices = @transform_4, window_bounds = array<i64: 1, 1>}, {transform_indices = @transform_5, window_bounds = array<i64: 1, 4096>}]} {
    %get3A = arith.constant 0 : index
    %get3A_0 = arith.constant 0 : index
    %get3A_1 = vector.load %arg2[%get3A, %get3A_0] : memref<64x50xf32, #tpu.memory_space<vmem>>, vector<64x50xf32>
    %get3A_2 = arith.constant 0 : index
    %get3A_3 = arith.constant 0 : index
    %get3A_4 = vector.load %arg1[%get3A_2, %get3A_3] : memref<50x4096xf32, #tpu.memory_space<vmem>>, vector<50x4096xf32>
    %dot_general3A = arith.constant dense<0.000000e+00> : vector<64x4096xf32>
    %dot_general3A_5 = tpu.matmul %get3A_1, %get3A_4, %dot_general3A {dimension_numbers = #tpu.dot_dimension_numbers<[1], [0], [0], [1], [0, 0, 1, 1], [], []>, precision = #tpu.contract_precision<fp32>, transpose_lhs_hint = false} : vector<64x50xf32>, vector<50x4096xf32>, vector<64x4096xf32> -> vector<64x4096xf32>
    %get3A_6 = arith.constant 0 : index
    %get3A_7 = arith.constant 0 : index
    %get3A_8 = vector.load %arg3[%get3A_6, %get3A_7] : memref<64x1xf32, #tpu.memory_space<vmem>>, vector<64x1xf32>
    %add3A = vector.broadcast %get3A_8 : vector<64x1xf32> to vector<64x4096xf32>
    %add3A_9 = arith.addf %dot_general3A_5, %add3A : vector<64x4096xf32>
    %max3A = arith.constant 0.000000e+00 : f32
    %max3A_10 = vector.broadcast %max3A : f32 to vector<64x4096xf32>
    %max3A_11 = arith.maximumf %add3A_9, %max3A_10 : vector<64x4096xf32>
    %get3A_12 = arith.constant 0 : index
    %get3A_13 = arith.constant 0 : index
    %get3A_14 = vector.load %arg4[%get3A_12, %get3A_13] : memref<1x64xf32, #tpu.memory_space<vmem>>, vector<1x64xf32>
    %dot_general3A_15 = arith.constant dense<0.000000e+00> : vector<1x4096xf32>
    %dot_general3A_16 = tpu.matmul %get3A_14, %max3A_11, %dot_general3A_15 {dimension_numbers = #tpu.dot_dimension_numbers<[1], [0], [0], [1], [0, 0, 1, 1], [], []>, precision = #tpu.contract_precision<fp32>, transpose_lhs_hint = false} : vector<1x64xf32>, vector<64x4096xf32>, vector<1x4096xf32> -> vector<1x4096xf32>
    %get3A_17 = arith.constant 0 : index
    %get3A_18 = arith.constant 0 : index
    %get3A_19 = vector.load %arg5[%get3A_17, %get3A_18] : memref<1x1xf32, #tpu.memory_space<vmem>>, vector<1x1xf32>
    %add3A_20 = vector.broadcast %get3A_19 : vector<1x1xf32> to vector<1x4096xf32>
    %add3A_21 = arith.addf %dot_general3A_16, %add3A_20 : vector<1x4096xf32>
    %logistic3A = arith.negf %add3A_21 : vector<1x4096xf32>
    %logistic3A_22 = math.exp %logistic3A : vector<1x4096xf32>
    %logistic3A_23 = arith.constant 1.000000e+00 : f32
    %logistic3A_24 = vector.broadcast %logistic3A_23 : f32 to vector<1x4096xf32>
    %logistic3A_25 = arith.addf %logistic3A_24, %logistic3A_22 : vector<1x4096xf32>
    %logistic3A_26 = arith.divf %logistic3A_24, %logistic3A_25 : vector<1x4096xf32>
    %swap3A = arith.constant 0 : index
    %swap3A_27 = arith.constant 0 : index
    %swap3A_28 = vector.load %arg6[%swap3A, %swap3A_27] : memref<1x4096xf32, #tpu.memory_space<vmem>>, vector<1x4096xf32>
    tpu.vector_store %arg6[%swap3A, %swap3A_27], %logistic3A_26 {strides = array<i32>} : memref<1x4096xf32, #tpu.memory_space<vmem>>, vector<1x4096xf32>,
    return
  }
  func.func @transform_0(%arg0: i32) -> (i32, i32) {
    %c0_i32 = arith.constant 0 : i32
    %c0_i32_0 = arith.constant 0 : i32
    return %c0_i32, %arg0 : i32, i32
  }
  func.func @transform_1(%arg0: i32) -> (i32, i32) {
    %c0_i32 = arith.constant 0 : i32
    %c0_i32_0 = arith.constant 0 : i32
    %c0_i32_1 = arith.constant 0 : i32
    return %c0_i32, %c0_i32_0 : i32, i32
  }
  func.func @transform_2(%arg0: i32) -> (i32, i32) {
    %c0_i32 = arith.constant 0 : i32
    %c0_i32_0 = arith.constant 0 : i32
    %c0_i32_1 = arith.constant 0 : i32
    return %c0_i32, %c0_i32_0 : i32, i32
  }
  func.func @transform_3(%arg0: i32) -> (i32, i32) {
    %c0_i32 = arith.constant 0 : i32
    %c0_i32_0 = arith.constant 0 : i32
    %c0_i32_1 = arith.constant 0 : i32
    return %c0_i32, %c0_i32_0 : i32, i32
  }
  func.func @transform_4(%arg0: i32) -> (i32, i32) {
    %c0_i32 = arith.constant 0 : i32
    %c0_i32_0 = arith.constant 0 : i32
    %c0_i32_1 = arith.constant 0 : i32
    return %c0_i32, %c0_i32_0 : i32, i32
  }
  func.func @transform_5(%arg0: i32) -> (i32, i32) {
    %c0_i32 = arith.constant 0 : i32
    %c0_i32_0 = arith.constant 0 : i32
    return %c0_i32, %arg0 : i32, i32
  }
}

</mosaic_0001>

<sc_bundles>
// kernel: kernel.4.cloned.1.call-start
scs
__scs_entry_jumppad:
0x0: {  	(pc) =	sbr.rel $0x88, $3  }
0x1: {  	(tag) =	ssettag $0x0;
	lr =	simm.s32 $0x1  }
0x2: {  	[smem:$0x3F93] =	sst lr;
	_ =	strace $0xD0000000  }
0x3: {  	_ = 	snop  }
0x4: {  	_ = 	snop  }
0x5: {  	_ = 	snop  }
0x6: {  	_ = 	snop  }
0x7: {  	_ = 	snop  }
__scs_overlays_trampoline_lowered:
0x8: {  	[smem:$0x3FA2] =	sst s0  }
0x9: {  	[smem:$0x3FA3] =	sst s1  }
0xa: {  	[smem:$0x3FA4] =	sst s2  }
0xb: {  	[smem:$0x3FA5] =	sst s3  }
0xc: {  	[smem:$0x3FA6] =	sst s4  }
0xd: {  	[smem:$0x3FA7] =	sst s5  }
0xe: {  	[smem:$0x3FA8] =	sst s6  }
0xf: {  	[smem:$0x3FA9] =	sst s7  }
0x10: {  	[smem:$0x3FAA] =	sst s8  }
0x11: {  	[smem:$0x3FAB] =	sst s9;
	s0 =	simm.s32 @!p0 $0x0  }
0x12: {  	s1 =	sld [smem:$0x3F91];
	s0 =	simm.s32 @p0 $0x1  }
0x13: {  	[smem:$0x3FAC] =	sst s0;
	s0 =	simm.s32 @!p1 $0x0  }
0x14: {  	s2 =	sld [smem:$0x3F90];
	s0 =	simm.s32 @p1 $0x1  }
0x15: {  	[smem:$0x3FAD] =	sst s0;
	s0 =	simm.s32 @!p2 $0x0  }
0x16: {  	s3 =	sld [smem:$0x3FDB];
	s0 =	simm.s32 @p2 $0x1  }
0x17: {  	s4 =	simm.s32 $0x1BF5;
	[smem:$0x3FAF] =	sst s0  }
0x18: {  	s0 =	sld [smem:$0x3F92];
	_ =	swait.ge [sflag:s4], $0x0  }
0x19: {  	s7 =	sld [smem:$0x3F93]  }
0x1a: {  	s8 =	sadd.s32 $0xFFFFE003, lr  }
0x1b: {  	s9 =	sadd.s32 $0xFFFFFEF7, lr;
	s5 =	simm.s32 $0xFFFFFFFF;
	p2 =	slt.u32 s8, $0xFFFFF086  }
0x1c: {  	p1 =	slt.u32 s9, $0xF7A;
	s5 =	simm.s32 @!p2 $0x0  }
0x1d: {  	s5 =	simm.s32 @p1 $0x1;
	p0 =	seq.s32 s7, s2  }
0x1e: {  	s7 =	smul.u32 @!p0 $0xF7A, s2;
	p2 =	seq.s32 @!p0 s5, $0x0  }
0x1f: {  	s9 =	smul.u32 $0xF7A, s1;
	s8 =	simm.s32 @!p0 $0x1BF5;
	p2 =	por !p2, p0  }
0x20: {  	[sflag:s8] =	ssyncset.s32 @!p0 $0xFFFFF086;
	s6 =	sadd.s32 @!p0 s3, s7;
	s7 =	simm.s32 @!p0 $0x108  }
0x21: {  	s3 =	sadd.s32 s3, s9;
	s6 =	sadd.s32 @!p0 $0x88, s6;
	s7 =	simm.s32 @p2 $0x1082  }
0x22: {  	[simem:s7], [sflag:s8] =	dma.local @!p0 [hbm:s6], $0xF7A  }
0x23: {  	s9 =	sor.u32 $0xD0000000, s2;
	s6 =	simm.s32 $0x108;
	_ =	swait.ge @!p0 [sflag:s8], $0x0  }
0x24: {  	s3 =	sadd.s32 $0x88, s3;
	s6 =	simm.s32 @!p1 $0x1082;
	[sflag:s4] =	ssyncset.s32 $0xFFFFF086  }
0x25: {  	[simem:s6], [sflag:s4] =	dma.local [hbm:s3], $0xF7A  }
0x26: {  	[smem:$0x3F93] =	sst s1;
	(tag) =	ssettag s2;
	_ =	strace s9  }
0x27: {  	s1 =	sld [smem:$0x3FA3]  }
0x28: {  	s2 =	sld [smem:$0x3FA4]  }
0x29: {  	s4 =	sld [smem:$0x3FA6]  }
0x2a: {  	p0 =	seq.s32 s5, $0x0;
	s5 =	sld [smem:$0x3FA7]  }
0x2b: {  	s6 =	sld [smem:$0x3FA8]  }
0x2c: {  	s7 =	sld [smem:$0x3FA9]  }
0x2d: {  	s3 =	simm.s32 $0x108;
	s8 =	sld [smem:$0x3FAA]  }
0x2e: {  	s3 =	simm.s32 @!p0 $0x1082;
	s9 =	sld [smem:$0x3FAB]  }
0x2f: {  	lr =	sadd.s32 s0, s3;
	s0 =	sld [smem:$0x3FA2]  }
0x30: {  	s3 =	sld [smem:$0x3FA5]  }
0x31: {  	[smem:$0x3FAE] =	sst s10  }
0x32: {  	s10 =	sld [smem:$0x3FAC];
	_ =	sdelay $0x3  }
0x33: {  	p0 =	seq.s32 s10, $0x1;
	s10 =	sld [smem:$0x3FAE];
	_ =	sdelay $0x3  }
0x34: {  	[smem:$0x3FAE] =	sst s10  }
0x35: {  	s10 =	sld [smem:$0x3FAD];
	_ =	sdelay $0x3  }
0x36: {  	p1 =	seq.s32 s10, $0x1;
	s10 =	sld [smem:$0x3FAE];
	_ =	sdelay $0x3  }
0x37: {  	[smem:$0x3FAE] =	sst s10  }
0x38: {  	s10 =	sld [smem:$0x3FAF]  }
0x39: {  	_ = 	snop;
	(pc) =	sbr.ind lr, $3  }
0x3a: {  	_ = 	snop  }
0x3b: {  	_ = 	snop  }
0x3c: {  	p2 =	seq.s32 s10, $0x1;
	s10 =	sld [smem:$0x3FAE]  }
0x3d: {  	_ =	shalt  }
0x3e: {  	_ =	shalt  }
0x3f: {  	_ =	shalt  }
0x40: {  	_ =	shalt  }
0x41: {  	_ =	shalt  }
0x42: {  	_ =	shalt  }
0x43: {  	_ =	shalt  }
0x44: {  	_ =	shalt  }
0x45: {  	_ =	shalt  }
0x46: {  	_ =	shalt  }
0x47: {  	_ =	shalt  }
0x48: {  	_ =	shalt  }
0x49: {  	_ =	shalt  }
0x4a: {  	_ =	shalt  }
0x4b: {  	_ =	shalt  }
0x4c: {  	_ =	shalt  }
0x4d: {  	_ =	shalt  }
0x4e: {  	_ =	shalt  }
0x4f: {  	_ =	shalt  }
0x50: {  	_ =	shalt  }
0x51: {  	_ =	shalt  }
0x52: {  	_ =	shalt  }
0x53: {  	_ =	shalt  }
0x54: {  	_ =	shalt  }
0x55: {  	_ =	shalt  }
0x56: {  	_ =	shalt  }
0x57: {  	_ =	shalt  }
0x58: {  	_ =	shalt  }
0x59: {  	_ =	shalt  }
0x5a: {  	_ =	shalt  }
0x5b: {  	_ =	shalt  }
0x5c: {  	_ =	shalt  }
0x5d: {  	_ =	shalt  }
0x5e: {  	_ =	shalt  }
0x5f: {  	_ =	shalt  }
0x60: {  	_ =	shalt  }
0x61: {  	_ =	shalt  }
0x62: {  	_ =	shalt  }
0x63: {  	_ =	shalt  }
0x64: {  	_ =	shalt  }
0x65: {  	_ =	shalt  }
0x66: {  	_ =	shalt  }
0x67: {  	_ =	shalt  }
0x68: {  	_ =	shalt  }
0x69: {  	_ =	shalt  }
0x6a: {  	_ =	shalt  }
0x6b: {  	_ =	shalt  }
0x6c: {  	_ =	shalt  }
0x6d: {  	_ =	shalt  }
0x6e: {  	_ =	shalt  }
0x6f: {  	_ =	shalt  }
0x70: {  	_ =	shalt  }
0x71: {  	_ =	shalt  }
0x72: {  	_ =	shalt  }
0x73: {  	_ =	shalt  }
0x74: {  	_ =	shalt  }
0x75: {  	_ =	shalt  }
0x76: {  	_ =	shalt  }
0x77: {  	_ =	shalt  }
0x78: {  	_ =	shalt  }
0x79: {  	_ =	shalt  }
0x7a: {  	_ =	shalt  }
0x7b: {  	_ =	shalt  }
0x7c: {  	_ =	shalt  }
0x7d: {  	_ =	shalt  }
0x7e: {  	_ =	shalt  }
0x7f: {  	_ =	shalt  }
0x80: {  	_ =	shalt  }
0x81: {  	_ =	shalt  }
0x82: {  	_ =	shalt  }
0x83: {  	_ =	shalt  }
0x84: {  	_ =	shalt  }
0x85: {  	_ =	shalt  }
0x86: {  	_ =	shalt  }
0x87: {  	_ =	shalt  }
.Lfunc_end0:
.L_simem_size_0:
called_computation_lowered:
.L_overlay_start_0:
0x88: {  	s2 =	sld [smem:$0x3FD9]  }
0x89: {  	s3 =	sld [smem:$0x3FFE];
	_ =	sdelay $0x1  }
0x8a: {  	s1 =	srdreg.scid  }
0x8b: {  	s0 =	sand.u32 $0x1, s1  }
0x8c: {  	s17 =	sshll.u32 s0, $0xA;
	s2 =	sadd.s32 s3, s2  }
0x8d: {  	s2 =	sadd.s32 s2, s17  }
0x8e: {  	[smem:$0x3FBA] =	sst s2  }
0x8f: {  	_ = 	snop  }
0x90: {  	s2 =	sld [smem:$0x3FD0];
	(tm) =	ssettm $0x1  }
0x91: {  	s18 =	sld [smem:$0x3FFB];
	_ =	sdelay $0x3  }
0x92: {  	_ =	strace s18  }
0x93: {  	s3 =	sld [smem:$0x3FFC];
	_ =	sdelay $0x3  }
0x94: {  	_ =	strace s3  }
0x95: {  	s3 =	sld [smem:$0x3FFD];
	_ =	sdelay $0x3  }
0x96: {  	_ =	strace s3  }
0x97: {  	_ =	strace $0x8FFFFFFF  }
0x98: {  	s19 =	sld [smem:$0x3FDB];
	_ =	sdelay $0x1  }
0x99: {  	s4 =	simm.s32 $_scs_section_size  }
0x9a: {  	s5 =	simm.s32 $_size__tile_overlayer_lowered;
	s6 =	simm.s32 $_tile_overlayer_lowered  }
0x9b: {  	s22 =	simm.s32 $0x1BFF;
	s21 =	sshll.u32 s6, $0x1;
	s3 =	sadd.s32 s4, s19  }
0x9c: {  	s7 =	simm.s32 $0x0;
	s20 =	sshll.u32 s5, $0x1;
	s5 =	sadd.s32 s21, s3  }
0x9d: {  	[timem:s7], [sflag:s22] =	dma.local [hbm:s5], s20  }
0x9e: {  	_ =	swait.ge [sflag:s22], s20  }
0x9f: {  	s4 =	ssub.s32 $0x0, s20;
	[sflag:s22] =	ssyncset.done $0x0  }
0xa0: {  	[sflag:s22] =	ssyncadd.s32 s4;
	_ =	sdelay $0x1  }
0xa1: {  	s23 =	simm.s32 $0x1B8B  }
0xa2: {  	_ =	swait.ge [sflag:s23], $0x1  }
0xa3: {  	[sflag:s23] =	ssyncset.done $0x0  }
0xa4: {  	s25 =	simm.s32 $0x1B8E;
	s24 =	sld [smem:$0x3FFE];
	[sflag:s23] =	ssyncadd.s32 $0xFFFFFFFF  }
0xa5: {  	s26 =	simm.s32 $execute0_lowered;
	[smem:$0x3FD2] =	sst s25  }
0xa6: {  	s5 =	sshll.u32 s26, $0x1;
	_ =	strace $0x80000046;
	[dreg:$0x1] =	wrdreg $0xFFFFFFFF  }
0xa7: {  	s28 =	simm.s32 $_size_execute0_lowered;
	s3 =	sadd.s32 s3, s5;
	[dreg:$0x0] =	wrdreg $0x0  }
0xa8: {  	s5 =	sshll.u32 s28, $0x1;
	[dreg:$0x2] =	wrdreg s3  }
0xa9: {  	[dreg:$0x3] =	wrdreg s5  }
0xaa: {  	[dreg:$0x4] =	wrdreg $0xC0  }
0xab: {  	_ =	task [dreg:s7], $0x5FFFF  }
0xac: {  	[dreg:$0x1] =	wrdreg $0xFFFFFFFF  }
0xad: {  	[dreg:$0x0] =	wrdreg $0x60  }
0xae: {  	[dreg:$0x2] =	wrdreg s24  }
0xaf: {  	[dreg:$0x3] =	wrdreg s2  }
0xb0: {  	[dreg:$0x4] =	wrdreg $0x9  }
0xb1: {  	_ =	task.clear_ibuf [dreg:s7], $0x5FFFF;
	_ =	strace $0x90000046  }
0xb2: {  	s29 =	simm.s32 $0x9;
	_ =	strace $0x80000048  }
0xb3: {  	_ =	swait.ge [sflag:s29], $0x1  }
0xb4: {  	[sflag:s29] =	ssyncadd.s32 $0xFFFFFFFF  }
0xb5: {  	_ =	strace $0x90000048  }
0xb6: {  	_ =	sfence  }
0xb7: {  	s30 =	sld [smem:$0x0];
	_ =	sdelay $0x2  }
0xb8: {  	s31 =	sshll.u32 s1, $0xD;
	s1 =	sshrl.u32 s1, $0x2  }
0xb9: {  	s3 =	sand.u32 $0x4000, s31;
	s1 =	sadd.s32 s1, s30  }
0xba: {  	s0 =	sor.u32 s3, s0;
	s1 =	sshll.u32 s1, $0x11  }
0xbb: {  	s0 =	sor.u32 s1, s0  }
0xbc: {  	s0 =	sadd.s32 $0x8F2B, s0  }
0xbd: {  	[sflag:s0] =	ssyncadd.remote.s32 $0x1  }
0xbe: {  	_ =	sfence.sel $0xFFFF  }
0xbf: {  	[dreg:$0x0] =	wrdreg $0xFFFFFFFF;
	(pc) =	sbr.abs _section_cstart, $3  }
0xc0: {  	[dreg:$0x1] =	wrdreg $0xFFFFFFFF  }
0xc1: {  	_ =	task.clear_ibuf [dreg:s7], $0x2FFFF;
	_ =	strace $0x9FFFFFFF  }
0xc2: {  	(tm) =	ssettm $0x7FFFFFFF  }
0xc3: {  	_ =	shalt  }
tec
execute0_lowered:
.L_overlay_start_1:
0x0: {  	(tag) =	ssettag $0x1  }
0x1: {  	s0 =	rddreg [dreg:$0x0];
	s3 =	simm.s32 $0x0  }
0x2: {  	s1 =	srdreg.scid;
	s2 =	stileid.u32;
	s10 =	simm.s32 $0x200  }
0x3: {  	s11 =	simm.s32 $0x4000;
	s12 =	simm.s32 $0x1400;
	s13 =	simm.s32 $0x2  }
0x4: {  	s14 =	simm.s32 $0x80;
	s16 =	simm.s32 $0x55D8;
	s24 =	simm.s32 $0x6B58  }
0x5: {  	s25 =	simm.s32 $0x4D58;
	s26 =	simm.s32 $0x6D58;
	s28 =	simm.s32 $0x4F58  }
0x6: {  	s29 =	simm.s32 $0x6F58;
	s30 =	simm.s32 $0x5158;
	s31 =	simm.s32 $0x7158  }
0x7: {  	s15 =	simm.s32 $0x7558;
	s17 =	simm.s32 $0x75D8;
	s18 =	simm.s32 $0x1  }
0x8: {  	s19 =	simm.s32 $0x3;
	s20 =	simm.s32 $0x0;
	[smem:$0x7FF] =	sst s3  }
0x9: {  	s1 =	sand.u32 $0x1, s1;
	s2 =	sshll.u32 s2, $0x7;
	s4 =	sadd.s32 $0x1A400, s0  }
0xa: {  	_ =	strace $0x80000047;
	s5 =	sshll.u32 s1, $0x6;
	s1 =	ssub.s32 $0x2, s1  }
0xb: {  	s2 =	sor.u32 s5, s2;
	s6 =	sshrl.u32 s1, $0x1;
	s5 =	sadd.s32 $0x1C00, s0  }
0xc: {  	s0 =	sadd.s32 s2, s0;
	s1 =	ssub.s32 s1, s6;
	s2 =	simm.s32 $0x7358  }
0xd: {  	s6 =	sadd.s32 $0x32C00, s0;
	s7 =	sadd.s32 $0x3FC00, s0;
	s8 =	sadd.s32 $0x37C00, s0  }
0xe: {  	s9 =	smax.u32 s1, $0x1;
	s0 =	simm.s32 $0x5358;
	s1 =	simm.s32 $0x5558  }
.LBB2_1:
0xf: {  	[tilespmem:s3], [sflag:$0x2] =	stream.strided.gather [hbm4b:s6+s10], $0x1400, s11, s10, $0x38;
	[tilespmem:$0xB9D8] =	vst v63  }
0x10: {  	s21 =	rddreg [dreg:$0x1]  }
0x11: {  	[tilespmem:s12], [sflag:$0x2] =	stream.linear.gather [hbm4b:s21+s3], $0x21D8, $0x38;
	[tilespmem:$0xB9D8] =	vst v63  }
0x12: {  	_ =	swait.ge [sflag:s13], $0x1400  }
0x13: {  	[sflag:s13] =	ssyncset.done $0x0  }
0x14: {  	s21 =	simm.s32 $0x0;
	[sflag:s13] =	ssyncadd.s32 $0xFFFFEC00  }
0x15: {  	v0 =	vld [tilespmem:s21+$0x200]  }
0x16: {  	v1 =	vld [tilespmem:s21+$0x0];
	_ =	sdelay $0x3  }
0x17: {  	v0 =	vtrunc.f32 v0  }
0x18: {  	v1 =	vtrunc.f32 v1;
	v3 =	vcvt.f32.s32 v0  }
0x19: {  	v0 =	vcvt.f32.s32 v1  }
0x1a: {  	[tilespmem:s21+$0x45D8] =	vst v3;
	v1 =	vadd.s32 $0xAAE60, v3  }
0x1b: {  	v2 =	vadd.s32 $0x186A0, v0;
	[tilespmem:s21+$0x53D8] =	vst v1  }
0x1c: {  	v4 =	vadd.s32 $0x61A80, v0;
	[tilespmem:s21+$0x37D8] =	vst v2  }
0x1d: {  	v6 =	vadd.s32 $0x7A120, v0;
	[tilespmem:s21+$0x3DD8] =	vst v4  }
0x1e: {  	v8 =	vadd.s32 $0x927C0, v0;
	[tilespmem:s21+$0x3FD8] =	vst v6  }
0x1f: {  	v7 =	vadd.s32 $0xAAE60, v0;
	v5 =	vadd.s32 $0x493E0, v3;
	v1 =	vadd.s32 $0x30D40, v0;
	[tilespmem:s21+$0x41D8] =	vst v8  }
0x20: {  	v2 =	vadd.s32 $0x493E0, v0;
	v6 =	vadd.s32 $0x61A80, v3;
	v4 =	vadd.s32 $0x7A120, v3;
	[tilespmem:s21+$0x39D8] =	vst v1  }
0x21: {  	s22 =	simm.s32 $0x10;
	s23 =	simm.s32 $0x80;
	[tilespmem:s21+$0x3BD8] =	vst v2;
	v2 =	vadd.s32 $0x186A0, v3;
	v1 =	vadd.s32 $0x30D40, v3;
	v3 =	vadd.s32 $0x927C0, v3  }
.LBB2_2:
0x22: {  	p0 =	sne.s32 s23, $0x1C0;
	v8 =	vld [tilespmem:s22+$0x200];
	[tilespmem:s21+$0x43D8] =	vst v7  }
0x23: {  	v7 =	vld [tilespmem:s22+$0x0];
	[tilespmem:s21+$0x47D8] =	vst v2  }
0x24: {  	[tilespmem:s21+$0x49D8] =	vst v1  }
0x25: {  	[tilespmem:s21+$0x4BD8] =	vst v5  }
0x26: {  	[tilespmem:s21+$0x4DD8] =	vst v6  }
0x27: {  	v1 =	vtrunc.f32 v8;
	[tilespmem:s21+$0x4FD8] =	vst v4  }
0x28: {  	v2 =	vtrunc.f32 v7;
	v8 =	vcvt.f32.s32 v1;
	[tilespmem:s21+$0x51D8] =	vst v3  }
0x29: {  	[tilespmem:s21+$0x35D8] =	vst v0;
	v0 =	vcvt.f32.s32 v2;
	s21 =	smov.u32 s22  }
0x2a: {  	[tilespmem:s21+$0x45D8] =	vst v8;
	v2 =	vadd.s32 $0x186A0, v8;
	v1 =	vadd.s32 $0x30D40, v8;
	v3 =	vadd.s32 $0xAAE60, v8  }
0x2b: {  	v4 =	vadd.s32 $0x186A0, v0;
	v5 =	vadd.s32 $0x30D40, v0;
	v9 =	vadd.s32 $0x493E0, v0;
	[tilespmem:s21+$0x53D8] =	vst v3  }
0x2c: {  	v10 =	vadd.s32 $0x61A80, v0;
	v11 =	vadd.s32 $0x7A120, v0;
	v12 =	vadd.s32 $0x927C0, v0;
	[tilespmem:s21+$0x37D8] =	vst v4  }
.Ltmp0:
0x2d: {  	v6 =	vadd.s32 $0x61A80, v8;
	v7 =	vadd.s32 $0xAAE60, v0;
	[tilespmem:s21+$0x39D8] =	vst v5;
	v5 =	vadd.s32 $0x493E0, v8;
	(pc) =	sbr.rel @p0 .LBB2_2-.Ltmp0, $4  }
0x2e: {  	v3 =	vadd.s32 $0x927C0, v8;
	v4 =	vadd.s32 $0x7A120, v8;
	[tilespmem:s21+$0x3BD8] =	vst v9  }
0x2f: {  	[tilespmem:s21+$0x3DD8] =	vst v10  }
0x30: {  	[tilespmem:s21+$0x3FD8] =	vst v11  }
0x31: {  	s22 =	sshra.s32 s23, $0x2;
	s23 =	sadd.s32 $0x40, s23;
	[tilespmem:s21+$0x41D8] =	vst v12  }
0x32: {  	v8 =	vld [tilespmem:s22+$0x200];
	[tilespmem:s21+$0x43D8] =	vst v7  }
0x33: {  	v7 =	vld [tilespmem:s22+$0x0];
	[tilespmem:s21+$0x47D8] =	vst v2  }
0x34: {  	[tilespmem:s21+$0x49D8] =	vst v1  }
0x35: {  	[tilespmem:s21+$0x4BD8] =	vst v5  }
0x36: {  	[tilespmem:s21+$0x4DD8] =	vst v6  }
0x37: {  	[tilespmem:s21+$0x4FD8] =	vst v4;
	v1 =	vtrunc.f32 v8  }
0x38: {  	[tilespmem:s21+$0x51D8] =	vst v3;
	v1 =	vcvt.f32.s32 v1  }
0x39: {  	[tilespmem:s21+$0x35D8] =	vst v0;
	v2 =	vtrunc.f32 v7  }
0x3a: {  	v2 =	vcvt.f32.s32 v2;
	[tilespmem:s22+$0x45D8] =	vst v1;
	v0 =	vadd.s32 $0xAAE60, v1  }
0x3b: {  	[tilespmem:s22+$0x53D8] =	vst v0  }
0x3c: {  	v3 =	vadd.s32 $0x186A0, v2;
	[tilespmem:s22+$0x35D8] =	vst v2  }
0x3d: {  	v0 =	vadd.s32 $0x30D40, v2;
	[tilespmem:s22+$0x37D8] =	vst v3  }
0x3e: {  	v3 =	vadd.s32 $0x493E0, v2;
	[tilespmem:s22+$0x39D8] =	vst v0  }
0x3f: {  	v0 =	vadd.s32 $0x61A80, v2;
	[tilespmem:s22+$0x3BD8] =	vst v3  }
0x40: {  	v3 =	vadd.s32 $0x7A120, v2;
	[tilespmem:s22+$0x3DD8] =	vst v0  }
0x41: {  	v0 =	vadd.s32 $0x927C0, v2;
	[tilespmem:s22+$0x3FD8] =	vst v3  }
0x42: {  	v3 =	vadd.s32 $0xAAE60, v2;
	[tilespmem:s22+$0x41D8] =	vst v0  }
0x43: {  	v0 =	vadd.s32 $0x186A0, v1;
	[tilespmem:s22+$0x43D8] =	vst v3  }
0x44: {  	v3 =	vadd.s32 $0x30D40, v1;
	[tilespmem:s22+$0x47D8] =	vst v0  }
0x45: {  	v0 =	vadd.s32 $0x493E0, v1;
	[tilespmem:s22+$0x49D8] =	vst v3  }
0x46: {  	v3 =	vadd.s32 $0x61A80, v1;
	[tilespmem:s22+$0x4BD8] =	vst v0  }
0x47: {  	v0 =	vadd.s32 $0x7A120, v1;
	[tilespmem:s22+$0x4DD8] =	vst v3  }
0x48: {  	v1 =	vadd.s32 $0x927C0, v1;
	[tilespmem:s22+$0x4FD8] =	vst v0  }
0x49: {  	s23 =	simm.s32 $0x35D8;
	[tilespmem:s22+$0x51D8] =	vst v1  }
0x4a: {  	[tilespmem:s16], [sflag:$0x1] =	stream.indirect.gather [hbm4b:s4+s14], $0x1, s23, s14, $0xb8;
	[tilespmem:$0xB9D8] =	vst v63  }
0x4b: {  	s22 =	simm.s32 $0x37D8;
	s23 =	simm.s32 $0x57D8  }
0x4c: {  	[tilespmem:s23], [sflag:$0x1] =	stream.indirect.gather [hbm4b:s4+s14], $0x1, s22, s14, $0xb8;
	[tilespmem:$0xB9D8] =	vst v63  }
0x4d: {  	s22 =	simm.s32 $0x39D8;
	s23 =	simm.s32 $0x59D8  }
0x4e: {  	[tilespmem:s23], [sflag:$0x1] =	stream.indirect.gather [hbm4b:s4+s14], $0x1, s22, s14, $0xb8;
	[tilespmem:$0xB9D8] =	vst v63  }
0x4f: {  	s22 =	simm.s32 $0x3BD8;
	s23 =	simm.s32 $0x5BD8  }
0x50: {  	[tilespmem:s23], [sflag:$0x1] =	stream.indirect.gather [hbm4b:s4+s14], $0x1, s22, s14, $0xb8;
	[tilespmem:$0xB9D8] =	vst v63  }
0x51: {  	s22 =	simm.s32 $0x3DD8;
	s23 =	simm.s32 $0x5DD8  }
0x52: {  	[tilespmem:s23], [sflag:$0x1] =	stream.indirect.gather [hbm4b:s4+s14], $0x1, s22, s14, $0xb8;
	[tilespmem:$0xB9D8] =	vst v63  }
0x53: {  	s22 =	simm.s32 $0x3FD8;
	s23 =	simm.s32 $0x5FD8  }
0x54: {  	[tilespmem:s23], [sflag:$0x1] =	stream.indirect.gather [hbm4b:s4+s14], $0x1, s22, s14, $0xb8;
	[tilespmem:$0xB9D8] =	vst v63  }
0x55: {  	s22 =	simm.s32 $0x41D8;
	s23 =	simm.s32 $0x61D8  }
0x56: {  	[tilespmem:s23], [sflag:$0x1] =	stream.indirect.gather [hbm4b:s4+s14], $0x1, s22, s14, $0xb8;
	[tilespmem:$0xB9D8] =	vst v63  }
0x57: {  	s22 =	simm.s32 $0x43D8;
	s23 =	simm.s32 $0x63D8  }
0x58: {  	[tilespmem:s23], [sflag:$0x1] =	stream.indirect.gather [hbm4b:s4+s14], $0x1, s22, s14, $0xb8;
	[tilespmem:$0xB9D8] =	vst v63  }
0x59: {  	s22 =	simm.s32 $0x45D8;
	s23 =	simm.s32 $0x65D8  }
0x5a: {  	[tilespmem:s23], [sflag:$0x1] =	stream.indirect.gather [hbm4b:s5+s14], $0x1, s22, s14, $0xb8;
	[tilespmem:$0xB9D8] =	vst v63  }
0x5b: {  	s22 =	simm.s32 $0x47D8;
	s23 =	simm.s32 $0x67D8  }
0x5c: {  	[tilespmem:s23], [sflag:$0x1] =	stream.indirect.gather [hbm4b:s5+s14], $0x1, s22, s14, $0xb8;
	[tilespmem:$0xB9D8] =	vst v63  }
0x5d: {  	s22 =	simm.s32 $0x49D8;
	s23 =	simm.s32 $0x69D8  }
0x5e: {  	[tilespmem:s23], [sflag:$0x1] =	stream.indirect.gather [hbm4b:s5+s14], $0x1, s22, s14, $0xb8;
	[tilespmem:$0xB9D8] =	vst v63  }
0x5f: {  	s22 =	simm.s32 $0x4BD8;
	s23 =	simm.s32 $0x6BD8  }
0x60: {  	[tilespmem:s23], [sflag:$0x1] =	stream.indirect.gather [hbm4b:s5+s14], $0x1, s22, s14, $0xb8;
	[tilespmem:$0xB9D8] =	vst v63  }
0x61: {  	s22 =	simm.s32 $0x4DD8;
	s23 =	simm.s32 $0x6DD8  }
0x62: {  	[tilespmem:s23], [sflag:$0x1] =	stream.indirect.gather [hbm4b:s5+s14], $0x1, s22, s14, $0xb8;
	[tilespmem:$0xB9D8] =	vst v63  }
0x63: {  	s22 =	simm.s32 $0x4FD8;
	s23 =	simm.s32 $0x6FD8  }
0x64: {  	[tilespmem:s23], [sflag:$0x1] =	stream.indirect.gather [hbm4b:s5+s14], $0x1, s22, s14, $0xb8;
	[tilespmem:$0xB9D8] =	vst v63  }
0x65: {  	s22 =	simm.s32 $0x51D8;
	s23 =	simm.s32 $0x71D8  }
0x66: {  	[tilespmem:s23], [sflag:$0x1] =	stream.indirect.gather [hbm4b:s5+s14], $0x1, s22, s14, $0xb8;
	[tilespmem:$0xB9D8] =	vst v63  }
0x67: {  	s21 =	simm.s32 $0x0;
	s22 =	simm.s32 $0x53D8;
	s23 =	simm.s32 $0x73D8  }
0x68: {  	[tilespmem:s23], [sflag:$0x1] =	stream.indirect.gather [hbm4b:s5+s14], $0x1, s22, s14, $0xb8;
	[tilespmem:$0xB9D8] =	vst v63  }
0x69: {  	v0 =	vld [tilespmem:s21+$0x280]  }
0x6a: {  	v1 =	vld [tilespmem:s21+$0x80];
	_ =	sdelay $0x3  }
0x6b: {  	v0 =	vtrunc.f32 v0  }
0x6c: {  	v1 =	vtrunc.f32 v1;
	v3 =	vcvt.f32.s32 v0  }
0x6d: {  	v0 =	vcvt.f32.s32 v1  }
0x6e: {  	[tilespmem:s21+$0x4658] =	vst v3;
	v1 =	vadd.s32 $0xAAE60, v3  }
0x6f: {  	v2 =	vadd.s32 $0x186A0, v0;
	[tilespmem:s21+$0x5458] =	vst v1  }
0x70: {  	v4 =	vadd.s32 $0x61A80, v0;
	[tilespmem:s21+$0x3858] =	vst v2  }
0x71: {  	v6 =	vadd.s32 $0x7A120, v0;
	[tilespmem:s21+$0x3E58] =	vst v4  }
0x72: {  	v8 =	vadd.s32 $0x927C0, v0;
	[tilespmem:s21+$0x4058] =	vst v6  }
0x73: {  	v7 =	vadd.s32 $0xAAE60, v0;
	v5 =	vadd.s32 $0x493E0, v3;
	v1 =	vadd.s32 $0x30D40, v0;
	[tilespmem:s21+$0x4258] =	vst v8  }
0x74: {  	v2 =	vadd.s32 $0x493E0, v0;
	v6 =	vadd.s32 $0x61A80, v3;
	v4 =	vadd.s32 $0x7A120, v3;
	[tilespmem:s21+$0x3A58] =	vst v1  }
0x75: {  	s22 =	simm.s32 $0x10;
	s23 =	simm.s32 $0x80;
	[tilespmem:s21+$0x3C58] =	vst v2;
	v2 =	vadd.s32 $0x186A0, v3;
	v1 =	vadd.s32 $0x30D40, v3;
	v3 =	vadd.s32 $0x927C0, v3  }
.LBB2_4:
0x76: {  	p0 =	sne.s32 s23, $0x1C0;
	v8 =	vld [tilespmem:s22+$0x280];
	[tilespmem:s21+$0x4458] =	vst v7  }
0x77: {  	v7 =	vld [tilespmem:s22+$0x80];
	[tilespmem:s21+$0x4858] =	vst v2  }
0x78: {  	[tilespmem:s21+$0x4A58] =	vst v1  }
0x79: {  	[tilespmem:s21+$0x4C58] =	vst v5  }
0x7a: {  	[tilespmem:s21+$0x4E58] =	vst v6  }
0x7b: {  	v1 =	vtrunc.f32 v8;
	[tilespmem:s21+$0x5058] =	vst v4  }
0x7c: {  	v2 =	vtrunc.f32 v7;
	v8 =	vcvt.f32.s32 v1;
	[tilespmem:s21+$0x5258] =	vst v3  }
0x7d: {  	[tilespmem:s21+$0x3658] =	vst v0;
	v0 =	vcvt.f32.s32 v2;
	s21 =	smov.u32 s22  }
0x7e: {  	[tilespmem:s21+$0x4658] =	vst v8;
	v2 =	vadd.s32 $0x186A0, v8;
	v1 =	vadd.s32 $0x30D40, v8;
	v3 =	vadd.s32 $0xAAE60, v8  }
0x7f: {  	v4 =	vadd.s32 $0x186A0, v0;
	v5 =	vadd.s32 $0x30D40, v0;
	v9 =	vadd.s32 $0x493E0, v0;
	[tilespmem:s21+$0x5458] =	vst v3  }
0x80: {  	v10 =	vadd.s32 $0x61A80, v0;
	v11 =	vadd.s32 $0x7A120, v0;
	v12 =	vadd.s32 $0x927C0, v0;
	[tilespmem:s21+$0x3858] =	vst v4  }
.Ltmp1:
0x81: {  	v6 =	vadd.s32 $0x61A80, v8;
	v7 =	vadd.s32 $0xAAE60, v0;
	[tilespmem:s21+$0x3A58] =	vst v5;
	v5 =	vadd.s32 $0x493E0, v8;
	(pc) =	sbr.rel @p0 .LBB2_4-.Ltmp1, $4  }
0x82: {  	v3 =	vadd.s32 $0x927C0, v8;
	v4 =	vadd.s32 $0x7A120, v8;
	[tilespmem:s21+$0x3C58] =	vst v9  }
0x83: {  	[tilespmem:s21+$0x3E58] =	vst v10  }
0x84: {  	[tilespmem:s21+$0x4058] =	vst v11  }
0x85: {  	s22 =	sshra.s32 s23, $0x2;
	s23 =	sadd.s32 $0x40, s23;
	[tilespmem:s21+$0x4258] =	vst v12  }
0x86: {  	v8 =	vld [tilespmem:s22+$0x280];
	[tilespmem:s21+$0x4458] =	vst v7  }
0x87: {  	v7 =	vld [tilespmem:s22+$0x80];
	[tilespmem:s21+$0x4858] =	vst v2  }
0x88: {  	[tilespmem:s21+$0x4A58] =	vst v1  }
0x89: {  	[tilespmem:s21+$0x4C58] =	vst v5  }
0x8a: {  	[tilespmem:s21+$0x4E58] =	vst v6  }
0x8b: {  	[tilespmem:s21+$0x5058] =	vst v4;
	v1 =	vtrunc.f32 v8  }
0x8c: {  	[tilespmem:s21+$0x5258] =	vst v3;
	v1 =	vcvt.f32.s32 v1  }
0x8d: {  	[tilespmem:s21+$0x3658] =	vst v0;
	v2 =	vtrunc.f32 v7  }
0x8e: {  	v2 =	vcvt.f32.s32 v2;
	[tilespmem:s22+$0x4658] =	vst v1;
	v0 =	vadd.s32 $0xAAE60, v1  }
0x8f: {  	[tilespmem:s22+$0x5458] =	vst v0  }
0x90: {  	v3 =	vadd.s32 $0x186A0, v2;
	[tilespmem:s22+$0x3658] =	vst v2  }
0x91: {  	v0 =	vadd.s32 $0x30D40, v2;
	[tilespmem:s22+$0x3858] =	vst v3  }
0x92: {  	v3 =	vadd.s32 $0x493E0, v2;
	[tilespmem:s22+$0x3A58] =	vst v0  }
0x93: {  	v0 =	vadd.s32 $0x61A80, v2;
	[tilespmem:s22+$0x3C58] =	vst v3  }
0x94: {  	v3 =	vadd.s32 $0x7A120, v2;
	[tilespmem:s22+$0x3E58] =	vst v0  }
0x95: {  	v0 =	vadd.s32 $0x927C0, v2;
	[tilespmem:s22+$0x4058] =	vst v3  }
0x96: {  	v3 =	vadd.s32 $0xAAE60, v2;
	[tilespmem:s22+$0x4258] =	vst v0  }
0x97: {  	v0 =	vadd.s32 $0x186A0, v1;
	[tilespmem:s22+$0x4458] =	vst v3  }
0x98: {  	v3 =	vadd.s32 $0x30D40, v1;
	[tilespmem:s22+$0x4858] =	vst v0  }
0x99: {  	v0 =	vadd.s32 $0x493E0, v1;
	[tilespmem:s22+$0x4A58] =	vst v3  }
0x9a: {  	v3 =	vadd.s32 $0x61A80, v1;
	[tilespmem:s22+$0x4C58] =	vst v0  }
0x9b: {  	v0 =	vadd.s32 $0x7A120, v1;
	[tilespmem:s22+$0x4E58] =	vst v3  }
0x9c: {  	v1 =	vadd.s32 $0x927C0, v1;
	[tilespmem:s22+$0x5058] =	vst v0  }
0x9d: {  	s23 =	simm.s32 $0x5658;
	[tilespmem:s22+$0x5258] =	vst v1;
	s22 =	simm.s32 $0x3658  }
0x9e: {  	[tilespmem:s23], [sflag:$0x1] =	stream.indirect.gather [hbm4b:s4+s14], $0x1, s22, s14, $0xb8;
	[tilespmem:$0xB9D8] =	vst v63  }
0x9f: {  	s22 =	simm.s32 $0x3858;
	s23 =	simm.s32 $0x5858  }
0xa0: {  	[tilespmem:s23], [sflag:$0x1] =	stream.indirect.gather [hbm4b:s4+s14], $0x1, s22, s14, $0xb8;
	[tilespmem:$0xB9D8] =	vst v63  }
0xa1: {  	s22 =	simm.s32 $0x3A58;
	s23 =	simm.s32 $0x5A58  }
0xa2: {  	[tilespmem:s23], [sflag:$0x1] =	stream.indirect.gather [hbm4b:s4+s14], $0x1, s22, s14, $0xb8;
	[tilespmem:$0xB9D8] =	vst v63  }
0xa3: {  	s22 =	simm.s32 $0x3C58;
	s23 =	simm.s32 $0x5C58  }
0xa4: {  	[tilespmem:s23], [sflag:$0x1] =	stream.indirect.gather [hbm4b:s4+s14], $0x1, s22, s14, $0xb8;
	[tilespmem:$0xB9D8] =	vst v63  }
0xa5: {  	s22 =	simm.s32 $0x3E58;
	s23 =	simm.s32 $0x5E58  }
0xa6: {  	[tilespmem:s23], [sflag:$0x1] =	stream.indirect.gather [hbm4b:s4+s14], $0x1, s22, s14, $0xb8;
	[tilespmem:$0xB9D8] =	vst v63  }
0xa7: {  	s22 =	simm.s32 $0x4058;
	s23 =	simm.s32 $0x6058  }
0xa8: {  	[tilespmem:s23], [sflag:$0x1] =	stream.indirect.gather [hbm4b:s4+s14], $0x1, s22, s14, $0xb8;
	[tilespmem:$0xB9D8] =	vst v63  }
0xa9: {  	s22 =	simm.s32 $0x4258;
	s23 =	simm.s32 $0x6258  }
0xaa: {  	[tilespmem:s23], [sflag:$0x1] =	stream.indirect.gather [hbm4b:s4+s14], $0x1, s22, s14, $0xb8;
	[tilespmem:$0xB9D8] =	vst v63  }
0xab: {  	s22 =	simm.s32 $0x4458;
	s23 =	simm.s32 $0x6458  }
0xac: {  	[tilespmem:s23], [sflag:$0x1] =	stream.indirect.gather [hbm4b:s4+s14], $0x1, s22, s14, $0xb8;
	[tilespmem:$0xB9D8] =	vst v63  }
0xad: {  	s22 =	simm.s32 $0x4658;
	s23 =	simm.s32 $0x6658  }
0xae: {  	[tilespmem:s23], [sflag:$0x1] =	stream.indirect.gather [hbm4b:s5+s14], $0x1, s22, s14, $0xb8;
	[tilespmem:$0xB9D8] =	vst v63  }
0xaf: {  	s22 =	simm.s32 $0x4858;
	s23 =	simm.s32 $0x6858  }
0xb0: {  	[tilespmem:s23], [sflag:$0x1] =	stream.indirect.gather [hbm4b:s5+s14], $0x1, s22, s14, $0xb8;
	[tilespmem:$0xB9D8] =	vst v63  }
0xb1: {  	s22 =	simm.s32 $0x4A58;
	s23 =	simm.s32 $0x6A58  }
0xb2: {  	[tilespmem:s23], [sflag:$0x1] =	stream.indirect.gather [hbm4b:s5+s14], $0x1, s22, s14, $0xb8;
	[tilespmem:$0xB9D8] =	vst v63  }
0xb3: {  	s22 =	simm.s32 $0x4C58;
	s23 =	simm.s32 $0x6C58  }
0xb4: {  	[tilespmem:s23], [sflag:$0x1] =	stream.indirect.gather [hbm4b:s5+s14], $0x1, s22, s14, $0xb8;
	[tilespmem:$0xB9D8] =	vst v63  }
0xb5: {  	s22 =	simm.s32 $0x4E58;
	s23 =	simm.s32 $0x6E58  }
0xb6: {  	[tilespmem:s23], [sflag:$0x1] =	stream.indirect.gather [hbm4b:s5+s14], $0x1, s22, s14, $0xb8;
	[tilespmem:$0xB9D8] =	vst v63  }
0xb7: {  	s22 =	simm.s32 $0x5058;
	s23 =	simm.s32 $0x7058  }
0xb8: {  	[tilespmem:s23], [sflag:$0x1] =	stream.indirect.gather [hbm4b:s5+s14], $0x1, s22, s14, $0xb8;
	[tilespmem:$0xB9D8] =	vst v63  }
0xb9: {  	s22 =	simm.s32 $0x5258;
	s23 =	simm.s32 $0x7258  }
0xba: {  	[tilespmem:s23], [sflag:$0x1] =	stream.indirect.gather [hbm4b:s5+s14], $0x1, s22, s14, $0xb8;
	[tilespmem:$0xB9D8] =	vst v63  }
0xbb: {  	s21 =	simm.s32 $0x0;
	s22 =	simm.s32 $0x5458;
	s23 =	simm.s32 $0x7458  }
0xbc: {  	[tilespmem:s23], [sflag:$0x1] =	stream.indirect.gather [hbm4b:s5+s14], $0x1, s22, s14, $0xb8;
	[tilespmem:$0xB9D8] =	vst v63  }
0xbd: {  	v0 =	vld [tilespmem:s21+$0x300]  }
0xbe: {  	v1 =	vld [tilespmem:s21+$0x100];
	_ =	sdelay $0x3  }
0xbf: {  	v0 =	vtrunc.f32 v0  }
0xc0: {  	v1 =	vtrunc.f32 v1;
	v3 =	vcvt.f32.s32 v0  }
0xc1: {  	v0 =	vcvt.f32.s32 v1  }
0xc2: {  	[tilespmem:s21+$0x46D8] =	vst v3;
	v1 =	vadd.s32 $0xAAE60, v3  }
0xc3: {  	v2 =	vadd.s32 $0x186A0, v0;
	[tilespmem:s21+$0x54D8] =	vst v1  }
0xc4: {  	v4 =	vadd.s32 $0x61A80, v0;
	[tilespmem:s21+$0x38D8] =	vst v2  }
0xc5: {  	v6 =	vadd.s32 $0x7A120, v0;
	[tilespmem:s21+$0x3ED8] =	vst v4  }
0xc6: {  	v8 =	vadd.s32 $0x927C0, v0;
	[tilespmem:s21+$0x40D8] =	vst v6  }
0xc7: {  	v7 =	vadd.s32 $0xAAE60, v0;
	v5 =	vadd.s32 $0x493E0, v3;
	v1 =	vadd.s32 $0x30D40, v0;
	[tilespmem:s21+$0x42D8] =	vst v8  }
0xc8: {  	v2 =	vadd.s32 $0x493E0, v0;
	v6 =	vadd.s32 $0x61A80, v3;
	v4 =	vadd.s32 $0x7A120, v3;
	[tilespmem:s21+$0x3AD8] =	vst v1  }
0xc9: {  	s22 =	simm.s32 $0x10;
	s23 =	simm.s32 $0x80;
	[tilespmem:s21+$0x3CD8] =	vst v2;
	v2 =	vadd.s32 $0x186A0, v3;
	v1 =	vadd.s32 $0x30D40, v3;
	v3 =	vadd.s32 $0x927C0, v3  }
.LBB2_6:
0xca: {  	p0 =	sne.s32 s23, $0x1C0;
	v8 =	vld [tilespmem:s22+$0x300];
	[tilespmem:s21+$0x44D8] =	vst v7  }
0xcb: {  	v7 =	vld [tilespmem:s22+$0x100];
	[tilespmem:s21+$0x48D8] =	vst v2  }
0xcc: {  	[tilespmem:s21+$0x4AD8] =	vst v1  }
0xcd: {  	[tilespmem:s21+$0x4CD8] =	vst v5  }
0xce: {  	[tilespmem:s21+$0x4ED8] =	vst v6  }
0xcf: {  	v1 =	vtrunc.f32 v8;
	[tilespmem:s21+$0x50D8] =	vst v4  }
0xd0: {  	v2 =	vtrunc.f32 v7;
	v8 =	vcvt.f32.s32 v1;
	[tilespmem:s21+$0x52D8] =	vst v3  }
0xd1: {  	[tilespmem:s21+$0x36D8] =	vst v0;
	v0 =	vcvt.f32.s32 v2;
	s21 =	smov.u32 s22  }
0xd2: {  	[tilespmem:s21+$0x46D8] =	vst v8;
	v2 =	vadd.s32 $0x186A0, v8;
	v1 =	vadd.s32 $0x30D40, v8;
	v3 =	vadd.s32 $0xAAE60, v8  }
0xd3: {  	v4 =	vadd.s32 $0x186A0, v0;
	v5 =	vadd.s32 $0x30D40, v0;
	v9 =	vadd.s32 $0x493E0, v0;
	[tilespmem:s21+$0x54D8] =	vst v3  }
0xd4: {  	v10 =	vadd.s32 $0x61A80, v0;
	v11 =	vadd.s32 $0x7A120, v0;
	v12 =	vadd.s32 $0x927C0, v0;
	[tilespmem:s21+$0x38D8] =	vst v4  }
.Ltmp2:
0xd5: {  	v6 =	vadd.s32 $0x61A80, v8;
	v7 =	vadd.s32 $0xAAE60, v0;
	[tilespmem:s21+$0x3AD8] =	vst v5;
	v5 =	vadd.s32 $0x493E0, v8;
	(pc) =	sbr.rel @p0 .LBB2_6-.Ltmp2, $4  }
0xd6: {  	v3 =	vadd.s32 $0x927C0, v8;
	v4 =	vadd.s32 $0x7A120, v8;
	[tilespmem:s21+$0x3CD8] =	vst v9  }
0xd7: {  	[tilespmem:s21+$0x3ED8] =	vst v10  }
0xd8: {  	[tilespmem:s21+$0x40D8] =	vst v11  }
0xd9: {  	s22 =	sshra.s32 s23, $0x2;
	s23 =	sadd.s32 $0x40, s23;
	[tilespmem:s21+$0x42D8] =	vst v12  }
0xda: {  	v8 =	vld [tilespmem:s22+$0x300];
	[tilespmem:s21+$0x44D8] =	vst v7  }
0xdb: {  	v7 =	vld [tilespmem:s22+$0x100];
	[tilespmem:s21+$0x48D8] =	vst v2  }
0xdc: {  	[tilespmem:s21+$0x4AD8] =	vst v1  }
0xdd: {  	[tilespmem:s21+$0x4CD8] =	vst v5  }
0xde: {  	[tilespmem:s21+$0x4ED8] =	vst v6  }
0xdf: {  	[tilespmem:s21+$0x50D8] =	vst v4;
	v1 =	vtrunc.f32 v8  }
0xe0: {  	[tilespmem:s21+$0x52D8] =	vst v3;
	v1 =	vcvt.f32.s32 v1  }
0xe1: {  	[tilespmem:s21+$0x36D8] =	vst v0;
	v2 =	vtrunc.f32 v7  }
0xe2: {  	v2 =	vcvt.f32.s32 v2;
	[tilespmem:s22+$0x46D8] =	vst v1;
	v0 =	vadd.s32 $0xAAE60, v1  }
0xe3: {  	[tilespmem:s22+$0x54D8] =	vst v0  }
0xe4: {  	v3 =	vadd.s32 $0x186A0, v2;
	[tilespmem:s22+$0x36D8] =	vst v2  }
0xe5: {  	v0 =	vadd.s32 $0x30D40, v2;
	[tilespmem:s22+$0x38D8] =	vst v3  }
0xe6: {  	v3 =	vadd.s32 $0x493E0, v2;
	[tilespmem:s22+$0x3AD8] =	vst v0  }
0xe7: {  	v0 =	vadd.s32 $0x61A80, v2;
	[tilespmem:s22+$0x3CD8] =	vst v3  }
0xe8: {  	v3 =	vadd.s32 $0x7A120, v2;
	[tilespmem:s22+$0x3ED8] =	vst v0  }
0xe9: {  	v0 =	vadd.s32 $0x927C0, v2;
	[tilespmem:s22+$0x40D8] =	vst v3  }
0xea: {  	v3 =	vadd.s32 $0xAAE60, v2;
	[tilespmem:s22+$0x42D8] =	vst v0  }
0xeb: {  	v0 =	vadd.s32 $0x186A0, v1;
	[tilespmem:s22+$0x44D8] =	vst v3  }
0xec: {  	v3 =	vadd.s32 $0x30D40, v1;
	[tilespmem:s22+$0x48D8] =	vst v0  }
0xed: {  	v0 =	vadd.s32 $0x493E0, v1;
	[tilespmem:s22+$0x4AD8] =	vst v3  }
0xee: {  	v3 =	vadd.s32 $0x61A80, v1;
	[tilespmem:s22+$0x4CD8] =	vst v0  }
0xef: {  	v0 =	vadd.s32 $0x7A120, v1;
	[tilespmem:s22+$0x4ED8] =	vst v3  }
0xf0: {  	v1 =	vadd.s32 $0x927C0, v1;
	[tilespmem:s22+$0x50D8] =	vst v0  }
0xf1: {  	s23 =	simm.s32 $0x56D8;
	[tilespmem:s22+$0x52D8] =	vst v1;
	s22 =	simm.s32 $0x36D8  }
0xf2: {  	[tilespmem:s23], [sflag:$0x1] =	stream.indirect.gather [hbm4b:s4+s14], $0x1, s22, s14, $0xb8;
	[tilespmem:$0xB9D8] =	vst v63  }
0xf3: {  	s22 =	simm.s32 $0x38D8;
	s23 =	simm.s32 $0x58D8  }
0xf4: {  	[tilespmem:s23], [sflag:$0x1] =	stream.indirect.gather [hbm4b:s4+s14], $0x1, s22, s14, $0xb8;
	[tilespmem:$0xB9D8] =	vst v63  }
0xf5: {  	s22 =	simm.s32 $0x3AD8;
	s23 =	simm.s32 $0x5AD8  }
0xf6: {  	[tilespmem:s23], [sflag:$0x1] =	stream.indirect.gather [hbm4b:s4+s14], $0x1, s22, s14, $0xb8;
	[tilespmem:$0xB9D8] =	vst v63  }
0xf7: {  	s22 =	simm.s32 $0x3CD8;
	s23 =	simm.s32 $0x5CD8  }
0xf8: {  	[tilespmem:s23], [sflag:$0x1] =	stream.indirect.gather [hbm4b:s4+s14], $0x1, s22, s14, $0xb8;
	[tilespmem:$0xB9D8] =	vst v63  }
0xf9: {  	s22 =	simm.s32 $0x3ED8;
	s23 =	simm.s32 $0x5ED8  }
0xfa: {  	[tilespmem:s23], [sflag:$0x1] =	stream.indirect.gather [hbm4b:s4+s14], $0x1, s22, s14, $0xb8;
	[tilespmem:$0xB9D8] =	vst v63  }
0xfb: {  	s22 =	simm.s32 $0x40D8;
	s23 =	simm.s32 $0x60D8  }
0xfc: {  	[tilespmem:s23], [sflag:$0x1] =	stream.indirect.gather [hbm4b:s4+s14], $0x1, s22, s14, $0xb8;
	[tilespmem:$0xB9D8] =	vst v63  }
0xfd: {  	s22 =	simm.s32 $0x42D8;
	s23 =	simm.s32 $0x62D8  }
0xfe: {  	[tilespmem:s23], [sflag:$0x1] =	stream.indirect.gather [hbm4b:s4+s14], $0x1, s22, s14, $0xb8;
	[tilespmem:$0xB9D8] =	vst v63  }
0xff: {  	s22 =	simm.s32 $0x44D8;
	s23 =	simm.s32 $0x64D8  }
0x100: {  	[tilespmem:s23], [sflag:$0x1] =	stream.indirect.gather [hbm4b:s4+s14], $0x1, s22, s14, $0xb8;
	[tilespmem:$0xB9D8] =	vst v63  }
0x101: {  	s22 =	simm.s32 $0x46D8;
	s23 =	simm.s32 $0x66D8  }
0x102: {  	[tilespmem:s23], [sflag:$0x1] =	stream.indirect.gather [hbm4b:s5+s14], $0x1, s22, s14, $0xb8;
	[tilespmem:$0xB9D8] =	vst v63  }
0x103: {  	s22 =	simm.s32 $0x48D8;
	s23 =	simm.s32 $0x68D8  }
0x104: {  	[tilespmem:s23], [sflag:$0x1] =	stream.indirect.gather [hbm4b:s5+s14], $0x1, s22, s14, $0xb8;
	[tilespmem:$0xB9D8] =	vst v63  }
0x105: {  	s22 =	simm.s32 $0x4AD8;
	s23 =	simm.s32 $0x6AD8  }
0x106: {  	[tilespmem:s23], [sflag:$0x1] =	stream.indirect.gather [hbm4b:s5+s14], $0x1, s22, s14, $0xb8;
	[tilespmem:$0xB9D8] =	vst v63  }
0x107: {  	s22 =	simm.s32 $0x4CD8;
	s23 =	simm.s32 $0x6CD8  }
0x108: {  	[tilespmem:s23], [sflag:$0x1] =	stream.indirect.gather [hbm4b:s5+s14], $0x1, s22, s14, $0xb8;
	[tilespmem:$0xB9D8] =	vst v63  }
0x109: {  	s22 =	simm.s32 $0x4ED8;
	s23 =	simm.s32 $0x6ED8  }
0x10a: {  	[tilespmem:s23], [sflag:$0x1] =	stream.indirect.gather [hbm4b:s5+s14], $0x1, s22, s14, $0xb8;
	[tilespmem:$0xB9D8] =	vst v63  }
0x10b: {  	s22 =	simm.s32 $0x50D8;
	s23 =	simm.s32 $0x70D8  }
0x10c: {  	[tilespmem:s23], [sflag:$0x1] =	stream.indirect.gather [hbm4b:s5+s14], $0x1, s22, s14, $0xb8;
	[tilespmem:$0xB9D8] =	vst v63  }
0x10d: {  	s22 =	simm.s32 $0x52D8;
	s23 =	simm.s32 $0x72D8  }
0x10e: {  	[tilespmem:s23], [sflag:$0x1] =	stream.indirect.gather [hbm4b:s5+s14], $0x1, s22, s14, $0xb8;
	[tilespmem:$0xB9D8] =	vst v63  }
0x10f: {  	s21 =	simm.s32 $0x0;
	s22 =	simm.s32 $0x54D8;
	s23 =	simm.s32 $0x74D8  }
0x110: {  	[tilespmem:s23], [sflag:$0x1] =	stream.indirect.gather [hbm4b:s5+s14], $0x1, s22, s14, $0xb8;
	[tilespmem:$0xB9D8] =	vst v63  }
0x111: {  	v0 =	vld [tilespmem:s21+$0x380]  }
0x112: {  	v1 =	vld [tilespmem:s21+$0x180];
	_ =	sdelay $0x3  }
0x113: {  	v0 =	vtrunc.f32 v0  }
0x114: {  	v1 =	vtrunc.f32 v1;
	v3 =	vcvt.f32.s32 v0  }
0x115: {  	v0 =	vcvt.f32.s32 v1  }
0x116: {  	[tilespmem:s21+$0x4758] =	vst v3;
	v1 =	vadd.s32 $0xAAE60, v3  }
0x117: {  	v2 =	vadd.s32 $0x186A0, v0;
	[tilespmem:s21+$0x5558] =	vst v1  }
0x118: {  	v4 =	vadd.s32 $0x61A80, v0;
	[tilespmem:s21+$0x3958] =	vst v2  }
0x119: {  	v6 =	vadd.s32 $0x7A120, v0;
	[tilespmem:s21+$0x3F58] =	vst v4  }
0x11a: {  	v8 =	vadd.s32 $0x927C0, v0;
	[tilespmem:s21+$0x4158] =	vst v6  }
0x11b: {  	v7 =	vadd.s32 $0xAAE60, v0;
	v5 =	vadd.s32 $0x493E0, v3;
	v1 =	vadd.s32 $0x30D40, v0;
	[tilespmem:s21+$0x4358] =	vst v8  }
0x11c: {  	v2 =	vadd.s32 $0x493E0, v0;
	v6 =	vadd.s32 $0x61A80, v3;
	v4 =	vadd.s32 $0x7A120, v3;
	[tilespmem:s21+$0x3B58] =	vst v1  }
0x11d: {  	s22 =	simm.s32 $0x10;
	s23 =	simm.s32 $0x80;
	[tilespmem:s21+$0x3D58] =	vst v2;
	v2 =	vadd.s32 $0x186A0, v3;
	v1 =	vadd.s32 $0x30D40, v3;
	v3 =	vadd.s32 $0x927C0, v3  }
.LBB2_8:
0x11e: {  	p0 =	sne.s32 s23, $0x1C0;
	v8 =	vld [tilespmem:s22+$0x380];
	[tilespmem:s21+$0x4558] =	vst v7  }
0x11f: {  	v7 =	vld [tilespmem:s22+$0x180];
	[tilespmem:s21+$0x4958] =	vst v2  }
0x120: {  	[tilespmem:s21+$0x4B58] =	vst v1  }
0x121: {  	[tilespmem:s21+$0x4D58] =	vst v5  }
0x122: {  	[tilespmem:s21+$0x4F58] =	vst v6  }
0x123: {  	v1 =	vtrunc.f32 v8;
	[tilespmem:s21+$0x5158] =	vst v4  }
0x124: {  	v2 =	vtrunc.f32 v7;
	v8 =	vcvt.f32.s32 v1;
	[tilespmem:s21+$0x5358] =	vst v3  }
0x125: {  	[tilespmem:s21+$0x3758] =	vst v0;
	v0 =	vcvt.f32.s32 v2;
	s21 =	smov.u32 s22  }
0x126: {  	[tilespmem:s21+$0x4758] =	vst v8;
	v2 =	vadd.s32 $0x186A0, v8;
	v1 =	vadd.s32 $0x30D40, v8;
	v3 =	vadd.s32 $0xAAE60, v8  }
0x127: {  	v4 =	vadd.s32 $0x186A0, v0;
	v5 =	vadd.s32 $0x30D40, v0;
	v9 =	vadd.s32 $0x493E0, v0;
	[tilespmem:s21+$0x5558] =	vst v3  }
0x128: {  	v10 =	vadd.s32 $0x61A80, v0;
	v11 =	vadd.s32 $0x7A120, v0;
	v12 =	vadd.s32 $0x927C0, v0;
	[tilespmem:s21+$0x3958] =	vst v4  }
.Ltmp3:
0x129: {  	v6 =	vadd.s32 $0x61A80, v8;
	v7 =	vadd.s32 $0xAAE60, v0;
	[tilespmem:s21+$0x3B58] =	vst v5;
	v5 =	vadd.s32 $0x493E0, v8;
	(pc) =	sbr.rel @p0 .LBB2_8-.Ltmp3, $4  }
0x12a: {  	v3 =	vadd.s32 $0x927C0, v8;
	v4 =	vadd.s32 $0x7A120, v8;
	[tilespmem:s21+$0x3D58] =	vst v9  }
0x12b: {  	[tilespmem:s21+$0x3F58] =	vst v10  }
0x12c: {  	[tilespmem:s21+$0x4158] =	vst v11  }
0x12d: {  	s22 =	sshra.s32 s23, $0x2;
	s23 =	sadd.s32 $0x40, s23;
	[tilespmem:s21+$0x4358] =	vst v12  }
0x12e: {  	v8 =	vld [tilespmem:s22+$0x380];
	[tilespmem:s21+$0x4558] =	vst v7  }
0x12f: {  	v7 =	vld [tilespmem:s22+$0x180];
	[tilespmem:s21+$0x4958] =	vst v2  }
0x130: {  	[tilespmem:s21+$0x4B58] =	vst v1  }
0x131: {  	[tilespmem:s21+$0x4D58] =	vst v5  }
0x132: {  	[tilespmem:s21+$0x4F58] =	vst v6  }
0x133: {  	[tilespmem:s21+$0x5158] =	vst v4;
	v1 =	vtrunc.f32 v8  }
0x134: {  	[tilespmem:s21+$0x5358] =	vst v3;
	v1 =	vcvt.f32.s32 v1  }
0x135: {  	[tilespmem:s21+$0x3758] =	vst v0;
	v2 =	vtrunc.f32 v7  }
0x136: {  	v2 =	vcvt.f32.s32 v2;
	[tilespmem:s22+$0x4758] =	vst v1;
	v0 =	vadd.s32 $0xAAE60, v1  }
0x137: {  	[tilespmem:s22+$0x5558] =	vst v0  }
0x138: {  	v3 =	vadd.s32 $0x186A0, v2;
	[tilespmem:s22+$0x3758] =	vst v2  }
0x139: {  	v0 =	vadd.s32 $0x30D40, v2;
	[tilespmem:s22+$0x3958] =	vst v3  }
0x13a: {  	v3 =	vadd.s32 $0x493E0, v2;
	[tilespmem:s22+$0x3B58] =	vst v0  }
0x13b: {  	v0 =	vadd.s32 $0x61A80, v2;
	[tilespmem:s22+$0x3D58] =	vst v3  }
0x13c: {  	v3 =	vadd.s32 $0x7A120, v2;
	[tilespmem:s22+$0x3F58] =	vst v0  }
0x13d: {  	v0 =	vadd.s32 $0x927C0, v2;
	[tilespmem:s22+$0x4158] =	vst v3  }
0x13e: {  	v3 =	vadd.s32 $0xAAE60, v2;
	[tilespmem:s22+$0x4358] =	vst v0  }
0x13f: {  	v0 =	vadd.s32 $0x186A0, v1;
	[tilespmem:s22+$0x4558] =	vst v3  }
0x140: {  	v3 =	vadd.s32 $0x30D40, v1;
	[tilespmem:s22+$0x4958] =	vst v0  }
0x141: {  	v0 =	vadd.s32 $0x493E0, v1;
	[tilespmem:s22+$0x4B58] =	vst v3  }
0x142: {  	v3 =	vadd.s32 $0x61A80, v1;
	[tilespmem:s22+$0x4D58] =	vst v0  }
0x143: {  	v0 =	vadd.s32 $0x7A120, v1;
	[tilespmem:s22+$0x4F58] =	vst v3  }
0x144: {  	v1 =	vadd.s32 $0x927C0, v1;
	[tilespmem:s22+$0x5158] =	vst v0  }
0x145: {  	s23 =	simm.s32 $0x5758;
	[tilespmem:s22+$0x5358] =	vst v1;
	s22 =	simm.s32 $0x3758  }
0x146: {  	[tilespmem:s23], [sflag:$0x1] =	stream.indirect.gather [hbm4b:s4+s14], $0x1, s22, s14, $0xb8;
	[tilespmem:$0xB9D8] =	vst v63  }
0x147: {  	s22 =	simm.s32 $0x3958;
	s23 =	simm.s32 $0x5958  }
0x148: {  	[tilespmem:s23], [sflag:$0x1] =	stream.indirect.gather [hbm4b:s4+s14], $0x1, s22, s14, $0xb8;
	[tilespmem:$0xB9D8] =	vst v63  }
0x149: {  	s22 =	simm.s32 $0x3B58;
	s23 =	simm.s32 $0x5B58  }
0x14a: {  	[tilespmem:s23], [sflag:$0x1] =	stream.indirect.gather [hbm4b:s4+s14], $0x1, s22, s14, $0xb8;
	[tilespmem:$0xB9D8] =	vst v63  }
0x14b: {  	s22 =	simm.s32 $0x3D58;
	s23 =	simm.s32 $0x5D58  }
0x14c: {  	[tilespmem:s23], [sflag:$0x1] =	stream.indirect.gather [hbm4b:s4+s14], $0x1, s22, s14, $0xb8;
	[tilespmem:$0xB9D8] =	vst v63  }
0x14d: {  	s22 =	simm.s32 $0x3F58;
	s23 =	simm.s32 $0x5F58  }
0x14e: {  	[tilespmem:s23], [sflag:$0x1] =	stream.indirect.gather [hbm4b:s4+s14], $0x1, s22, s14, $0xb8;
	[tilespmem:$0xB9D8] =	vst v63  }
0x14f: {  	s22 =	simm.s32 $0x4158;
	s23 =	simm.s32 $0x6158  }
0x150: {  	[tilespmem:s23], [sflag:$0x1] =	stream.indirect.gather [hbm4b:s4+s14], $0x1, s22, s14, $0xb8;
	[tilespmem:$0xB9D8] =	vst v63  }
0x151: {  	s22 =	simm.s32 $0x4358;
	s23 =	simm.s32 $0x6358  }
0x152: {  	[tilespmem:s23], [sflag:$0x1] =	stream.indirect.gather [hbm4b:s4+s14], $0x1, s22, s14, $0xb8;
	[tilespmem:$0xB9D8] =	vst v63  }
0x153: {  	s22 =	simm.s32 $0x4558;
	s23 =	simm.s32 $0x6558  }
0x154: {  	[tilespmem:s23], [sflag:$0x1] =	stream.indirect.gather [hbm4b:s4+s14], $0x1, s22, s14, $0xb8;
	[tilespmem:$0xB9D8] =	vst v63  }
0x155: {  	s22 =	simm.s32 $0x4758;
	s23 =	simm.s32 $0x6758  }
0x156: {  	[tilespmem:s23], [sflag:$0x1] =	stream.indirect.gather [hbm4b:s5+s14], $0x1, s22, s14, $0xb8;
	[tilespmem:$0xB9D8] =	vst v63  }
0x157: {  	s22 =	simm.s32 $0x4958;
	s23 =	simm.s32 $0x6958  }
0x158: {  	[tilespmem:s23], [sflag:$0x1] =	stream.indirect.gather [hbm4b:s5+s14], $0x1, s22, s14, $0xb8;
	[tilespmem:$0xB9D8] =	vst v63  }
0x159: {  	s23 =	simm.s32 $0x4B58  }
0x15a: {  	[tilespmem:s24], [sflag:$0x1] =	stream.indirect.gather [hbm4b:s5+s14], $0x1, s23, s14, $0xb8;
	[tilespmem:$0xB9D8] =	vst v63  }
0x15b: {  	_ = 	snop  }
0x15c: {  	[tilespmem:s26], [sflag:$0x1] =	stream.indirect.gather [hbm4b:s5+s14], $0x1, s25, s14, $0xb8;
	[tilespmem:$0xB9D8] =	vst v63  }
0x15d: {  	_ = 	snop  }
0x15e: {  	[tilespmem:s29], [sflag:$0x1] =	stream.indirect.gather [hbm4b:s5+s14], $0x1, s28, s14, $0xb8;
	[tilespmem:$0xB9D8] =	vst v63  }
0x15f: {  	_ = 	snop  }
0x160: {  	[tilespmem:s31], [sflag:$0x1] =	stream.indirect.gather [hbm4b:s5+s14], $0x1, s30, s14, $0xb8;
	[tilespmem:$0xB9D8] =	vst v63  }
0x161: {  	_ = 	snop  }
0x162: {  	[tilespmem:s2], [sflag:$0x1] =	stream.indirect.gather [hbm4b:s5+s14], $0x1, s0, s14, $0xb8;
	[tilespmem:$0xB9D8] =	vst v63  }
0x163: {  	_ = 	snop  }
0x164: {  	[tilespmem:s15], [sflag:$0x1] =	stream.indirect.gather [hbm4b:s5+s14], $0x1, s1, s14, $0xb8;
	[tilespmem:$0xB9D8] =	vst v63  }
0x165: {  	_ =	swait.ge [sflag:s13], $0x21D8  }
0x166: {  	[sflag:s13] =	ssyncset.done $0x0  }
0x167: {  	s21 =	simm.s32 $0x0;
	[sflag:s13] =	ssyncadd.s32 $0xFFFFDE28  }
0x168: {  	v0 =	vld [tilespmem:s21+$0x400];
	_ =	sdelay $0x4  }
0x169: {  	v0 =	vtrunc.f32 v0  }
0x16a: {  	v0 =	vcvt.f32.s32 v0;
	_ =	sdelay $0x5  }
0x16b: {  	v1 =	vld.idx.msk [tilespmem:v0+s12+$0x0], $0xffff  }
0x16c: {  	v2 =	vadd.s32 $0x3E8, v0;
	_ =	sdelay $0x3  }
0x16d: {  	[tilespmem:s21+$0x75D8] =	vst v1  }
0x16e: {  	v1 =	vld.idx.msk [tilespmem:v2+s12+$0x0], $0xffff  }
0x16f: {  	v2 =	vadd.s32 $0x7D0, v0;
	_ =	sdelay $0x3  }
0x170: {  	[tilespmem:s21+$0x77D8] =	vst v1  }
0x171: {  	v1 =	vld.idx.msk [tilespmem:v2+s12+$0x0], $0xffff  }
0x172: {  	v2 =	vadd.s32 $0xBB8, v0;
	_ =	sdelay $0x3  }
0x173: {  	[tilespmem:s21+$0x79D8] =	vst v1  }
0x174: {  	v1 =	vld.idx.msk [tilespmem:v2+s12+$0x0], $0xffff  }
0x175: {  	v2 =	vadd.s32 $0xFA0, v0;
	_ =	sdelay $0x3  }
0x176: {  	[tilespmem:s21+$0x7BD8] =	vst v1  }
0x177: {  	v1 =	vld.idx.msk [tilespmem:v2+s12+$0x0], $0xffff  }
0x178: {  	v2 =	vadd.s32 $0x1388, v0;
	_ =	sdelay $0x3  }
0x179: {  	[tilespmem:s21+$0x7DD8] =	vst v1  }
0x17a: {  	v1 =	vld.idx.msk [tilespmem:v2+s12+$0x0], $0xffff  }
0x17b: {  	v2 =	vadd.s32 $0x1770, v0;
	_ =	sdelay $0x3  }
0x17c: {  	[tilespmem:s21+$0x7FD8] =	vst v1  }
0x17d: {  	v1 =	vld.idx.msk [tilespmem:v2+s12+$0x0], $0xffff  }
0x17e: {  	v2 =	vld [tilespmem:s21+$0x600];
	_ =	sdelay $0x1  }
0x17f: {  	v0 =	vadd.s32 $0x1B58, v0;
	_ =	sdelay $0x2  }
0x180: {  	[tilespmem:s21+$0x81D8] =	vst v1;
	v1 =	vtrunc.f32 v2  }
0x181: {  	v1 =	vcvt.f32.s32 v1  }
0x182: {  	v0 =	vld.idx.msk [tilespmem:v0+s12+$0x0], $0xffff  }
0x183: {  	v2 =	vadd.s32 $0x1F40, v1;
	_ =	sdelay $0x3  }
0x184: {  	[tilespmem:s21+$0x83D8] =	vst v0;
	v0 =	vld [tilespmem:s21+$0x800]  }
0x185: {  	v2 =	vld.idx.msk [tilespmem:v2+s12+$0x0], $0xffff  }
0x186: {  	v1 =	vadd.s32 $0x1F42, v1;
	_ =	sdelay $0x2  }
0x187: {  	v0 =	vtrunc.f32 v0  }
0x188: {  	v0 =	vcvt.f32.s32 v0;
	[tilespmem:s21+$0x85D8] =	vst v2  }
0x189: {  	v1 =	vld.idx.msk [tilespmem:v1+s12+$0x0], $0xffff  }
0x18a: {  	v2 =	vadd.s32 $0x1F48, v0;
	_ =	sdelay $0x3  }
0x18b: {  	[tilespmem:s21+$0x87D8] =	vst v1  }
0x18c: {  	v1 =	vld.idx.msk [tilespmem:v2+s12+$0x0], $0xffff  }
0x18d: {  	v2 =	vadd.s32 $0x1F52, v0;
	_ =	sdelay $0x3  }
0x18e: {  	[tilespmem:s21+$0x89D8] =	vst v1  }
0x18f: {  	v1 =	vld.idx.msk [tilespmem:v2+s12+$0x0], $0xffff  }
0x190: {  	v2 =	vadd.s32 $0x1F5C, v0;
	_ =	sdelay $0x3  }
0x191: {  	[tilespmem:s21+$0x8BD8] =	vst v1;
	v1 =	vld [tilespmem:s21+$0xA00]  }
0x192: {  	v2 =	vld.idx.msk [tilespmem:v2+s12+$0x0], $0xffff  }
0x193: {  	v0 =	vadd.s32 $0x1F66, v0;
	_ =	sdelay $0x2  }
0x194: {  	v1 =	vtrunc.f32 v1  }
0x195: {  	[tilespmem:s21+$0x8DD8] =	vst v2;
	v1 =	vcvt.f32.s32 v1  }
0x196: {  	v0 =	vld.idx.msk [tilespmem:v0+s12+$0x0], $0xffff  }
0x197: {  	v2 =	vadd.s32 $0x1F70, v1;
	_ =	sdelay $0x3  }
0x198: {  	[tilespmem:s21+$0x8FD8] =	vst v0  }
0x199: {  	v0 =	vld.idx.msk [tilespmem:v2+s12+$0x0], $0xffff  }
0x19a: {  	v2 =	vadd.s32 $0x1F75, v1;
	_ =	sdelay $0x3  }
0x19b: {  	[tilespmem:s21+$0x91D8] =	vst v0;
	v0 =	vld [tilespmem:s21+$0xC00]  }
0x19c: {  	v2 =	vld.idx.msk [tilespmem:v2+s12+$0x0], $0xffff  }
0x19d: {  	v1 =	vadd.s32 $0x1F7A, v1;
	_ =	sdelay $0x2  }
0x19e: {  	v0 =	vtrunc.f32 v0  }
0x19f: {  	[tilespmem:s21+$0x93D8] =	vst v2;
	v0 =	vcvt.f32.s32 v0  }
0x1a0: {  	v1 =	vld.idx.msk [tilespmem:v1+s12+$0x0], $0xffff  }
0x1a1: {  	v2 =	vadd.s32 $0x1F80, v0;
	_ =	sdelay $0x3  }
0x1a2: {  	[tilespmem:s21+$0x95D8] =	vst v1  }
0x1a3: {  	v1 =	vld.idx.msk [tilespmem:v2+s12+$0x0], $0xffff  }
0x1a4: {  	v2 =	vadd.s32 $0x1FB2, v0;
	_ =	sdelay $0x3  }
0x1a5: {  	[tilespmem:s21+$0x97D8] =	vst v1  }
0x1a6: {  	v1 =	vld.idx.msk [tilespmem:v2+s12+$0x0], $0xffff  }
0x1a7: {  	v2 =	vadd.s32 $0x1FE4, v0;
	_ =	sdelay $0x3  }
0x1a8: {  	[tilespmem:s21+$0x99D8] =	vst v1  }
0x1a9: {  	v1 =	vld.idx.msk [tilespmem:v2+s12+$0x0], $0xffff  }
0x1aa: {  	v2 =	vadd.s32 $0x2016, v0;
	_ =	sdelay $0x3  }
0x1ab: {  	[tilespmem:s21+$0x9BD8] =	vst v1  }
0x1ac: {  	v1 =	vld.idx.msk [tilespmem:v2+s12+$0x0], $0xffff  }
0x1ad: {  	v2 =	vadd.s32 $0x2048, v0;
	_ =	sdelay $0x3  }
0x1ae: {  	[tilespmem:s21+$0x9DD8] =	vst v1  }
0x1af: {  	v1 =	vld.idx.msk [tilespmem:v2+s12+$0x0], $0xffff  }
0x1b0: {  	v2 =	vadd.s32 $0x207A, v0;
	_ =	sdelay $0x3  }
0x1b1: {  	[tilespmem:s21+$0x9FD8] =	vst v1  }
0x1b2: {  	v1 =	vld.idx.msk [tilespmem:v2+s12+$0x0], $0xffff  }
0x1b3: {  	v2 =	vadd.s32 $0x20AC, v0;
	_ =	sdelay $0x3  }
0x1b4: {  	[tilespmem:s21+$0xA1D8] =	vst v1;
	v1 =	vld [tilespmem:s21+$0xE00]  }
0x1b5: {  	v2 =	vld.idx.msk [tilespmem:v2+s12+$0x0], $0xffff  }
0x1b6: {  	v0 =	vadd.s32 $0x20DE, v0;
	_ =	sdelay $0x2  }
0x1b7: {  	v1 =	vtrunc.f32 v1  }
0x1b8: {  	[tilespmem:s21+$0xA3D8] =	vst v2;
	v1 =	vcvt.f32.s32 v1  }
0x1b9: {  	v0 =	vld.idx.msk [tilespmem:v0+s12+$0x0], $0xffff  }
0x1ba: {  	v2 =	vadd.s32 $0x2110, v1;
	_ =	sdelay $0x3  }
0x1bb: {  	[tilespmem:s21+$0xA5D8] =	vst v0  }
0x1bc: {  	v0 =	vld.idx.msk [tilespmem:v2+s12+$0x0], $0xffff  }
0x1bd: {  	v2 =	vadd.s32 $0x2124, v1;
	_ =	sdelay $0x3  }
0x1be: {  	[tilespmem:s21+$0xA7D8] =	vst v0  }
0x1bf: {  	v0 =	vld.idx.msk [tilespmem:v2+s12+$0x0], $0xffff  }
0x1c0: {  	v2 =	vadd.s32 $0x2138, v1;
	_ =	sdelay $0x3  }
0x1c1: {  	[tilespmem:s21+$0xA9D8] =	vst v0;
	v0 =	vld [tilespmem:s21+$0x1000]  }
0x1c2: {  	v2 =	vld.idx.msk [tilespmem:v2+s12+$0x0], $0xffff  }
0x1c3: {  	v1 =	vadd.s32 $0x214C, v1;
	_ =	sdelay $0x2  }
0x1c4: {  	v0 =	vtrunc.f32 v0  }
0x1c5: {  	[tilespmem:s21+$0xABD8] =	vst v2;
	v0 =	vcvt.f32.s32 v0  }
0x1c6: {  	v1 =	vld.idx.msk [tilespmem:v1+s12+$0x0], $0xffff  }
0x1c7: {  	v2 =	vadd.s32 $0x2160, v0;
	_ =	sdelay $0x3  }
0x1c8: {  	[tilespmem:s21+$0xADD8] =	vst v1  }
0x1c9: {  	v1 =	vld.idx.msk [tilespmem:v2+s12+$0x0], $0xffff  }
0x1ca: {  	v2 =	vadd.s32 $0x217E, v0;
	_ =	sdelay $0x3  }
0x1cb: {  	[tilespmem:s21+$0xAFD8] =	vst v1  }
0x1cc: {  	v1 =	vld.idx.msk [tilespmem:v2+s12+$0x0], $0xffff  }
0x1cd: {  	v2 =	vadd.s32 $0x219C, v0;
	_ =	sdelay $0x3  }
0x1ce: {  	[tilespmem:s21+$0xB1D8] =	vst v1;
	v1 =	vld [tilespmem:s21+$0x1200]  }
0x1cf: {  	s22 =	simm.s32 $0x80;
	s23 =	simm.s32 $0x10;
	v2 =	vld.idx.msk [tilespmem:v2+s12+$0x0], $0xffff  }
.LBB2_10:
0x1d0: {  	p0 =	sne.s32 s22, $0x7C0;
	v3 =	vld [tilespmem:s23+$0x400];
	v0 =	vadd.s32 $0x21BA, v0;
	_ =	sdelay $0x3  }
0x1d1: {  	[tilespmem:s21+$0xB3D8] =	vst v2  }
0x1d2: {  	v2 =	vtrunc.f32 v3;
	v0 =	vld.idx.msk [tilespmem:v0+s12+$0x0], $0xffff;
	[tilespmem:s21+$0xB7D8] =	vst v1  }
0x1d3: {  	v1 =	vcvt.f32.s32 v2;
	_ =	sdelay $0x4  }
0x1d4: {  	[tilespmem:s21+$0xB5D8] =	vst v0;
	s21 =	smov.u32 s23  }
0x1d5: {  	v0 =	vld.idx.msk [tilespmem:v1+s12+$0x0], $0xffff;
	_ =	sdelay $0x1  }
0x1d6: {  	v2 =	vadd.s32 $0x3E8, v1;
	_ =	sdelay $0x3  }
0x1d7: {  	[tilespmem:s21+$0x75D8] =	vst v0  }
0x1d8: {  	v0 =	vld.idx.msk [tilespmem:v2+s12+$0x0], $0xffff;
	_ =	sdelay $0x1  }
0x1d9: {  	v2 =	vadd.s32 $0x7D0, v1;
	_ =	sdelay $0x3  }
0x1da: {  	[tilespmem:s21+$0x77D8] =	vst v0  }
0x1db: {  	v0 =	vld.idx.msk [tilespmem:v2+s12+$0x0], $0xffff;
	_ =	sdelay $0x1  }
0x1dc: {  	v2 =	vadd.s32 $0xBB8, v1;
	_ =	sdelay $0x3  }
0x1dd: {  	[tilespmem:s21+$0x79D8] =	vst v0  }
0x1de: {  	v0 =	vld.idx.msk [tilespmem:v2+s12+$0x0], $0xffff;
	_ =	sdelay $0x1  }
0x1df: {  	v2 =	vadd.s32 $0xFA0, v1;
	_ =	sdelay $0x3  }
0x1e0: {  	[tilespmem:s21+$0x7BD8] =	vst v0  }
0x1e1: {  	v0 =	vld.idx.msk [tilespmem:v2+s12+$0x0], $0xffff;
	_ =	sdelay $0x1  }
0x1e2: {  	v2 =	vadd.s32 $0x1388, v1;
	_ =	sdelay $0x3  }
0x1e3: {  	[tilespmem:s21+$0x7DD8] =	vst v0  }
0x1e4: {  	v0 =	vld.idx.msk [tilespmem:v2+s12+$0x0], $0xffff;
	_ =	sdelay $0x1  }
0x1e5: {  	v2 =	vadd.s32 $0x1770, v1;
	_ =	sdelay $0x3  }
0x1e6: {  	[tilespmem:s21+$0x7FD8] =	vst v0  }
0x1e7: {  	v0 =	vld.idx.msk [tilespmem:v2+s12+$0x0], $0xffff  }
0x1e8: {  	v2 =	vld [tilespmem:s21+$0x600]  }
0x1e9: {  	v1 =	vadd.s32 $0x1B58, v1;
	_ =	sdelay $0x3  }
0x1ea: {  	[tilespmem:s21+$0x81D8] =	vst v0;
	v0 =	vtrunc.f32 v2  }
0x1eb: {  	v1 =	vld.idx.msk [tilespmem:v1+s12+$0x0], $0xffff;
	v0 =	vcvt.f32.s32 v0;
	_ =	sdelay $0x1  }
0x1ec: {  	v2 =	vadd.s32 $0x1F40, v0;
	_ =	sdelay $0x3  }
0x1ed: {  	[tilespmem:s21+$0x83D8] =	vst v1  }
0x1ee: {  	v1 =	vld.idx.msk [tilespmem:v2+s12+$0x0], $0xffff  }
0x1ef: {  	v2 =	vld [tilespmem:s21+$0x800]  }
0x1f0: {  	v0 =	vadd.s32 $0x1F42, v0;
	_ =	sdelay $0x3  }
0x1f1: {  	[tilespmem:s21+$0x85D8] =	vst v1;
	v1 =	vtrunc.f32 v2  }
0x1f2: {  	v0 =	vld.idx.msk [tilespmem:v0+s12+$0x0], $0xffff;
	v1 =	vcvt.f32.s32 v1;
	_ =	sdelay $0x1  }
0x1f3: {  	v2 =	vadd.s32 $0x1F48, v1;
	_ =	sdelay $0x3  }
0x1f4: {  	[tilespmem:s21+$0x87D8] =	vst v0  }
0x1f5: {  	v0 =	vld.idx.msk [tilespmem:v2+s12+$0x0], $0xffff;
	_ =	sdelay $0x1  }
0x1f6: {  	v2 =	vadd.s32 $0x1F52, v1;
	_ =	sdelay $0x3  }
0x1f7: {  	[tilespmem:s21+$0x89D8] =	vst v0  }
0x1f8: {  	v0 =	vld.idx.msk [tilespmem:v2+s12+$0x0], $0xffff;
	_ =	sdelay $0x1  }
0x1f9: {  	v2 =	vadd.s32 $0x1F5C, v1;
	_ =	sdelay $0x3  }
0x1fa: {  	[tilespmem:s21+$0x8BD8] =	vst v0  }
0x1fb: {  	v0 =	vld.idx.msk [tilespmem:v2+s12+$0x0], $0xffff  }
0x1fc: {  	v2 =	vld [tilespmem:s21+$0xA00]  }
0x1fd: {  	v1 =	vadd.s32 $0x1F66, v1;
	_ =	sdelay $0x3  }
0x1fe: {  	[tilespmem:s21+$0x8DD8] =	vst v0;
	v0 =	vtrunc.f32 v2  }
0x1ff: {  	v1 =	vld.idx.msk [tilespmem:v1+s12+$0x0], $0xffff;
	v0 =	vcvt.f32.s32 v0;
	_ =	sdelay $0x1  }
0x200: {  	v2 =	vadd.s32 $0x1F70, v0;
	_ =	sdelay $0x3  }
0x201: {  	[tilespmem:s21+$0x8FD8] =	vst v1  }
0x202: {  	v1 =	vld.idx.msk [tilespmem:v2+s12+$0x0], $0xffff;
	_ =	sdelay $0x1  }
0x203: {  	v2 =	vadd.s32 $0x1F75, v0;
	_ =	sdelay $0x3  }
0x204: {  	[tilespmem:s21+$0x91D8] =	vst v1  }
0x205: {  	v1 =	vld.idx.msk [tilespmem:v2+s12+$0x0], $0xffff  }
0x206: {  	v2 =	vld [tilespmem:s21+$0xC00]  }
0x207: {  	v0 =	vadd.s32 $0x1F7A, v0;
	_ =	sdelay $0x3  }
0x208: {  	[tilespmem:s21+$0x93D8] =	vst v1;
	v1 =	vtrunc.f32 v2  }
0x209: {  	v0 =	vld.idx.msk [tilespmem:v0+s12+$0x0], $0xffff;
	v1 =	vcvt.f32.s32 v1;
	_ =	sdelay $0x1  }
0x20a: {  	v2 =	vadd.s32 $0x1F80, v1;
	_ =	sdelay $0x3  }
0x20b: {  	[tilespmem:s21+$0x95D8] =	vst v0  }
0x20c: {  	v0 =	vld.idx.msk [tilespmem:v2+s12+$0x0], $0xffff;
	_ =	sdelay $0x1  }
0x20d: {  	v2 =	vadd.s32 $0x1FB2, v1;
	_ =	sdelay $0x3  }
0x20e: {  	[tilespmem:s21+$0x97D8] =	vst v0  }
0x20f: {  	v0 =	vld.idx.msk [tilespmem:v2+s12+$0x0], $0xffff;
	_ =	sdelay $0x1  }
0x210: {  	v2 =	vadd.s32 $0x1FE4, v1;
	_ =	sdelay $0x3  }
0x211: {  	[tilespmem:s21+$0x99D8] =	vst v0  }
0x212: {  	v0 =	vld.idx.msk [tilespmem:v2+s12+$0x0], $0xffff;
	_ =	sdelay $0x1  }
0x213: {  	v2 =	vadd.s32 $0x2016, v1;
	_ =	sdelay $0x3  }
0x214: {  	[tilespmem:s21+$0x9BD8] =	vst v0  }
0x215: {  	v0 =	vld.idx.msk [tilespmem:v2+s12+$0x0], $0xffff;
	_ =	sdelay $0x1  }
0x216: {  	v2 =	vadd.s32 $0x2048, v1;
	_ =	sdelay $0x3  }
0x217: {  	[tilespmem:s21+$0x9DD8] =	vst v0  }
0x218: {  	v0 =	vld.idx.msk [tilespmem:v2+s12+$0x0], $0xffff;
	_ =	sdelay $0x1  }
0x219: {  	v2 =	vadd.s32 $0x207A, v1;
	_ =	sdelay $0x3  }
0x21a: {  	[tilespmem:s21+$0x9FD8] =	vst v0  }
0x21b: {  	v0 =	vld.idx.msk [tilespmem:v2+s12+$0x0], $0xffff;
	_ =	sdelay $0x1  }
0x21c: {  	v2 =	vadd.s32 $0x20AC, v1;
	_ =	sdelay $0x3  }
0x21d: {  	[tilespmem:s21+$0xA1D8] =	vst v0  }
0x21e: {  	v0 =	vld.idx.msk [tilespmem:v2+s12+$0x0], $0xffff  }
0x21f: {  	v2 =	vld [tilespmem:s21+$0xE00]  }
0x220: {  	v1 =	vadd.s32 $0x20DE, v1;
	_ =	sdelay $0x3  }
0x221: {  	[tilespmem:s21+$0xA3D8] =	vst v0;
	v0 =	vtrunc.f32 v2  }
0x222: {  	v1 =	vld.idx.msk [tilespmem:v1+s12+$0x0], $0xffff;
	v0 =	vcvt.f32.s32 v0;
	_ =	sdelay $0x1  }
0x223: {  	v2 =	vadd.s32 $0x2110, v0;
	_ =	sdelay $0x3  }
0x224: {  	[tilespmem:s21+$0xA5D8] =	vst v1  }
0x225: {  	v1 =	vld.idx.msk [tilespmem:v2+s12+$0x0], $0xffff;
	_ =	sdelay $0x1  }
0x226: {  	v2 =	vadd.s32 $0x2124, v0;
	_ =	sdelay $0x3  }
0x227: {  	[tilespmem:s21+$0xA7D8] =	vst v1  }
0x228: {  	v1 =	vld.idx.msk [tilespmem:v2+s12+$0x0], $0xffff;
	_ =	sdelay $0x1  }
0x229: {  	v2 =	vadd.s32 $0x2138, v0;
	_ =	sdelay $0x3  }
0x22a: {  	[tilespmem:s21+$0xA9D8] =	vst v1  }
0x22b: {  	v1 =	vld.idx.msk [tilespmem:v2+s12+$0x0], $0xffff  }
0x22c: {  	v2 =	vld [tilespmem:s21+$0x1000]  }
0x22d: {  	v0 =	vadd.s32 $0x214C, v0;
	_ =	sdelay $0x3  }
0x22e: {  	[tilespmem:s21+$0xABD8] =	vst v1;
	v1 =	vtrunc.f32 v2  }
0x22f: {  	v2 =	vld.idx.msk [tilespmem:v0+s12+$0x0], $0xffff;
	v0 =	vcvt.f32.s32 v1;
	_ =	sdelay $0x1  }
0x230: {  	v1 =	vadd.s32 $0x2160, v0;
	_ =	sdelay $0x3  }
0x231: {  	[tilespmem:s21+$0xADD8] =	vst v2  }
0x232: {  	v1 =	vld.idx.msk [tilespmem:v1+s12+$0x0], $0xffff;
	_ =	sdelay $0x1  }
0x233: {  	v2 =	vadd.s32 $0x217E, v0;
	_ =	sdelay $0x3  }
0x234: {  	[tilespmem:s21+$0xAFD8] =	vst v1  }
0x235: {  	v1 =	vld.idx.msk [tilespmem:v2+s12+$0x0], $0xffff;
	_ =	sdelay $0x1  }
0x236: {  	v2 =	vadd.s32 $0x219C, v0;
	_ =	sdelay $0x1  }
.Ltmp4:
0x237: {  	(pc) =	sbr.rel @p0 .LBB2_10-.Ltmp4, $4  }
0x238: {  	_ = 	snop  }
0x239: {  	[tilespmem:s21+$0xB1D8] =	vst v1  }
0x23a: {  	v2 =	vld.idx.msk [tilespmem:v2+s12+$0x0], $0xffff  }
0x23b: {  	s23 =	sshra.s32 s22, $0x2;
	s22 =	sadd.s32 $0x40, s22;
	v1 =	vld [tilespmem:s21+$0x1200]  }
0x23c: {  	v3 =	vld [tilespmem:s23+$0x400]  }
0x23d: {  	v0 =	vadd.s32 $0x21BA, v0;
	_ =	sdelay $0x3  }
0x23e: {  	[tilespmem:s21+$0xB3D8] =	vst v2;
	v29 =	vtrunc.f32 v3  }
0x23f: {  	v0 =	vld.idx.msk [tilespmem:v0+s12+$0x0], $0xffff;
	v2 =	vcvt.f32.s32 v29;
	_ =	sdelay $0x3  }
0x240: {  	[tilespmem:s21+$0xB7D8] =	vst v1  }
0x241: {  	[tilespmem:s21+$0xB5D8] =	vst v0  }
0x242: {  	v0 =	vld.idx.msk [tilespmem:v2+s12+$0x0], $0xffff  }
0x243: {  	v30 =	vadd.s32 $0x3E8, v2;
	_ =	sdelay $0x3  }
0x244: {  	[tilespmem:s23+$0x75D8] =	vst v0  }
0x245: {  	v0 =	vld.idx.msk [tilespmem:v30+s12+$0x0], $0xffff  }
0x246: {  	v31 =	vadd.s32 $0x7D0, v2;
	_ =	sdelay $0x3  }
0x247: {  	[tilespmem:s23+$0x77D8] =	vst v0  }
0x248: {  	v0 =	vld.idx.msk [tilespmem:v31+s12+$0x0], $0xffff  }
0x249: {  	v32 =	vadd.s32 $0xBB8, v2;
	_ =	sdelay $0x3  }
0x24a: {  	[tilespmem:s23+$0x79D8] =	vst v0  }
0x24b: {  	v0 =	vld.idx.msk [tilespmem:v32+s12+$0x0], $0xffff  }
0x24c: {  	v33 =	vadd.s32 $0xFA0, v2;
	_ =	sdelay $0x3  }
0x24d: {  	[tilespmem:s23+$0x7BD8] =	vst v0  }
0x24e: {  	v0 =	vld.idx.msk [tilespmem:v33+s12+$0x0], $0xffff  }
0x24f: {  	v34 =	vadd.s32 $0x1388, v2;
	_ =	sdelay $0x3  }
0x250: {  	[tilespmem:s23+$0x7DD8] =	vst v0  }
0x251: {  	v0 =	vld.idx.msk [tilespmem:v34+s12+$0x0], $0xffff  }
0x252: {  	v35 =	vadd.s32 $0x1770, v2;
	_ =	sdelay $0x3  }
0x253: {  	v36 =	vld [tilespmem:s23+$0x600];
	[tilespmem:s23+$0x7FD8] =	vst v0  }
0x254: {  	v0 =	vld.idx.msk [tilespmem:v35+s12+$0x0], $0xffff  }
0x255: {  	v2 =	vadd.s32 $0x1B58, v2;
	_ =	sdelay $0x2  }
0x256: {  	v37 =	vtrunc.f32 v36  }
0x257: {  	[tilespmem:s23+$0x81D8] =	vst v0;
	v0 =	vcvt.f32.s32 v37  }
0x258: {  	v38 =	vld.idx.msk [tilespmem:v2+s12+$0x0], $0xffff  }
0x259: {  	v39 =	vadd.s32 $0x1F40, v0;
	_ =	sdelay $0x3  }
0x25a: {  	v40 =	vld [tilespmem:s23+$0x800];
	[tilespmem:s23+$0x83D8] =	vst v38  }
0x25b: {  	v2 =	vld.idx.msk [tilespmem:v39+s12+$0x0], $0xffff  }
0x25c: {  	v0 =	vadd.s32 $0x1F42, v0;
	_ =	sdelay $0x2  }
0x25d: {  	v1 =	vtrunc.f32 v40  }
0x25e: {  	v1 =	vcvt.f32.s32 v1;
	[tilespmem:s23+$0x85D8] =	vst v2  }
0x25f: {  	v0 =	vld.idx.msk [tilespmem:v0+s12+$0x0], $0xffff  }
0x260: {  	v41 =	vadd.s32 $0x1F48, v1;
	_ =	sdelay $0x3  }
0x261: {  	[tilespmem:s23+$0x87D8] =	vst v0  }
0x262: {  	v0 =	vld.idx.msk [tilespmem:v41+s12+$0x0], $0xffff  }
0x263: {  	v42 =	vadd.s32 $0x1F52, v1;
	_ =	sdelay $0x3  }
0x264: {  	[tilespmem:s23+$0x89D8] =	vst v0  }
0x265: {  	v0 =	vld.idx.msk [tilespmem:v42+s12+$0x0], $0xffff  }
0x266: {  	v43 =	vadd.s32 $0x1F5C, v1;
	_ =	sdelay $0x3  }
0x267: {  	v44 =	vld [tilespmem:s23+$0xA00];
	[tilespmem:s23+$0x8BD8] =	vst v0  }
0x268: {  	v2 =	vld.idx.msk [tilespmem:v43+s12+$0x0], $0xffff  }
0x269: {  	v1 =	vadd.s32 $0x1F66, v1;
	_ =	sdelay $0x2  }
0x26a: {  	v0 =	vtrunc.f32 v44  }
0x26b: {  	v0 =	vcvt.f32.s32 v0;
	[tilespmem:s23+$0x8DD8] =	vst v2  }
0x26c: {  	v1 =	vld.idx.msk [tilespmem:v1+s12+$0x0], $0xffff  }
0x26d: {  	v45 =	vadd.s32 $0x1F70, v0;
	_ =	sdelay $0x3  }
0x26e: {  	[tilespmem:s23+$0x8FD8] =	vst v1  }
0x26f: {  	v1 =	vld.idx.msk [tilespmem:v45+s12+$0x0], $0xffff  }
0x270: {  	v46 =	vadd.s32 $0x1F75, v0;
	_ =	sdelay $0x3  }
0x271: {  	v47 =	vld [tilespmem:s23+$0xC00];
	[tilespmem:s23+$0x91D8] =	vst v1  }
0x272: {  	v2 =	vld.idx.msk [tilespmem:v46+s12+$0x0], $0xffff  }
0x273: {  	v0 =	vadd.s32 $0x1F7A, v0;
	_ =	sdelay $0x2  }
0x274: {  	v1 =	vtrunc.f32 v47  }
0x275: {  	v1 =	vcvt.f32.s32 v1;
	[tilespmem:s23+$0x93D8] =	vst v2  }
0x276: {  	v0 =	vld.idx.msk [tilespmem:v0+s12+$0x0], $0xffff  }
0x277: {  	v48 =	vadd.s32 $0x1F80, v1;
	_ =	sdelay $0x3  }
0x278: {  	[tilespmem:s23+$0x95D8] =	vst v0  }
0x279: {  	v0 =	vld.idx.msk [tilespmem:v48+s12+$0x0], $0xffff  }
0x27a: {  	v49 =	vadd.s32 $0x1FB2, v1;
	_ =	sdelay $0x3  }
0x27b: {  	[tilespmem:s23+$0x97D8] =	vst v0  }
0x27c: {  	v0 =	vld.idx.msk [tilespmem:v49+s12+$0x0], $0xffff  }
0x27d: {  	v50 =	vadd.s32 $0x1FE4, v1;
	_ =	sdelay $0x3  }
0x27e: {  	[tilespmem:s23+$0x99D8] =	vst v0  }
0x27f: {  	v0 =	vld.idx.msk [tilespmem:v50+s12+$0x0], $0xffff  }
0x280: {  	v51 =	vadd.s32 $0x2016, v1;
	_ =	sdelay $0x3  }
0x281: {  	[tilespmem:s23+$0x9BD8] =	vst v0  }
0x282: {  	v0 =	vld.idx.msk [tilespmem:v51+s12+$0x0], $0xffff  }
0x283: {  	v52 =	vadd.s32 $0x2048, v1;
	_ =	sdelay $0x3  }
0x284: {  	[tilespmem:s23+$0x9DD8] =	vst v0  }
0x285: {  	v0 =	vld.idx.msk [tilespmem:v52+s12+$0x0], $0xffff  }
0x286: {  	v53 =	vadd.s32 $0x207A, v1;
	_ =	sdelay $0x3  }
0x287: {  	[tilespmem:s23+$0x9FD8] =	vst v0  }
0x288: {  	v0 =	vld.idx.msk [tilespmem:v53+s12+$0x0], $0xffff  }
0x289: {  	v54 =	vadd.s32 $0x20AC, v1;
	_ =	sdelay $0x3  }
0x28a: {  	v55 =	vld [tilespmem:s23+$0xE00];
	[tilespmem:s23+$0xA1D8] =	vst v0  }
0x28b: {  	v2 =	vld.idx.msk [tilespmem:v54+s12+$0x0], $0xffff  }
0x28c: {  	v1 =	vadd.s32 $0x20DE, v1;
	_ =	sdelay $0x2  }
0x28d: {  	v0 =	vtrunc.f32 v55  }
0x28e: {  	v0 =	vcvt.f32.s32 v0;
	[tilespmem:s23+$0xA3D8] =	vst v2  }
0x28f: {  	v1 =	vld.idx.msk [tilespmem:v1+s12+$0x0], $0xffff  }
0x290: {  	v56 =	vadd.s32 $0x2110, v0;
	_ =	sdelay $0x3  }
0x291: {  	[tilespmem:s23+$0xA5D8] =	vst v1  }
0x292: {  	v1 =	vld.idx.msk [tilespmem:v56+s12+$0x0], $0xffff  }
0x293: {  	v57 =	vadd.s32 $0x2124, v0;
	_ =	sdelay $0x3  }
0x294: {  	[tilespmem:s23+$0xA7D8] =	vst v1  }
0x295: {  	v1 =	vld.idx.msk [tilespmem:v57+s12+$0x0], $0xffff  }
0x296: {  	v58 =	vadd.s32 $0x2138, v0;
	_ =	sdelay $0x3  }
0x297: {  	v59 =	vld [tilespmem:s23+$0x1000];
	[tilespmem:s23+$0xA9D8] =	vst v1  }
0x298: {  	v2 =	vld.idx.msk [tilespmem:v58+s12+$0x0], $0xffff  }
0x299: {  	v0 =	vadd.s32 $0x214C, v0;
	_ =	sdelay $0x2  }
0x29a: {  	v1 =	vtrunc.f32 v59  }
0x29b: {  	v1 =	vcvt.f32.s32 v1;
	[tilespmem:s23+$0xABD8] =	vst v2  }
0x29c: {  	v0 =	vld.idx.msk [tilespmem:v0+s12+$0x0], $0xffff  }
0x29d: {  	v60 =	vadd.s32 $0x2160, v1;
	_ =	sdelay $0x3  }
0x29e: {  	[tilespmem:s23+$0xADD8] =	vst v0  }
0x29f: {  	v0 =	vld.idx.msk [tilespmem:v60+s12+$0x0], $0xffff  }
0x2a0: {  	v61 =	vadd.s32 $0x217E, v1;
	_ =	sdelay $0x3  }
0x2a1: {  	[tilespmem:s23+$0xAFD8] =	vst v0  }
0x2a2: {  	v0 =	vld.idx.msk [tilespmem:v61+s12+$0x0], $0xffff  }
0x2a3: {  	v62 =	vadd.s32 $0x219C, v1;
	_ =	sdelay $0x3  }
0x2a4: {  	[tilespmem:s23+$0xB1D8] =	vst v0  }
0x2a5: {  	v0 =	vld.idx.msk [tilespmem:v62+s12+$0x0], $0xffff  }
0x2a6: {  	v1 =	vadd.s32 $0x21BA, v1;
	_ =	sdelay $0x3  }
0x2a7: {  	v63 =	vld [tilespmem:s23+$0x1200];
	[tilespmem:s23+$0xB3D8] =	vst v0  }
0x2a8: {  	v0 =	vld.idx.msk [tilespmem:v1+s12+$0x0], $0xffff;
	_ =	sdelay $0x3  }
0x2a9: {  	[tilespmem:s23+$0xB7D8] =	vst v63  }
0x2aa: {  	[tilespmem:s23+$0xB5D8] =	vst v0  }
0x2ab: {  	[hbm4b:s7+s10] =	stream.strided.scatter [tilespmem:s17], [sflag:$0x2], $0x4400, s11, s10, $0x38;
	[tilespmem:$0xB9D8] =	vst v63  }
0x2ac: {  	_ =	swait.ge [sflag:s18], $0x80  }
0x2ad: {  	[sflag:s18] =	ssyncset.done $0x0  }
0x2ae: {  	[sflag:s18] =	ssyncadd.s32 $0xFFFFFF80  }
0x2af: {  	_ =	swait.ge [sflag:s18], $0x80  }
0x2b0: {  	[sflag:s18] =	ssyncset.done $0x0  }
0x2b1: {  	[sflag:s18] =	ssyncadd.s32 $0xFFFFFF80  }
0x2b2: {  	_ =	swait.ge [sflag:s18], $0x80  }
0x2b3: {  	[sflag:s18] =	ssyncset.done $0x0  }
0x2b4: {  	[sflag:s18] =	ssyncadd.s32 $0xFFFFFF80  }
0x2b5: {  	_ =	swait.ge [sflag:s18], $0x80  }
0x2b6: {  	[sflag:s18] =	ssyncset.done $0x0  }
0x2b7: {  	[sflag:s18] =	ssyncadd.s32 $0xFFFFFF80  }
0x2b8: {  	_ =	swait.ge [sflag:s18], $0x80  }
0x2b9: {  	[sflag:s18] =	ssyncset.done $0x0  }
0x2ba: {  	[sflag:s18] =	ssyncadd.s32 $0xFFFFFF80  }
0x2bb: {  	_ =	swait.ge [sflag:s18], $0x80  }
0x2bc: {  	[sflag:s18] =	ssyncset.done $0x0  }
0x2bd: {  	[sflag:s18] =	ssyncadd.s32 $0xFFFFFF80  }
0x2be: {  	_ =	swait.ge [sflag:s18], $0x80  }
0x2bf: {  	[sflag:s18] =	ssyncset.done $0x0  }
0x2c0: {  	[sflag:s18] =	ssyncadd.s32 $0xFFFFFF80  }
0x2c1: {  	_ =	swait.ge [sflag:s18], $0x80  }
0x2c2: {  	[sflag:s18] =	ssyncset.done $0x0  }
0x2c3: {  	[sflag:s18] =	ssyncadd.s32 $0xFFFFFF80  }
0x2c4: {  	_ =	swait.ge [sflag:s18], $0x80  }
0x2c5: {  	[sflag:s18] =	ssyncset.done $0x0  }
0x2c6: {  	[sflag:s18] =	ssyncadd.s32 $0xFFFFFF80  }
0x2c7: {  	_ =	swait.ge [sflag:s18], $0x80  }
0x2c8: {  	[sflag:s18] =	ssyncset.done $0x0  }
0x2c9: {  	[sflag:s18] =	ssyncadd.s32 $0xFFFFFF80  }
0x2ca: {  	_ =	swait.ge [sflag:s18], $0x80  }
0x2cb: {  	[sflag:s18] =	ssyncset.done $0x0  }
0x2cc: {  	[sflag:s18] =	ssyncadd.s32 $0xFFFFFF80  }
0x2cd: {  	_ =	swait.ge [sflag:s18], $0x80  }
0x2ce: {  	[sflag:s18] =	ssyncset.done $0x0  }
0x2cf: {  	[sflag:s18] =	ssyncadd.s32 $0xFFFFFF80  }
0x2d0: {  	_ =	swait.ge [sflag:s18], $0x80  }
0x2d1: {  	[sflag:s18] =	ssyncset.done $0x0  }
0x2d2: {  	[sflag:s18] =	ssyncadd.s32 $0xFFFFFF80  }
0x2d3: {  	_ =	swait.ge [sflag:s18], $0x80  }
0x2d4: {  	[sflag:s18] =	ssyncset.done $0x0  }
0x2d5: {  	[sflag:s18] =	ssyncadd.s32 $0xFFFFFF80  }
0x2d6: {  	_ =	swait.ge [sflag:s18], $0x80  }
0x2d7: {  	[sflag:s18] =	ssyncset.done $0x0  }
0x2d8: {  	[sflag:s18] =	ssyncadd.s32 $0xFFFFFF80  }
0x2d9: {  	_ =	swait.ge [sflag:s18], $0x80  }
0x2da: {  	[sflag:s18] =	ssyncset.done $0x0  }
0x2db: {  	[sflag:s18] =	ssyncadd.s32 $0xFFFFFF80  }
0x2dc: {  	_ =	swait.ge [sflag:s18], $0x80  }
0x2dd: {  	[sflag:s18] =	ssyncset.done $0x0  }
0x2de: {  	[sflag:s18] =	ssyncadd.s32 $0xFFFFFF80  }
0x2df: {  	_ =	swait.ge [sflag:s18], $0x80  }
0x2e0: {  	[sflag:s18] =	ssyncset.done $0x0  }
0x2e1: {  	[sflag:s18] =	ssyncadd.s32 $0xFFFFFF80  }
0x2e2: {  	_ =	swait.ge [sflag:s18], $0x80  }
0x2e3: {  	[sflag:s18] =	ssyncset.done $0x0  }
0x2e4: {  	[sflag:s18] =	ssyncadd.s32 $0xFFFFFF80  }
0x2e5: {  	_ =	swait.ge [sflag:s18], $0x80  }
0x2e6: {  	[sflag:s18] =	ssyncset.done $0x0  }
0x2e7: {  	[sflag:s18] =	ssyncadd.s32 $0xFFFFFF80  }
0x2e8: {  	_ =	swait.ge [sflag:s18], $0x80  }
0x2e9: {  	[sflag:s18] =	ssyncset.done $0x0  }
0x2ea: {  	[sflag:s18] =	ssyncadd.s32 $0xFFFFFF80  }
0x2eb: {  	_ =	swait.ge [sflag:s18], $0x80  }
0x2ec: {  	[sflag:s18] =	ssyncset.done $0x0  }
0x2ed: {  	[sflag:s18] =	ssyncadd.s32 $0xFFFFFF80  }
0x2ee: {  	_ =	swait.ge [sflag:s18], $0x80  }
0x2ef: {  	[sflag:s18] =	ssyncset.done $0x0  }
0x2f0: {  	[sflag:s18] =	ssyncadd.s32 $0xFFFFFF80  }
0x2f1: {  	_ =	swait.ge [sflag:s18], $0x80  }
0x2f2: {  	[sflag:s18] =	ssyncset.done $0x0  }
0x2f3: {  	[sflag:s18] =	ssyncadd.s32 $0xFFFFFF80  }
0x2f4: {  	_ =	swait.ge [sflag:s18], $0x80  }
0x2f5: {  	[sflag:s18] =	ssyncset.done $0x0  }
0x2f6: {  	[sflag:s18] =	ssyncadd.s32 $0xFFFFFF80  }
0x2f7: {  	_ =	swait.ge [sflag:s18], $0x80  }
0x2f8: {  	[sflag:s18] =	ssyncset.done $0x0  }
0x2f9: {  	[sflag:s18] =	ssyncadd.s32 $0xFFFFFF80  }
0x2fa: {  	_ =	swait.ge [sflag:s18], $0x80  }
0x2fb: {  	[sflag:s18] =	ssyncset.done $0x0  }
0x2fc: {  	[sflag:s18] =	ssyncadd.s32 $0xFFFFFF80  }
0x2fd: {  	_ =	swait.ge [sflag:s18], $0x80  }
0x2fe: {  	[sflag:s18] =	ssyncset.done $0x0  }
0x2ff: {  	[sflag:s18] =	ssyncadd.s32 $0xFFFFFF80  }
0x300: {  	_ =	swait.ge [sflag:s18], $0x80  }
0x301: {  	[sflag:s18] =	ssyncset.done $0x0  }
0x302: {  	[sflag:s18] =	ssyncadd.s32 $0xFFFFFF80  }
0x303: {  	_ =	swait.ge [sflag:s18], $0x80  }
0x304: {  	[sflag:s18] =	ssyncset.done $0x0  }
0x305: {  	[sflag:s18] =	ssyncadd.s32 $0xFFFFFF80  }
0x306: {  	_ =	swait.ge [sflag:s18], $0x80  }
0x307: {  	[sflag:s18] =	ssyncset.done $0x0  }
0x308: {  	[sflag:s18] =	ssyncadd.s32 $0xFFFFFF80  }
0x309: {  	_ =	swait.ge [sflag:s18], $0x80  }
0x30a: {  	[sflag:s18] =	ssyncset.done $0x0  }
0x30b: {  	[sflag:s18] =	ssyncadd.s32 $0xFFFFFF80  }
0x30c: {  	_ =	swait.ge [sflag:s18], $0x80  }
0x30d: {  	[sflag:s18] =	ssyncset.done $0x0  }
0x30e: {  	[sflag:s18] =	ssyncadd.s32 $0xFFFFFF80  }
0x30f: {  	_ =	swait.ge [sflag:s18], $0x80  }
0x310: {  	[sflag:s18] =	ssyncset.done $0x0  }
0x311: {  	[sflag:s18] =	ssyncadd.s32 $0xFFFFFF80  }
0x312: {  	_ =	swait.ge [sflag:s18], $0x80  }
0x313: {  	[sflag:s18] =	ssyncset.done $0x0  }
0x314: {  	[sflag:s18] =	ssyncadd.s32 $0xFFFFFF80  }
0x315: {  	_ =	swait.ge [sflag:s18], $0x80  }
0x316: {  	[sflag:s18] =	ssyncset.done $0x0  }
0x317: {  	[sflag:s18] =	ssyncadd.s32 $0xFFFFFF80  }
0x318: {  	_ =	swait.ge [sflag:s18], $0x80  }
0x319: {  	[sflag:s18] =	ssyncset.done $0x0  }
0x31a: {  	[sflag:s18] =	ssyncadd.s32 $0xFFFFFF80  }
0x31b: {  	_ =	swait.ge [sflag:s18], $0x80  }
0x31c: {  	[sflag:s18] =	ssyncset.done $0x0  }
0x31d: {  	[sflag:s18] =	ssyncadd.s32 $0xFFFFFF80  }
0x31e: {  	_ =	swait.ge [sflag:s18], $0x80  }
0x31f: {  	[sflag:s18] =	ssyncset.done $0x0  }
0x320: {  	[sflag:s18] =	ssyncadd.s32 $0xFFFFFF80  }
0x321: {  	_ =	swait.ge [sflag:s18], $0x80  }
0x322: {  	[sflag:s18] =	ssyncset.done $0x0  }
0x323: {  	[sflag:s18] =	ssyncadd.s32 $0xFFFFFF80  }
0x324: {  	_ =	swait.ge [sflag:s18], $0x80  }
0x325: {  	[sflag:s18] =	ssyncset.done $0x0  }
0x326: {  	[sflag:s18] =	ssyncadd.s32 $0xFFFFFF80  }
0x327: {  	_ =	swait.ge [sflag:s18], $0x80  }
0x328: {  	[sflag:s18] =	ssyncset.done $0x0  }
0x329: {  	[sflag:s18] =	ssyncadd.s32 $0xFFFFFF80  }
0x32a: {  	_ =	swait.ge [sflag:s18], $0x80  }
0x32b: {  	[sflag:s18] =	ssyncset.done $0x0  }
0x32c: {  	[sflag:s18] =	ssyncadd.s32 $0xFFFFFF80  }
0x32d: {  	_ =	swait.ge [sflag:s18], $0x80  }
0x32e: {  	[sflag:s18] =	ssyncset.done $0x0  }
0x32f: {  	[sflag:s18] =	ssyncadd.s32 $0xFFFFFF80  }
0x330: {  	_ =	swait.ge [sflag:s18], $0x80  }
0x331: {  	[sflag:s18] =	ssyncset.done $0x0  }
0x332: {  	[sflag:s18] =	ssyncadd.s32 $0xFFFFFF80  }
0x333: {  	_ =	swait.ge [sflag:s18], $0x80  }
0x334: {  	[sflag:s18] =	ssyncset.done $0x0  }
0x335: {  	[sflag:s18] =	ssyncadd.s32 $0xFFFFFF80  }
0x336: {  	_ =	swait.ge [sflag:s18], $0x80  }
0x337: {  	[sflag:s18] =	ssyncset.done $0x0  }
0x338: {  	[sflag:s18] =	ssyncadd.s32 $0xFFFFFF80  }
0x339: {  	_ =	swait.ge [sflag:s18], $0x80  }
0x33a: {  	[sflag:s18] =	ssyncset.done $0x0  }
0x33b: {  	[sflag:s18] =	ssyncadd.s32 $0xFFFFFF80  }
0x33c: {  	_ =	swait.ge [sflag:s18], $0x80  }
0x33d: {  	[sflag:s18] =	ssyncset.done $0x0  }
0x33e: {  	[sflag:s18] =	ssyncadd.s32 $0xFFFFFF80  }
0x33f: {  	_ =	swait.ge [sflag:s18], $0x80  }
0x340: {  	[sflag:s18] =	ssyncset.done $0x0  }
0x341: {  	[sflag:s18] =	ssyncadd.s32 $0xFFFFFF80  }
0x342: {  	_ =	swait.ge [sflag:s18], $0x80  }
0x343: {  	[sflag:s18] =	ssyncset.done $0x0  }
0x344: {  	[sflag:s18] =	ssyncadd.s32 $0xFFFFFF80  }
0x345: {  	_ =	swait.ge [sflag:s18], $0x80  }
0x346: {  	[sflag:s18] =	ssyncset.done $0x0  }
0x347: {  	[sflag:s18] =	ssyncadd.s32 $0xFFFFFF80  }
0x348: {  	_ =	swait.ge [sflag:s18], $0x80  }
0x349: {  	[sflag:s18] =	ssyncset.done $0x0  }
0x34a: {  	[sflag:s18] =	ssyncadd.s32 $0xFFFFFF80  }
0x34b: {  	_ =	swait.ge [sflag:s18], $0x80  }
0x34c: {  	[sflag:s18] =	ssyncset.done $0x0  }
0x34d: {  	[sflag:s18] =	ssyncadd.s32 $0xFFFFFF80  }
0x34e: {  	_ =	swait.ge [sflag:s18], $0x80  }
0x34f: {  	[sflag:s18] =	ssyncset.done $0x0  }
0x350: {  	[sflag:s18] =	ssyncadd.s32 $0xFFFFFF80  }
0x351: {  	_ =	swait.ge [sflag:s18], $0x80  }
0x352: {  	[sflag:s18] =	ssyncset.done $0x0  }
0x353: {  	[sflag:s18] =	ssyncadd.s32 $0xFFFFFF80  }
0x354: {  	_ =	swait.ge [sflag:s18], $0x80  }
0x355: {  	[sflag:s18] =	ssyncset.done $0x0  }
0x356: {  	[sflag:s18] =	ssyncadd.s32 $0xFFFFFF80  }
0x357: {  	_ =	swait.ge [sflag:s18], $0x80  }
0x358: {  	[sflag:s18] =	ssyncset.done $0x0  }
0x359: {  	[sflag:s18] =	ssyncadd.s32 $0xFFFFFF80  }
0x35a: {  	_ =	swait.ge [sflag:s18], $0x80  }
0x35b: {  	[sflag:s18] =	ssyncset.done $0x0  }
0x35c: {  	[sflag:s18] =	ssyncadd.s32 $0xFFFFFF80  }
0x35d: {  	_ =	swait.ge [sflag:s18], $0x80  }
0x35e: {  	[sflag:s18] =	ssyncset.done $0x0  }
0x35f: {  	[sflag:s18] =	ssyncadd.s32 $0xFFFFFF80  }
0x360: {  	_ =	swait.ge [sflag:s18], $0x80  }
0x361: {  	[sflag:s18] =	ssyncset.done $0x0  }
0x362: {  	[sflag:s18] =	ssyncadd.s32 $0xFFFFFF80  }
0x363: {  	_ =	swait.ge [sflag:s18], $0x80  }
0x364: {  	[sflag:s18] =	ssyncset.done $0x0  }
0x365: {  	[sflag:s18] =	ssyncadd.s32 $0xFFFFFF80  }
0x366: {  	_ =	swait.ge [sflag:s18], $0x80  }
0x367: {  	[sflag:s18] =	ssyncset.done $0x0  }
0x368: {  	[sflag:s18] =	ssyncadd.s32 $0xFFFFFF80  }
0x369: {  	_ =	swait.ge [sflag:s18], $0x80  }
0x36a: {  	[sflag:s18] =	ssyncset.done $0x0  }
0x36b: {  	s20 =	sadd.s32 $0x1, s20;
	[sflag:s18] =	ssyncadd.s32 $0xFFFFFF80  }
0x36c: {  	[hbm4b:s8+s10] =	stream.strided.scatter [tilespmem:s16], [sflag:$0x3], $0x2000, s11, s10, $0x38;
	[tilespmem:$0xB9D8] =	vst v63  }
0x36d: {  	p0 =	sne.s32 s20, s9;
	_ =	swait.ge [sflag:s19], $0x2000  }
.Ltmp5:
0x36e: {  	[sflag:s19] =	ssyncset.done $0x0;
	(pc) =	sbr.rel @p0 .LBB2_1-.Ltmp5, $4  }
0x36f: {  	[sflag:s19] =	ssyncadd.s32 $0xFFFFE000  }
0x370: {  	_ =	swait.ge [sflag:s13], $0x4400  }
0x371: {  	[sflag:s13] =	ssyncset.done $0x0  }
0x372: {  	[sflag:s13] =	ssyncadd.s32 $0xFFFFBC00  }
0x373: {  	_ =	sfence.sel $0x180000  }
0x374: {  	[bflag:$0x0] =	sbarrier.arrive $0xFFFF  }
0x375: {  	_ =	strace $0x90000047  }
0x376: {  	s0 =	stileid.u32;
	[bflag:$0x2] =	sbarrier.arrive $0xFFFF  }
0x377: {  	p0 =	sne.s32 s0, $0x0;
	s0 =	rddreg [dreg:$0x2]  }
0x378: {  	s0 =	sadd.s32 @!p0 $0x100000, s0  }
0x379: {  	[sflag:s0] =	ssyncadd.tile.s32 @!p0 $0x1;
	_ =	shalt  }
.Lfunc_end2:
_tile_overlayer_lowered:
.L_overlay_start_2:
0x37a: {  	(tag) =	ssettag $0x2  }
0x37b: {  	s0 =	rddreg [dreg:$0x0];
	s2 =	stileid.u32  }
0x37c: {  	s1 =	rddreg [dreg:$0x1];
	p0 =	sne.s32 s2, $0x0  }
0x37d: {  	s3 =	rddreg [dreg:$0x2];
	[bflag:$0x3] =	sbarrier.arrive $0xFFFF;
	s2 =	simm.s32 @!p0 $0x1C03  }
0x37e: {  	[timem:s3], [sflag:s2] =	dma.local @!p0 [hbm:s0], s1  }
0x37f: {  	s0 =	simm.s32 @!p0 $0x3  }
0x380: {  	_ =	swait.ge @!p0 [sflag:s0], s1  }
0x381: {  	s1 =	ssub.s32 @!p0 $0x0, s1;
	[sflag:s0] =	ssyncset.done @!p0 $0x0  }
0x382: {  	[sflag:s0] =	ssyncadd.s32 @!p0 s1  }
0x383: {  	[bflag:$0x3] =	sbarrier.arrive $0xFFFF  }
0x384: {  	_ =	shalt  }

</sc_bundles>
